<compile_context>
chip_gen: v7x
topology: tpu7x:2x2x1
jax: 0.10.2.dev20260603
libtpu: 0.0.44.dev20260713+nightly
codegen_flags: <defaults>
</compile_context>

<pallas_src>
import functools

import numpy as np
import jax
import jax.numpy as jnp
from jax import lax
from jax.experimental import pallas as pl
from jax.experimental.pallas import tpu as pltpu
from jax.experimental.pallas import tpu_sc as plsc

KK = 12
MM = 8
NB = 4
NPTS = 1024
NPAIR = 66

_II, _JJ = np.triu_indices(KK, 1)
_GIT = np.zeros((KK, NPAIR), np.float32)
_GJT = np.zeros((KK, NPAIR), np.float32)
_GIT[_II, np.arange(NPAIR)] = 1.0
_GJT[_JJ, np.arange(NPAIR)] = 1.0

_NT = (((1,), (1,)), ((), ()))
_HI = lax.Precision.HIGHEST


def _dot(a, b):
    return lax.dot_general(a, b, _NT, precision=_HI,
                           preferred_element_type=jnp.float32)


def _dotn(a, b):
    return lax.dot_general(a, b, (((1,), (0,)), ((), ())), precision=_HI,
                           preferred_element_type=jnp.float32)


def _dot_def(a, b):
    return lax.dot_general(a, b, _NT, preferred_element_type=jnp.float32)


def _gelu_t(t):
    return t * (lax.erf(t / np.sqrt(2)) + 1) / 2


def _knn(featT):
    C = featT.shape[2]

    def body(ft_ref, out_ref):
        b = pl.program_id(0)
        ft = ft_ref[0]
        xx = jnp.sum(ft * ft, axis=1, keepdims=True)
        inner = -2.0 * _dot_def(ft, ft)
        pd = -xx - inner - jnp.transpose(xx, (1, 0))
        iota = lax.broadcasted_iota(jnp.int32, (NPTS, NPTS), 1)
        cols = []
        for _ in range(KK):
            mx = jnp.max(pd, axis=1, keepdims=True)
            sel = jnp.min(jnp.where(pd == mx, iota, NPTS), axis=1,
                          keepdims=True)
            cols.append(sel + b * NPTS)
            pd = jnp.where(iota == sel, -jnp.inf, pd)
        out_ref[0] = jnp.concatenate(cols, axis=1)

    return pl.pallas_call(
        body,
        grid=(NB,),
        in_specs=[pl.BlockSpec((1, NPTS, C), lambda b: (b, 0, 0))],
        out_specs=pl.BlockSpec((1, NPTS, KK), lambda b: (b, 0, 0)),
        out_shape=jax.ShapeDtypeStruct((NB, NPTS, KK), jnp.int32),
    )(featT)


_SC_NC = 2
_SC_NS = 16
_SC_NW = _SC_NC * _SC_NS


def _sc_gather(coords, gidx):
    tot = gidx.shape[0]
    ch = tot // _SC_NW
    nrow = coords.shape[0] // 3
    mesh = plsc.VectorSubcoreMesh(core_axis_name="c", subcore_axis_name="s")

    @functools.partial(
        pl.kernel,
        mesh=mesh,
        compiler_params=pltpu.CompilerParams(needs_layout_passes=False),
        out_type=jax.ShapeDtypeStruct((3 * tot,), jnp.float32),
        scratch_types=[
            pltpu.VMEM((nrow,), jnp.float32),
            pltpu.VMEM((nrow,), jnp.float32),
            pltpu.VMEM((nrow,), jnp.float32),
            pltpu.VMEM((ch,), jnp.int32),
            pltpu.VMEM((ch,), jnp.float32),
            pltpu.VMEM((ch,), jnp.float32),
            pltpu.VMEM((ch,), jnp.float32),
        ],
    )
    def k(coords_hbm, gidx_hbm, out_hbm, t0_v, t1_v, t2_v,
          idx_v, o0_v, o1_v, o2_v):
        wid = lax.axis_index("s") * _SC_NC + lax.axis_index("c")
        base = wid * ch
        tabs = (t0_v, t1_v, t2_v)
        outs = (o0_v, o1_v, o2_v)
        for c in range(3):
            pltpu.sync_copy(coords_hbm.at[pl.ds(c * nrow, nrow)], tabs[c])
        pltpu.sync_copy(gidx_hbm.at[pl.ds(base, ch)], idx_v)

        def step(j, carry):
            iv = idx_v[pl.ds(j * 16, 16)]
            for c in range(3):
                outs[c][pl.ds(j * 16, 16)] = plsc.load_gather(tabs[c], [iv])
            return carry

        lax.fori_loop(0, ch // 16, step, 0)
        for c in range(3):
            pltpu.sync_copy(outs[c], out_hbm.at[pl.ds(c * tot + base, ch)])

    return k(coords, gidx)


def _normals(pts, nbr):
    P = 128

    def body(gi_ref, gj_ref, pts_ref, nbr_ref, out_ref):
        ctr = pts_ref[0]
        giT = gi_ref[...]
        gjT = gj_ref[...]
        vx = nbr_ref[0, 0] - ctr[:, 0:1]
        vy = nbr_ref[1, 0] - ctr[:, 1:2]
        vz = nbr_ref[2, 0] - ctr[:, 2:3]
        ax_ = _dotn(vx, giT); ay_ = _dotn(vy, giT); az_ = _dotn(vz, giT)
        bx_ = _dotn(vx, gjT); by_ = _dotn(vy, gjT); bz_ = _dotn(vz, gjT)
        nx = ay_ * bz_ - az_ * by_
        ny = az_ * bx_ - ax_ * bz_
        nz = ax_ * by_ - ay_ * bx_
        nmag = jnp.sqrt(nx * nx + ny * ny + nz * nz + 1e-24)
        valid = nmag > 1e-6
        zero = jnp.zeros_like(nx)
        ux = jnp.where(valid, nx / nmag, zero)
        uy = jnp.where(valid, ny / nmag, zero)
        uz = jnp.where(valid, nz / nmag, zero)
        qx = ux.astype(jnp.bfloat16).astype(jnp.float32)
        qy = uy.astype(jnp.bfloat16).astype(jnp.float32)
        qz = uz.astype(jnp.bfloat16).astype(jnp.float32)
        d3 = (qx[:, :, None] * qx[:, None, :]
              + qy[:, :, None] * qy[:, None, :]
              + qz[:, :, None] * qz[:, None, :])
        ad = jnp.abs(d3)
        s8 = jnp.zeros((P, NPAIR, 8), jnp.float32)
        for t in range(8):
            s8 = s8 + ad[:, :, 8 * t:8 * t + 8]
        tail = jnp.concatenate(
            [ad[:, :, 64:66], jnp.zeros((P, NPAIR, 6), jnp.float32)], axis=2)
        s8 = s8 + tail
        s4 = s8[:, :, 0:4] + s8[:, :, 4:8]
        s2 = s4[:, :, 0:2] + s4[:, :, 2:4]
        sim = jnp.where(valid, s2[:, :, 0] + s2[:, :, 1], -jnp.inf)
        iota = lax.broadcasted_iota(jnp.int32, (P, NPAIR), 1)
        sx = jnp.zeros((P, 1), jnp.float32)
        sy = jnp.zeros((P, 1), jnp.float32)
        sz = jnp.zeros((P, 1), jnp.float32)
        for _ in range(MM):
            mx = jnp.max(sim, axis=1, keepdims=True)
            sel = jnp.min(jnp.where(sim == mx, iota, NPAIR), axis=1,
                          keepdims=True)
            msk = iota == sel
            sx = sx + jnp.sum(jnp.where(msk, ux, zero), axis=1, keepdims=True)
            sy = sy + jnp.sum(jnp.where(msk, uy, zero), axis=1, keepdims=True)
            sz = sz + jnp.sum(jnp.where(msk, uz, zero), axis=1, keepdims=True)
            sim = jnp.where(msk, -jnp.inf, sim)
        sx = sx / MM; sy = sy / MM; sz = sz / MM
        den = jnp.sqrt(sx * sx + sy * sy + sz * sz + 1e-24) + 1e-6
        out_ref[0] = jnp.concatenate([sx / den, sy / den, sz / den], axis=1)

    return pl.pallas_call(
        body,
        grid=(NB, NPTS // P),
        in_specs=[
            pl.BlockSpec((KK, NPAIR), lambda b, p: (0, 0)),
            pl.BlockSpec((KK, NPAIR), lambda b, p: (0, 0)),
            pl.BlockSpec((1, P, 3), lambda b, p: (b, p, 0)),
            pl.BlockSpec((3, 1, P, KK), lambda b, p: (0, b, p, 0)),
        ],
        out_specs=pl.BlockSpec((1, P, 3), lambda b, p: (b, p, 0)),
        out_shape=jax.ShapeDtypeStruct((NB, NPTS, 3), jnp.float32),
        compiler_params=pltpu.CompilerParams(
            vmem_limit_bytes=100 * 1024 * 1024),
    )(jnp.asarray(_GIT), jnp.asarray(_GJT), pts, nbr)


def _vec_avg_T(featT):
    gidx = _knn(featT)
    pts = featT[:, :, :3]
    coords = jnp.transpose(pts, (2, 0, 1)).reshape(-1)
    nbr = _sc_gather(coords, gidx.reshape(-1)).reshape(3, NB, NPTS, KK)
    return _normals(pts, nbr)


def _bn_stats(hs):
    C = hs[0].shape[1]
    cnt = float(NB * NPTS)

    def red(chunks):
        acc = jnp.zeros((128, C), jnp.float32)
        for k in range(NPTS // 128):
            for bb in range(NB):
                acc = acc + chunks(bb, k)
        s = jnp.zeros((8, C), jnp.float32)
        for t in range(16):
            s = s + acc[8 * t:8 * t + 8, :]
        s = s[0:4] + s[4:8]
        s = s[0:2] + s[2:4]
        return (s[0:1] + s[1:2]) / cnt

    mu = red(lambda bb, k: hs[bb][128 * k:128 * k + 128, :])

    def devsq(bb, k):
        c = hs[bb][128 * k:128 * k + 128, :] - mu
        return c * c

    var = red(devsq)
    return mu, var


def _conv_bn_gelu(parts, W, g, b):
    nparts = len(parts)
    cout = W.shape[0]

    def body(*refs):
        part_refs = refs[:nparts]
        w_ref, g_ref, b_ref, out_ref = refs[nparts:]
        hs = []
        for bb in range(NB):
            if nparts > 1:
                xc = jnp.concatenate([r[bb] for r in part_refs], axis=1)
            else:
                xc = part_refs[0][bb]
            hs.append(_dot_def(xc, w_ref[...]))
        mu, var = _bn_stats(hs)
        denom = jnp.sqrt(var + 1e-5)
        for bb in range(NB):
            t = g_ref[...][None, :] * (hs[bb] - mu) / denom + b_ref[...][None, :]
            out_ref[bb] = _gelu_t(t)

    return pl.pallas_call(
        body,
        out_shape=jax.ShapeDtypeStruct((NB, NPTS, cout), jnp.float32),
    )(*parts, W, g, b)


def _conv4pool(x1T, x2T, x3T, W4, g4, b4):
    CB = 128
    nblk = W4.shape[0] // CB

    def body(x1_ref, x2_ref, x3_ref, w_ref, g_ref, b_ref, out_ref):
        hs = []
        for bb in range(NB):
            xc = jnp.concatenate([x1_ref[bb], x2_ref[bb], x3_ref[bb]], axis=1)
            hs.append(_dot_def(xc, w_ref[...]))
        mu, var = _bn_stats(hs)
        denom = jnp.sqrt(var + 1e-5)
        rows = []
        for bb in range(NB):
            t = g_ref[0, 0][None, :] * (hs[bb] - mu) / denom \
                + b_ref[0, 0][None, :]
            rows.append(jnp.max(_gelu_t(t), axis=0, keepdims=True))
        out_ref[...] = jnp.concatenate(rows, axis=0)

    return pl.pallas_call(
        body,
        grid=(nblk,),
        in_specs=[
            pl.BlockSpec((NB, NPTS, 64), lambda c: (0, 0, 0)),
            pl.BlockSpec((NB, NPTS, 64), lambda c: (0, 0, 0)),
            pl.BlockSpec((NB, NPTS, 128), lambda c: (0, 0, 0)),
            pl.BlockSpec((CB, 256), lambda c: (c, 0)),
            pl.BlockSpec((1, 1, CB), lambda c: (c, 0, 0)),
            pl.BlockSpec((1, 1, CB), lambda c: (c, 0, 0)),
        ],
        out_specs=pl.BlockSpec((NB, CB), lambda c: (0, c)),
        out_shape=jax.ShapeDtypeStruct((NB, W4.shape[0]), jnp.float32),
    )(x1T, x2T, x3T, W4, g4.reshape(nblk, 1, CB), b4.reshape(nblk, 1, CB))


def _head(pooled, L1, g5, b5, L2, bl2):
    def body(p_ref, l1_ref, g_ref, b_ref, l2_ref, bl_ref, out_ref):
        z = _dot_def(p_ref[...], l1_ref[...])
        mu = jnp.mean(z, axis=0, keepdims=True)
        var = jnp.mean((z - mu) ** 2, axis=0, keepdims=True)
        z = g_ref[...][None, :] * (z - mu) / jnp.sqrt(var + 1e-5) \
            + b_ref[...][None, :]
        z = _gelu_t(z)
        out_ref[...] = _dot_def(z, l2_ref[...]) + bl_ref[...][None, :]

    return pl.pallas_call(
        body,
        out_shape=jax.ShapeDtypeStruct((NB, L2.shape[0]), jnp.float32),
    )(pooled, L1, g5, b5, L2, bl2)


def kernel(x, W1, g1, b1, W2, g2, b2, W3, g3, b3, W4, g4, b4,
           L1, g5, b5, L2, bl2):
    xT = jnp.transpose(x, (0, 2, 1))
    n1 = _vec_avg_T(xT)
    x1T = _conv_bn_gelu([xT, n1], W1, g1, b1)
    n2 = _vec_avg_T(x1T)
    x2T = _conv_bn_gelu([x1T, n2], W2, g2, b2)
    n3 = _vec_avg_T(x2T)
    x3T = _conv_bn_gelu([x2T, n3], W3, g3, b3)
    pooled = _conv4pool(x1T, x2T, x3T, W4, g4, b4)
    return _head(pooled, L1, g5, b5, L2, bl2)

# --- scband reference (transcript-rebuilt; emitter-appended) ---
"""Pipeline reference for scband-dgcnn-16423954940541 (READ-ONLY COPY).

The authoritative reference and input builder live on the scoring server;
editing this copy changes nothing except your own understanding.
"""

import jax, jax.numpy as jnp
import numpy as np

K = 12
M = 8
B = 4
N = 1024
EMB = 1024
OUT = 40

def knn_idx(x, k):
    inner = -2.0 * jnp.einsum('bcn,bcm->bnm', x, x)
    xx = jnp.sum(x * x, axis=1, keepdims=True)
    pd = -xx - inner - jnp.transpose(xx, (0, 2, 1))
    return jax.lax.top_k(pd, k)[1]

def vec_avg(x_full, k, m):
    idx = knn_idx(x_full, k)
    pts = x_full[:, :3, :]
    ii, jj = np.triu_indices(k, 1)
    def per_batch(pts_b, idx_b):
        centers = pts_b.T
        nbrs = centers[idx_b]
        vecs = nbrs - centers[:, None, :]
        nrm = jnp.cross(vecs[:, ii, :], vecs[:, jj, :])
        nmag = jnp.sqrt(jnp.sum(nrm * nrm, axis=-1) + 1e-24)
        valid = nmag > 1e-6
        unit = jnp.where(valid[..., None], nrm / nmag[..., None], 0.0)
        dots = jnp.abs(jnp.einsum('npc,nqc->npq', unit, unit))
        sim = jnp.where(valid, jnp.sum(dots, axis=-1), -jnp.inf)
        tidx = jax.lax.top_k(sim, m)[1]
        topn = jnp.take_along_axis(unit, tidx[:, :, None], axis=1)
        avg = jnp.mean(topn, axis=1)
        return avg / (jnp.sqrt(jnp.sum(avg * avg, axis=-1, keepdims=True) + 1e-24) + 1e-6)
    return jax.vmap(per_batch)(pts, idx)

def _bn2(h, g, b):
    mu = jnp.mean(h, axis=(0, 2), keepdims=True)
    var = jnp.var(h, axis=(0, 2), keepdims=True)
    return g[None, :, None] * (h - mu) / jnp.sqrt(var + 1e-5) + b[None, :, None]

def _gelu(t):
    return jax.nn.gelu(t, approximate=False)

def setup_inputs(seed: int = 0):
    key = jax.random.key(seed)
    ks = jax.random.split(key, 8)
    d = {}
    d['x'] = jax.random.normal(ks[0], (B, 3, N), dtype=jnp.float32)
    d['W1'] = jax.random.normal(ks[1], (64, 6), dtype=jnp.float32) * 0.1
    d['g1'] = jnp.ones((64,), jnp.float32); d['b1'] = jnp.zeros((64,), jnp.float32)
    d['W2'] = jax.random.normal(ks[2], (64, 67), dtype=jnp.float32) * 0.1
    d['g2'] = jnp.ones((64,), jnp.float32); d['b2'] = jnp.zeros((64,), jnp.float32)
    d['W3'] = jax.random.normal(ks[3], (128, 67), dtype=jnp.float32) * 0.1
    d['g3'] = jnp.ones((128,), jnp.float32); d['b3'] = jnp.zeros((128,), jnp.float32)
    d['W4'] = jax.random.normal(ks[4], (EMB, 256), dtype=jnp.float32) * 0.05
    d['g4'] = jnp.ones((EMB,), jnp.float32); d['b4'] = jnp.zeros((EMB,), jnp.float32)
    d['L1'] = jax.random.normal(ks[5], (256, EMB), dtype=jnp.float32) * 0.03
    d['g5'] = jnp.ones((256,), jnp.float32); d['b5'] = jnp.zeros((256,), jnp.float32)
    d['L2'] = jax.random.normal(ks[6], (OUT, 256), dtype=jnp.float32) * 0.05
    d['bl2'] = jnp.zeros((OUT,), jnp.float32)
    return d

def reference(x, W1, g1, b1, W2, g2, b2, W3, g3, b3, W4, g4, b4, L1, g5, b5, L2, bl2):
    n1 = jnp.transpose(vec_avg(x, K, M), (0, 2, 1))
    x1 = _gelu(_bn2(jnp.einsum('oc,bcn->bon', W1, jnp.concatenate([x, n1], axis=1)), g1, b1))
    n2 = jnp.transpose(vec_avg(x1, K, M), (0, 2, 1))
    x2 = _gelu(_bn2(jnp.einsum('oc,bcn->bon', W2, jnp.concatenate([x1, n2], axis=1)), g2, b2))
    n3 = jnp.transpose(vec_avg(x2, K, M), (0, 2, 1))
    x3 = _gelu(_bn2(jnp.einsum('oc,bcn->bon', W3, jnp.concatenate([x2, n3], axis=1)), g3, b3))
    h4 = _gelu(_bn2(jnp.einsum('oc,bcn->bon', W4, jnp.concatenate([x1, x2, x3], axis=1)), g4, b4))
    pooled = jnp.max(h4, axis=2)
    z = pooled @ L1.T
    mu = jnp.mean(z, axis=0, keepdims=True)
    var = jnp.var(z, axis=0, keepdims=True)
    z = _gelu(g5[None] * (z - mu) / jnp.sqrt(var + 1e-5) + b5[None])
    return z @ L2.T + bl2

if __name__ == "__main__":
    import jax
    _d = setup_inputs()
    print(jax.jit(kernel)(*tuple(_d.values())))

</pallas_src>

<mosaic_0001>
#map = affine_map<(d0, d1) -> (0)>
module attributes {stable_mosaic.version = 14 : i64} {
  func.func @k(%arg0: i32, %arg1: i32, %arg2: memref<12288xf32, #tpu.memory_space<hbm>>, %arg3: memref<49152xi32, #tpu.memory_space<hbm>>, %arg4: memref<147456xf32, #tpu.memory_space<hbm>>, %arg5: memref<4096xf32, #tpu.memory_space<vmem>>, %arg6: memref<4096xf32, #tpu.memory_space<vmem>>, %arg7: memref<4096xf32, #tpu.memory_space<vmem>>, %arg8: memref<1536xi32, #tpu.memory_space<vmem>>, %arg9: memref<1536xf32, #tpu.memory_space<vmem>>, %arg10: memref<1536xf32, #tpu.memory_space<vmem>>, %arg11: memref<1536xf32, #tpu.memory_space<vmem>>) attributes {dimension_semantics = [#tpu.dimension_semantics<core_parallel>, #tpu.dimension_semantics<subcore_parallel>], iteration_bounds = array<i64: 2, 16>, scalar_prefetch = 0 : i64, scratch_operands = 7 : i64, tpu.core_type = #tpu.core_type<sc_vector_subcore>, window_params = [{transform_indices = #map}, {transform_indices = #map}, {transform_indices = #map}]} {
    %mul3A = arith.constant 2 : i32
    %mul3A_0 = arith.muli %arg1, %mul3A : i32
    %add3A = arith.addi %mul3A_0, %arg0 : i32
    %mul3A_1 = arith.constant 1536 : i32
    %mul3A_2 = arith.muli %add3A, %mul3A_1 : i32
    "tpu.region"() ({
      %run_scoped3A = tpu.sem_alloc : memref<!tpu.dma_semaphore, #tpu.memory_space<semaphore_mem>>
      %dma_start3A = arith.constant 0 : i32
      %dma_start3A_14 = tpu.memref_slice %arg2[%dma_start3A] : memref<12288xf32, #tpu.memory_space<hbm>> -> memref<4096xf32, #tpu.memory_space<hbm>>
      %dma_start3A_15 = arith.constant 0 : i32
      %dma_start3A_16 = tpu.memref_slice %arg2[%dma_start3A_15] : memref<12288xf32, #tpu.memory_space<hbm>> -> memref<4096xf32, #tpu.memory_space<hbm>>
      tpu.enqueue_dma source(%dma_start3A_16 : memref<4096xf32, #tpu.memory_space<hbm>>) target(%arg5 : memref<4096xf32, #tpu.memory_space<vmem>>) target_semaphore(%run_scoped3A : memref<!tpu.dma_semaphore, #tpu.memory_space<semaphore_mem>>)
      %dma_wait3A = arith.constant 0 : i32
      %dma_wait3A_17 = tpu.memref_slice %arg2[%dma_wait3A] : memref<12288xf32, #tpu.memory_space<hbm>> -> memref<4096xf32, #tpu.memory_space<hbm>>
      %dma_wait3A_18 = arith.constant 0 : i32
      %dma_wait3A_19 = tpu.memref_slice %arg2[%dma_wait3A_18] : memref<12288xf32, #tpu.memory_space<hbm>> -> memref<4096xf32, #tpu.memory_space<hbm>>
      tpu.wait_dma2 semaphore(%run_scoped3A : memref<!tpu.dma_semaphore, #tpu.memory_space<semaphore_mem>>) src(%dma_wait3A_19 : memref<4096xf32, #tpu.memory_space<hbm>>) dst(%arg5 : memref<4096xf32, #tpu.memory_space<vmem>>)
      tpu.yield
    }) : () -> ()
    "tpu.region"() ({
      %run_scoped3A = tpu.sem_alloc : memref<!tpu.dma_semaphore, #tpu.memory_space<semaphore_mem>>
      %dma_start3A = arith.constant 4096 : i32
      %dma_start3A_14 = tpu.memref_slice %arg2[%dma_start3A] : memref<12288xf32, #tpu.memory_space<hbm>> -> memref<4096xf32, #tpu.memory_space<hbm>>
      %dma_start3A_15 = arith.constant 4096 : i32
      %dma_start3A_16 = tpu.memref_slice %arg2[%dma_start3A_15] : memref<12288xf32, #tpu.memory_space<hbm>> -> memref<4096xf32, #tpu.memory_space<hbm>>
      tpu.enqueue_dma source(%dma_start3A_16 : memref<4096xf32, #tpu.memory_space<hbm>>) target(%arg6 : memref<4096xf32, #tpu.memory_space<vmem>>) target_semaphore(%run_scoped3A : memref<!tpu.dma_semaphore, #tpu.memory_space<semaphore_mem>>)
      %dma_wait3A = arith.constant 4096 : i32
      %dma_wait3A_17 = tpu.memref_slice %arg2[%dma_wait3A] : memref<12288xf32, #tpu.memory_space<hbm>> -> memref<4096xf32, #tpu.memory_space<hbm>>
      %dma_wait3A_18 = arith.constant 4096 : i32
      %dma_wait3A_19 = tpu.memref_slice %arg2[%dma_wait3A_18] : memref<12288xf32, #tpu.memory_space<hbm>> -> memref<4096xf32, #tpu.memory_space<hbm>>
      tpu.wait_dma2 semaphore(%run_scoped3A : memref<!tpu.dma_semaphore, #tpu.memory_space<semaphore_mem>>) src(%dma_wait3A_19 : memref<4096xf32, #tpu.memory_space<hbm>>) dst(%arg6 : memref<4096xf32, #tpu.memory_space<vmem>>)
      tpu.yield
    }) : () -> ()
    "tpu.region"() ({
      %run_scoped3A = tpu.sem_alloc : memref<!tpu.dma_semaphore, #tpu.memory_space<semaphore_mem>>
      %dma_start3A = arith.constant 8192 : i32
      %dma_start3A_14 = tpu.memref_slice %arg2[%dma_start3A] : memref<12288xf32, #tpu.memory_space<hbm>> -> memref<4096xf32, #tpu.memory_space<hbm>>
      %dma_start3A_15 = arith.constant 8192 : i32
      %dma_start3A_16 = tpu.memref_slice %arg2[%dma_start3A_15] : memref<12288xf32, #tpu.memory_space<hbm>> -> memref<4096xf32, #tpu.memory_space<hbm>>
      tpu.enqueue_dma source(%dma_start3A_16 : memref<4096xf32, #tpu.memory_space<hbm>>) target(%arg7 : memref<4096xf32, #tpu.memory_space<vmem>>) target_semaphore(%run_scoped3A : memref<!tpu.dma_semaphore, #tpu.memory_space<semaphore_mem>>)
      %dma_wait3A = arith.constant 8192 : i32
      %dma_wait3A_17 = tpu.memref_slice %arg2[%dma_wait3A] : memref<12288xf32, #tpu.memory_space<hbm>> -> memref<4096xf32, #tpu.memory_space<hbm>>
      %dma_wait3A_18 = arith.constant 8192 : i32
      %dma_wait3A_19 = tpu.memref_slice %arg2[%dma_wait3A_18] : memref<12288xf32, #tpu.memory_space<hbm>> -> memref<4096xf32, #tpu.memory_space<hbm>>
      tpu.wait_dma2 semaphore(%run_scoped3A : memref<!tpu.dma_semaphore, #tpu.memory_space<semaphore_mem>>) src(%dma_wait3A_19 : memref<4096xf32, #tpu.memory_space<hbm>>) dst(%arg7 : memref<4096xf32, #tpu.memory_space<vmem>>)
      tpu.yield
    }) : () -> ()
    "tpu.region"() ({
      %run_scoped3A = tpu.sem_alloc : memref<!tpu.dma_semaphore, #tpu.memory_space<semaphore_mem>>
      %dma_start3A = tpu.memref_slice %arg3[%mul3A_2] : memref<49152xi32, #tpu.memory_space<hbm>> -> memref<1536xi32, #tpu.memory_space<hbm>>
      %dma_start3A_14 = tpu.memref_slice %arg3[%mul3A_2] : memref<49152xi32, #tpu.memory_space<hbm>> -> memref<1536xi32, #tpu.memory_space<hbm>>
      tpu.enqueue_dma source(%dma_start3A_14 : memref<1536xi32, #tpu.memory_space<hbm>>) target(%arg8 : memref<1536xi32, #tpu.memory_space<vmem>>) target_semaphore(%run_scoped3A : memref<!tpu.dma_semaphore, #tpu.memory_space<semaphore_mem>>)
      %dma_wait3A = tpu.memref_slice %arg3[%mul3A_2] : memref<49152xi32, #tpu.memory_space<hbm>> -> memref<1536xi32, #tpu.memory_space<hbm>>
      %dma_wait3A_15 = tpu.memref_slice %arg3[%mul3A_2] : memref<49152xi32, #tpu.memory_space<hbm>> -> memref<1536xi32, #tpu.memory_space<hbm>>
      tpu.wait_dma2 semaphore(%run_scoped3A : memref<!tpu.dma_semaphore, #tpu.memory_space<semaphore_mem>>) src(%dma_wait3A_15 : memref<1536xi32, #tpu.memory_space<hbm>>) dst(%arg8 : memref<1536xi32, #tpu.memory_space<vmem>>)
      tpu.yield
    }) : () -> ()
    %scan3A = arith.constant 0 : i32
    %scan3A_3 = arith.constant 0 : i32
    %scan3A_4 = arith.constant 96 : i32
    %scan3A_5 = arith.addi %scan3A_3, %scan3A_4 : i32
    %scan3A_6 = arith.constant 1 : i32
    scf.for %scan3A_14 = %scan3A_3 to %scan3A_5 step %scan3A_6  : i32 {
      %mul3A_15 = arith.constant 16 : i32
      %mul3A_16 = arith.muli %scan3A_14, %mul3A_15 : i32
      %get3A = arith.index_cast %mul3A_16 : i32 to index
      %get3A_17 = tpu.vector_load %arg8[%get3A] {strides = array<i32>} : memref<1536xi32, #tpu.memory_space<vmem>>, vector<16xi32>,
      %gather3A = tpu.vector_load_idx %arg5[%get3A_17] : memref<4096xf32, #tpu.memory_space<vmem>>[vector<16xi32>], vector<16xf32>,
      %mul3A_18 = arith.constant 16 : i32
      %mul3A_19 = arith.muli %scan3A_14, %mul3A_18 : i32
      %swap3A = arith.index_cast %mul3A_19 : i32 to index
      %swap3A_20 = tpu.vector_load %arg9[%swap3A] {strides = array<i32>} : memref<1536xf32, #tpu.memory_space<vmem>>, vector<16xf32>,
      tpu.vector_store %arg9[%swap3A], %gather3A {strides = array<i32>} : memref<1536xf32, #tpu.memory_space<vmem>>, vector<16xf32>,
      %gather3A_21 = tpu.vector_load_idx %arg6[%get3A_17] : memref<4096xf32, #tpu.memory_space<vmem>>[vector<16xi32>], vector<16xf32>,
      %mul3A_22 = arith.constant 16 : i32
      %mul3A_23 = arith.muli %scan3A_14, %mul3A_22 : i32
      %swap3A_24 = arith.index_cast %mul3A_23 : i32 to index
      %swap3A_25 = tpu.vector_load %arg10[%swap3A_24] {strides = array<i32>} : memref<1536xf32, #tpu.memory_space<vmem>>, vector<16xf32>,
      tpu.vector_store %arg10[%swap3A_24], %gather3A_21 {strides = array<i32>} : memref<1536xf32, #tpu.memory_space<vmem>>, vector<16xf32>,
      %gather3A_26 = tpu.vector_load_idx %arg7[%get3A_17] : memref<4096xf32, #tpu.memory_space<vmem>>[vector<16xi32>], vector<16xf32>,
      %mul3A_27 = arith.constant 16 : i32
      %mul3A_28 = arith.muli %scan3A_14, %mul3A_27 : i32
      %swap3A_29 = arith.index_cast %mul3A_28 : i32 to index
      %swap3A_30 = tpu.vector_load %arg11[%swap3A_29] {strides = array<i32>} : memref<1536xf32, #tpu.memory_space<vmem>>, vector<16xf32>,
      tpu.vector_store %arg11[%swap3A_29], %gather3A_26 {strides = array<i32>} : memref<1536xf32, #tpu.memory_space<vmem>>, vector<16xf32>,
    }
    %scan3A_7 = arith.constant 96 : i32
    %add3A_8 = arith.constant 0 : i32
    %add3A_9 = arith.addi %add3A_8, %mul3A_2 : i32
    "tpu.region"() ({
      %run_scoped3A = tpu.sem_alloc : memref<!tpu.dma_semaphore, #tpu.memory_space<semaphore_mem>>
      %dma_start3A = tpu.memref_slice %arg4[%add3A_9] : memref<147456xf32, #tpu.memory_space<hbm>> -> memref<1536xf32, #tpu.memory_space<hbm>>
      %dma_start3A_14 = tpu.memref_slice %arg4[%add3A_9] : memref<147456xf32, #tpu.memory_space<hbm>> -> memref<1536xf32, #tpu.memory_space<hbm>>
      tpu.enqueue_dma source(%arg9 : memref<1536xf32, #tpu.memory_space<vmem>>) target(%dma_start3A_14 : memref<1536xf32, #tpu.memory_space<hbm>>) target_semaphore(%run_scoped3A : memref<!tpu.dma_semaphore, #tpu.memory_space<semaphore_mem>>)
      %dma_wait3A = tpu.memref_slice %arg4[%add3A_9] : memref<147456xf32, #tpu.memory_space<hbm>> -> memref<1536xf32, #tpu.memory_space<hbm>>
      %dma_wait3A_15 = tpu.memref_slice %arg4[%add3A_9] : memref<147456xf32, #tpu.memory_space<hbm>> -> memref<1536xf32, #tpu.memory_space<hbm>>
      tpu.wait_dma2 semaphore(%run_scoped3A : memref<!tpu.dma_semaphore, #tpu.memory_space<semaphore_mem>>) src(%arg9 : memref<1536xf32, #tpu.memory_space<vmem>>) dst(%dma_wait3A_15 : memref<1536xf32, #tpu.memory_space<hbm>>)
      tpu.yield
    }) : () -> ()
    %add3A_10 = arith.constant 49152 : i32
    %add3A_11 = arith.addi %add3A_10, %mul3A_2 : i32
    "tpu.region"() ({
      %run_scoped3A = tpu.sem_alloc : memref<!tpu.dma_semaphore, #tpu.memory_space<semaphore_mem>>
      %dma_start3A = tpu.memref_slice %arg4[%add3A_11] : memref<147456xf32, #tpu.memory_space<hbm>> -> memref<1536xf32, #tpu.memory_space<hbm>>
      %dma_start3A_14 = tpu.memref_slice %arg4[%add3A_11] : memref<147456xf32, #tpu.memory_space<hbm>> -> memref<1536xf32, #tpu.memory_space<hbm>>
      tpu.enqueue_dma source(%arg10 : memref<1536xf32, #tpu.memory_space<vmem>>) target(%dma_start3A_14 : memref<1536xf32, #tpu.memory_space<hbm>>) target_semaphore(%run_scoped3A : memref<!tpu.dma_semaphore, #tpu.memory_space<semaphore_mem>>)
      %dma_wait3A = tpu.memref_slice %arg4[%add3A_11] : memref<147456xf32, #tpu.memory_space<hbm>> -> memref<1536xf32, #tpu.memory_space<hbm>>
      %dma_wait3A_15 = tpu.memref_slice %arg4[%add3A_11] : memref<147456xf32, #tpu.memory_space<hbm>> -> memref<1536xf32, #tpu.memory_space<hbm>>
      tpu.wait_dma2 semaphore(%run_scoped3A : memref<!tpu.dma_semaphore, #tpu.memory_space<semaphore_mem>>) src(%arg10 : memref<1536xf32, #tpu.memory_space<vmem>>) dst(%dma_wait3A_15 : memref<1536xf32, #tpu.memory_space<hbm>>)
      tpu.yield
    }) : () -> ()
    %add3A_12 = arith.constant 98304 : i32
    %add3A_13 = arith.addi %add3A_12, %mul3A_2 : i32
    "tpu.region"() ({
      %run_scoped3A = tpu.sem_alloc : memref<!tpu.dma_semaphore, #tpu.memory_space<semaphore_mem>>
      %dma_start3A = tpu.memref_slice %arg4[%add3A_13] : memref<147456xf32, #tpu.memory_space<hbm>> -> memref<1536xf32, #tpu.memory_space<hbm>>
      %dma_start3A_14 = tpu.memref_slice %arg4[%add3A_13] : memref<147456xf32, #tpu.memory_space<hbm>> -> memref<1536xf32, #tpu.memory_space<hbm>>
      tpu.enqueue_dma source(%arg11 : memref<1536xf32, #tpu.memory_space<vmem>>) target(%dma_start3A_14 : memref<1536xf32, #tpu.memory_space<hbm>>) target_semaphore(%run_scoped3A : memref<!tpu.dma_semaphore, #tpu.memory_space<semaphore_mem>>)
      %dma_wait3A = tpu.memref_slice %arg4[%add3A_13] : memref<147456xf32, #tpu.memory_space<hbm>> -> memref<1536xf32, #tpu.memory_space<hbm>>
      %dma_wait3A_15 = tpu.memref_slice %arg4[%add3A_13] : memref<147456xf32, #tpu.memory_space<hbm>> -> memref<1536xf32, #tpu.memory_space<hbm>>
      tpu.wait_dma2 semaphore(%run_scoped3A : memref<!tpu.dma_semaphore, #tpu.memory_space<semaphore_mem>>) src(%arg11 : memref<1536xf32, #tpu.memory_space<vmem>>) dst(%dma_wait3A_15 : memref<1536xf32, #tpu.memory_space<hbm>>)
      tpu.yield
    }) : () -> ()
    return
  }
}

#map = affine_map<(d0, d1) -> (0)>
module attributes {stable_mosaic.version = 14 : i64} {
  func.func @k(%arg0: i32, %arg1: i32, %arg2: memref<12288xf32, #tpu.memory_space<hbm>>, %arg3: memref<49152xi32, #tpu.memory_space<hbm>>, %arg4: memref<147456xf32, #tpu.memory_space<hbm>>, %arg5: memref<4096xf32, #tpu.memory_space<vmem>>, %arg6: memref<4096xf32, #tpu.memory_space<vmem>>, %arg7: memref<4096xf32, #tpu.memory_space<vmem>>, %arg8: memref<1536xi32, #tpu.memory_space<vmem>>, %arg9: memref<1536xf32, #tpu.memory_space<vmem>>, %arg10: memref<1536xf32, #tpu.memory_space<vmem>>, %arg11: memref<1536xf32, #tpu.memory_space<vmem>>) attributes {dimension_semantics = [#tpu.dimension_semantics<core_parallel>, #tpu.dimension_semantics<subcore_parallel>], iteration_bounds = array<i64: 2, 16>, scalar_prefetch = 0 : i64, scratch_operands = 7 : i64, tpu.core_type = #tpu.core_type<sc_vector_subcore>, window_params = [{transform_indices = #map}, {transform_indices = #map}, {transform_indices = #map}]} {
    %mul3A = arith.constant 2 : i32
    %mul3A_0 = arith.muli %arg1, %mul3A : i32
    %add3A = arith.addi %mul3A_0, %arg0 : i32
    %mul3A_1 = arith.constant 1536 : i32
    %mul3A_2 = arith.muli %add3A, %mul3A_1 : i32
    "tpu.region"() ({
      %run_scoped3A = tpu.sem_alloc : memref<!tpu.dma_semaphore, #tpu.memory_space<semaphore_mem>>
      %dma_start3A = arith.constant 0 : i32
      %dma_start3A_14 = tpu.memref_slice %arg2[%dma_start3A] : memref<12288xf32, #tpu.memory_space<hbm>> -> memref<4096xf32, #tpu.memory_space<hbm>>
      %dma_start3A_15 = arith.constant 0 : i32
      %dma_start3A_16 = tpu.memref_slice %arg2[%dma_start3A_15] : memref<12288xf32, #tpu.memory_space<hbm>> -> memref<4096xf32, #tpu.memory_space<hbm>>
      tpu.enqueue_dma source(%dma_start3A_16 : memref<4096xf32, #tpu.memory_space<hbm>>) target(%arg5 : memref<4096xf32, #tpu.memory_space<vmem>>) target_semaphore(%run_scoped3A : memref<!tpu.dma_semaphore, #tpu.memory_space<semaphore_mem>>)
      %dma_wait3A = arith.constant 0 : i32
      %dma_wait3A_17 = tpu.memref_slice %arg2[%dma_wait3A] : memref<12288xf32, #tpu.memory_space<hbm>> -> memref<4096xf32, #tpu.memory_space<hbm>>
      %dma_wait3A_18 = arith.constant 0 : i32
      %dma_wait3A_19 = tpu.memref_slice %arg2[%dma_wait3A_18] : memref<12288xf32, #tpu.memory_space<hbm>> -> memref<4096xf32, #tpu.memory_space<hbm>>
      tpu.wait_dma2 semaphore(%run_scoped3A : memref<!tpu.dma_semaphore, #tpu.memory_space<semaphore_mem>>) src(%dma_wait3A_19 : memref<4096xf32, #tpu.memory_space<hbm>>) dst(%arg5 : memref<4096xf32, #tpu.memory_space<vmem>>)
      tpu.yield
    }) : () -> ()
    "tpu.region"() ({
      %run_scoped3A = tpu.sem_alloc : memref<!tpu.dma_semaphore, #tpu.memory_space<semaphore_mem>>
      %dma_start3A = arith.constant 4096 : i32
      %dma_start3A_14 = tpu.memref_slice %arg2[%dma_start3A] : memref<12288xf32, #tpu.memory_space<hbm>> -> memref<4096xf32, #tpu.memory_space<hbm>>
      %dma_start3A_15 = arith.constant 4096 : i32
      %dma_start3A_16 = tpu.memref_slice %arg2[%dma_start3A_15] : memref<12288xf32, #tpu.memory_space<hbm>> -> memref<4096xf32, #tpu.memory_space<hbm>>
      tpu.enqueue_dma source(%dma_start3A_16 : memref<4096xf32, #tpu.memory_space<hbm>>) target(%arg6 : memref<4096xf32, #tpu.memory_space<vmem>>) target_semaphore(%run_scoped3A : memref<!tpu.dma_semaphore, #tpu.memory_space<semaphore_mem>>)
      %dma_wait3A = arith.constant 4096 : i32
      %dma_wait3A_17 = tpu.memref_slice %arg2[%dma_wait3A] : memref<12288xf32, #tpu.memory_space<hbm>> -> memref<4096xf32, #tpu.memory_space<hbm>>
      %dma_wait3A_18 = arith.constant 4096 : i32
      %dma_wait3A_19 = tpu.memref_slice %arg2[%dma_wait3A_18] : memref<12288xf32, #tpu.memory_space<hbm>> -> memref<4096xf32, #tpu.memory_space<hbm>>
      tpu.wait_dma2 semaphore(%run_scoped3A : memref<!tpu.dma_semaphore, #tpu.memory_space<semaphore_mem>>) src(%dma_wait3A_19 : memref<4096xf32, #tpu.memory_space<hbm>>) dst(%arg6 : memref<4096xf32, #tpu.memory_space<vmem>>)
      tpu.yield
    }) : () -> ()
    "tpu.region"() ({
      %run_scoped3A = tpu.sem_alloc : memref<!tpu.dma_semaphore, #tpu.memory_space<semaphore_mem>>
      %dma_start3A = arith.constant 8192 : i32
      %dma_start3A_14 = tpu.memref_slice %arg2[%dma_start3A] : memref<12288xf32, #tpu.memory_space<hbm>> -> memref<4096xf32, #tpu.memory_space<hbm>>
      %dma_start3A_15 = arith.constant 8192 : i32
      %dma_start3A_16 = tpu.memref_slice %arg2[%dma_start3A_15] : memref<12288xf32, #tpu.memory_space<hbm>> -> memref<4096xf32, #tpu.memory_space<hbm>>
      tpu.enqueue_dma source(%dma_start3A_16 : memref<4096xf32, #tpu.memory_space<hbm>>) target(%arg7 : memref<4096xf32, #tpu.memory_space<vmem>>) target_semaphore(%run_scoped3A : memref<!tpu.dma_semaphore, #tpu.memory_space<semaphore_mem>>)
      %dma_wait3A = arith.constant 8192 : i32
      %dma_wait3A_17 = tpu.memref_slice %arg2[%dma_wait3A] : memref<12288xf32, #tpu.memory_space<hbm>> -> memref<4096xf32, #tpu.memory_space<hbm>>
      %dma_wait3A_18 = arith.constant 8192 : i32
      %dma_wait3A_19 = tpu.memref_slice %arg2[%dma_wait3A_18] : memref<12288xf32, #tpu.memory_space<hbm>> -> memref<4096xf32, #tpu.memory_space<hbm>>
      tpu.wait_dma2 semaphore(%run_scoped3A : memref<!tpu.dma_semaphore, #tpu.memory_space<semaphore_mem>>) src(%dma_wait3A_19 : memref<4096xf32, #tpu.memory_space<hbm>>) dst(%arg7 : memref<4096xf32, #tpu.memory_space<vmem>>)
      tpu.yield
    }) : () -> ()
    "tpu.region"() ({
      %run_scoped3A = tpu.sem_alloc : memref<!tpu.dma_semaphore, #tpu.memory_space<semaphore_mem>>
      %dma_start3A = tpu.memref_slice %arg3[%mul3A_2] : memref<49152xi32, #tpu.memory_space<hbm>> -> memref<1536xi32, #tpu.memory_space<hbm>>
      %dma_start3A_14 = tpu.memref_slice %arg3[%mul3A_2] : memref<49152xi32, #tpu.memory_space<hbm>> -> memref<1536xi32, #tpu.memory_space<hbm>>
      tpu.enqueue_dma source(%dma_start3A_14 : memref<1536xi32, #tpu.memory_space<hbm>>) target(%arg8 : memref<1536xi32, #tpu.memory_space<vmem>>) target_semaphore(%run_scoped3A : memref<!tpu.dma_semaphore, #tpu.memory_space<semaphore_mem>>)
      %dma_wait3A = tpu.memref_slice %arg3[%mul3A_2] : memref<49152xi32, #tpu.memory_space<hbm>> -> memref<1536xi32, #tpu.memory_space<hbm>>
      %dma_wait3A_15 = tpu.memref_slice %arg3[%mul3A_2] : memref<49152xi32, #tpu.memory_space<hbm>> -> memref<1536xi32, #tpu.memory_space<hbm>>
      tpu.wait_dma2 semaphore(%run_scoped3A : memref<!tpu.dma_semaphore, #tpu.memory_space<semaphore_mem>>) src(%dma_wait3A_15 : memref<1536xi32, #tpu.memory_space<hbm>>) dst(%arg8 : memref<1536xi32, #tpu.memory_space<vmem>>)
      tpu.yield
    }) : () -> ()
    %scan3A = arith.constant 0 : i32
    %scan3A_3 = arith.constant 0 : i32
    %scan3A_4 = arith.constant 96 : i32
    %scan3A_5 = arith.addi %scan3A_3, %scan3A_4 : i32
    %scan3A_6 = arith.constant 1 : i32
    scf.for %scan3A_14 = %scan3A_3 to %scan3A_5 step %scan3A_6  : i32 {
      %mul3A_15 = arith.constant 16 : i32
      %mul3A_16 = arith.muli %scan3A_14, %mul3A_15 : i32
      %get3A = arith.index_cast %mul3A_16 : i32 to index
      %get3A_17 = tpu.vector_load %arg8[%get3A] {strides = array<i32>} : memref<1536xi32, #tpu.memory_space<vmem>>, vector<16xi32>,
      %gather3A = tpu.vector_load_idx %arg5[%get3A_17] : memref<4096xf32, #tpu.memory_space<vmem>>[vector<16xi32>], vector<16xf32>,
      %mul3A_18 = arith.constant 16 : i32
      %mul3A_19 = arith.muli %scan3A_14, %mul3A_18 : i32
      %swap3A = arith.index_cast %mul3A_19 : i32 to index
      %swap3A_20 = tpu.vector_load %arg9[%swap3A] {strides = array<i32>} : memref<1536xf32, #tpu.memory_space<vmem>>, vector<16xf32>,
      tpu.vector_store %arg9[%swap3A], %gather3A {strides = array<i32>} : memref<1536xf32, #tpu.memory_space<vmem>>, vector<16xf32>,
      %gather3A_21 = tpu.vector_load_idx %arg6[%get3A_17] : memref<4096xf32, #tpu.memory_space<vmem>>[vector<16xi32>], vector<16xf32>,
      %mul3A_22 = arith.constant 16 : i32
      %mul3A_23 = arith.muli %scan3A_14, %mul3A_22 : i32
      %swap3A_24 = arith.index_cast %mul3A_23 : i32 to index
      %swap3A_25 = tpu.vector_load %arg10[%swap3A_24] {strides = array<i32>} : memref<1536xf32, #tpu.memory_space<vmem>>, vector<16xf32>,
      tpu.vector_store %arg10[%swap3A_24], %gather3A_21 {strides = array<i32>} : memref<1536xf32, #tpu.memory_space<vmem>>, vector<16xf32>,
      %gather3A_26 = tpu.vector_load_idx %arg7[%get3A_17] : memref<4096xf32, #tpu.memory_space<vmem>>[vector<16xi32>], vector<16xf32>,
      %mul3A_27 = arith.constant 16 : i32
      %mul3A_28 = arith.muli %scan3A_14, %mul3A_27 : i32
      %swap3A_29 = arith.index_cast %mul3A_28 : i32 to index
      %swap3A_30 = tpu.vector_load %arg11[%swap3A_29] {strides = array<i32>} : memref<1536xf32, #tpu.memory_space<vmem>>, vector<16xf32>,
      tpu.vector_store %arg11[%swap3A_29], %gather3A_26 {strides = array<i32>} : memref<1536xf32, #tpu.memory_space<vmem>>, vector<16xf32>,
    }
    %scan3A_7 = arith.constant 96 : i32
    %add3A_8 = arith.constant 0 : i32
    %add3A_9 = arith.addi %add3A_8, %mul3A_2 : i32
    "tpu.region"() ({
      %run_scoped3A = tpu.sem_alloc : memref<!tpu.dma_semaphore, #tpu.memory_space<semaphore_mem>>
      %dma_start3A = tpu.memref_slice %arg4[%add3A_9] : memref<147456xf32, #tpu.memory_space<hbm>> -> memref<1536xf32, #tpu.memory_space<hbm>>
      %dma_start3A_14 = tpu.memref_slice %arg4[%add3A_9] : memref<147456xf32, #tpu.memory_space<hbm>> -> memref<1536xf32, #tpu.memory_space<hbm>>
      tpu.enqueue_dma source(%arg9 : memref<1536xf32, #tpu.memory_space<vmem>>) target(%dma_start3A_14 : memref<1536xf32, #tpu.memory_space<hbm>>) target_semaphore(%run_scoped3A : memref<!tpu.dma_semaphore, #tpu.memory_space<semaphore_mem>>)
      %dma_wait3A = tpu.memref_slice %arg4[%add3A_9] : memref<147456xf32, #tpu.memory_space<hbm>> -> memref<1536xf32, #tpu.memory_space<hbm>>
      %dma_wait3A_15 = tpu.memref_slice %arg4[%add3A_9] : memref<147456xf32, #tpu.memory_space<hbm>> -> memref<1536xf32, #tpu.memory_space<hbm>>
      tpu.wait_dma2 semaphore(%run_scoped3A : memref<!tpu.dma_semaphore, #tpu.memory_space<semaphore_mem>>) src(%arg9 : memref<1536xf32, #tpu.memory_space<vmem>>) dst(%dma_wait3A_15 : memref<1536xf32, #tpu.memory_space<hbm>>)
      tpu.yield
    }) : () -> ()
    %add3A_10 = arith.constant 49152 : i32
    %add3A_11 = arith.addi %add3A_10, %mul3A_2 : i32
    "tpu.region"() ({
      %run_scoped3A = tpu.sem_alloc : memref<!tpu.dma_semaphore, #tpu.memory_space<semaphore_mem>>
      %dma_start3A = tpu.memref_slice %arg4[%add3A_11] : memref<147456xf32, #tpu.memory_space<hbm>> -> memref<1536xf32, #tpu.memory_space<hbm>>
      %dma_start3A_14 = tpu.memref_slice %arg4[%add3A_11] : memref<147456xf32, #tpu.memory_space<hbm>> -> memref<1536xf32, #tpu.memory_space<hbm>>
      tpu.enqueue_dma source(%arg10 : memref<1536xf32, #tpu.memory_space<vmem>>) target(%dma_start3A_14 : memref<1536xf32, #tpu.memory_space<hbm>>) target_semaphore(%run_scoped3A : memref<!tpu.dma_semaphore, #tpu.memory_space<semaphore_mem>>)
      %dma_wait3A = tpu.memref_slice %arg4[%add3A_11] : memref<147456xf32, #tpu.memory_space<hbm>> -> memref<1536xf32, #tpu.memory_space<hbm>>
      %dma_wait3A_15 = tpu.memref_slice %arg4[%add3A_11] : memref<147456xf32, #tpu.memory_space<hbm>> -> memref<1536xf32, #tpu.memory_space<hbm>>
      tpu.wait_dma2 semaphore(%run_scoped3A : memref<!tpu.dma_semaphore, #tpu.memory_space<semaphore_mem>>) src(%arg10 : memref<1536xf32, #tpu.memory_space<vmem>>) dst(%dma_wait3A_15 : memref<1536xf32, #tpu.memory_space<hbm>>)
      tpu.yield
    }) : () -> ()
    %add3A_12 = arith.constant 98304 : i32
    %add3A_13 = arith.addi %add3A_12, %mul3A_2 : i32
    "tpu.region"() ({
      %run_scoped3A = tpu.sem_alloc : memref<!tpu.dma_semaphore, #tpu.memory_space<semaphore_mem>>
      %dma_start3A = tpu.memref_slice %arg4[%add3A_13] : memref<147456xf32, #tpu.memory_space<hbm>> -> memref<1536xf32, #tpu.memory_space<hbm>>
      %dma_start3A_14 = tpu.memref_slice %arg4[%add3A_13] : memref<147456xf32, #tpu.memory_space<hbm>> -> memref<1536xf32, #tpu.memory_space<hbm>>
      tpu.enqueue_dma source(%arg11 : memref<1536xf32, #tpu.memory_space<vmem>>) target(%dma_start3A_14 : memref<1536xf32, #tpu.memory_space<hbm>>) target_semaphore(%run_scoped3A : memref<!tpu.dma_semaphore, #tpu.memory_space<semaphore_mem>>)
      %dma_wait3A = tpu.memref_slice %arg4[%add3A_13] : memref<147456xf32, #tpu.memory_space<hbm>> -> memref<1536xf32, #tpu.memory_space<hbm>>
      %dma_wait3A_15 = tpu.memref_slice %arg4[%add3A_13] : memref<147456xf32, #tpu.memory_space<hbm>> -> memref<1536xf32, #tpu.memory_space<hbm>>
      tpu.wait_dma2 semaphore(%run_scoped3A : memref<!tpu.dma_semaphore, #tpu.memory_space<semaphore_mem>>) src(%arg11 : memref<1536xf32, #tpu.memory_space<vmem>>) dst(%dma_wait3A_15 : memref<1536xf32, #tpu.memory_space<hbm>>)
      tpu.yield
    }) : () -> ()
    return
  }
}

#map = affine_map<(d0, d1) -> (0)>
module attributes {stable_mosaic.version = 14 : i64} {
  func.func @k(%arg0: i32, %arg1: i32, %arg2: memref<12288xf32, #tpu.memory_space<hbm>>, %arg3: memref<49152xi32, #tpu.memory_space<hbm>>, %arg4: memref<147456xf32, #tpu.memory_space<hbm>>, %arg5: memref<4096xf32, #tpu.memory_space<vmem>>, %arg6: memref<4096xf32, #tpu.memory_space<vmem>>, %arg7: memref<4096xf32, #tpu.memory_space<vmem>>, %arg8: memref<1536xi32, #tpu.memory_space<vmem>>, %arg9: memref<1536xf32, #tpu.memory_space<vmem>>, %arg10: memref<1536xf32, #tpu.memory_space<vmem>>, %arg11: memref<1536xf32, #tpu.memory_space<vmem>>) attributes {dimension_semantics = [#tpu.dimension_semantics<core_parallel>, #tpu.dimension_semantics<subcore_parallel>], iteration_bounds = array<i64: 2, 16>, scalar_prefetch = 0 : i64, scratch_operands = 7 : i64, tpu.core_type = #tpu.core_type<sc_vector_subcore>, window_params = [{transform_indices = #map}, {transform_indices = #map}, {transform_indices = #map}]} {
    %mul3A = arith.constant 2 : i32
    %mul3A_0 = arith.muli %arg1, %mul3A : i32
    %add3A = arith.addi %mul3A_0, %arg0 : i32
    %mul3A_1 = arith.constant 1536 : i32
    %mul3A_2 = arith.muli %add3A, %mul3A_1 : i32
    "tpu.region"() ({
      %run_scoped3A = tpu.sem_alloc : memref<!tpu.dma_semaphore, #tpu.memory_space<semaphore_mem>>
      %dma_start3A = arith.constant 0 : i32
      %dma_start3A_14 = tpu.memref_slice %arg2[%dma_start3A] : memref<12288xf32, #tpu.memory_space<hbm>> -> memref<4096xf32, #tpu.memory_space<hbm>>
      %dma_start3A_15 = arith.constant 0 : i32
      %dma_start3A_16 = tpu.memref_slice %arg2[%dma_start3A_15] : memref<12288xf32, #tpu.memory_space<hbm>> -> memref<4096xf32, #tpu.memory_space<hbm>>
      tpu.enqueue_dma source(%dma_start3A_16 : memref<4096xf32, #tpu.memory_space<hbm>>) target(%arg5 : memref<4096xf32, #tpu.memory_space<vmem>>) target_semaphore(%run_scoped3A : memref<!tpu.dma_semaphore, #tpu.memory_space<semaphore_mem>>)
      %dma_wait3A = arith.constant 0 : i32
      %dma_wait3A_17 = tpu.memref_slice %arg2[%dma_wait3A] : memref<12288xf32, #tpu.memory_space<hbm>> -> memref<4096xf32, #tpu.memory_space<hbm>>
      %dma_wait3A_18 = arith.constant 0 : i32
      %dma_wait3A_19 = tpu.memref_slice %arg2[%dma_wait3A_18] : memref<12288xf32, #tpu.memory_space<hbm>> -> memref<4096xf32, #tpu.memory_space<hbm>>
      tpu.wait_dma2 semaphore(%run_scoped3A : memref<!tpu.dma_semaphore, #tpu.memory_space<semaphore_mem>>) src(%dma_wait3A_19 : memref<4096xf32, #tpu.memory_space<hbm>>) dst(%arg5 : memref<4096xf32, #tpu.memory_space<vmem>>)
      tpu.yield
    }) : () -> ()
    "tpu.region"() ({
      %run_scoped3A = tpu.sem_alloc : memref<!tpu.dma_semaphore, #tpu.memory_space<semaphore_mem>>
      %dma_start3A = arith.constant 4096 : i32
      %dma_start3A_14 = tpu.memref_slice %arg2[%dma_start3A] : memref<12288xf32, #tpu.memory_space<hbm>> -> memref<4096xf32, #tpu.memory_space<hbm>>
      %dma_start3A_15 = arith.constant 4096 : i32
      %dma_start3A_16 = tpu.memref_slice %arg2[%dma_start3A_15] : memref<12288xf32, #tpu.memory_space<hbm>> -> memref<4096xf32, #tpu.memory_space<hbm>>
      tpu.enqueue_dma source(%dma_start3A_16 : memref<4096xf32, #tpu.memory_space<hbm>>) target(%arg6 : memref<4096xf32, #tpu.memory_space<vmem>>) target_semaphore(%run_scoped3A : memref<!tpu.dma_semaphore, #tpu.memory_space<semaphore_mem>>)
      %dma_wait3A = arith.constant 4096 : i32
      %dma_wait3A_17 = tpu.memref_slice %arg2[%dma_wait3A] : memref<12288xf32, #tpu.memory_space<hbm>> -> memref<4096xf32, #tpu.memory_space<hbm>>
      %dma_wait3A_18 = arith.constant 4096 : i32
      %dma_wait3A_19 = tpu.memref_slice %arg2[%dma_wait3A_18] : memref<12288xf32, #tpu.memory_space<hbm>> -> memref<4096xf32, #tpu.memory_space<hbm>>
      tpu.wait_dma2 semaphore(%run_scoped3A : memref<!tpu.dma_semaphore, #tpu.memory_space<semaphore_mem>>) src(%dma_wait3A_19 : memref<4096xf32, #tpu.memory_space<hbm>>) dst(%arg6 : memref<4096xf32, #tpu.memory_space<vmem>>)
      tpu.yield
    }) : () -> ()
    "tpu.region"() ({
      %run_scoped3A = tpu.sem_alloc : memref<!tpu.dma_semaphore, #tpu.memory_space<semaphore_mem>>
      %dma_start3A = arith.constant 8192 : i32
      %dma_start3A_14 = tpu.memref_slice %arg2[%dma_start3A] : memref<12288xf32, #tpu.memory_space<hbm>> -> memref<4096xf32, #tpu.memory_space<hbm>>
      %dma_start3A_15 = arith.constant 8192 : i32
      %dma_start3A_16 = tpu.memref_slice %arg2[%dma_start3A_15] : memref<12288xf32, #tpu.memory_space<hbm>> -> memref<4096xf32, #tpu.memory_space<hbm>>
      tpu.enqueue_dma source(%dma_start3A_16 : memref<4096xf32, #tpu.memory_space<hbm>>) target(%arg7 : memref<4096xf32, #tpu.memory_space<vmem>>) target_semaphore(%run_scoped3A : memref<!tpu.dma_semaphore, #tpu.memory_space<semaphore_mem>>)
      %dma_wait3A = arith.constant 8192 : i32
      %dma_wait3A_17 = tpu.memref_slice %arg2[%dma_wait3A] : memref<12288xf32, #tpu.memory_space<hbm>> -> memref<4096xf32, #tpu.memory_space<hbm>>
      %dma_wait3A_18 = arith.constant 8192 : i32
      %dma_wait3A_19 = tpu.memref_slice %arg2[%dma_wait3A_18] : memref<12288xf32, #tpu.memory_space<hbm>> -> memref<4096xf32, #tpu.memory_space<hbm>>
      tpu.wait_dma2 semaphore(%run_scoped3A : memref<!tpu.dma_semaphore, #tpu.memory_space<semaphore_mem>>) src(%dma_wait3A_19 : memref<4096xf32, #tpu.memory_space<hbm>>) dst(%arg7 : memref<4096xf32, #tpu.memory_space<vmem>>)
      tpu.yield
    }) : () -> ()
    "tpu.region"() ({
      %run_scoped3A = tpu.sem_alloc : memref<!tpu.dma_semaphore, #tpu.memory_space<semaphore_mem>>
      %dma_start3A = tpu.memref_slice %arg3[%mul3A_2] : memref<49152xi32, #tpu.memory_space<hbm>> -> memref<1536xi32, #tpu.memory_space<hbm>>
      %dma_start3A_14 = tpu.memref_slice %arg3[%mul3A_2] : memref<49152xi32, #tpu.memory_space<hbm>> -> memref<1536xi32, #tpu.memory_space<hbm>>
      tpu.enqueue_dma source(%dma_start3A_14 : memref<1536xi32, #tpu.memory_space<hbm>>) target(%arg8 : memref<1536xi32, #tpu.memory_space<vmem>>) target_semaphore(%run_scoped3A : memref<!tpu.dma_semaphore, #tpu.memory_space<semaphore_mem>>)
      %dma_wait3A = tpu.memref_slice %arg3[%mul3A_2] : memref<49152xi32, #tpu.memory_space<hbm>> -> memref<1536xi32, #tpu.memory_space<hbm>>
      %dma_wait3A_15 = tpu.memref_slice %arg3[%mul3A_2] : memref<49152xi32, #tpu.memory_space<hbm>> -> memref<1536xi32, #tpu.memory_space<hbm>>
      tpu.wait_dma2 semaphore(%run_scoped3A : memref<!tpu.dma_semaphore, #tpu.memory_space<semaphore_mem>>) src(%dma_wait3A_15 : memref<1536xi32, #tpu.memory_space<hbm>>) dst(%arg8 : memref<1536xi32, #tpu.memory_space<vmem>>)
      tpu.yield
    }) : () -> ()
    %scan3A = arith.constant 0 : i32
    %scan3A_3 = arith.constant 0 : i32
    %scan3A_4 = arith.constant 96 : i32
    %scan3A_5 = arith.addi %scan3A_3, %scan3A_4 : i32
    %scan3A_6 = arith.constant 1 : i32
    scf.for %scan3A_14 = %scan3A_3 to %scan3A_5 step %scan3A_6  : i32 {
      %mul3A_15 = arith.constant 16 : i32
      %mul3A_16 = arith.muli %scan3A_14, %mul3A_15 : i32
      %get3A = arith.index_cast %mul3A_16 : i32 to index
      %get3A_17 = tpu.vector_load %arg8[%get3A] {strides = array<i32>} : memref<1536xi32, #tpu.memory_space<vmem>>, vector<16xi32>,
      %gather3A = tpu.vector_load_idx %arg5[%get3A_17] : memref<4096xf32, #tpu.memory_space<vmem>>[vector<16xi32>], vector<16xf32>,
      %mul3A_18 = arith.constant 16 : i32
      %mul3A_19 = arith.muli %scan3A_14, %mul3A_18 : i32
      %swap3A = arith.index_cast %mul3A_19 : i32 to index
      %swap3A_20 = tpu.vector_load %arg9[%swap3A] {strides = array<i32>} : memref<1536xf32, #tpu.memory_space<vmem>>, vector<16xf32>,
      tpu.vector_store %arg9[%swap3A], %gather3A {strides = array<i32>} : memref<1536xf32, #tpu.memory_space<vmem>>, vector<16xf32>,
      %gather3A_21 = tpu.vector_load_idx %arg6[%get3A_17] : memref<4096xf32, #tpu.memory_space<vmem>>[vector<16xi32>], vector<16xf32>,
      %mul3A_22 = arith.constant 16 : i32
      %mul3A_23 = arith.muli %scan3A_14, %mul3A_22 : i32
      %swap3A_24 = arith.index_cast %mul3A_23 : i32 to index
      %swap3A_25 = tpu.vector_load %arg10[%swap3A_24] {strides = array<i32>} : memref<1536xf32, #tpu.memory_space<vmem>>, vector<16xf32>,
      tpu.vector_store %arg10[%swap3A_24], %gather3A_21 {strides = array<i32>} : memref<1536xf32, #tpu.memory_space<vmem>>, vector<16xf32>,
      %gather3A_26 = tpu.vector_load_idx %arg7[%get3A_17] : memref<4096xf32, #tpu.memory_space<vmem>>[vector<16xi32>], vector<16xf32>,
      %mul3A_27 = arith.constant 16 : i32
      %mul3A_28 = arith.muli %scan3A_14, %mul3A_27 : i32
      %swap3A_29 = arith.index_cast %mul3A_28 : i32 to index
      %swap3A_30 = tpu.vector_load %arg11[%swap3A_29] {strides = array<i32>} : memref<1536xf32, #tpu.memory_space<vmem>>, vector<16xf32>,
      tpu.vector_store %arg11[%swap3A_29], %gather3A_26 {strides = array<i32>} : memref<1536xf32, #tpu.memory_space<vmem>>, vector<16xf32>,
    }
    %scan3A_7 = arith.constant 96 : i32
    %add3A_8 = arith.constant 0 : i32
    %add3A_9 = arith.addi %add3A_8, %mul3A_2 : i32
    "tpu.region"() ({
      %run_scoped3A = tpu.sem_alloc : memref<!tpu.dma_semaphore, #tpu.memory_space<semaphore_mem>>
      %dma_start3A = tpu.memref_slice %arg4[%add3A_9] : memref<147456xf32, #tpu.memory_space<hbm>> -> memref<1536xf32, #tpu.memory_space<hbm>>
      %dma_start3A_14 = tpu.memref_slice %arg4[%add3A_9] : memref<147456xf32, #tpu.memory_space<hbm>> -> memref<1536xf32, #tpu.memory_space<hbm>>
      tpu.enqueue_dma source(%arg9 : memref<1536xf32, #tpu.memory_space<vmem>>) target(%dma_start3A_14 : memref<1536xf32, #tpu.memory_space<hbm>>) target_semaphore(%run_scoped3A : memref<!tpu.dma_semaphore, #tpu.memory_space<semaphore_mem>>)
      %dma_wait3A = tpu.memref_slice %arg4[%add3A_9] : memref<147456xf32, #tpu.memory_space<hbm>> -> memref<1536xf32, #tpu.memory_space<hbm>>
      %dma_wait3A_15 = tpu.memref_slice %arg4[%add3A_9] : memref<147456xf32, #tpu.memory_space<hbm>> -> memref<1536xf32, #tpu.memory_space<hbm>>
      tpu.wait_dma2 semaphore(%run_scoped3A : memref<!tpu.dma_semaphore, #tpu.memory_space<semaphore_mem>>) src(%arg9 : memref<1536xf32, #tpu.memory_space<vmem>>) dst(%dma_wait3A_15 : memref<1536xf32, #tpu.memory_space<hbm>>)
      tpu.yield
    }) : () -> ()
    %add3A_10 = arith.constant 49152 : i32
    %add3A_11 = arith.addi %add3A_10, %mul3A_2 : i32
    "tpu.region"() ({
      %run_scoped3A = tpu.sem_alloc : memref<!tpu.dma_semaphore, #tpu.memory_space<semaphore_mem>>
      %dma_start3A = tpu.memref_slice %arg4[%add3A_11] : memref<147456xf32, #tpu.memory_space<hbm>> -> memref<1536xf32, #tpu.memory_space<hbm>>
      %dma_start3A_14 = tpu.memref_slice %arg4[%add3A_11] : memref<147456xf32, #tpu.memory_space<hbm>> -> memref<1536xf32, #tpu.memory_space<hbm>>
      tpu.enqueue_dma source(%arg10 : memref<1536xf32, #tpu.memory_space<vmem>>) target(%dma_start3A_14 : memref<1536xf32, #tpu.memory_space<hbm>>) target_semaphore(%run_scoped3A : memref<!tpu.dma_semaphore, #tpu.memory_space<semaphore_mem>>)
      %dma_wait3A = tpu.memref_slice %arg4[%add3A_11] : memref<147456xf32, #tpu.memory_space<hbm>> -> memref<1536xf32, #tpu.memory_space<hbm>>
      %dma_wait3A_15 = tpu.memref_slice %arg4[%add3A_11] : memref<147456xf32, #tpu.memory_space<hbm>> -> memref<1536xf32, #tpu.memory_space<hbm>>
      tpu.wait_dma2 semaphore(%run_scoped3A : memref<!tpu.dma_semaphore, #tpu.memory_space<semaphore_mem>>) src(%arg10 : memref<1536xf32, #tpu.memory_space<vmem>>) dst(%dma_wait3A_15 : memref<1536xf32, #tpu.memory_space<hbm>>)
      tpu.yield
    }) : () -> ()
    %add3A_12 = arith.constant 98304 : i32
    %add3A_13 = arith.addi %add3A_12, %mul3A_2 : i32
    "tpu.region"() ({
      %run_scoped3A = tpu.sem_alloc : memref<!tpu.dma_semaphore, #tpu.memory_space<semaphore_mem>>
      %dma_start3A = tpu.memref_slice %arg4[%add3A_13] : memref<147456xf32, #tpu.memory_space<hbm>> -> memref<1536xf32, #tpu.memory_space<hbm>>
      %dma_start3A_14 = tpu.memref_slice %arg4[%add3A_13] : memref<147456xf32, #tpu.memory_space<hbm>> -> memref<1536xf32, #tpu.memory_space<hbm>>
      tpu.enqueue_dma source(%arg11 : memref<1536xf32, #tpu.memory_space<vmem>>) target(%dma_start3A_14 : memref<1536xf32, #tpu.memory_space<hbm>>) target_semaphore(%run_scoped3A : memref<!tpu.dma_semaphore, #tpu.memory_space<semaphore_mem>>)
      %dma_wait3A = tpu.memref_slice %arg4[%add3A_13] : memref<147456xf32, #tpu.memory_space<hbm>> -> memref<1536xf32, #tpu.memory_space<hbm>>
      %dma_wait3A_15 = tpu.memref_slice %arg4[%add3A_13] : memref<147456xf32, #tpu.memory_space<hbm>> -> memref<1536xf32, #tpu.memory_space<hbm>>
      tpu.wait_dma2 semaphore(%run_scoped3A : memref<!tpu.dma_semaphore, #tpu.memory_space<semaphore_mem>>) src(%arg11 : memref<1536xf32, #tpu.memory_space<vmem>>) dst(%dma_wait3A_15 : memref<1536xf32, #tpu.memory_space<hbm>>)
      tpu.yield
    }) : () -> ()
    return
  }
}

module attributes {stable_mosaic.version = 14 : i64} {
  func.func @body(%arg0: i32, %arg1: memref<1x1024x3xf32, #tpu.memory_space<vmem>>, %arg2: memref<1x1024x12xi32, #tpu.memory_space<vmem>>) attributes {dimension_semantics = [#tpu.dimension_semantics<arbitrary>], iteration_bounds = array<i64: 4>, scalar_prefetch = 0 : i64, scratch_operands = 0 : i64, tpu.core_type = #tpu.core_type<tc>, window_params = [{transform_indices = @transform_0, window_bounds = array<i64: 1, 1024, 3>}, {transform_indices = @transform_1, window_bounds = array<i64: 1, 1024, 12>}]} {
    %get3A = arith.constant 0 : index
    %get3A_0 = arith.constant 0 : index
    %get3A_1 = arith.constant 0 : index
    %get3A_2 = vector.load %arg1[%get3A, %get3A_0, %get3A_1] : memref<1x1024x3xf32, #tpu.memory_space<vmem>>, vector<1x1024x3xf32>
    %get3A_3 = vector.shape_cast %get3A_2 : vector<1x1024x3xf32> to vector<1024x3xf32>
    %mul3A = arith.mulf %get3A_3, %get3A_3 : vector<1024x3xf32>
    %reduce_sum3A = arith.constant dense<0.000000e+00> : vector<1024xf32>
    %reduce_sum3A_4 = vector.multi_reduction <add>, %mul3A, %reduce_sum3A [1] : vector<1024x3xf32> to vector<1024xf32>
    %broadcast_in_dim3A = vector.shape_cast %reduce_sum3A_4 : vector<1024xf32> to vector<1024x1xf32>
    %dot_general3A = arith.constant dense<0.000000e+00> : vector<1024x1024xf32>
    %dot_general3A_5 = tpu.matmul %get3A_3, %get3A_3, %dot_general3A {dimension_numbers = #tpu.dot_dimension_numbers<[1], [1], [0], [0], [0, 0, 1, 0], [], []>, transpose_lhs_hint = false} : vector<1024x3xf32>, vector<1024x3xf32>, vector<1024x1024xf32> -> vector<1024x1024xf32>
    %mul3A_6 = arith.constant -2.000000e+00 : f32
    %mul3A_7 = vector.broadcast %mul3A_6 : f32 to vector<1024x1024xf32>
    %mul3A_8 = arith.mulf %mul3A_7, %dot_general3A_5 : vector<1024x1024xf32>
    %neg3A = arith.constant 0.000000e+00 : f32
    %neg3A_9 = vector.broadcast %neg3A : f32 to vector<1024x1xf32>
    %neg3A_10 = arith.subf %neg3A_9, %broadcast_in_dim3A : vector<1024x1xf32>
    %sub3A = vector.broadcast %neg3A_10 : vector<1024x1xf32> to vector<1024x1024xf32>
    %sub3A_11 = arith.subf %sub3A, %mul3A_8 : vector<1024x1024xf32>
    %transpose3A = tpu.transpose %broadcast_in_dim3A, [1, 0] : vector<1024x1xf32> -> vector<1x1024xf32>
    %sub3A_12 = vector.broadcast %transpose3A : vector<1x1024xf32> to vector<1024x1024xf32>
    %sub3A_13 = arith.subf %sub3A_11, %sub3A_12 : vector<1024x1024xf32>
    %iota3A = tpu.iota {dimensions = array<i32: 1>} : vector<1024x1024xi32>
    %reduce_max3A = arith.constant dense<0xFF800000> : vector<1024xf32>
    %reduce_max3A_14 = vector.multi_reduction <maximumf>, %sub3A_13, %reduce_max3A [1] : vector<1024x1024xf32> to vector<1024xf32>
    %broadcast_in_dim3A_15 = vector.shape_cast %reduce_max3A_14 : vector<1024xf32> to vector<1024x1xf32>
    %eq3A = vector.broadcast %broadcast_in_dim3A_15 : vector<1024x1xf32> to vector<1024x1024xf32>
    %eq3A_16 = arith.cmpf oeq, %sub3A_13, %eq3A : vector<1024x1024xf32>
    %jit3A = arith.constant 1024 : i32
    %broadcast_in_dim3A_17 = vector.broadcast %jit3A : i32 to vector<1024x1024xi32>
    %select_n3A = arith.select %eq3A_16, %iota3A, %broadcast_in_dim3A_17 : vector<1024x1024xi1>, vector<1024x1024xi32>
    %reduce_min3A = arith.constant dense<2147483647> : vector<1024xi32>
    %reduce_min3A_18 = vector.multi_reduction <minsi>, %select_n3A, %reduce_min3A [1] : vector<1024x1024xi32> to vector<1024xi32>
    %broadcast_in_dim3A_19 = vector.shape_cast %reduce_min3A_18 : vector<1024xi32> to vector<1024x1xi32>
    %mul3A_20 = arith.constant 1024 : i32
    %mul3A_21 = arith.muli %arg0, %mul3A_20 : i32
    %add3A = vector.broadcast %mul3A_21 : i32 to vector<1024x1xi32>
    %add3A_22 = arith.addi %broadcast_in_dim3A_19, %add3A : vector<1024x1xi32>
    %eq3A_23 = vector.broadcast %broadcast_in_dim3A_19 : vector<1024x1xi32> to vector<1024x1024xi32>
    %eq3A_24 = arith.cmpi eq, %iota3A, %eq3A_23 : vector<1024x1024xi32>
    %jit3A_25 = arith.constant 0xFF800000 : f32
    %broadcast_in_dim3A_26 = vector.broadcast %jit3A_25 : f32 to vector<1024x1024xf32>
    %select_n3A_27 = arith.select %eq3A_24, %broadcast_in_dim3A_26, %sub3A_13 : vector<1024x1024xi1>, vector<1024x1024xf32>
    %reduce_max3A_28 = arith.constant dense<0xFF800000> : vector<1024xf32>
    %reduce_max3A_29 = vector.multi_reduction <maximumf>, %select_n3A_27, %reduce_max3A_28 [1] : vector<1024x1024xf32> to vector<1024xf32>
    %broadcast_in_dim3A_30 = vector.shape_cast %reduce_max3A_29 : vector<1024xf32> to vector<1024x1xf32>
    %eq3A_31 = vector.broadcast %broadcast_in_dim3A_30 : vector<1024x1xf32> to vector<1024x1024xf32>
    %eq3A_32 = arith.cmpf oeq, %select_n3A_27, %eq3A_31 : vector<1024x1024xf32>
    %jit3A_33 = arith.constant 1024 : i32
    %broadcast_in_dim3A_34 = vector.broadcast %jit3A_33 : i32 to vector<1024x1024xi32>
    %select_n3A_35 = arith.select %eq3A_32, %iota3A, %broadcast_in_dim3A_34 : vector<1024x1024xi1>, vector<1024x1024xi32>
    %reduce_min3A_36 = arith.constant dense<2147483647> : vector<1024xi32>
    %reduce_min3A_37 = vector.multi_reduction <minsi>, %select_n3A_35, %reduce_min3A_36 [1] : vector<1024x1024xi32> to vector<1024xi32>
    %broadcast_in_dim3A_38 = vector.shape_cast %reduce_min3A_37 : vector<1024xi32> to vector<1024x1xi32>
    %mul3A_39 = arith.constant 1024 : i32
    %mul3A_40 = arith.muli %arg0, %mul3A_39 : i32
    %add3A_41 = vector.broadcast %mul3A_40 : i32 to vector<1024x1xi32>
    %add3A_42 = arith.addi %broadcast_in_dim3A_38, %add3A_41 : vector<1024x1xi32>
    %eq3A_43 = vector.broadcast %broadcast_in_dim3A_38 : vector<1024x1xi32> to vector<1024x1024xi32>
    %eq3A_44 = arith.cmpi eq, %iota3A, %eq3A_43 : vector<1024x1024xi32>
    %jit3A_45 = arith.constant 0xFF800000 : f32
    %broadcast_in_dim3A_46 = vector.broadcast %jit3A_45 : f32 to vector<1024x1024xf32>
    %select_n3A_47 = arith.select %eq3A_44, %broadcast_in_dim3A_46, %select_n3A_27 : vector<1024x1024xi1>, vector<1024x1024xf32>
    %reduce_max3A_48 = arith.constant dense<0xFF800000> : vector<1024xf32>
    %reduce_max3A_49 = vector.multi_reduction <maximumf>, %select_n3A_47, %reduce_max3A_48 [1] : vector<1024x1024xf32> to vector<1024xf32>
    %broadcast_in_dim3A_50 = vector.shape_cast %reduce_max3A_49 : vector<1024xf32> to vector<1024x1xf32>
    %eq3A_51 = vector.broadcast %broadcast_in_dim3A_50 : vector<1024x1xf32> to vector<1024x1024xf32>
    %eq3A_52 = arith.cmpf oeq, %select_n3A_47, %eq3A_51 : vector<1024x1024xf32>
    %jit3A_53 = arith.constant 1024 : i32
    %broadcast_in_dim3A_54 = vector.broadcast %jit3A_53 : i32 to vector<1024x1024xi32>
    %select_n3A_55 = arith.select %eq3A_52, %iota3A, %broadcast_in_dim3A_54 : vector<1024x1024xi1>, vector<1024x1024xi32>
    %reduce_min3A_56 = arith.constant dense<2147483647> : vector<1024xi32>
    %reduce_min3A_57 = vector.multi_reduction <minsi>, %select_n3A_55, %reduce_min3A_56 [1] : vector<1024x1024xi32> to vector<1024xi32>
    %broadcast_in_dim3A_58 = vector.shape_cast %reduce_min3A_57 : vector<1024xi32> to vector<1024x1xi32>
    %mul3A_59 = arith.constant 1024 : i32
    %mul3A_60 = arith.muli %arg0, %mul3A_59 : i32
    %add3A_61 = vector.broadcast %mul3A_60 : i32 to vector<1024x1xi32>
    %add3A_62 = arith.addi %broadcast_in_dim3A_58, %add3A_61 : vector<1024x1xi32>
    %eq3A_63 = vector.broadcast %broadcast_in_dim3A_58 : vector<1024x1xi32> to vector<1024x1024xi32>
    %eq3A_64 = arith.cmpi eq, %iota3A, %eq3A_63 : vector<1024x1024xi32>
    %jit3A_65 = arith.constant 0xFF800000 : f32
    %broadcast_in_dim3A_66 = vector.broadcast %jit3A_65 : f32 to vector<1024x1024xf32>
    %select_n3A_67 = arith.select %eq3A_64, %broadcast_in_dim3A_66, %select_n3A_47 : vector<1024x1024xi1>, vector<1024x1024xf32>
    %reduce_max3A_68 = arith.constant dense<0xFF800000> : vector<1024xf32>
    %reduce_max3A_69 = vector.multi_reduction <maximumf>, %select_n3A_67, %reduce_max3A_68 [1] : vector<1024x1024xf32> to vector<1024xf32>
    %broadcast_in_dim3A_70 = vector.shape_cast %reduce_max3A_69 : vector<1024xf32> to vector<1024x1xf32>
    %eq3A_71 = vector.broadcast %broadcast_in_dim3A_70 : vector<1024x1xf32> to vector<1024x1024xf32>
    %eq3A_72 = arith.cmpf oeq, %select_n3A_67, %eq3A_71 : vector<1024x1024xf32>
    %jit3A_73 = arith.constant 1024 : i32
    %broadcast_in_dim3A_74 = vector.broadcast %jit3A_73 : i32 to vector<1024x1024xi32>
    %select_n3A_75 = arith.select %eq3A_72, %iota3A, %broadcast_in_dim3A_74 : vector<1024x1024xi1>, vector<1024x1024xi32>
    %reduce_min3A_76 = arith.constant dense<2147483647> : vector<1024xi32>
    %reduce_min3A_77 = vector.multi_reduction <minsi>, %select_n3A_75, %reduce_min3A_76 [1] : vector<1024x1024xi32> to vector<1024xi32>
    %broadcast_in_dim3A_78 = vector.shape_cast %reduce_min3A_77 : vector<1024xi32> to vector<1024x1xi32>
    %mul3A_79 = arith.constant 1024 : i32
    %mul3A_80 = arith.muli %arg0, %mul3A_79 : i32
    %add3A_81 = vector.broadcast %mul3A_80 : i32 to vector<1024x1xi32>
    %add3A_82 = arith.addi %broadcast_in_dim3A_78, %add3A_81 : vector<1024x1xi32>
    %eq3A_83 = vector.broadcast %broadcast_in_dim3A_78 : vector<1024x1xi32> to vector<1024x1024xi32>
    %eq3A_84 = arith.cmpi eq, %iota3A, %eq3A_83 : vector<1024x1024xi32>
    %jit3A_85 = arith.constant 0xFF800000 : f32
    %broadcast_in_dim3A_86 = vector.broadcast %jit3A_85 : f32 to vector<1024x1024xf32>
    %select_n3A_87 = arith.select %eq3A_84, %broadcast_in_dim3A_86, %select_n3A_67 : vector<1024x1024xi1>, vector<1024x1024xf32>
    %reduce_max3A_88 = arith.constant dense<0xFF800000> : vector<1024xf32>
    %reduce_max3A_89 = vector.multi_reduction <maximumf>, %select_n3A_87, %reduce_max3A_88 [1] : vector<1024x1024xf32> to vector<1024xf32>
    %broadcast_in_dim3A_90 = vector.shape_cast %reduce_max3A_89 : vector<1024xf32> to vector<1024x1xf32>
    %eq3A_91 = vector.broadcast %broadcast_in_dim3A_90 : vector<1024x1xf32> to vector<1024x1024xf32>
    %eq3A_92 = arith.cmpf oeq, %select_n3A_87, %eq3A_91 : vector<1024x1024xf32>
    %jit3A_93 = arith.constant 1024 : i32
    %broadcast_in_dim3A_94 = vector.broadcast %jit3A_93 : i32 to vector<1024x1024xi32>
    %select_n3A_95 = arith.select %eq3A_92, %iota3A, %broadcast_in_dim3A_94 : vector<1024x1024xi1>, vector<1024x1024xi32>
    %reduce_min3A_96 = arith.constant dense<2147483647> : vector<1024xi32>
    %reduce_min3A_97 = vector.multi_reduction <minsi>, %select_n3A_95, %reduce_min3A_96 [1] : vector<1024x1024xi32> to vector<1024xi32>
    %broadcast_in_dim3A_98 = vector.shape_cast %reduce_min3A_97 : vector<1024xi32> to vector<1024x1xi32>
    %mul3A_99 = arith.constant 1024 : i32
    %mul3A_100 = arith.muli %arg0, %mul3A_99 : i32
    %add3A_101 = vector.broadcast %mul3A_100 : i32 to vector<1024x1xi32>
    %add3A_102 = arith.addi %broadcast_in_dim3A_98, %add3A_101 : vector<1024x1xi32>
    %eq3A_103 = vector.broadcast %broadcast_in_dim3A_98 : vector<1024x1xi32> to vector<1024x1024xi32>
    %eq3A_104 = arith.cmpi eq, %iota3A, %eq3A_103 : vector<1024x1024xi32>
    %jit3A_105 = arith.constant 0xFF800000 : f32
    %broadcast_in_dim3A_106 = vector.broadcast %jit3A_105 : f32 to vector<1024x1024xf32>
    %select_n3A_107 = arith.select %eq3A_104, %broadcast_in_dim3A_106, %select_n3A_87 : vector<1024x1024xi1>, vector<1024x1024xf32>
    %reduce_max3A_108 = arith.constant dense<0xFF800000> : vector<1024xf32>
    %reduce_max3A_109 = vector.multi_reduction <maximumf>, %select_n3A_107, %reduce_max3A_108 [1] : vector<1024x1024xf32> to vector<1024xf32>
    %broadcast_in_dim3A_110 = vector.shape_cast %reduce_max3A_109 : vector<1024xf32> to vector<1024x1xf32>
    %eq3A_111 = vector.broadcast %broadcast_in_dim3A_110 : vector<1024x1xf32> to vector<1024x1024xf32>
    %eq3A_112 = arith.cmpf oeq, %select_n3A_107, %eq3A_111 : vector<1024x1024xf32>
    %jit3A_113 = arith.constant 1024 : i32
    %broadcast_in_dim3A_114 = vector.broadcast %jit3A_113 : i32 to vector<1024x1024xi32>
    %select_n3A_115 = arith.select %eq3A_112, %iota3A, %broadcast_in_dim3A_114 : vector<1024x1024xi1>, vector<1024x1024xi32>
    %reduce_min3A_116 = arith.constant dense<2147483647> : vector<1024xi32>
    %reduce_min3A_117 = vector.multi_reduction <minsi>, %select_n3A_115, %reduce_min3A_116 [1] : vector<1024x1024xi32> to vector<1024xi32>
    %broadcast_in_dim3A_118 = vector.shape_cast %reduce_min3A_117 : vector<1024xi32> to vector<1024x1xi32>
    %mul3A_119 = arith.constant 1024 : i32
    %mul3A_120 = arith.muli %arg0, %mul3A_119 : i32
    %add3A_121 = vector.broadcast %mul3A_120 : i32 to vector<1024x1xi32>
    %add3A_122 = arith.addi %broadcast_in_dim3A_118, %add3A_121 : vector<1024x1xi32>
    %eq3A_123 = vector.broadcast %broadcast_in_dim3A_118 : vector<1024x1xi32> to vector<1024x1024xi32>
    %eq3A_124 = arith.cmpi eq, %iota3A, %eq3A_123 : vector<1024x1024xi32>
    %jit3A_125 = arith.constant 0xFF800000 : f32
    %broadcast_in_dim3A_126 = vector.broadcast %jit3A_125 : f32 to vector<1024x1024xf32>
    %select_n3A_127 = arith.select %eq3A_124, %broadcast_in_dim3A_126, %select_n3A_107 : vector<1024x1024xi1>, vector<1024x1024xf32>
    %reduce_max3A_128 = arith.constant dense<0xFF800000> : vector<1024xf32>
    %reduce_max3A_129 = vector.multi_reduction <maximumf>, %select_n3A_127, %reduce_max3A_128 [1] : vector<1024x1024xf32> to vector<1024xf32>
    %broadcast_in_dim3A_130 = vector.shape_cast %reduce_max3A_129 : vector<1024xf32> to vector<1024x1xf32>
    %eq3A_131 = vector.broadcast %broadcast_in_dim3A_130 : vector<1024x1xf32> to vector<1024x1024xf32>
    %eq3A_132 = arith.cmpf oeq, %select_n3A_127, %eq3A_131 : vector<1024x1024xf32>
    %jit3A_133 = arith.constant 1024 : i32
    %broadcast_in_dim3A_134 = vector.broadcast %jit3A_133 : i32 to vector<1024x1024xi32>
    %select_n3A_135 = arith.select %eq3A_132, %iota3A, %broadcast_in_dim3A_134 : vector<1024x1024xi1>, vector<1024x1024xi32>
    %reduce_min3A_136 = arith.constant dense<2147483647> : vector<1024xi32>
    %reduce_min3A_137 = vector.multi_reduction <minsi>, %select_n3A_135, %reduce_min3A_136 [1] : vector<1024x1024xi32> to vector<1024xi32>
    %broadcast_in_dim3A_138 = vector.shape_cast %reduce_min3A_137 : vector<1024xi32> to vector<1024x1xi32>
    %mul3A_139 = arith.constant 1024 : i32
    %mul3A_140 = arith.muli %arg0, %mul3A_139 : i32
    %add3A_141 = vector.broadcast %mul3A_140 : i32 to vector<1024x1xi32>
    %add3A_142 = arith.addi %broadcast_in_dim3A_138, %add3A_141 : vector<1024x1xi32>
    %eq3A_143 = vector.broadcast %broadcast_in_dim3A_138 : vector<1024x1xi32> to vector<1024x1024xi32>
    %eq3A_144 = arith.cmpi eq, %iota3A, %eq3A_143 : vector<1024x1024xi32>
    %jit3A_145 = arith.constant 0xFF800000 : f32
    %broadcast_in_dim3A_146 = vector.broadcast %jit3A_145 : f32 to vector<1024x1024xf32>
    %select_n3A_147 = arith.select %eq3A_144, %broadcast_in_dim3A_146, %select_n3A_127 : vector<1024x1024xi1>, vector<1024x1024xf32>
    %reduce_max3A_148 = arith.constant dense<0xFF800000> : vector<1024xf32>
    %reduce_max3A_149 = vector.multi_reduction <maximumf>, %select_n3A_147, %reduce_max3A_148 [1] : vector<1024x1024xf32> to vector<1024xf32>
    %broadcast_in_dim3A_150 = vector.shape_cast %reduce_max3A_149 : vector<1024xf32> to vector<1024x1xf32>
    %eq3A_151 = vector.broadcast %broadcast_in_dim3A_150 : vector<1024x1xf32> to vector<1024x1024xf32>
    %eq3A_152 = arith.cmpf oeq, %select_n3A_147, %eq3A_151 : vector<1024x1024xf32>
    %jit3A_153 = arith.constant 1024 : i32
    %broadcast_in_dim3A_154 = vector.broadcast %jit3A_153 : i32 to vector<1024x1024xi32>
    %select_n3A_155 = arith.select %eq3A_152, %iota3A, %broadcast_in_dim3A_154 : vector<1024x1024xi1>, vector<1024x1024xi32>
    %reduce_min3A_156 = arith.constant dense<2147483647> : vector<1024xi32>
    %reduce_min3A_157 = vector.multi_reduction <minsi>, %select_n3A_155, %reduce_min3A_156 [1] : vector<1024x1024xi32> to vector<1024xi32>
    %broadcast_in_dim3A_158 = vector.shape_cast %reduce_min3A_157 : vector<1024xi32> to vector<1024x1xi32>
    %mul3A_159 = arith.constant 1024 : i32
    %mul3A_160 = arith.muli %arg0, %mul3A_159 : i32
    %add3A_161 = vector.broadcast %mul3A_160 : i32 to vector<1024x1xi32>
    %add3A_162 = arith.addi %broadcast_in_dim3A_158, %add3A_161 : vector<1024x1xi32>
    %eq3A_163 = vector.broadcast %broadcast_in_dim3A_158 : vector<1024x1xi32> to vector<1024x1024xi32>
    %eq3A_164 = arith.cmpi eq, %iota3A, %eq3A_163 : vector<1024x1024xi32>
    %jit3A_165 = arith.constant 0xFF800000 : f32
    %broadcast_in_dim3A_166 = vector.broadcast %jit3A_165 : f32 to vector<1024x1024xf32>
    %select_n3A_167 = arith.select %eq3A_164, %broadcast_in_dim3A_166, %select_n3A_147 : vector<1024x1024xi1>, vector<1024x1024xf32>
    %reduce_max3A_168 = arith.constant dense<0xFF800000> : vector<1024xf32>
    %reduce_max3A_169 = vector.multi_reduction <maximumf>, %select_n3A_167, %reduce_max3A_168 [1] : vector<1024x1024xf32> to vector<1024xf32>
    %broadcast_in_dim3A_170 = vector.shape_cast %reduce_max3A_169 : vector<1024xf32> to vector<1024x1xf32>
    %eq3A_171 = vector.broadcast %broadcast_in_dim3A_170 : vector<1024x1xf32> to vector<1024x1024xf32>
    %eq3A_172 = arith.cmpf oeq, %select_n3A_167, %eq3A_171 : vector<1024x1024xf32>
    %jit3A_173 = arith.constant 1024 : i32
    %broadcast_in_dim3A_174 = vector.broadcast %jit3A_173 : i32 to vector<1024x1024xi32>
    %select_n3A_175 = arith.select %eq3A_172, %iota3A, %broadcast_in_dim3A_174 : vector<1024x1024xi1>, vector<1024x1024xi32>
    %reduce_min3A_176 = arith.constant dense<2147483647> : vector<1024xi32>
    %reduce_min3A_177 = vector.multi_reduction <minsi>, %select_n3A_175, %reduce_min3A_176 [1] : vector<1024x1024xi32> to vector<1024xi32>
    %broadcast_in_dim3A_178 = vector.shape_cast %reduce_min3A_177 : vector<1024xi32> to vector<1024x1xi32>
    %mul3A_179 = arith.constant 1024 : i32
    %mul3A_180 = arith.muli %arg0, %mul3A_179 : i32
    %add3A_181 = vector.broadcast %mul3A_180 : i32 to vector<1024x1xi32>
    %add3A_182 = arith.addi %broadcast_in_dim3A_178, %add3A_181 : vector<1024x1xi32>
    %eq3A_183 = vector.broadcast %broadcast_in_dim3A_178 : vector<1024x1xi32> to vector<1024x1024xi32>
    %eq3A_184 = arith.cmpi eq, %iota3A, %eq3A_183 : vector<1024x1024xi32>
    %jit3A_185 = arith.constant 0xFF800000 : f32
    %broadcast_in_dim3A_186 = vector.broadcast %jit3A_185 : f32 to vector<1024x1024xf32>
    %select_n3A_187 = arith.select %eq3A_184, %broadcast_in_dim3A_186, %select_n3A_167 : vector<1024x1024xi1>, vector<1024x1024xf32>
    %reduce_max3A_188 = arith.constant dense<0xFF800000> : vector<1024xf32>
    %reduce_max3A_189 = vector.multi_reduction <maximumf>, %select_n3A_187, %reduce_max3A_188 [1] : vector<1024x1024xf32> to vector<1024xf32>
    %broadcast_in_dim3A_190 = vector.shape_cast %reduce_max3A_189 : vector<1024xf32> to vector<1024x1xf32>
    %eq3A_191 = vector.broadcast %broadcast_in_dim3A_190 : vector<1024x1xf32> to vector<1024x1024xf32>
    %eq3A_192 = arith.cmpf oeq, %select_n3A_187, %eq3A_191 : vector<1024x1024xf32>
    %jit3A_193 = arith.constant 1024 : i32
    %broadcast_in_dim3A_194 = vector.broadcast %jit3A_193 : i32 to vector<1024x1024xi32>
    %select_n3A_195 = arith.select %eq3A_192, %iota3A, %broadcast_in_dim3A_194 : vector<1024x1024xi1>, vector<1024x1024xi32>
    %reduce_min3A_196 = arith.constant dense<2147483647> : vector<1024xi32>
    %reduce_min3A_197 = vector.multi_reduction <minsi>, %select_n3A_195, %reduce_min3A_196 [1] : vector<1024x1024xi32> to vector<1024xi32>
    %broadcast_in_dim3A_198 = vector.shape_cast %reduce_min3A_197 : vector<1024xi32> to vector<1024x1xi32>
    %mul3A_199 = arith.constant 1024 : i32
    %mul3A_200 = arith.muli %arg0, %mul3A_199 : i32
    %add3A_201 = vector.broadcast %mul3A_200 : i32 to vector<1024x1xi32>
    %add3A_202 = arith.addi %broadcast_in_dim3A_198, %add3A_201 : vector<1024x1xi32>
    %eq3A_203 = vector.broadcast %broadcast_in_dim3A_198 : vector<1024x1xi32> to vector<1024x1024xi32>
    %eq3A_204 = arith.cmpi eq, %iota3A, %eq3A_203 : vector<1024x1024xi32>
    %jit3A_205 = arith.constant 0xFF800000 : f32
    %broadcast_in_dim3A_206 = vector.broadcast %jit3A_205 : f32 to vector<1024x1024xf32>
    %select_n3A_207 = arith.select %eq3A_204, %broadcast_in_dim3A_206, %select_n3A_187 : vector<1024x1024xi1>, vector<1024x1024xf32>
    %reduce_max3A_208 = arith.constant dense<0xFF800000> : vector<1024xf32>
    %reduce_max3A_209 = vector.multi_reduction <maximumf>, %select_n3A_207, %reduce_max3A_208 [1] : vector<1024x1024xf32> to vector<1024xf32>
    %broadcast_in_dim3A_210 = vector.shape_cast %reduce_max3A_209 : vector<1024xf32> to vector<1024x1xf32>
    %eq3A_211 = vector.broadcast %broadcast_in_dim3A_210 : vector<1024x1xf32> to vector<1024x1024xf32>
    %eq3A_212 = arith.cmpf oeq, %select_n3A_207, %eq3A_211 : vector<1024x1024xf32>
    %jit3A_213 = arith.constant 1024 : i32
    %broadcast_in_dim3A_214 = vector.broadcast %jit3A_213 : i32 to vector<1024x1024xi32>
    %select_n3A_215 = arith.select %eq3A_212, %iota3A, %broadcast_in_dim3A_214 : vector<1024x1024xi1>, vector<1024x1024xi32>
    %reduce_min3A_216 = arith.constant dense<2147483647> : vector<1024xi32>
    %reduce_min3A_217 = vector.multi_reduction <minsi>, %select_n3A_215, %reduce_min3A_216 [1] : vector<1024x1024xi32> to vector<1024xi32>
    %broadcast_in_dim3A_218 = vector.shape_cast %reduce_min3A_217 : vector<1024xi32> to vector<1024x1xi32>
    %mul3A_219 = arith.constant 1024 : i32
    %mul3A_220 = arith.muli %arg0, %mul3A_219 : i32
    %add3A_221 = vector.broadcast %mul3A_220 : i32 to vector<1024x1xi32>
    %add3A_222 = arith.addi %broadcast_in_dim3A_218, %add3A_221 : vector<1024x1xi32>
    %eq3A_223 = vector.broadcast %broadcast_in_dim3A_218 : vector<1024x1xi32> to vector<1024x1024xi32>
    %eq3A_224 = arith.cmpi eq, %iota3A, %eq3A_223 : vector<1024x1024xi32>
    %jit3A_225 = arith.constant 0xFF800000 : f32
    %broadcast_in_dim3A_226 = vector.broadcast %jit3A_225 : f32 to vector<1024x1024xf32>
    %select_n3A_227 = arith.select %eq3A_224, %broadcast_in_dim3A_226, %select_n3A_207 : vector<1024x1024xi1>, vector<1024x1024xf32>
    %reduce_max3A_228 = arith.constant dense<0xFF800000> : vector<1024xf32>
    %reduce_max3A_229 = vector.multi_reduction <maximumf>, %select_n3A_227, %reduce_max3A_228 [1] : vector<1024x1024xf32> to vector<1024xf32>
    %broadcast_in_dim3A_230 = vector.shape_cast %reduce_max3A_229 : vector<1024xf32> to vector<1024x1xf32>
    %eq3A_231 = vector.broadcast %broadcast_in_dim3A_230 : vector<1024x1xf32> to vector<1024x1024xf32>
    %eq3A_232 = arith.cmpf oeq, %select_n3A_227, %eq3A_231 : vector<1024x1024xf32>
    %jit3A_233 = arith.constant 1024 : i32
    %broadcast_in_dim3A_234 = vector.broadcast %jit3A_233 : i32 to vector<1024x1024xi32>
    %select_n3A_235 = arith.select %eq3A_232, %iota3A, %broadcast_in_dim3A_234 : vector<1024x1024xi1>, vector<1024x1024xi32>
    %reduce_min3A_236 = arith.constant dense<2147483647> : vector<1024xi32>
    %reduce_min3A_237 = vector.multi_reduction <minsi>, %select_n3A_235, %reduce_min3A_236 [1] : vector<1024x1024xi32> to vector<1024xi32>
    %broadcast_in_dim3A_238 = vector.shape_cast %reduce_min3A_237 : vector<1024xi32> to vector<1024x1xi32>
    %mul3A_239 = arith.constant 1024 : i32
    %mul3A_240 = arith.muli %arg0, %mul3A_239 : i32
    %add3A_241 = vector.broadcast %mul3A_240 : i32 to vector<1024x1xi32>
    %add3A_242 = arith.addi %broadcast_in_dim3A_238, %add3A_241 : vector<1024x1xi32>
    %concatenate3A = tpu.concatenate %add3A_22, %add3A_42, %add3A_62, %add3A_82, %add3A_102, %add3A_122, %add3A_142, %add3A_162, %add3A_182, %add3A_202, %add3A_222, %add3A_242 in 1 : vector<1024x1xi32>, vector<1024x1xi32>, vector<1024x1xi32>, vector<1024x1xi32>, vector<1024x1xi32>, vector<1024x1xi32>, vector<1024x1xi32>, vector<1024x1xi32>, vector<1024x1xi32>, vector<1024x1xi32>, vector<1024x1xi32>, vector<1024x1xi32> -> vector<1024x12xi32>
    %swap3A = arith.constant 0 : index
    %swap3A_243 = arith.constant 0 : index
    %swap3A_244 = arith.constant 0 : index
    %swap3A_245 = vector.load %arg2[%swap3A, %swap3A_243, %swap3A_244] : memref<1x1024x12xi32, #tpu.memory_space<vmem>>, vector<1x1024x12xi32>
    %swap3A_246 = vector.shape_cast %swap3A_245 : vector<1x1024x12xi32> to vector<1024x12xi32>
    %swap3A_247 = vector.shape_cast %concatenate3A : vector<1024x12xi32> to vector<1x1024x12xi32>
    tpu.vector_store %arg2[%swap3A, %swap3A_243, %swap3A_244], %swap3A_247 {strides = array<i32>} : memref<1x1024x12xi32, #tpu.memory_space<vmem>>, vector<1x1024x12xi32>,
    return
  }
  func.func @transform_0(%arg0: i32) -> (i32, i32, i32) {
    %c0_i32 = arith.constant 0 : i32
    %c0_i32_0 = arith.constant 0 : i32
    %c0_i32_1 = arith.constant 0 : i32
    return %arg0, %c0_i32, %c0_i32_0 : i32, i32, i32
  }
  func.func @transform_1(%arg0: i32) -> (i32, i32, i32) {
    %c0_i32 = arith.constant 0 : i32
    %c0_i32_0 = arith.constant 0 : i32
    %c0_i32_1 = arith.constant 0 : i32
    return %arg0, %c0_i32, %c0_i32_0 : i32, i32, i32
  }
}

module attributes {stable_mosaic.version = 14 : i64} {
  func.func @body(%arg0: i32, %arg1: i32, %arg2: memref<12x66xf32, #tpu.memory_space<vmem>>, %arg3: memref<12x66xf32, #tpu.memory_space<vmem>>, %arg4: memref<1x128x3xf32, #tpu.memory_space<vmem>>, %arg5: memref<3x1x128x12xf32, #tpu.memory_space<vmem>>, %arg6: memref<1x128x3xf32, #tpu.memory_space<vmem>>) attributes {dimension_semantics = [#tpu.dimension_semantics<arbitrary>, #tpu.dimension_semantics<arbitrary>], iteration_bounds = array<i64: 4, 8>, scalar_prefetch = 0 : i64, scratch_operands = 0 : i64, tpu.core_type = #tpu.core_type<tc>, window_params = [{pipeline_mode = #tpu.pipeline_mode<synchronous>, transform_indices = @transform_0, window_bounds = array<i64: 12, 66>}, {pipeline_mode = #tpu.pipeline_mode<synchronous>, transform_indices = @transform_1, window_bounds = array<i64: 12, 66>}, {transform_indices = @transform_2, window_bounds = array<i64: 1, 128, 3>}, {transform_indices = @transform_3, window_bounds = array<i64: 3, 1, 128, 12>}, {transform_indices = @transform_4, window_bounds = array<i64: 1, 128, 3>}]} {
    %get3A = arith.constant 0 : index
    %get3A_0 = arith.constant 0 : index
    %get3A_1 = arith.constant 0 : index
    %get3A_2 = vector.load %arg4[%get3A, %get3A_0, %get3A_1] : memref<1x128x3xf32, #tpu.memory_space<vmem>>, vector<1x128x3xf32>
    %get3A_3 = vector.shape_cast %get3A_2 : vector<1x128x3xf32> to vector<128x3xf32>
    %get3A_4 = arith.constant 0 : index
    %get3A_5 = arith.constant 0 : index
    %get3A_6 = vector.load %arg2[%get3A_4, %get3A_5] : memref<12x66xf32, #tpu.memory_space<vmem>>, vector<12x66xf32>
    %get3A_7 = arith.constant 0 : index
    %get3A_8 = arith.constant 0 : index
    %get3A_9 = vector.load %arg3[%get3A_7, %get3A_8] : memref<12x66xf32, #tpu.memory_space<vmem>>, vector<12x66xf32>
    %get3A_10 = arith.constant 0 : index
    %get3A_11 = arith.constant 0 : index
    %get3A_12 = arith.constant 0 : index
    %get3A_13 = arith.constant 0 : index
    %get3A_14 = vector.load %arg5[%get3A_10, %get3A_11, %get3A_12, %get3A_13] : memref<3x1x128x12xf32, #tpu.memory_space<vmem>>, vector<1x1x128x12xf32>
    %get3A_15 = vector.shape_cast %get3A_14 : vector<1x1x128x12xf32> to vector<128x12xf32>
    %slice3A = vector.extract_strided_slice %get3A_3 {offsets = [0, 0], sizes = [128, 1], strides = [1, 1]} : vector<128x3xf32> to vector<128x1xf32>
    %sub3A = vector.broadcast %slice3A : vector<128x1xf32> to vector<128x12xf32>
    %sub3A_16 = arith.subf %get3A_15, %sub3A : vector<128x12xf32>
    %get3A_17 = arith.constant 1 : index
    %get3A_18 = arith.constant 0 : index
    %get3A_19 = arith.constant 0 : index
    %get3A_20 = arith.constant 0 : index
    %get3A_21 = vector.load %arg5[%get3A_17, %get3A_18, %get3A_19, %get3A_20] : memref<3x1x128x12xf32, #tpu.memory_space<vmem>>, vector<1x1x128x12xf32>
    %get3A_22 = vector.shape_cast %get3A_21 : vector<1x1x128x12xf32> to vector<128x12xf32>
    %slice3A_23 = vector.extract_strided_slice %get3A_3 {offsets = [0, 1], sizes = [128, 1], strides = [1, 1]} : vector<128x3xf32> to vector<128x1xf32>
    %sub3A_24 = vector.broadcast %slice3A_23 : vector<128x1xf32> to vector<128x12xf32>
    %sub3A_25 = arith.subf %get3A_22, %sub3A_24 : vector<128x12xf32>
    %get3A_26 = arith.constant 2 : index
    %get3A_27 = arith.constant 0 : index
    %get3A_28 = arith.constant 0 : index
    %get3A_29 = arith.constant 0 : index
    %get3A_30 = vector.load %arg5[%get3A_26, %get3A_27, %get3A_28, %get3A_29] : memref<3x1x128x12xf32, #tpu.memory_space<vmem>>, vector<1x1x128x12xf32>
    %get3A_31 = vector.shape_cast %get3A_30 : vector<1x1x128x12xf32> to vector<128x12xf32>
    %slice3A_32 = vector.extract_strided_slice %get3A_3 {offsets = [0, 2], sizes = [128, 1], strides = [1, 1]} : vector<128x3xf32> to vector<128x1xf32>
    %sub3A_33 = vector.broadcast %slice3A_32 : vector<128x1xf32> to vector<128x12xf32>
    %sub3A_34 = arith.subf %get3A_31, %sub3A_33 : vector<128x12xf32>
    %dot_general3A = arith.constant dense<0.000000e+00> : vector<128x66xf32>
    %dot_general3A_35 = tpu.matmul %sub3A_16, %get3A_6, %dot_general3A {dimension_numbers = #tpu.dot_dimension_numbers<[1], [0], [0], [1], [0, 0, 1, 1], [], []>, precision = #tpu.contract_precision<fp32>, transpose_lhs_hint = false} : vector<128x12xf32>, vector<12x66xf32>, vector<128x66xf32> -> vector<128x66xf32>
    %dot_general3A_36 = arith.constant dense<0.000000e+00> : vector<128x66xf32>
    %dot_general3A_37 = tpu.matmul %sub3A_25, %get3A_6, %dot_general3A_36 {dimension_numbers = #tpu.dot_dimension_numbers<[1], [0], [0], [1], [0, 0, 1, 1], [], []>, precision = #tpu.contract_precision<fp32>, transpose_lhs_hint = false} : vector<128x12xf32>, vector<12x66xf32>, vector<128x66xf32> -> vector<128x66xf32>
    %dot_general3A_38 = arith.constant dense<0.000000e+00> : vector<128x66xf32>
    %dot_general3A_39 = tpu.matmul %sub3A_34, %get3A_6, %dot_general3A_38 {dimension_numbers = #tpu.dot_dimension_numbers<[1], [0], [0], [1], [0, 0, 1, 1], [], []>, precision = #tpu.contract_precision<fp32>, transpose_lhs_hint = false} : vector<128x12xf32>, vector<12x66xf32>, vector<128x66xf32> -> vector<128x66xf32>
    %dot_general3A_40 = arith.constant dense<0.000000e+00> : vector<128x66xf32>
    %dot_general3A_41 = tpu.matmul %sub3A_16, %get3A_9, %dot_general3A_40 {dimension_numbers = #tpu.dot_dimension_numbers<[1], [0], [0], [1], [0, 0, 1, 1], [], []>, precision = #tpu.contract_precision<fp32>, transpose_lhs_hint = false} : vector<128x12xf32>, vector<12x66xf32>, vector<128x66xf32> -> vector<128x66xf32>
    %dot_general3A_42 = arith.constant dense<0.000000e+00> : vector<128x66xf32>
    %dot_general3A_43 = tpu.matmul %sub3A_25, %get3A_9, %dot_general3A_42 {dimension_numbers = #tpu.dot_dimension_numbers<[1], [0], [0], [1], [0, 0, 1, 1], [], []>, precision = #tpu.contract_precision<fp32>, transpose_lhs_hint = false} : vector<128x12xf32>, vector<12x66xf32>, vector<128x66xf32> -> vector<128x66xf32>
    %dot_general3A_44 = arith.constant dense<0.000000e+00> : vector<128x66xf32>
    %dot_general3A_45 = tpu.matmul %sub3A_34, %get3A_9, %dot_general3A_44 {dimension_numbers = #tpu.dot_dimension_numbers<[1], [0], [0], [1], [0, 0, 1, 1], [], []>, precision = #tpu.contract_precision<fp32>, transpose_lhs_hint = false} : vector<128x12xf32>, vector<12x66xf32>, vector<128x66xf32> -> vector<128x66xf32>
    %mul3A = arith.mulf %dot_general3A_37, %dot_general3A_45 : vector<128x66xf32>
    %mul3A_46 = arith.mulf %dot_general3A_39, %dot_general3A_43 : vector<128x66xf32>
    %sub3A_47 = arith.subf %mul3A, %mul3A_46 : vector<128x66xf32>
    %mul3A_48 = arith.mulf %dot_general3A_39, %dot_general3A_41 : vector<128x66xf32>
    %mul3A_49 = arith.mulf %dot_general3A_35, %dot_general3A_45 : vector<128x66xf32>
    %sub3A_50 = arith.subf %mul3A_48, %mul3A_49 : vector<128x66xf32>
    %mul3A_51 = arith.mulf %dot_general3A_35, %dot_general3A_43 : vector<128x66xf32>
    %mul3A_52 = arith.mulf %dot_general3A_37, %dot_general3A_41 : vector<128x66xf32>
    %sub3A_53 = arith.subf %mul3A_51, %mul3A_52 : vector<128x66xf32>
    %mul3A_54 = arith.mulf %sub3A_47, %sub3A_47 : vector<128x66xf32>
    %mul3A_55 = arith.mulf %sub3A_50, %sub3A_50 : vector<128x66xf32>
    %add3A = arith.addf %mul3A_54, %mul3A_55 : vector<128x66xf32>
    %mul3A_56 = arith.mulf %sub3A_53, %sub3A_53 : vector<128x66xf32>
    %add3A_57 = arith.addf %add3A, %mul3A_56 : vector<128x66xf32>
    %add3A_58 = arith.constant 1.000000e-24 : f32
    %add3A_59 = vector.broadcast %add3A_58 : f32 to vector<128x66xf32>
    %add3A_60 = arith.addf %add3A_57, %add3A_59 : vector<128x66xf32>
    %sqrt3A = math.sqrt %add3A_60 : vector<128x66xf32>
    %gt3A = arith.constant 9.99999997E-7 : f32
    %gt3A_61 = vector.broadcast %gt3A : f32 to vector<128x66xf32>
    %gt3A_62 = arith.cmpf ogt, %sqrt3A, %gt3A_61 : vector<128x66xf32>
    %broadcast_in_dim3A = arith.constant 0.000000e+00 : f32
    %broadcast_in_dim3A_63 = vector.broadcast %broadcast_in_dim3A : f32 to vector<128x66xf32>
    %div3A = arith.divf %sub3A_47, %sqrt3A : vector<128x66xf32>
    %select_n3A = arith.select %gt3A_62, %div3A, %broadcast_in_dim3A_63 : vector<128x66xi1>, vector<128x66xf32>
    %div3A_64 = arith.divf %sub3A_50, %sqrt3A : vector<128x66xf32>
    %select_n3A_65 = arith.select %gt3A_62, %div3A_64, %broadcast_in_dim3A_63 : vector<128x66xi1>, vector<128x66xf32>
    %div3A_66 = arith.divf %sub3A_53, %sqrt3A : vector<128x66xf32>
    %select_n3A_67 = arith.select %gt3A_62, %div3A_66, %broadcast_in_dim3A_63 : vector<128x66xi1>, vector<128x66xf32>
    %convert_element_type3A = arith.truncf %select_n3A : vector<128x66xf32> to vector<128x66xbf16>
    %convert_element_type3A_68 = arith.extf %convert_element_type3A : vector<128x66xbf16> to vector<128x66xf32>
    %convert_element_type3A_69 = arith.truncf %select_n3A_65 : vector<128x66xf32> to vector<128x66xbf16>
    %convert_element_type3A_70 = arith.extf %convert_element_type3A_69 : vector<128x66xbf16> to vector<128x66xf32>
    %convert_element_type3A_71 = arith.truncf %select_n3A_67 : vector<128x66xf32> to vector<128x66xbf16>
    %convert_element_type3A_72 = arith.extf %convert_element_type3A_71 : vector<128x66xbf16> to vector<128x66xf32>
    %broadcast_in_dim3A_73 = vector.shape_cast %convert_element_type3A_68 : vector<128x66xf32> to vector<128x66x1xf32>
    %broadcast_in_dim3A_74 = vector.shape_cast %convert_element_type3A_68 : vector<128x66xf32> to vector<128x1x66xf32>
    %mul3A_75 = vector.broadcast %broadcast_in_dim3A_73 : vector<128x66x1xf32> to vector<128x66x66xf32>
    %mul3A_76 = vector.broadcast %broadcast_in_dim3A_74 : vector<128x1x66xf32> to vector<128x66x66xf32>
    %mul3A_77 = arith.mulf %mul3A_75, %mul3A_76 : vector<128x66x66xf32>
    %broadcast_in_dim3A_78 = vector.shape_cast %convert_element_type3A_70 : vector<128x66xf32> to vector<128x66x1xf32>
    %broadcast_in_dim3A_79 = vector.shape_cast %convert_element_type3A_70 : vector<128x66xf32> to vector<128x1x66xf32>
    %mul3A_80 = vector.broadcast %broadcast_in_dim3A_78 : vector<128x66x1xf32> to vector<128x66x66xf32>
    %mul3A_81 = vector.broadcast %broadcast_in_dim3A_79 : vector<128x1x66xf32> to vector<128x66x66xf32>
    %mul3A_82 = arith.mulf %mul3A_80, %mul3A_81 : vector<128x66x66xf32>
    %add3A_83 = arith.addf %mul3A_77, %mul3A_82 : vector<128x66x66xf32>
    %broadcast_in_dim3A_84 = vector.shape_cast %convert_element_type3A_72 : vector<128x66xf32> to vector<128x66x1xf32>
    %broadcast_in_dim3A_85 = vector.shape_cast %convert_element_type3A_72 : vector<128x66xf32> to vector<128x1x66xf32>
    %mul3A_86 = vector.broadcast %broadcast_in_dim3A_84 : vector<128x66x1xf32> to vector<128x66x66xf32>
    %mul3A_87 = vector.broadcast %broadcast_in_dim3A_85 : vector<128x1x66xf32> to vector<128x66x66xf32>
    %mul3A_88 = arith.mulf %mul3A_86, %mul3A_87 : vector<128x66x66xf32>
    %add3A_89 = arith.addf %add3A_83, %mul3A_88 : vector<128x66x66xf32>
    %abs3A = math.absf %add3A_89 : vector<128x66x66xf32>
    %broadcast_in_dim3A_90 = arith.constant 0.000000e+00 : f32
    %broadcast_in_dim3A_91 = vector.broadcast %broadcast_in_dim3A_90 : f32 to vector<128x66x8xf32>
    %slice3A_92 = vector.extract_strided_slice %abs3A {offsets = [0, 0, 0], sizes = [128, 66, 8], strides = [1, 1, 1]} : vector<128x66x66xf32> to vector<128x66x8xf32>
    %add3A_93 = arith.addf %broadcast_in_dim3A_91, %slice3A_92 : vector<128x66x8xf32>
    %slice3A_94 = vector.extract_strided_slice %abs3A {offsets = [0, 0, 8], sizes = [128, 66, 8], strides = [1, 1, 1]} : vector<128x66x66xf32> to vector<128x66x8xf32>
    %add3A_95 = arith.addf %add3A_93, %slice3A_94 : vector<128x66x8xf32>
    %slice3A_96 = vector.extract_strided_slice %abs3A {offsets = [0, 0, 16], sizes = [128, 66, 8], strides = [1, 1, 1]} : vector<128x66x66xf32> to vector<128x66x8xf32>
    %add3A_97 = arith.addf %add3A_95, %slice3A_96 : vector<128x66x8xf32>
    %slice3A_98 = vector.extract_strided_slice %abs3A {offsets = [0, 0, 24], sizes = [128, 66, 8], strides = [1, 1, 1]} : vector<128x66x66xf32> to vector<128x66x8xf32>
    %add3A_99 = arith.addf %add3A_97, %slice3A_98 : vector<128x66x8xf32>
    %slice3A_100 = vector.extract_strided_slice %abs3A {offsets = [0, 0, 32], sizes = [128, 66, 8], strides = [1, 1, 1]} : vector<128x66x66xf32> to vector<128x66x8xf32>
    %add3A_101 = arith.addf %add3A_99, %slice3A_100 : vector<128x66x8xf32>
    %slice3A_102 = vector.extract_strided_slice %abs3A {offsets = [0, 0, 40], sizes = [128, 66, 8], strides = [1, 1, 1]} : vector<128x66x66xf32> to vector<128x66x8xf32>
    %add3A_103 = arith.addf %add3A_101, %slice3A_102 : vector<128x66x8xf32>
    %slice3A_104 = vector.extract_strided_slice %abs3A {offsets = [0, 0, 48], sizes = [128, 66, 8], strides = [1, 1, 1]} : vector<128x66x66xf32> to vector<128x66x8xf32>
    %add3A_105 = arith.addf %add3A_103, %slice3A_104 : vector<128x66x8xf32>
    %slice3A_106 = vector.extract_strided_slice %abs3A {offsets = [0, 0, 56], sizes = [128, 66, 8], strides = [1, 1, 1]} : vector<128x66x66xf32> to vector<128x66x8xf32>
    %add3A_107 = arith.addf %add3A_105, %slice3A_106 : vector<128x66x8xf32>
    %slice3A_108 = vector.extract_strided_slice %abs3A {offsets = [0, 0, 64], sizes = [128, 66, 2], strides = [1, 1, 1]} : vector<128x66x66xf32> to vector<128x66x2xf32>
    %broadcast_in_dim3A_109 = arith.constant 0.000000e+00 : f32
    %broadcast_in_dim3A_110 = vector.broadcast %broadcast_in_dim3A_109 : f32 to vector<128x66x6xf32>
    %concatenate3A = tpu.concatenate %slice3A_108, %broadcast_in_dim3A_110 in 2 : vector<128x66x2xf32>, vector<128x66x6xf32> -> vector<128x66x8xf32>
    %add3A_111 = arith.addf %add3A_107, %concatenate3A : vector<128x66x8xf32>
    %slice3A_112 = vector.extract_strided_slice %add3A_111 {offsets = [0, 0, 0], sizes = [128, 66, 4], strides = [1, 1, 1]} : vector<128x66x8xf32> to vector<128x66x4xf32>
    %slice3A_113 = vector.extract_strided_slice %add3A_111 {offsets = [0, 0, 4], sizes = [128, 66, 4], strides = [1, 1, 1]} : vector<128x66x8xf32> to vector<128x66x4xf32>
    %add3A_114 = arith.addf %slice3A_112, %slice3A_113 : vector<128x66x4xf32>
    %slice3A_115 = vector.extract_strided_slice %add3A_114 {offsets = [0, 0, 0], sizes = [128, 66, 2], strides = [1, 1, 1]} : vector<128x66x4xf32> to vector<128x66x2xf32>
    %slice3A_116 = vector.extract_strided_slice %add3A_114 {offsets = [0, 0, 2], sizes = [128, 66, 2], strides = [1, 1, 1]} : vector<128x66x4xf32> to vector<128x66x2xf32>
    %add3A_117 = arith.addf %slice3A_115, %slice3A_116 : vector<128x66x2xf32>
    %slice3A_118 = vector.extract_strided_slice %add3A_117 {offsets = [0, 0, 0], sizes = [128, 66, 1], strides = [1, 1, 1]} : vector<128x66x2xf32> to vector<128x66x1xf32>
    %squeeze3A = vector.shape_cast %slice3A_118 : vector<128x66x1xf32> to vector<128x66xf32>
    %slice3A_119 = vector.extract_strided_slice %add3A_117 {offsets = [0, 0, 1], sizes = [128, 66, 1], strides = [1, 1, 1]} : vector<128x66x2xf32> to vector<128x66x1xf32>
    %squeeze3A_120 = vector.shape_cast %slice3A_119 : vector<128x66x1xf32> to vector<128x66xf32>
    %add3A_121 = arith.addf %squeeze3A, %squeeze3A_120 : vector<128x66xf32>
    %jit3A = arith.constant 0xFF800000 : f32
    %broadcast_in_dim3A_122 = vector.broadcast %jit3A : f32 to vector<128x66xf32>
    %select_n3A_123 = arith.select %gt3A_62, %add3A_121, %broadcast_in_dim3A_122 : vector<128x66xi1>, vector<128x66xf32>
    %iota3A = tpu.iota {dimensions = array<i32: 1>} : vector<128x66xi32>
    %broadcast_in_dim3A_124 = arith.constant 0.000000e+00 : f32
    %broadcast_in_dim3A_125 = vector.broadcast %broadcast_in_dim3A_124 : f32 to vector<128x1xf32>
    %broadcast_in_dim3A_126 = arith.constant 0.000000e+00 : f32
    %broadcast_in_dim3A_127 = vector.broadcast %broadcast_in_dim3A_126 : f32 to vector<128x1xf32>
    %broadcast_in_dim3A_128 = arith.constant 0.000000e+00 : f32
    %broadcast_in_dim3A_129 = vector.broadcast %broadcast_in_dim3A_128 : f32 to vector<128x1xf32>
    %reduce_max3A = arith.constant dense<0xFF800000> : vector<128xf32>
    %reduce_max3A_130 = vector.multi_reduction <maximumf>, %select_n3A_123, %reduce_max3A [1] : vector<128x66xf32> to vector<128xf32>
    %broadcast_in_dim3A_131 = vector.shape_cast %reduce_max3A_130 : vector<128xf32> to vector<128x1xf32>
    %eq3A = vector.broadcast %broadcast_in_dim3A_131 : vector<128x1xf32> to vector<128x66xf32>
    %eq3A_132 = arith.cmpf oeq, %select_n3A_123, %eq3A : vector<128x66xf32>
    %jit3A_133 = arith.constant 66 : i32
    %broadcast_in_dim3A_134 = vector.broadcast %jit3A_133 : i32 to vector<128x66xi32>
    %select_n3A_135 = arith.select %eq3A_132, %iota3A, %broadcast_in_dim3A_134 : vector<128x66xi1>, vector<128x66xi32>
    %reduce_min3A = arith.constant dense<2147483647> : vector<128xi32>
    %reduce_min3A_136 = vector.multi_reduction <minsi>, %select_n3A_135, %reduce_min3A [1] : vector<128x66xi32> to vector<128xi32>
    %broadcast_in_dim3A_137 = vector.shape_cast %reduce_min3A_136 : vector<128xi32> to vector<128x1xi32>
    %eq3A_138 = vector.broadcast %broadcast_in_dim3A_137 : vector<128x1xi32> to vector<128x66xi32>
    %eq3A_139 = arith.cmpi eq, %iota3A, %eq3A_138 : vector<128x66xi32>
    %select_n3A_140 = arith.select %eq3A_139, %select_n3A, %broadcast_in_dim3A_63 : vector<128x66xi1>, vector<128x66xf32>
    %reduce_sum3A = arith.constant dense<0.000000e+00> : vector<128xf32>
    %reduce_sum3A_141 = vector.multi_reduction <add>, %select_n3A_140, %reduce_sum3A [1] : vector<128x66xf32> to vector<128xf32>
    %broadcast_in_dim3A_142 = vector.shape_cast %reduce_sum3A_141 : vector<128xf32> to vector<128x1xf32>
    %add3A_143 = arith.addf %broadcast_in_dim3A_125, %broadcast_in_dim3A_142 : vector<128x1xf32>
    %select_n3A_144 = arith.select %eq3A_139, %select_n3A_65, %broadcast_in_dim3A_63 : vector<128x66xi1>, vector<128x66xf32>
    %reduce_sum3A_145 = arith.constant dense<0.000000e+00> : vector<128xf32>
    %reduce_sum3A_146 = vector.multi_reduction <add>, %select_n3A_144, %reduce_sum3A_145 [1] : vector<128x66xf32> to vector<128xf32>
    %broadcast_in_dim3A_147 = vector.shape_cast %reduce_sum3A_146 : vector<128xf32> to vector<128x1xf32>
    %add3A_148 = arith.addf %broadcast_in_dim3A_127, %broadcast_in_dim3A_147 : vector<128x1xf32>
    %select_n3A_149 = arith.select %eq3A_139, %select_n3A_67, %broadcast_in_dim3A_63 : vector<128x66xi1>, vector<128x66xf32>
    %reduce_sum3A_150 = arith.constant dense<0.000000e+00> : vector<128xf32>
    %reduce_sum3A_151 = vector.multi_reduction <add>, %select_n3A_149, %reduce_sum3A_150 [1] : vector<128x66xf32> to vector<128xf32>
    %broadcast_in_dim3A_152 = vector.shape_cast %reduce_sum3A_151 : vector<128xf32> to vector<128x1xf32>
    %add3A_153 = arith.addf %broadcast_in_dim3A_129, %broadcast_in_dim3A_152 : vector<128x1xf32>
    %jit3A_154 = arith.constant 0xFF800000 : f32
    %broadcast_in_dim3A_155 = vector.broadcast %jit3A_154 : f32 to vector<128x66xf32>
    %select_n3A_156 = arith.select %eq3A_139, %broadcast_in_dim3A_155, %select_n3A_123 : vector<128x66xi1>, vector<128x66xf32>
    %reduce_max3A_157 = arith.constant dense<0xFF800000> : vector<128xf32>
    %reduce_max3A_158 = vector.multi_reduction <maximumf>, %select_n3A_156, %reduce_max3A_157 [1] : vector<128x66xf32> to vector<128xf32>
    %broadcast_in_dim3A_159 = vector.shape_cast %reduce_max3A_158 : vector<128xf32> to vector<128x1xf32>
    %eq3A_160 = vector.broadcast %broadcast_in_dim3A_159 : vector<128x1xf32> to vector<128x66xf32>
    %eq3A_161 = arith.cmpf oeq, %select_n3A_156, %eq3A_160 : vector<128x66xf32>
    %jit3A_162 = arith.constant 66 : i32
    %broadcast_in_dim3A_163 = vector.broadcast %jit3A_162 : i32 to vector<128x66xi32>
    %select_n3A_164 = arith.select %eq3A_161, %iota3A, %broadcast_in_dim3A_163 : vector<128x66xi1>, vector<128x66xi32>
    %reduce_min3A_165 = arith.constant dense<2147483647> : vector<128xi32>
    %reduce_min3A_166 = vector.multi_reduction <minsi>, %select_n3A_164, %reduce_min3A_165 [1] : vector<128x66xi32> to vector<128xi32>
    %broadcast_in_dim3A_167 = vector.shape_cast %reduce_min3A_166 : vector<128xi32> to vector<128x1xi32>
    %eq3A_168 = vector.broadcast %broadcast_in_dim3A_167 : vector<128x1xi32> to vector<128x66xi32>
    %eq3A_169 = arith.cmpi eq, %iota3A, %eq3A_168 : vector<128x66xi32>
    %select_n3A_170 = arith.select %eq3A_169, %select_n3A, %broadcast_in_dim3A_63 : vector<128x66xi1>, vector<128x66xf32>
    %reduce_sum3A_171 = arith.constant dense<0.000000e+00> : vector<128xf32>
    %reduce_sum3A_172 = vector.multi_reduction <add>, %select_n3A_170, %reduce_sum3A_171 [1] : vector<128x66xf32> to vector<128xf32>
    %broadcast_in_dim3A_173 = vector.shape_cast %reduce_sum3A_172 : vector<128xf32> to vector<128x1xf32>
    %add3A_174 = arith.addf %add3A_143, %broadcast_in_dim3A_173 : vector<128x1xf32>
    %select_n3A_175 = arith.select %eq3A_169, %select_n3A_65, %broadcast_in_dim3A_63 : vector<128x66xi1>, vector<128x66xf32>
    %reduce_sum3A_176 = arith.constant dense<0.000000e+00> : vector<128xf32>
    %reduce_sum3A_177 = vector.multi_reduction <add>, %select_n3A_175, %reduce_sum3A_176 [1] : vector<128x66xf32> to vector<128xf32>
    %broadcast_in_dim3A_178 = vector.shape_cast %reduce_sum3A_177 : vector<128xf32> to vector<128x1xf32>
    %add3A_179 = arith.addf %add3A_148, %broadcast_in_dim3A_178 : vector<128x1xf32>
    %select_n3A_180 = arith.select %eq3A_169, %select_n3A_67, %broadcast_in_dim3A_63 : vector<128x66xi1>, vector<128x66xf32>
    %reduce_sum3A_181 = arith.constant dense<0.000000e+00> : vector<128xf32>
    %reduce_sum3A_182 = vector.multi_reduction <add>, %select_n3A_180, %reduce_sum3A_181 [1] : vector<128x66xf32> to vector<128xf32>
    %broadcast_in_dim3A_183 = vector.shape_cast %reduce_sum3A_182 : vector<128xf32> to vector<128x1xf32>
    %add3A_184 = arith.addf %add3A_153, %broadcast_in_dim3A_183 : vector<128x1xf32>
    %jit3A_185 = arith.constant 0xFF800000 : f32
    %broadcast_in_dim3A_186 = vector.broadcast %jit3A_185 : f32 to vector<128x66xf32>
    %select_n3A_187 = arith.select %eq3A_169, %broadcast_in_dim3A_186, %select_n3A_156 : vector<128x66xi1>, vector<128x66xf32>
    %reduce_max3A_188 = arith.constant dense<0xFF800000> : vector<128xf32>
    %reduce_max3A_189 = vector.multi_reduction <maximumf>, %select_n3A_187, %reduce_max3A_188 [1] : vector<128x66xf32> to vector<128xf32>
    %broadcast_in_dim3A_190 = vector.shape_cast %reduce_max3A_189 : vector<128xf32> to vector<128x1xf32>
    %eq3A_191 = vector.broadcast %broadcast_in_dim3A_190 : vector<128x1xf32> to vector<128x66xf32>
    %eq3A_192 = arith.cmpf oeq, %select_n3A_187, %eq3A_191 : vector<128x66xf32>
    %jit3A_193 = arith.constant 66 : i32
    %broadcast_in_dim3A_194 = vector.broadcast %jit3A_193 : i32 to vector<128x66xi32>
    %select_n3A_195 = arith.select %eq3A_192, %iota3A, %broadcast_in_dim3A_194 : vector<128x66xi1>, vector<128x66xi32>
    %reduce_min3A_196 = arith.constant dense<2147483647> : vector<128xi32>
    %reduce_min3A_197 = vector.multi_reduction <minsi>, %select_n3A_195, %reduce_min3A_196 [1] : vector<128x66xi32> to vector<128xi32>
    %broadcast_in_dim3A_198 = vector.shape_cast %reduce_min3A_197 : vector<128xi32> to vector<128x1xi32>
    %eq3A_199 = vector.broadcast %broadcast_in_dim3A_198 : vector<128x1xi32> to vector<128x66xi32>
    %eq3A_200 = arith.cmpi eq, %iota3A, %eq3A_199 : vector<128x66xi32>
    %select_n3A_201 = arith.select %eq3A_200, %select_n3A, %broadcast_in_dim3A_63 : vector<128x66xi1>, vector<128x66xf32>
    %reduce_sum3A_202 = arith.constant dense<0.000000e+00> : vector<128xf32>
    %reduce_sum3A_203 = vector.multi_reduction <add>, %select_n3A_201, %reduce_sum3A_202 [1] : vector<128x66xf32> to vector<128xf32>
    %broadcast_in_dim3A_204 = vector.shape_cast %reduce_sum3A_203 : vector<128xf32> to vector<128x1xf32>
    %add3A_205 = arith.addf %add3A_174, %broadcast_in_dim3A_204 : vector<128x1xf32>
    %select_n3A_206 = arith.select %eq3A_200, %select_n3A_65, %broadcast_in_dim3A_63 : vector<128x66xi1>, vector<128x66xf32>
    %reduce_sum3A_207 = arith.constant dense<0.000000e+00> : vector<128xf32>
    %reduce_sum3A_208 = vector.multi_reduction <add>, %select_n3A_206, %reduce_sum3A_207 [1] : vector<128x66xf32> to vector<128xf32>
    %broadcast_in_dim3A_209 = vector.shape_cast %reduce_sum3A_208 : vector<128xf32> to vector<128x1xf32>
    %add3A_210 = arith.addf %add3A_179, %broadcast_in_dim3A_209 : vector<128x1xf32>
    %select_n3A_211 = arith.select %eq3A_200, %select_n3A_67, %broadcast_in_dim3A_63 : vector<128x66xi1>, vector<128x66xf32>
    %reduce_sum3A_212 = arith.constant dense<0.000000e+00> : vector<128xf32>
    %reduce_sum3A_213 = vector.multi_reduction <add>, %select_n3A_211, %reduce_sum3A_212 [1] : vector<128x66xf32> to vector<128xf32>
    %broadcast_in_dim3A_214 = vector.shape_cast %reduce_sum3A_213 : vector<128xf32> to vector<128x1xf32>
    %add3A_215 = arith.addf %add3A_184, %broadcast_in_dim3A_214 : vector<128x1xf32>
    %jit3A_216 = arith.constant 0xFF800000 : f32
    %broadcast_in_dim3A_217 = vector.broadcast %jit3A_216 : f32 to vector<128x66xf32>
    %select_n3A_218 = arith.select %eq3A_200, %broadcast_in_dim3A_217, %select_n3A_187 : vector<128x66xi1>, vector<128x66xf32>
    %reduce_max3A_219 = arith.constant dense<0xFF800000> : vector<128xf32>
    %reduce_max3A_220 = vector.multi_reduction <maximumf>, %select_n3A_218, %reduce_max3A_219 [1] : vector<128x66xf32> to vector<128xf32>
    %broadcast_in_dim3A_221 = vector.shape_cast %reduce_max3A_220 : vector<128xf32> to vector<128x1xf32>
    %eq3A_222 = vector.broadcast %broadcast_in_dim3A_221 : vector<128x1xf32> to vector<128x66xf32>
    %eq3A_223 = arith.cmpf oeq, %select_n3A_218, %eq3A_222 : vector<128x66xf32>
    %jit3A_224 = arith.constant 66 : i32
    %broadcast_in_dim3A_225 = vector.broadcast %jit3A_224 : i32 to vector<128x66xi32>
    %select_n3A_226 = arith.select %eq3A_223, %iota3A, %broadcast_in_dim3A_225 : vector<128x66xi1>, vector<128x66xi32>
    %reduce_min3A_227 = arith.constant dense<2147483647> : vector<128xi32>
    %reduce_min3A_228 = vector.multi_reduction <minsi>, %select_n3A_226, %reduce_min3A_227 [1] : vector<128x66xi32> to vector<128xi32>
    %broadcast_in_dim3A_229 = vector.shape_cast %reduce_min3A_228 : vector<128xi32> to vector<128x1xi32>
    %eq3A_230 = vector.broadcast %broadcast_in_dim3A_229 : vector<128x1xi32> to vector<128x66xi32>
    %eq3A_231 = arith.cmpi eq, %iota3A, %eq3A_230 : vector<128x66xi32>
    %select_n3A_232 = arith.select %eq3A_231, %select_n3A, %broadcast_in_dim3A_63 : vector<128x66xi1>, vector<128x66xf32>
    %reduce_sum3A_233 = arith.constant dense<0.000000e+00> : vector<128xf32>
    %reduce_sum3A_234 = vector.multi_reduction <add>, %select_n3A_232, %reduce_sum3A_233 [1] : vector<128x66xf32> to vector<128xf32>
    %broadcast_in_dim3A_235 = vector.shape_cast %reduce_sum3A_234 : vector<128xf32> to vector<128x1xf32>
    %add3A_236 = arith.addf %add3A_205, %broadcast_in_dim3A_235 : vector<128x1xf32>
    %select_n3A_237 = arith.select %eq3A_231, %select_n3A_65, %broadcast_in_dim3A_63 : vector<128x66xi1>, vector<128x66xf32>
    %reduce_sum3A_238 = arith.constant dense<0.000000e+00> : vector<128xf32>
    %reduce_sum3A_239 = vector.multi_reduction <add>, %select_n3A_237, %reduce_sum3A_238 [1] : vector<128x66xf32> to vector<128xf32>
    %broadcast_in_dim3A_240 = vector.shape_cast %reduce_sum3A_239 : vector<128xf32> to vector<128x1xf32>
    %add3A_241 = arith.addf %add3A_210, %broadcast_in_dim3A_240 : vector<128x1xf32>
    %select_n3A_242 = arith.select %eq3A_231, %select_n3A_67, %broadcast_in_dim3A_63 : vector<128x66xi1>, vector<128x66xf32>
    %reduce_sum3A_243 = arith.constant dense<0.000000e+00> : vector<128xf32>
    %reduce_sum3A_244 = vector.multi_reduction <add>, %select_n3A_242, %reduce_sum3A_243 [1] : vector<128x66xf32> to vector<128xf32>
    %broadcast_in_dim3A_245 = vector.shape_cast %reduce_sum3A_244 : vector<128xf32> to vector<128x1xf32>
    %add3A_246 = arith.addf %add3A_215, %broadcast_in_dim3A_245 : vector<128x1xf32>
    %jit3A_247 = arith.constant 0xFF800000 : f32
    %broadcast_in_dim3A_248 = vector.broadcast %jit3A_247 : f32 to vector<128x66xf32>
    %select_n3A_249 = arith.select %eq3A_231, %broadcast_in_dim3A_248, %select_n3A_218 : vector<128x66xi1>, vector<128x66xf32>
    %reduce_max3A_250 = arith.constant dense<0xFF800000> : vector<128xf32>
    %reduce_max3A_251 = vector.multi_reduction <maximumf>, %select_n3A_249, %reduce_max3A_250 [1] : vector<128x66xf32> to vector<128xf32>
    %broadcast_in_dim3A_252 = vector.shape_cast %reduce_max3A_251 : vector<128xf32> to vector<128x1xf32>
    %eq3A_253 = vector.broadcast %broadcast_in_dim3A_252 : vector<128x1xf32> to vector<128x66xf32>
    %eq3A_254 = arith.cmpf oeq, %select_n3A_249, %eq3A_253 : vector<128x66xf32>
    %jit3A_255 = arith.constant 66 : i32
    %broadcast_in_dim3A_256 = vector.broadcast %jit3A_255 : i32 to vector<128x66xi32>
    %select_n3A_257 = arith.select %eq3A_254, %iota3A, %broadcast_in_dim3A_256 : vector<128x66xi1>, vector<128x66xi32>
    %reduce_min3A_258 = arith.constant dense<2147483647> : vector<128xi32>
    %reduce_min3A_259 = vector.multi_reduction <minsi>, %select_n3A_257, %reduce_min3A_258 [1] : vector<128x66xi32> to vector<128xi32>
    %broadcast_in_dim3A_260 = vector.shape_cast %reduce_min3A_259 : vector<128xi32> to vector<128x1xi32>
    %eq3A_261 = vector.broadcast %broadcast_in_dim3A_260 : vector<128x1xi32> to vector<128x66xi32>
    %eq3A_262 = arith.cmpi eq, %iota3A, %eq3A_261 : vector<128x66xi32>
    %select_n3A_263 = arith.select %eq3A_262, %select_n3A, %broadcast_in_dim3A_63 : vector<128x66xi1>, vector<128x66xf32>
    %reduce_sum3A_264 = arith.constant dense<0.000000e+00> : vector<128xf32>
    %reduce_sum3A_265 = vector.multi_reduction <add>, %select_n3A_263, %reduce_sum3A_264 [1] : vector<128x66xf32> to vector<128xf32>
    %broadcast_in_dim3A_266 = vector.shape_cast %reduce_sum3A_265 : vector<128xf32> to vector<128x1xf32>
    %add3A_267 = arith.addf %add3A_236, %broadcast_in_dim3A_266 : vector<128x1xf32>
    %select_n3A_268 = arith.select %eq3A_262, %select_n3A_65, %broadcast_in_dim3A_63 : vector<128x66xi1>, vector<128x66xf32>
    %reduce_sum3A_269 = arith.constant dense<0.000000e+00> : vector<128xf32>
    %reduce_sum3A_270 = vector.multi_reduction <add>, %select_n3A_268, %reduce_sum3A_269 [1] : vector<128x66xf32> to vector<128xf32>
    %broadcast_in_dim3A_271 = vector.shape_cast %reduce_sum3A_270 : vector<128xf32> to vector<128x1xf32>
    %add3A_272 = arith.addf %add3A_241, %broadcast_in_dim3A_271 : vector<128x1xf32>
    %select_n3A_273 = arith.select %eq3A_262, %select_n3A_67, %broadcast_in_dim3A_63 : vector<128x66xi1>, vector<128x66xf32>
    %reduce_sum3A_274 = arith.constant dense<0.000000e+00> : vector<128xf32>
    %reduce_sum3A_275 = vector.multi_reduction <add>, %select_n3A_273, %reduce_sum3A_274 [1] : vector<128x66xf32> to vector<128xf32>
    %broadcast_in_dim3A_276 = vector.shape_cast %reduce_sum3A_275 : vector<128xf32> to vector<128x1xf32>
    %add3A_277 = arith.addf %add3A_246, %broadcast_in_dim3A_276 : vector<128x1xf32>
    %jit3A_278 = arith.constant 0xFF800000 : f32
    %broadcast_in_dim3A_279 = vector.broadcast %jit3A_278 : f32 to vector<128x66xf32>
    %select_n3A_280 = arith.select %eq3A_262, %broadcast_in_dim3A_279, %select_n3A_249 : vector<128x66xi1>, vector<128x66xf32>
    %reduce_max3A_281 = arith.constant dense<0xFF800000> : vector<128xf32>
    %reduce_max3A_282 = vector.multi_reduction <maximumf>, %select_n3A_280, %reduce_max3A_281 [1] : vector<128x66xf32> to vector<128xf32>
    %broadcast_in_dim3A_283 = vector.shape_cast %reduce_max3A_282 : vector<128xf32> to vector<128x1xf32>
    %eq3A_284 = vector.broadcast %broadcast_in_dim3A_283 : vector<128x1xf32> to vector<128x66xf32>
    %eq3A_285 = arith.cmpf oeq, %select_n3A_280, %eq3A_284 : vector<128x66xf32>
    %jit3A_286 = arith.constant 66 : i32
    %broadcast_in_dim3A_287 = vector.broadcast %jit3A_286 : i32 to vector<128x66xi32>
    %select_n3A_288 = arith.select %eq3A_285, %iota3A, %broadcast_in_dim3A_287 : vector<128x66xi1>, vector<128x66xi32>
    %reduce_min3A_289 = arith.constant dense<2147483647> : vector<128xi32>
    %reduce_min3A_290 = vector.multi_reduction <minsi>, %select_n3A_288, %reduce_min3A_289 [1] : vector<128x66xi32> to vector<128xi32>
    %broadcast_in_dim3A_291 = vector.shape_cast %reduce_min3A_290 : vector<128xi32> to vector<128x1xi32>
    %eq3A_292 = vector.broadcast %broadcast_in_dim3A_291 : vector<128x1xi32> to vector<128x66xi32>
    %eq3A_293 = arith.cmpi eq, %iota3A, %eq3A_292 : vector<128x66xi32>
    %select_n3A_294 = arith.select %eq3A_293, %select_n3A, %broadcast_in_dim3A_63 : vector<128x66xi1>, vector<128x66xf32>
    %reduce_sum3A_295 = arith.constant dense<0.000000e+00> : vector<128xf32>
    %reduce_sum3A_296 = vector.multi_reduction <add>, %select_n3A_294, %reduce_sum3A_295 [1] : vector<128x66xf32> to vector<128xf32>
    %broadcast_in_dim3A_297 = vector.shape_cast %reduce_sum3A_296 : vector<128xf32> to vector<128x1xf32>
    %add3A_298 = arith.addf %add3A_267, %broadcast_in_dim3A_297 : vector<128x1xf32>
    %select_n3A_299 = arith.select %eq3A_293, %select_n3A_65, %broadcast_in_dim3A_63 : vector<128x66xi1>, vector<128x66xf32>
    %reduce_sum3A_300 = arith.constant dense<0.000000e+00> : vector<128xf32>
    %reduce_sum3A_301 = vector.multi_reduction <add>, %select_n3A_299, %reduce_sum3A_300 [1] : vector<128x66xf32> to vector<128xf32>
    %broadcast_in_dim3A_302 = vector.shape_cast %reduce_sum3A_301 : vector<128xf32> to vector<128x1xf32>
    %add3A_303 = arith.addf %add3A_272, %broadcast_in_dim3A_302 : vector<128x1xf32>
    %select_n3A_304 = arith.select %eq3A_293, %select_n3A_67, %broadcast_in_dim3A_63 : vector<128x66xi1>, vector<128x66xf32>
    %reduce_sum3A_305 = arith.constant dense<0.000000e+00> : vector<128xf32>
    %reduce_sum3A_306 = vector.multi_reduction <add>, %select_n3A_304, %reduce_sum3A_305 [1] : vector<128x66xf32> to vector<128xf32>
    %broadcast_in_dim3A_307 = vector.shape_cast %reduce_sum3A_306 : vector<128xf32> to vector<128x1xf32>
    %add3A_308 = arith.addf %add3A_277, %broadcast_in_dim3A_307 : vector<128x1xf32>
    %jit3A_309 = arith.constant 0xFF800000 : f32
    %broadcast_in_dim3A_310 = vector.broadcast %jit3A_309 : f32 to vector<128x66xf32>
    %select_n3A_311 = arith.select %eq3A_293, %broadcast_in_dim3A_310, %select_n3A_280 : vector<128x66xi1>, vector<128x66xf32>
    %reduce_max3A_312 = arith.constant dense<0xFF800000> : vector<128xf32>
    %reduce_max3A_313 = vector.multi_reduction <maximumf>, %select_n3A_311, %reduce_max3A_312 [1] : vector<128x66xf32> to vector<128xf32>
    %broadcast_in_dim3A_314 = vector.shape_cast %reduce_max3A_313 : vector<128xf32> to vector<128x1xf32>
    %eq3A_315 = vector.broadcast %broadcast_in_dim3A_314 : vector<128x1xf32> to vector<128x66xf32>
    %eq3A_316 = arith.cmpf oeq, %select_n3A_311, %eq3A_315 : vector<128x66xf32>
    %jit3A_317 = arith.constant 66 : i32
    %broadcast_in_dim3A_318 = vector.broadcast %jit3A_317 : i32 to vector<128x66xi32>
    %select_n3A_319 = arith.select %eq3A_316, %iota3A, %broadcast_in_dim3A_318 : vector<128x66xi1>, vector<128x66xi32>
    %reduce_min3A_320 = arith.constant dense<2147483647> : vector<128xi32>
    %reduce_min3A_321 = vector.multi_reduction <minsi>, %select_n3A_319, %reduce_min3A_320 [1] : vector<128x66xi32> to vector<128xi32>
    %broadcast_in_dim3A_322 = vector.shape_cast %reduce_min3A_321 : vector<128xi32> to vector<128x1xi32>
    %eq3A_323 = vector.broadcast %broadcast_in_dim3A_322 : vector<128x1xi32> to vector<128x66xi32>
    %eq3A_324 = arith.cmpi eq, %iota3A, %eq3A_323 : vector<128x66xi32>
    %select_n3A_325 = arith.select %eq3A_324, %select_n3A, %broadcast_in_dim3A_63 : vector<128x66xi1>, vector<128x66xf32>
    %reduce_sum3A_326 = arith.constant dense<0.000000e+00> : vector<128xf32>
    %reduce_sum3A_327 = vector.multi_reduction <add>, %select_n3A_325, %reduce_sum3A_326 [1] : vector<128x66xf32> to vector<128xf32>
    %broadcast_in_dim3A_328 = vector.shape_cast %reduce_sum3A_327 : vector<128xf32> to vector<128x1xf32>
    %add3A_329 = arith.addf %add3A_298, %broadcast_in_dim3A_328 : vector<128x1xf32>
    %select_n3A_330 = arith.select %eq3A_324, %select_n3A_65, %broadcast_in_dim3A_63 : vector<128x66xi1>, vector<128x66xf32>
    %reduce_sum3A_331 = arith.constant dense<0.000000e+00> : vector<128xf32>
    %reduce_sum3A_332 = vector.multi_reduction <add>, %select_n3A_330, %reduce_sum3A_331 [1] : vector<128x66xf32> to vector<128xf32>
    %broadcast_in_dim3A_333 = vector.shape_cast %reduce_sum3A_332 : vector<128xf32> to vector<128x1xf32>
    %add3A_334 = arith.addf %add3A_303, %broadcast_in_dim3A_333 : vector<128x1xf32>
    %select_n3A_335 = arith.select %eq3A_324, %select_n3A_67, %broadcast_in_dim3A_63 : vector<128x66xi1>, vector<128x66xf32>
    %reduce_sum3A_336 = arith.constant dense<0.000000e+00> : vector<128xf32>
    %reduce_sum3A_337 = vector.multi_reduction <add>, %select_n3A_335, %reduce_sum3A_336 [1] : vector<128x66xf32> to vector<128xf32>
    %broadcast_in_dim3A_338 = vector.shape_cast %reduce_sum3A_337 : vector<128xf32> to vector<128x1xf32>
    %add3A_339 = arith.addf %add3A_308, %broadcast_in_dim3A_338 : vector<128x1xf32>
    %jit3A_340 = arith.constant 0xFF800000 : f32
    %broadcast_in_dim3A_341 = vector.broadcast %jit3A_340 : f32 to vector<128x66xf32>
    %select_n3A_342 = arith.select %eq3A_324, %broadcast_in_dim3A_341, %select_n3A_311 : vector<128x66xi1>, vector<128x66xf32>
    %reduce_max3A_343 = arith.constant dense<0xFF800000> : vector<128xf32>
    %reduce_max3A_344 = vector.multi_reduction <maximumf>, %select_n3A_342, %reduce_max3A_343 [1] : vector<128x66xf32> to vector<128xf32>
    %broadcast_in_dim3A_345 = vector.shape_cast %reduce_max3A_344 : vector<128xf32> to vector<128x1xf32>
    %eq3A_346 = vector.broadcast %broadcast_in_dim3A_345 : vector<128x1xf32> to vector<128x66xf32>
    %eq3A_347 = arith.cmpf oeq, %select_n3A_342, %eq3A_346 : vector<128x66xf32>
    %jit3A_348 = arith.constant 66 : i32
    %broadcast_in_dim3A_349 = vector.broadcast %jit3A_348 : i32 to vector<128x66xi32>
    %select_n3A_350 = arith.select %eq3A_347, %iota3A, %broadcast_in_dim3A_349 : vector<128x66xi1>, vector<128x66xi32>
    %reduce_min3A_351 = arith.constant dense<2147483647> : vector<128xi32>
    %reduce_min3A_352 = vector.multi_reduction <minsi>, %select_n3A_350, %reduce_min3A_351 [1] : vector<128x66xi32> to vector<128xi32>
    %broadcast_in_dim3A_353 = vector.shape_cast %reduce_min3A_352 : vector<128xi32> to vector<128x1xi32>
    %eq3A_354 = vector.broadcast %broadcast_in_dim3A_353 : vector<128x1xi32> to vector<128x66xi32>
    %eq3A_355 = arith.cmpi eq, %iota3A, %eq3A_354 : vector<128x66xi32>
    %select_n3A_356 = arith.select %eq3A_355, %select_n3A, %broadcast_in_dim3A_63 : vector<128x66xi1>, vector<128x66xf32>
    %reduce_sum3A_357 = arith.constant dense<0.000000e+00> : vector<128xf32>
    %reduce_sum3A_358 = vector.multi_reduction <add>, %select_n3A_356, %reduce_sum3A_357 [1] : vector<128x66xf32> to vector<128xf32>
    %broadcast_in_dim3A_359 = vector.shape_cast %reduce_sum3A_358 : vector<128xf32> to vector<128x1xf32>
    %add3A_360 = arith.addf %add3A_329, %broadcast_in_dim3A_359 : vector<128x1xf32>
    %select_n3A_361 = arith.select %eq3A_355, %select_n3A_65, %broadcast_in_dim3A_63 : vector<128x66xi1>, vector<128x66xf32>
    %reduce_sum3A_362 = arith.constant dense<0.000000e+00> : vector<128xf32>
    %reduce_sum3A_363 = vector.multi_reduction <add>, %select_n3A_361, %reduce_sum3A_362 [1] : vector<128x66xf32> to vector<128xf32>
    %broadcast_in_dim3A_364 = vector.shape_cast %reduce_sum3A_363 : vector<128xf32> to vector<128x1xf32>
    %add3A_365 = arith.addf %add3A_334, %broadcast_in_dim3A_364 : vector<128x1xf32>
    %select_n3A_366 = arith.select %eq3A_355, %select_n3A_67, %broadcast_in_dim3A_63 : vector<128x66xi1>, vector<128x66xf32>
    %reduce_sum3A_367 = arith.constant dense<0.000000e+00> : vector<128xf32>
    %reduce_sum3A_368 = vector.multi_reduction <add>, %select_n3A_366, %reduce_sum3A_367 [1] : vector<128x66xf32> to vector<128xf32>
    %broadcast_in_dim3A_369 = vector.shape_cast %reduce_sum3A_368 : vector<128xf32> to vector<128x1xf32>
    %add3A_370 = arith.addf %add3A_339, %broadcast_in_dim3A_369 : vector<128x1xf32>
    %div3A_371 = arith.constant 8.000000e+00 : f32
    %div3A_372 = vector.broadcast %div3A_371 : f32 to vector<128x1xf32>
    %div3A_373 = arith.divf %add3A_360, %div3A_372 : vector<128x1xf32>
    %div3A_374 = arith.constant 8.000000e+00 : f32
    %div3A_375 = vector.broadcast %div3A_374 : f32 to vector<128x1xf32>
    %div3A_376 = arith.divf %add3A_365, %div3A_375 : vector<128x1xf32>
    %div3A_377 = arith.constant 8.000000e+00 : f32
    %div3A_378 = vector.broadcast %div3A_377 : f32 to vector<128x1xf32>
    %div3A_379 = arith.divf %add3A_370, %div3A_378 : vector<128x1xf32>
    %mul3A_380 = arith.mulf %div3A_373, %div3A_373 : vector<128x1xf32>
    %mul3A_381 = arith.mulf %div3A_376, %div3A_376 : vector<128x1xf32>
    %add3A_382 = arith.addf %mul3A_380, %mul3A_381 : vector<128x1xf32>
    %mul3A_383 = arith.mulf %div3A_379, %div3A_379 : vector<128x1xf32>
    %add3A_384 = arith.addf %add3A_382, %mul3A_383 : vector<128x1xf32>
    %add3A_385 = arith.constant 1.000000e-24 : f32
    %add3A_386 = vector.broadcast %add3A_385 : f32 to vector<128x1xf32>
    %add3A_387 = arith.addf %add3A_384, %add3A_386 : vector<128x1xf32>
    %sqrt3A_388 = math.sqrt %add3A_387 : vector<128x1xf32>
    %add3A_389 = arith.constant 9.99999997E-7 : f32
    %add3A_390 = vector.broadcast %add3A_389 : f32 to vector<128x1xf32>
    %add3A_391 = arith.addf %sqrt3A_388, %add3A_390 : vector<128x1xf32>
    %div3A_392 = arith.divf %div3A_373, %add3A_391 : vector<128x1xf32>
    %div3A_393 = arith.divf %div3A_376, %add3A_391 : vector<128x1xf32>
    %div3A_394 = arith.divf %div3A_379, %add3A_391 : vector<128x1xf32>
    %concatenate3A_395 = tpu.concatenate %div3A_392, %div3A_393, %div3A_394 in 1 : vector<128x1xf32>, vector<128x1xf32>, vector<128x1xf32> -> vector<128x3xf32>
    %swap3A = arith.constant 0 : index
    %swap3A_396 = arith.constant 0 : index
    %swap3A_397 = arith.constant 0 : index
    %swap3A_398 = vector.load %arg6[%swap3A, %swap3A_396, %swap3A_397] : memref<1x128x3xf32, #tpu.memory_space<vmem>>, vector<1x128x3xf32>
    %swap3A_399 = vector.shape_cast %swap3A_398 : vector<1x128x3xf32> to vector<128x3xf32>
    %swap3A_400 = vector.shape_cast %concatenate3A_395 : vector<128x3xf32> to vector<1x128x3xf32>
    tpu.vector_store %arg6[%swap3A, %swap3A_396, %swap3A_397], %swap3A_400 {strides = array<i32>} : memref<1x128x3xf32, #tpu.memory_space<vmem>>, vector<1x128x3xf32>,
    return
  }
  func.func @transform_0(%arg0: i32, %arg1: i32) -> (i32, i32) {
    %c0_i32 = arith.constant 0 : i32
    %c0_i32_0 = arith.constant 0 : i32
    %c0_i32_1 = arith.constant 0 : i32
    return %c0_i32, %c0_i32_0 : i32, i32
  }
  func.func @transform_1(%arg0: i32, %arg1: i32) -> (i32, i32) {
    %c0_i32 = arith.constant 0 : i32
    %c0_i32_0 = arith.constant 0 : i32
    %c0_i32_1 = arith.constant 0 : i32
    return %c0_i32, %c0_i32_0 : i32, i32
  }
  func.func @transform_2(%arg0: i32, %arg1: i32) -> (i32, i32, i32) {
    %c0_i32 = arith.constant 0 : i32
    %c0_i32_0 = arith.constant 0 : i32
    return %arg0, %arg1, %c0_i32 : i32, i32, i32
  }
  func.func @transform_3(%arg0: i32, %arg1: i32) -> (i32, i32, i32, i32) {
    %c0_i32 = arith.constant 0 : i32
    %c0_i32_0 = arith.constant 0 : i32
    %c0_i32_1 = arith.constant 0 : i32
    return %c0_i32, %arg0, %arg1, %c0_i32_0 : i32, i32, i32, i32
  }
  func.func @transform_4(%arg0: i32, %arg1: i32) -> (i32, i32, i32) {
    %c0_i32 = arith.constant 0 : i32
    %c0_i32_0 = arith.constant 0 : i32
    return %arg0, %arg1, %c0_i32 : i32, i32, i32
  }
}

module attributes {stable_mosaic.version = 14 : i64} {
  func.func @body(%arg0: memref<4x1024x3xf32, #tpu.memory_space<vmem>>, %arg1: memref<4x1024x3xf32, #tpu.memory_space<vmem>>, %arg2: memref<64x6xf32, #tpu.memory_space<vmem>>, %arg3: memref<64xf32, #tpu.memory_space<vmem>>, %arg4: memref<64xf32, #tpu.memory_space<vmem>>, %arg5: memref<4x1024x64xf32, #tpu.memory_space<vmem>>) attributes {dimension_semantics = [], scalar_prefetch = 0 : i64, scratch_operands = 0 : i64, tpu.core_type = #tpu.core_type<tc>} {
    %get3A = arith.constant 0 : index
    %get3A_0 = arith.constant 0 : index
    %get3A_1 = arith.constant 0 : index
    %get3A_2 = vector.load %arg0[%get3A, %get3A_0, %get3A_1] : memref<4x1024x3xf32, #tpu.memory_space<vmem>>, vector<1x1024x3xf32>
    %get3A_3 = vector.shape_cast %get3A_2 : vector<1x1024x3xf32> to vector<1024x3xf32>
    %get3A_4 = arith.constant 0 : index
    %get3A_5 = arith.constant 0 : index
    %get3A_6 = arith.constant 0 : index
    %get3A_7 = vector.load %arg1[%get3A_4, %get3A_5, %get3A_6] : memref<4x1024x3xf32, #tpu.memory_space<vmem>>, vector<1x1024x3xf32>
    %get3A_8 = vector.shape_cast %get3A_7 : vector<1x1024x3xf32> to vector<1024x3xf32>
    %concatenate3A = tpu.concatenate %get3A_3, %get3A_8 in 1 : vector<1024x3xf32>, vector<1024x3xf32> -> vector<1024x6xf32>
    %get3A_9 = arith.constant 0 : index
    %get3A_10 = arith.constant 0 : index
    %get3A_11 = vector.load %arg2[%get3A_9, %get3A_10] : memref<64x6xf32, #tpu.memory_space<vmem>>, vector<64x6xf32>
    %dot_general3A = arith.constant dense<0.000000e+00> : vector<1024x64xf32>
    %dot_general3A_12 = tpu.matmul %concatenate3A, %get3A_11, %dot_general3A {dimension_numbers = #tpu.dot_dimension_numbers<[1], [1], [0], [0], [0, 0, 1, 0], [], []>, transpose_lhs_hint = false} : vector<1024x6xf32>, vector<64x6xf32>, vector<1024x64xf32> -> vector<1024x64xf32>
    %get3A_13 = arith.constant 1 : index
    %get3A_14 = arith.constant 0 : index
    %get3A_15 = arith.constant 0 : index
    %get3A_16 = vector.load %arg0[%get3A_13, %get3A_14, %get3A_15] : memref<4x1024x3xf32, #tpu.memory_space<vmem>>, vector<1x1024x3xf32>
    %get3A_17 = vector.shape_cast %get3A_16 : vector<1x1024x3xf32> to vector<1024x3xf32>
    %get3A_18 = arith.constant 1 : index
    %get3A_19 = arith.constant 0 : index
    %get3A_20 = arith.constant 0 : index
    %get3A_21 = vector.load %arg1[%get3A_18, %get3A_19, %get3A_20] : memref<4x1024x3xf32, #tpu.memory_space<vmem>>, vector<1x1024x3xf32>
    %get3A_22 = vector.shape_cast %get3A_21 : vector<1x1024x3xf32> to vector<1024x3xf32>
    %concatenate3A_23 = tpu.concatenate %get3A_17, %get3A_22 in 1 : vector<1024x3xf32>, vector<1024x3xf32> -> vector<1024x6xf32>
    %get3A_24 = arith.constant 0 : index
    %get3A_25 = arith.constant 0 : index
    %get3A_26 = vector.load %arg2[%get3A_24, %get3A_25] : memref<64x6xf32, #tpu.memory_space<vmem>>, vector<64x6xf32>
    %dot_general3A_27 = arith.constant dense<0.000000e+00> : vector<1024x64xf32>
    %dot_general3A_28 = tpu.matmul %concatenate3A_23, %get3A_26, %dot_general3A_27 {dimension_numbers = #tpu.dot_dimension_numbers<[1], [1], [0], [0], [0, 0, 1, 0], [], []>, transpose_lhs_hint = false} : vector<1024x6xf32>, vector<64x6xf32>, vector<1024x64xf32> -> vector<1024x64xf32>
    %get3A_29 = arith.constant 2 : index
    %get3A_30 = arith.constant 0 : index
    %get3A_31 = arith.constant 0 : index
    %get3A_32 = vector.load %arg0[%get3A_29, %get3A_30, %get3A_31] : memref<4x1024x3xf32, #tpu.memory_space<vmem>>, vector<1x1024x3xf32>
    %get3A_33 = vector.shape_cast %get3A_32 : vector<1x1024x3xf32> to vector<1024x3xf32>
    %get3A_34 = arith.constant 2 : index
    %get3A_35 = arith.constant 0 : index
    %get3A_36 = arith.constant 0 : index
    %get3A_37 = vector.load %arg1[%get3A_34, %get3A_35, %get3A_36] : memref<4x1024x3xf32, #tpu.memory_space<vmem>>, vector<1x1024x3xf32>
    %get3A_38 = vector.shape_cast %get3A_37 : vector<1x1024x3xf32> to vector<1024x3xf32>
    %concatenate3A_39 = tpu.concatenate %get3A_33, %get3A_38 in 1 : vector<1024x3xf32>, vector<1024x3xf32> -> vector<1024x6xf32>
    %get3A_40 = arith.constant 0 : index
    %get3A_41 = arith.constant 0 : index
    %get3A_42 = vector.load %arg2[%get3A_40, %get3A_41] : memref<64x6xf32, #tpu.memory_space<vmem>>, vector<64x6xf32>
    %dot_general3A_43 = arith.constant dense<0.000000e+00> : vector<1024x64xf32>
    %dot_general3A_44 = tpu.matmul %concatenate3A_39, %get3A_42, %dot_general3A_43 {dimension_numbers = #tpu.dot_dimension_numbers<[1], [1], [0], [0], [0, 0, 1, 0], [], []>, transpose_lhs_hint = false} : vector<1024x6xf32>, vector<64x6xf32>, vector<1024x64xf32> -> vector<1024x64xf32>
    %get3A_45 = arith.constant 3 : index
    %get3A_46 = arith.constant 0 : index
    %get3A_47 = arith.constant 0 : index
    %get3A_48 = vector.load %arg0[%get3A_45, %get3A_46, %get3A_47] : memref<4x1024x3xf32, #tpu.memory_space<vmem>>, vector<1x1024x3xf32>
    %get3A_49 = vector.shape_cast %get3A_48 : vector<1x1024x3xf32> to vector<1024x3xf32>
    %get3A_50 = arith.constant 3 : index
    %get3A_51 = arith.constant 0 : index
    %get3A_52 = arith.constant 0 : index
    %get3A_53 = vector.load %arg1[%get3A_50, %get3A_51, %get3A_52] : memref<4x1024x3xf32, #tpu.memory_space<vmem>>, vector<1x1024x3xf32>
    %get3A_54 = vector.shape_cast %get3A_53 : vector<1x1024x3xf32> to vector<1024x3xf32>
    %concatenate3A_55 = tpu.concatenate %get3A_49, %get3A_54 in 1 : vector<1024x3xf32>, vector<1024x3xf32> -> vector<1024x6xf32>
    %get3A_56 = arith.constant 0 : index
    %get3A_57 = arith.constant 0 : index
    %get3A_58 = vector.load %arg2[%get3A_56, %get3A_57] : memref<64x6xf32, #tpu.memory_space<vmem>>, vector<64x6xf32>
    %dot_general3A_59 = arith.constant dense<0.000000e+00> : vector<1024x64xf32>
    %dot_general3A_60 = tpu.matmul %concatenate3A_55, %get3A_58, %dot_general3A_59 {dimension_numbers = #tpu.dot_dimension_numbers<[1], [1], [0], [0], [0, 0, 1, 0], [], []>, transpose_lhs_hint = false} : vector<1024x6xf32>, vector<64x6xf32>, vector<1024x64xf32> -> vector<1024x64xf32>
    %broadcast_in_dim3A = arith.constant 0.000000e+00 : f32
    %broadcast_in_dim3A_61 = vector.broadcast %broadcast_in_dim3A : f32 to vector<128x64xf32>
    %slice3A = vector.extract_strided_slice %dot_general3A_12 {offsets = [0, 0], sizes = [128, 64], strides = [1, 1]} : vector<1024x64xf32> to vector<128x64xf32>
    %add3A = arith.addf %broadcast_in_dim3A_61, %slice3A : vector<128x64xf32>
    %slice3A_62 = vector.extract_strided_slice %dot_general3A_28 {offsets = [0, 0], sizes = [128, 64], strides = [1, 1]} : vector<1024x64xf32> to vector<128x64xf32>
    %add3A_63 = arith.addf %add3A, %slice3A_62 : vector<128x64xf32>
    %slice3A_64 = vector.extract_strided_slice %dot_general3A_44 {offsets = [0, 0], sizes = [128, 64], strides = [1, 1]} : vector<1024x64xf32> to vector<128x64xf32>
    %add3A_65 = arith.addf %add3A_63, %slice3A_64 : vector<128x64xf32>
    %slice3A_66 = vector.extract_strided_slice %dot_general3A_60 {offsets = [0, 0], sizes = [128, 64], strides = [1, 1]} : vector<1024x64xf32> to vector<128x64xf32>
    %add3A_67 = arith.addf %add3A_65, %slice3A_66 : vector<128x64xf32>
    %slice3A_68 = vector.extract_strided_slice %dot_general3A_12 {offsets = [128, 0], sizes = [128, 64], strides = [1, 1]} : vector<1024x64xf32> to vector<128x64xf32>
    %add3A_69 = arith.addf %add3A_67, %slice3A_68 : vector<128x64xf32>
    %slice3A_70 = vector.extract_strided_slice %dot_general3A_28 {offsets = [128, 0], sizes = [128, 64], strides = [1, 1]} : vector<1024x64xf32> to vector<128x64xf32>
    %add3A_71 = arith.addf %add3A_69, %slice3A_70 : vector<128x64xf32>
    %slice3A_72 = vector.extract_strided_slice %dot_general3A_44 {offsets = [128, 0], sizes = [128, 64], strides = [1, 1]} : vector<1024x64xf32> to vector<128x64xf32>
    %add3A_73 = arith.addf %add3A_71, %slice3A_72 : vector<128x64xf32>
    %slice3A_74 = vector.extract_strided_slice %dot_general3A_60 {offsets = [128, 0], sizes = [128, 64], strides = [1, 1]} : vector<1024x64xf32> to vector<128x64xf32>
    %add3A_75 = arith.addf %add3A_73, %slice3A_74 : vector<128x64xf32>
    %slice3A_76 = vector.extract_strided_slice %dot_general3A_12 {offsets = [256, 0], sizes = [128, 64], strides = [1, 1]} : vector<1024x64xf32> to vector<128x64xf32>
    %add3A_77 = arith.addf %add3A_75, %slice3A_76 : vector<128x64xf32>
    %slice3A_78 = vector.extract_strided_slice %dot_general3A_28 {offsets = [256, 0], sizes = [128, 64], strides = [1, 1]} : vector<1024x64xf32> to vector<128x64xf32>
    %add3A_79 = arith.addf %add3A_77, %slice3A_78 : vector<128x64xf32>
    %slice3A_80 = vector.extract_strided_slice %dot_general3A_44 {offsets = [256, 0], sizes = [128, 64], strides = [1, 1]} : vector<1024x64xf32> to vector<128x64xf32>
    %add3A_81 = arith.addf %add3A_79, %slice3A_80 : vector<128x64xf32>
    %slice3A_82 = vector.extract_strided_slice %dot_general3A_60 {offsets = [256, 0], sizes = [128, 64], strides = [1, 1]} : vector<1024x64xf32> to vector<128x64xf32>
    %add3A_83 = arith.addf %add3A_81, %slice3A_82 : vector<128x64xf32>
    %slice3A_84 = vector.extract_strided_slice %dot_general3A_12 {offsets = [384, 0], sizes = [128, 64], strides = [1, 1]} : vector<1024x64xf32> to vector<128x64xf32>
    %add3A_85 = arith.addf %add3A_83, %slice3A_84 : vector<128x64xf32>
    %slice3A_86 = vector.extract_strided_slice %dot_general3A_28 {offsets = [384, 0], sizes = [128, 64], strides = [1, 1]} : vector<1024x64xf32> to vector<128x64xf32>
    %add3A_87 = arith.addf %add3A_85, %slice3A_86 : vector<128x64xf32>
    %slice3A_88 = vector.extract_strided_slice %dot_general3A_44 {offsets = [384, 0], sizes = [128, 64], strides = [1, 1]} : vector<1024x64xf32> to vector<128x64xf32>
    %add3A_89 = arith.addf %add3A_87, %slice3A_88 : vector<128x64xf32>
    %slice3A_90 = vector.extract_strided_slice %dot_general3A_60 {offsets = [384, 0], sizes = [128, 64], strides = [1, 1]} : vector<1024x64xf32> to vector<128x64xf32>
    %add3A_91 = arith.addf %add3A_89, %slice3A_90 : vector<128x64xf32>
    %slice3A_92 = vector.extract_strided_slice %dot_general3A_12 {offsets = [512, 0], sizes = [128, 64], strides = [1, 1]} : vector<1024x64xf32> to vector<128x64xf32>
    %add3A_93 = arith.addf %add3A_91, %slice3A_92 : vector<128x64xf32>
    %slice3A_94 = vector.extract_strided_slice %dot_general3A_28 {offsets = [512, 0], sizes = [128, 64], strides = [1, 1]} : vector<1024x64xf32> to vector<128x64xf32>
    %add3A_95 = arith.addf %add3A_93, %slice3A_94 : vector<128x64xf32>
    %slice3A_96 = vector.extract_strided_slice %dot_general3A_44 {offsets = [512, 0], sizes = [128, 64], strides = [1, 1]} : vector<1024x64xf32> to vector<128x64xf32>
    %add3A_97 = arith.addf %add3A_95, %slice3A_96 : vector<128x64xf32>
    %slice3A_98 = vector.extract_strided_slice %dot_general3A_60 {offsets = [512, 0], sizes = [128, 64], strides = [1, 1]} : vector<1024x64xf32> to vector<128x64xf32>
    %add3A_99 = arith.addf %add3A_97, %slice3A_98 : vector<128x64xf32>
    %slice3A_100 = vector.extract_strided_slice %dot_general3A_12 {offsets = [640, 0], sizes = [128, 64], strides = [1, 1]} : vector<1024x64xf32> to vector<128x64xf32>
    %add3A_101 = arith.addf %add3A_99, %slice3A_100 : vector<128x64xf32>
    %slice3A_102 = vector.extract_strided_slice %dot_general3A_28 {offsets = [640, 0], sizes = [128, 64], strides = [1, 1]} : vector<1024x64xf32> to vector<128x64xf32>
    %add3A_103 = arith.addf %add3A_101, %slice3A_102 : vector<128x64xf32>
    %slice3A_104 = vector.extract_strided_slice %dot_general3A_44 {offsets = [640, 0], sizes = [128, 64], strides = [1, 1]} : vector<1024x64xf32> to vector<128x64xf32>
    %add3A_105 = arith.addf %add3A_103, %slice3A_104 : vector<128x64xf32>
    %slice3A_106 = vector.extract_strided_slice %dot_general3A_60 {offsets = [640, 0], sizes = [128, 64], strides = [1, 1]} : vector<1024x64xf32> to vector<128x64xf32>
    %add3A_107 = arith.addf %add3A_105, %slice3A_106 : vector<128x64xf32>
    %slice3A_108 = vector.extract_strided_slice %dot_general3A_12 {offsets = [768, 0], sizes = [128, 64], strides = [1, 1]} : vector<1024x64xf32> to vector<128x64xf32>
    %add3A_109 = arith.addf %add3A_107, %slice3A_108 : vector<128x64xf32>
    %slice3A_110 = vector.extract_strided_slice %dot_general3A_28 {offsets = [768, 0], sizes = [128, 64], strides = [1, 1]} : vector<1024x64xf32> to vector<128x64xf32>
    %add3A_111 = arith.addf %add3A_109, %slice3A_110 : vector<128x64xf32>
    %slice3A_112 = vector.extract_strided_slice %dot_general3A_44 {offsets = [768, 0], sizes = [128, 64], strides = [1, 1]} : vector<1024x64xf32> to vector<128x64xf32>
    %add3A_113 = arith.addf %add3A_111, %slice3A_112 : vector<128x64xf32>
    %slice3A_114 = vector.extract_strided_slice %dot_general3A_60 {offsets = [768, 0], sizes = [128, 64], strides = [1, 1]} : vector<1024x64xf32> to vector<128x64xf32>
    %add3A_115 = arith.addf %add3A_113, %slice3A_114 : vector<128x64xf32>
    %slice3A_116 = vector.extract_strided_slice %dot_general3A_12 {offsets = [896, 0], sizes = [128, 64], strides = [1, 1]} : vector<1024x64xf32> to vector<128x64xf32>
    %add3A_117 = arith.addf %add3A_115, %slice3A_116 : vector<128x64xf32>
    %slice3A_118 = vector.extract_strided_slice %dot_general3A_28 {offsets = [896, 0], sizes = [128, 64], strides = [1, 1]} : vector<1024x64xf32> to vector<128x64xf32>
    %add3A_119 = arith.addf %add3A_117, %slice3A_118 : vector<128x64xf32>
    %slice3A_120 = vector.extract_strided_slice %dot_general3A_44 {offsets = [896, 0], sizes = [128, 64], strides = [1, 1]} : vector<1024x64xf32> to vector<128x64xf32>
    %add3A_121 = arith.addf %add3A_119, %slice3A_120 : vector<128x64xf32>
    %slice3A_122 = vector.extract_strided_slice %dot_general3A_60 {offsets = [896, 0], sizes = [128, 64], strides = [1, 1]} : vector<1024x64xf32> to vector<128x64xf32>
    %add3A_123 = arith.addf %add3A_121, %slice3A_122 : vector<128x64xf32>
    %broadcast_in_dim3A_124 = arith.constant 0.000000e+00 : f32
    %broadcast_in_dim3A_125 = vector.broadcast %broadcast_in_dim3A_124 : f32 to vector<8x64xf32>
    %slice3A_126 = vector.extract_strided_slice %add3A_123 {offsets = [0, 0], sizes = [8, 64], strides = [1, 1]} : vector<128x64xf32> to vector<8x64xf32>
    %add3A_127 = arith.addf %broadcast_in_dim3A_125, %slice3A_126 : vector<8x64xf32>
    %slice3A_128 = vector.extract_strided_slice %add3A_123 {offsets = [8, 0], sizes = [8, 64], strides = [1, 1]} : vector<128x64xf32> to vector<8x64xf32>
    %add3A_129 = arith.addf %add3A_127, %slice3A_128 : vector<8x64xf32>
    %slice3A_130 = vector.extract_strided_slice %add3A_123 {offsets = [16, 0], sizes = [8, 64], strides = [1, 1]} : vector<128x64xf32> to vector<8x64xf32>
    %add3A_131 = arith.addf %add3A_129, %slice3A_130 : vector<8x64xf32>
    %slice3A_132 = vector.extract_strided_slice %add3A_123 {offsets = [24, 0], sizes = [8, 64], strides = [1, 1]} : vector<128x64xf32> to vector<8x64xf32>
    %add3A_133 = arith.addf %add3A_131, %slice3A_132 : vector<8x64xf32>
    %slice3A_134 = vector.extract_strided_slice %add3A_123 {offsets = [32, 0], sizes = [8, 64], strides = [1, 1]} : vector<128x64xf32> to vector<8x64xf32>
    %add3A_135 = arith.addf %add3A_133, %slice3A_134 : vector<8x64xf32>
    %slice3A_136 = vector.extract_strided_slice %add3A_123 {offsets = [40, 0], sizes = [8, 64], strides = [1, 1]} : vector<128x64xf32> to vector<8x64xf32>
    %add3A_137 = arith.addf %add3A_135, %slice3A_136 : vector<8x64xf32>
    %slice3A_138 = vector.extract_strided_slice %add3A_123 {offsets = [48, 0], sizes = [8, 64], strides = [1, 1]} : vector<128x64xf32> to vector<8x64xf32>
    %add3A_139 = arith.addf %add3A_137, %slice3A_138 : vector<8x64xf32>
    %slice3A_140 = vector.extract_strided_slice %add3A_123 {offsets = [56, 0], sizes = [8, 64], strides = [1, 1]} : vector<128x64xf32> to vector<8x64xf32>
    %add3A_141 = arith.addf %add3A_139, %slice3A_140 : vector<8x64xf32>
    %slice3A_142 = vector.extract_strided_slice %add3A_123 {offsets = [64, 0], sizes = [8, 64], strides = [1, 1]} : vector<128x64xf32> to vector<8x64xf32>
    %add3A_143 = arith.addf %add3A_141, %slice3A_142 : vector<8x64xf32>
    %slice3A_144 = vector.extract_strided_slice %add3A_123 {offsets = [72, 0], sizes = [8, 64], strides = [1, 1]} : vector<128x64xf32> to vector<8x64xf32>
    %add3A_145 = arith.addf %add3A_143, %slice3A_144 : vector<8x64xf32>
    %slice3A_146 = vector.extract_strided_slice %add3A_123 {offsets = [80, 0], sizes = [8, 64], strides = [1, 1]} : vector<128x64xf32> to vector<8x64xf32>
    %add3A_147 = arith.addf %add3A_145, %slice3A_146 : vector<8x64xf32>
    %slice3A_148 = vector.extract_strided_slice %add3A_123 {offsets = [88, 0], sizes = [8, 64], strides = [1, 1]} : vector<128x64xf32> to vector<8x64xf32>
    %add3A_149 = arith.addf %add3A_147, %slice3A_148 : vector<8x64xf32>
    %slice3A_150 = vector.extract_strided_slice %add3A_123 {offsets = [96, 0], sizes = [8, 64], strides = [1, 1]} : vector<128x64xf32> to vector<8x64xf32>
    %add3A_151 = arith.addf %add3A_149, %slice3A_150 : vector<8x64xf32>
    %slice3A_152 = vector.extract_strided_slice %add3A_123 {offsets = [104, 0], sizes = [8, 64], strides = [1, 1]} : vector<128x64xf32> to vector<8x64xf32>
    %add3A_153 = arith.addf %add3A_151, %slice3A_152 : vector<8x64xf32>
    %slice3A_154 = vector.extract_strided_slice %add3A_123 {offsets = [112, 0], sizes = [8, 64], strides = [1, 1]} : vector<128x64xf32> to vector<8x64xf32>
    %add3A_155 = arith.addf %add3A_153, %slice3A_154 : vector<8x64xf32>
    %slice3A_156 = vector.extract_strided_slice %add3A_123 {offsets = [120, 0], sizes = [8, 64], strides = [1, 1]} : vector<128x64xf32> to vector<8x64xf32>
    %add3A_157 = arith.addf %add3A_155, %slice3A_156 : vector<8x64xf32>
    %slice3A_158 = vector.extract_strided_slice %add3A_157 {offsets = [0, 0], sizes = [4, 64], strides = [1, 1]} : vector<8x64xf32> to vector<4x64xf32>
    %slice3A_159 = vector.extract_strided_slice %add3A_157 {offsets = [4, 0], sizes = [4, 64], strides = [1, 1]} : vector<8x64xf32> to vector<4x64xf32>
    %add3A_160 = arith.addf %slice3A_158, %slice3A_159 : vector<4x64xf32>
    %slice3A_161 = vector.extract_strided_slice %add3A_160 {offsets = [0, 0], sizes = [2, 64], strides = [1, 1]} : vector<4x64xf32> to vector<2x64xf32>
    %slice3A_162 = vector.extract_strided_slice %add3A_160 {offsets = [2, 0], sizes = [2, 64], strides = [1, 1]} : vector<4x64xf32> to vector<2x64xf32>
    %add3A_163 = arith.addf %slice3A_161, %slice3A_162 : vector<2x64xf32>
    %slice3A_164 = vector.extract_strided_slice %add3A_163 {offsets = [0, 0], sizes = [1, 64], strides = [1, 1]} : vector<2x64xf32> to vector<1x64xf32>
    %slice3A_165 = vector.extract_strided_slice %add3A_163 {offsets = [1, 0], sizes = [1, 64], strides = [1, 1]} : vector<2x64xf32> to vector<1x64xf32>
    %add3A_166 = arith.addf %slice3A_164, %slice3A_165 : vector<1x64xf32>
    %div3A = arith.constant 4.096000e+03 : f32
    %div3A_167 = vector.broadcast %div3A : f32 to vector<1x64xf32>
    %div3A_168 = arith.divf %add3A_166, %div3A_167 : vector<1x64xf32>
    %broadcast_in_dim3A_169 = arith.constant 0.000000e+00 : f32
    %broadcast_in_dim3A_170 = vector.broadcast %broadcast_in_dim3A_169 : f32 to vector<128x64xf32>
    %slice3A_171 = vector.extract_strided_slice %dot_general3A_12 {offsets = [0, 0], sizes = [128, 64], strides = [1, 1]} : vector<1024x64xf32> to vector<128x64xf32>
    %sub3A = vector.broadcast %div3A_168 : vector<1x64xf32> to vector<128x64xf32>
    %sub3A_172 = arith.subf %slice3A_171, %sub3A : vector<128x64xf32>
    %mul3A = arith.mulf %sub3A_172, %sub3A_172 : vector<128x64xf32>
    %add3A_173 = arith.addf %broadcast_in_dim3A_170, %mul3A : vector<128x64xf32>
    %slice3A_174 = vector.extract_strided_slice %dot_general3A_28 {offsets = [0, 0], sizes = [128, 64], strides = [1, 1]} : vector<1024x64xf32> to vector<128x64xf32>
    %sub3A_175 = vector.broadcast %div3A_168 : vector<1x64xf32> to vector<128x64xf32>
    %sub3A_176 = arith.subf %slice3A_174, %sub3A_175 : vector<128x64xf32>
    %mul3A_177 = arith.mulf %sub3A_176, %sub3A_176 : vector<128x64xf32>
    %add3A_178 = arith.addf %add3A_173, %mul3A_177 : vector<128x64xf32>
    %slice3A_179 = vector.extract_strided_slice %dot_general3A_44 {offsets = [0, 0], sizes = [128, 64], strides = [1, 1]} : vector<1024x64xf32> to vector<128x64xf32>
    %sub3A_180 = vector.broadcast %div3A_168 : vector<1x64xf32> to vector<128x64xf32>
    %sub3A_181 = arith.subf %slice3A_179, %sub3A_180 : vector<128x64xf32>
    %mul3A_182 = arith.mulf %sub3A_181, %sub3A_181 : vector<128x64xf32>
    %add3A_183 = arith.addf %add3A_178, %mul3A_182 : vector<128x64xf32>
    %slice3A_184 = vector.extract_strided_slice %dot_general3A_60 {offsets = [0, 0], sizes = [128, 64], strides = [1, 1]} : vector<1024x64xf32> to vector<128x64xf32>
    %sub3A_185 = vector.broadcast %div3A_168 : vector<1x64xf32> to vector<128x64xf32>
    %sub3A_186 = arith.subf %slice3A_184, %sub3A_185 : vector<128x64xf32>
    %mul3A_187 = arith.mulf %sub3A_186, %sub3A_186 : vector<128x64xf32>
    %add3A_188 = arith.addf %add3A_183, %mul3A_187 : vector<128x64xf32>
    %slice3A_189 = vector.extract_strided_slice %dot_general3A_12 {offsets = [128, 0], sizes = [128, 64], strides = [1, 1]} : vector<1024x64xf32> to vector<128x64xf32>
    %sub3A_190 = vector.broadcast %div3A_168 : vector<1x64xf32> to vector<128x64xf32>
    %sub3A_191 = arith.subf %slice3A_189, %sub3A_190 : vector<128x64xf32>
    %mul3A_192 = arith.mulf %sub3A_191, %sub3A_191 : vector<128x64xf32>
    %add3A_193 = arith.addf %add3A_188, %mul3A_192 : vector<128x64xf32>
    %slice3A_194 = vector.extract_strided_slice %dot_general3A_28 {offsets = [128, 0], sizes = [128, 64], strides = [1, 1]} : vector<1024x64xf32> to vector<128x64xf32>
    %sub3A_195 = vector.broadcast %div3A_168 : vector<1x64xf32> to vector<128x64xf32>
    %sub3A_196 = arith.subf %slice3A_194, %sub3A_195 : vector<128x64xf32>
    %mul3A_197 = arith.mulf %sub3A_196, %sub3A_196 : vector<128x64xf32>
    %add3A_198 = arith.addf %add3A_193, %mul3A_197 : vector<128x64xf32>
    %slice3A_199 = vector.extract_strided_slice %dot_general3A_44 {offsets = [128, 0], sizes = [128, 64], strides = [1, 1]} : vector<1024x64xf32> to vector<128x64xf32>
    %sub3A_200 = vector.broadcast %div3A_168 : vector<1x64xf32> to vector<128x64xf32>
    %sub3A_201 = arith.subf %slice3A_199, %sub3A_200 : vector<128x64xf32>
    %mul3A_202 = arith.mulf %sub3A_201, %sub3A_201 : vector<128x64xf32>
    %add3A_203 = arith.addf %add3A_198, %mul3A_202 : vector<128x64xf32>
    %slice3A_204 = vector.extract_strided_slice %dot_general3A_60 {offsets = [128, 0], sizes = [128, 64], strides = [1, 1]} : vector<1024x64xf32> to vector<128x64xf32>
    %sub3A_205 = vector.broadcast %div3A_168 : vector<1x64xf32> to vector<128x64xf32>
    %sub3A_206 = arith.subf %slice3A_204, %sub3A_205 : vector<128x64xf32>
    %mul3A_207 = arith.mulf %sub3A_206, %sub3A_206 : vector<128x64xf32>
    %add3A_208 = arith.addf %add3A_203, %mul3A_207 : vector<128x64xf32>
    %slice3A_209 = vector.extract_strided_slice %dot_general3A_12 {offsets = [256, 0], sizes = [128, 64], strides = [1, 1]} : vector<1024x64xf32> to vector<128x64xf32>
    %sub3A_210 = vector.broadcast %div3A_168 : vector<1x64xf32> to vector<128x64xf32>
    %sub3A_211 = arith.subf %slice3A_209, %sub3A_210 : vector<128x64xf32>
    %mul3A_212 = arith.mulf %sub3A_211, %sub3A_211 : vector<128x64xf32>
    %add3A_213 = arith.addf %add3A_208, %mul3A_212 : vector<128x64xf32>
    %slice3A_214 = vector.extract_strided_slice %dot_general3A_28 {offsets = [256, 0], sizes = [128, 64], strides = [1, 1]} : vector<1024x64xf32> to vector<128x64xf32>
    %sub3A_215 = vector.broadcast %div3A_168 : vector<1x64xf32> to vector<128x64xf32>
    %sub3A_216 = arith.subf %slice3A_214, %sub3A_215 : vector<128x64xf32>
    %mul3A_217 = arith.mulf %sub3A_216, %sub3A_216 : vector<128x64xf32>
    %add3A_218 = arith.addf %add3A_213, %mul3A_217 : vector<128x64xf32>
    %slice3A_219 = vector.extract_strided_slice %dot_general3A_44 {offsets = [256, 0], sizes = [128, 64], strides = [1, 1]} : vector<1024x64xf32> to vector<128x64xf32>
    %sub3A_220 = vector.broadcast %div3A_168 : vector<1x64xf32> to vector<128x64xf32>
    %sub3A_221 = arith.subf %slice3A_219, %sub3A_220 : vector<128x64xf32>
    %mul3A_222 = arith.mulf %sub3A_221, %sub3A_221 : vector<128x64xf32>
    %add3A_223 = arith.addf %add3A_218, %mul3A_222 : vector<128x64xf32>
    %slice3A_224 = vector.extract_strided_slice %dot_general3A_60 {offsets = [256, 0], sizes = [128, 64], strides = [1, 1]} : vector<1024x64xf32> to vector<128x64xf32>
    %sub3A_225 = vector.broadcast %div3A_168 : vector<1x64xf32> to vector<128x64xf32>
    %sub3A_226 = arith.subf %slice3A_224, %sub3A_225 : vector<128x64xf32>
    %mul3A_227 = arith.mulf %sub3A_226, %sub3A_226 : vector<128x64xf32>
    %add3A_228 = arith.addf %add3A_223, %mul3A_227 : vector<128x64xf32>
    %slice3A_229 = vector.extract_strided_slice %dot_general3A_12 {offsets = [384, 0], sizes = [128, 64], strides = [1, 1]} : vector<1024x64xf32> to vector<128x64xf32>
    %sub3A_230 = vector.broadcast %div3A_168 : vector<1x64xf32> to vector<128x64xf32>
    %sub3A_231 = arith.subf %slice3A_229, %sub3A_230 : vector<128x64xf32>
    %mul3A_232 = arith.mulf %sub3A_231, %sub3A_231 : vector<128x64xf32>
    %add3A_233 = arith.addf %add3A_228, %mul3A_232 : vector<128x64xf32>
    %slice3A_234 = vector.extract_strided_slice %dot_general3A_28 {offsets = [384, 0], sizes = [128, 64], strides = [1, 1]} : vector<1024x64xf32> to vector<128x64xf32>
    %sub3A_235 = vector.broadcast %div3A_168 : vector<1x64xf32> to vector<128x64xf32>
    %sub3A_236 = arith.subf %slice3A_234, %sub3A_235 : vector<128x64xf32>
    %mul3A_237 = arith.mulf %sub3A_236, %sub3A_236 : vector<128x64xf32>
    %add3A_238 = arith.addf %add3A_233, %mul3A_237 : vector<128x64xf32>
    %slice3A_239 = vector.extract_strided_slice %dot_general3A_44 {offsets = [384, 0], sizes = [128, 64], strides = [1, 1]} : vector<1024x64xf32> to vector<128x64xf32>
    %sub3A_240 = vector.broadcast %div3A_168 : vector<1x64xf32> to vector<128x64xf32>
    %sub3A_241 = arith.subf %slice3A_239, %sub3A_240 : vector<128x64xf32>
    %mul3A_242 = arith.mulf %sub3A_241, %sub3A_241 : vector<128x64xf32>
    %add3A_243 = arith.addf %add3A_238, %mul3A_242 : vector<128x64xf32>
    %slice3A_244 = vector.extract_strided_slice %dot_general3A_60 {offsets = [384, 0], sizes = [128, 64], strides = [1, 1]} : vector<1024x64xf32> to vector<128x64xf32>
    %sub3A_245 = vector.broadcast %div3A_168 : vector<1x64xf32> to vector<128x64xf32>
    %sub3A_246 = arith.subf %slice3A_244, %sub3A_245 : vector<128x64xf32>
    %mul3A_247 = arith.mulf %sub3A_246, %sub3A_246 : vector<128x64xf32>
    %add3A_248 = arith.addf %add3A_243, %mul3A_247 : vector<128x64xf32>
    %slice3A_249 = vector.extract_strided_slice %dot_general3A_12 {offsets = [512, 0], sizes = [128, 64], strides = [1, 1]} : vector<1024x64xf32> to vector<128x64xf32>
    %sub3A_250 = vector.broadcast %div3A_168 : vector<1x64xf32> to vector<128x64xf32>
    %sub3A_251 = arith.subf %slice3A_249, %sub3A_250 : vector<128x64xf32>
    %mul3A_252 = arith.mulf %sub3A_251, %sub3A_251 : vector<128x64xf32>
    %add3A_253 = arith.addf %add3A_248, %mul3A_252 : vector<128x64xf32>
    %slice3A_254 = vector.extract_strided_slice %dot_general3A_28 {offsets = [512, 0], sizes = [128, 64], strides = [1, 1]} : vector<1024x64xf32> to vector<128x64xf32>
    %sub3A_255 = vector.broadcast %div3A_168 : vector<1x64xf32> to vector<128x64xf32>
    %sub3A_256 = arith.subf %slice3A_254, %sub3A_255 : vector<128x64xf32>
    %mul3A_257 = arith.mulf %sub3A_256, %sub3A_256 : vector<128x64xf32>
    %add3A_258 = arith.addf %add3A_253, %mul3A_257 : vector<128x64xf32>
    %slice3A_259 = vector.extract_strided_slice %dot_general3A_44 {offsets = [512, 0], sizes = [128, 64], strides = [1, 1]} : vector<1024x64xf32> to vector<128x64xf32>
    %sub3A_260 = vector.broadcast %div3A_168 : vector<1x64xf32> to vector<128x64xf32>
    %sub3A_261 = arith.subf %slice3A_259, %sub3A_260 : vector<128x64xf32>
    %mul3A_262 = arith.mulf %sub3A_261, %sub3A_261 : vector<128x64xf32>
    %add3A_263 = arith.addf %add3A_258, %mul3A_262 : vector<128x64xf32>
    %slice3A_264 = vector.extract_strided_slice %dot_general3A_60 {offsets = [512, 0], sizes = [128, 64], strides = [1, 1]} : vector<1024x64xf32> to vector<128x64xf32>
    %sub3A_265 = vector.broadcast %div3A_168 : vector<1x64xf32> to vector<128x64xf32>
    %sub3A_266 = arith.subf %slice3A_264, %sub3A_265 : vector<128x64xf32>
    %mul3A_267 = arith.mulf %sub3A_266, %sub3A_266 : vector<128x64xf32>
    %add3A_268 = arith.addf %add3A_263, %mul3A_267 : vector<128x64xf32>
    %slice3A_269 = vector.extract_strided_slice %dot_general3A_12 {offsets = [640, 0], sizes = [128, 64], strides = [1, 1]} : vector<1024x64xf32> to vector<128x64xf32>
    %sub3A_270 = vector.broadcast %div3A_168 : vector<1x64xf32> to vector<128x64xf32>
    %sub3A_271 = arith.subf %slice3A_269, %sub3A_270 : vector<128x64xf32>
    %mul3A_272 = arith.mulf %sub3A_271, %sub3A_271 : vector<128x64xf32>
    %add3A_273 = arith.addf %add3A_268, %mul3A_272 : vector<128x64xf32>
    %slice3A_274 = vector.extract_strided_slice %dot_general3A_28 {offsets = [640, 0], sizes = [128, 64], strides = [1, 1]} : vector<1024x64xf32> to vector<128x64xf32>
    %sub3A_275 = vector.broadcast %div3A_168 : vector<1x64xf32> to vector<128x64xf32>
    %sub3A_276 = arith.subf %slice3A_274, %sub3A_275 : vector<128x64xf32>
    %mul3A_277 = arith.mulf %sub3A_276, %sub3A_276 : vector<128x64xf32>
    %add3A_278 = arith.addf %add3A_273, %mul3A_277 : vector<128x64xf32>
    %slice3A_279 = vector.extract_strided_slice %dot_general3A_44 {offsets = [640, 0], sizes = [128, 64], strides = [1, 1]} : vector<1024x64xf32> to vector<128x64xf32>
    %sub3A_280 = vector.broadcast %div3A_168 : vector<1x64xf32> to vector<128x64xf32>
    %sub3A_281 = arith.subf %slice3A_279, %sub3A_280 : vector<128x64xf32>
    %mul3A_282 = arith.mulf %sub3A_281, %sub3A_281 : vector<128x64xf32>
    %add3A_283 = arith.addf %add3A_278, %mul3A_282 : vector<128x64xf32>
    %slice3A_284 = vector.extract_strided_slice %dot_general3A_60 {offsets = [640, 0], sizes = [128, 64], strides = [1, 1]} : vector<1024x64xf32> to vector<128x64xf32>
    %sub3A_285 = vector.broadcast %div3A_168 : vector<1x64xf32> to vector<128x64xf32>
    %sub3A_286 = arith.subf %slice3A_284, %sub3A_285 : vector<128x64xf32>
    %mul3A_287 = arith.mulf %sub3A_286, %sub3A_286 : vector<128x64xf32>
    %add3A_288 = arith.addf %add3A_283, %mul3A_287 : vector<128x64xf32>
    %slice3A_289 = vector.extract_strided_slice %dot_general3A_12 {offsets = [768, 0], sizes = [128, 64], strides = [1, 1]} : vector<1024x64xf32> to vector<128x64xf32>
    %sub3A_290 = vector.broadcast %div3A_168 : vector<1x64xf32> to vector<128x64xf32>
    %sub3A_291 = arith.subf %slice3A_289, %sub3A_290 : vector<128x64xf32>
    %mul3A_292 = arith.mulf %sub3A_291, %sub3A_291 : vector<128x64xf32>
    %add3A_293 = arith.addf %add3A_288, %mul3A_292 : vector<128x64xf32>
    %slice3A_294 = vector.extract_strided_slice %dot_general3A_28 {offsets = [768, 0], sizes = [128, 64], strides = [1, 1]} : vector<1024x64xf32> to vector<128x64xf32>
    %sub3A_295 = vector.broadcast %div3A_168 : vector<1x64xf32> to vector<128x64xf32>
    %sub3A_296 = arith.subf %slice3A_294, %sub3A_295 : vector<128x64xf32>
    %mul3A_297 = arith.mulf %sub3A_296, %sub3A_296 : vector<128x64xf32>
    %add3A_298 = arith.addf %add3A_293, %mul3A_297 : vector<128x64xf32>
    %slice3A_299 = vector.extract_strided_slice %dot_general3A_44 {offsets = [768, 0], sizes = [128, 64], strides = [1, 1]} : vector<1024x64xf32> to vector<128x64xf32>
    %sub3A_300 = vector.broadcast %div3A_168 : vector<1x64xf32> to vector<128x64xf32>
    %sub3A_301 = arith.subf %slice3A_299, %sub3A_300 : vector<128x64xf32>
    %mul3A_302 = arith.mulf %sub3A_301, %sub3A_301 : vector<128x64xf32>
    %add3A_303 = arith.addf %add3A_298, %mul3A_302 : vector<128x64xf32>
    %slice3A_304 = vector.extract_strided_slice %dot_general3A_60 {offsets = [768, 0], sizes = [128, 64], strides = [1, 1]} : vector<1024x64xf32> to vector<128x64xf32>
    %sub3A_305 = vector.broadcast %div3A_168 : vector<1x64xf32> to vector<128x64xf32>
    %sub3A_306 = arith.subf %slice3A_304, %sub3A_305 : vector<128x64xf32>
    %mul3A_307 = arith.mulf %sub3A_306, %sub3A_306 : vector<128x64xf32>
    %add3A_308 = arith.addf %add3A_303, %mul3A_307 : vector<128x64xf32>
    %slice3A_309 = vector.extract_strided_slice %dot_general3A_12 {offsets = [896, 0], sizes = [128, 64], strides = [1, 1]} : vector<1024x64xf32> to vector<128x64xf32>
    %sub3A_310 = vector.broadcast %div3A_168 : vector<1x64xf32> to vector<128x64xf32>
    %sub3A_311 = arith.subf %slice3A_309, %sub3A_310 : vector<128x64xf32>
    %mul3A_312 = arith.mulf %sub3A_311, %sub3A_311 : vector<128x64xf32>
    %add3A_313 = arith.addf %add3A_308, %mul3A_312 : vector<128x64xf32>
    %slice3A_314 = vector.extract_strided_slice %dot_general3A_28 {offsets = [896, 0], sizes = [128, 64], strides = [1, 1]} : vector<1024x64xf32> to vector<128x64xf32>
    %sub3A_315 = vector.broadcast %div3A_168 : vector<1x64xf32> to vector<128x64xf32>
    %sub3A_316 = arith.subf %slice3A_314, %sub3A_315 : vector<128x64xf32>
    %mul3A_317 = arith.mulf %sub3A_316, %sub3A_316 : vector<128x64xf32>
    %add3A_318 = arith.addf %add3A_313, %mul3A_317 : vector<128x64xf32>
    %slice3A_319 = vector.extract_strided_slice %dot_general3A_44 {offsets = [896, 0], sizes = [128, 64], strides = [1, 1]} : vector<1024x64xf32> to vector<128x64xf32>
    %sub3A_320 = vector.broadcast %div3A_168 : vector<1x64xf32> to vector<128x64xf32>
    %sub3A_321 = arith.subf %slice3A_319, %sub3A_320 : vector<128x64xf32>
    %mul3A_322 = arith.mulf %sub3A_321, %sub3A_321 : vector<128x64xf32>
    %add3A_323 = arith.addf %add3A_318, %mul3A_322 : vector<128x64xf32>
    %slice3A_324 = vector.extract_strided_slice %dot_general3A_60 {offsets = [896, 0], sizes = [128, 64], strides = [1, 1]} : vector<1024x64xf32> to vector<128x64xf32>
    %sub3A_325 = vector.broadcast %div3A_168 : vector<1x64xf32> to vector<128x64xf32>
    %sub3A_326 = arith.subf %slice3A_324, %sub3A_325 : vector<128x64xf32>
    %mul3A_327 = arith.mulf %sub3A_326, %sub3A_326 : vector<128x64xf32>
    %add3A_328 = arith.addf %add3A_323, %mul3A_327 : vector<128x64xf32>
    %broadcast_in_dim3A_329 = arith.constant 0.000000e+00 : f32
    %broadcast_in_dim3A_330 = vector.broadcast %broadcast_in_dim3A_329 : f32 to vector<8x64xf32>
    %slice3A_331 = vector.extract_strided_slice %add3A_328 {offsets = [0, 0], sizes = [8, 64], strides = [1, 1]} : vector<128x64xf32> to vector<8x64xf32>
    %add3A_332 = arith.addf %broadcast_in_dim3A_330, %slice3A_331 : vector<8x64xf32>
    %slice3A_333 = vector.extract_strided_slice %add3A_328 {offsets = [8, 0], sizes = [8, 64], strides = [1, 1]} : vector<128x64xf32> to vector<8x64xf32>
    %add3A_334 = arith.addf %add3A_332, %slice3A_333 : vector<8x64xf32>
    %slice3A_335 = vector.extract_strided_slice %add3A_328 {offsets = [16, 0], sizes = [8, 64], strides = [1, 1]} : vector<128x64xf32> to vector<8x64xf32>
    %add3A_336 = arith.addf %add3A_334, %slice3A_335 : vector<8x64xf32>
    %slice3A_337 = vector.extract_strided_slice %add3A_328 {offsets = [24, 0], sizes = [8, 64], strides = [1, 1]} : vector<128x64xf32> to vector<8x64xf32>
    %add3A_338 = arith.addf %add3A_336, %slice3A_337 : vector<8x64xf32>
    %slice3A_339 = vector.extract_strided_slice %add3A_328 {offsets = [32, 0], sizes = [8, 64], strides = [1, 1]} : vector<128x64xf32> to vector<8x64xf32>
    %add3A_340 = arith.addf %add3A_338, %slice3A_339 : vector<8x64xf32>
    %slice3A_341 = vector.extract_strided_slice %add3A_328 {offsets = [40, 0], sizes = [8, 64], strides = [1, 1]} : vector<128x64xf32> to vector<8x64xf32>
    %add3A_342 = arith.addf %add3A_340, %slice3A_341 : vector<8x64xf32>
    %slice3A_343 = vector.extract_strided_slice %add3A_328 {offsets = [48, 0], sizes = [8, 64], strides = [1, 1]} : vector<128x64xf32> to vector<8x64xf32>
    %add3A_344 = arith.addf %add3A_342, %slice3A_343 : vector<8x64xf32>
    %slice3A_345 = vector.extract_strided_slice %add3A_328 {offsets = [56, 0], sizes = [8, 64], strides = [1, 1]} : vector<128x64xf32> to vector<8x64xf32>
    %add3A_346 = arith.addf %add3A_344, %slice3A_345 : vector<8x64xf32>
    %slice3A_347 = vector.extract_strided_slice %add3A_328 {offsets = [64, 0], sizes = [8, 64], strides = [1, 1]} : vector<128x64xf32> to vector<8x64xf32>
    %add3A_348 = arith.addf %add3A_346, %slice3A_347 : vector<8x64xf32>
    %slice3A_349 = vector.extract_strided_slice %add3A_328 {offsets = [72, 0], sizes = [8, 64], strides = [1, 1]} : vector<128x64xf32> to vector<8x64xf32>
    %add3A_350 = arith.addf %add3A_348, %slice3A_349 : vector<8x64xf32>
    %slice3A_351 = vector.extract_strided_slice %add3A_328 {offsets = [80, 0], sizes = [8, 64], strides = [1, 1]} : vector<128x64xf32> to vector<8x64xf32>
    %add3A_352 = arith.addf %add3A_350, %slice3A_351 : vector<8x64xf32>
    %slice3A_353 = vector.extract_strided_slice %add3A_328 {offsets = [88, 0], sizes = [8, 64], strides = [1, 1]} : vector<128x64xf32> to vector<8x64xf32>
    %add3A_354 = arith.addf %add3A_352, %slice3A_353 : vector<8x64xf32>
    %slice3A_355 = vector.extract_strided_slice %add3A_328 {offsets = [96, 0], sizes = [8, 64], strides = [1, 1]} : vector<128x64xf32> to vector<8x64xf32>
    %add3A_356 = arith.addf %add3A_354, %slice3A_355 : vector<8x64xf32>
    %slice3A_357 = vector.extract_strided_slice %add3A_328 {offsets = [104, 0], sizes = [8, 64], strides = [1, 1]} : vector<128x64xf32> to vector<8x64xf32>
    %add3A_358 = arith.addf %add3A_356, %slice3A_357 : vector<8x64xf32>
    %slice3A_359 = vector.extract_strided_slice %add3A_328 {offsets = [112, 0], sizes = [8, 64], strides = [1, 1]} : vector<128x64xf32> to vector<8x64xf32>
    %add3A_360 = arith.addf %add3A_358, %slice3A_359 : vector<8x64xf32>
    %slice3A_361 = vector.extract_strided_slice %add3A_328 {offsets = [120, 0], sizes = [8, 64], strides = [1, 1]} : vector<128x64xf32> to vector<8x64xf32>
    %add3A_362 = arith.addf %add3A_360, %slice3A_361 : vector<8x64xf32>
    %slice3A_363 = vector.extract_strided_slice %add3A_362 {offsets = [0, 0], sizes = [4, 64], strides = [1, 1]} : vector<8x64xf32> to vector<4x64xf32>
    %slice3A_364 = vector.extract_strided_slice %add3A_362 {offsets = [4, 0], sizes = [4, 64], strides = [1, 1]} : vector<8x64xf32> to vector<4x64xf32>
    %add3A_365 = arith.addf %slice3A_363, %slice3A_364 : vector<4x64xf32>
    %slice3A_366 = vector.extract_strided_slice %add3A_365 {offsets = [0, 0], sizes = [2, 64], strides = [1, 1]} : vector<4x64xf32> to vector<2x64xf32>
    %slice3A_367 = vector.extract_strided_slice %add3A_365 {offsets = [2, 0], sizes = [2, 64], strides = [1, 1]} : vector<4x64xf32> to vector<2x64xf32>
    %add3A_368 = arith.addf %slice3A_366, %slice3A_367 : vector<2x64xf32>
    %slice3A_369 = vector.extract_strided_slice %add3A_368 {offsets = [0, 0], sizes = [1, 64], strides = [1, 1]} : vector<2x64xf32> to vector<1x64xf32>
    %slice3A_370 = vector.extract_strided_slice %add3A_368 {offsets = [1, 0], sizes = [1, 64], strides = [1, 1]} : vector<2x64xf32> to vector<1x64xf32>
    %add3A_371 = arith.addf %slice3A_369, %slice3A_370 : vector<1x64xf32>
    %div3A_372 = arith.constant 4.096000e+03 : f32
    %div3A_373 = vector.broadcast %div3A_372 : f32 to vector<1x64xf32>
    %div3A_374 = arith.divf %add3A_371, %div3A_373 : vector<1x64xf32>
    %add3A_375 = arith.constant 9.99999974E-6 : f32
    %add3A_376 = vector.broadcast %add3A_375 : f32 to vector<1x64xf32>
    %add3A_377 = arith.addf %div3A_374, %add3A_376 : vector<1x64xf32>
    %sqrt3A = math.sqrt %add3A_377 : vector<1x64xf32>
    %get3A_378 = arith.constant 0 : index
    %get3A_379 = vector.load %arg3[%get3A_378] : memref<64xf32, #tpu.memory_space<vmem>>, vector<64xf32>
    %broadcast_in_dim3A_380 = vector.shape_cast %get3A_379 : vector<64xf32> to vector<1x64xf32>
    %sub3A_381 = vector.broadcast %div3A_168 : vector<1x64xf32> to vector<1024x64xf32>
    %sub3A_382 = arith.subf %dot_general3A_12, %sub3A_381 : vector<1024x64xf32>
    %mul3A_383 = vector.broadcast %broadcast_in_dim3A_380 : vector<1x64xf32> to vector<1024x64xf32>
    %mul3A_384 = arith.mulf %mul3A_383, %sub3A_382 : vector<1024x64xf32>
    %div3A_385 = vector.broadcast %sqrt3A : vector<1x64xf32> to vector<1024x64xf32>
    %div3A_386 = arith.divf %mul3A_384, %div3A_385 : vector<1024x64xf32>
    %get3A_387 = arith.constant 0 : index
    %get3A_388 = vector.load %arg4[%get3A_387] : memref<64xf32, #tpu.memory_space<vmem>>, vector<64xf32>
    %broadcast_in_dim3A_389 = vector.shape_cast %get3A_388 : vector<64xf32> to vector<1x64xf32>
    %add3A_390 = vector.broadcast %broadcast_in_dim3A_389 : vector<1x64xf32> to vector<1024x64xf32>
    %add3A_391 = arith.addf %div3A_386, %add3A_390 : vector<1024x64xf32>
    %div3A_392 = arith.constant 1.41421354 : f32
    %div3A_393 = vector.broadcast %div3A_392 : f32 to vector<1024x64xf32>
    %div3A_394 = arith.divf %add3A_391, %div3A_393 : vector<1024x64xf32>
    %erf3A = math.erf %div3A_394 : vector<1024x64xf32>
    %add3A_395 = arith.constant 1.000000e+00 : f32
    %add3A_396 = vector.broadcast %add3A_395 : f32 to vector<1024x64xf32>
    %add3A_397 = arith.addf %erf3A, %add3A_396 : vector<1024x64xf32>
    %mul3A_398 = arith.mulf %add3A_391, %add3A_397 : vector<1024x64xf32>
    %div3A_399 = arith.constant 2.000000e+00 : f32
    %div3A_400 = vector.broadcast %div3A_399 : f32 to vector<1024x64xf32>
    %div3A_401 = arith.divf %mul3A_398, %div3A_400 : vector<1024x64xf32>
    %swap3A = arith.constant 0 : index
    %swap3A_402 = arith.constant 0 : index
    %swap3A_403 = arith.constant 0 : index
    %swap3A_404 = vector.load %arg5[%swap3A, %swap3A_402, %swap3A_403] : memref<4x1024x64xf32, #tpu.memory_space<vmem>>, vector<1x1024x64xf32>
    %swap3A_405 = vector.shape_cast %swap3A_404 : vector<1x1024x64xf32> to vector<1024x64xf32>
    %swap3A_406 = vector.shape_cast %div3A_401 : vector<1024x64xf32> to vector<1x1024x64xf32>
    tpu.vector_store %arg5[%swap3A, %swap3A_402, %swap3A_403], %swap3A_406 {strides = array<i32>} : memref<4x1024x64xf32, #tpu.memory_space<vmem>>, vector<1x1024x64xf32>,
    %get3A_407 = arith.constant 0 : index
    %get3A_408 = vector.load %arg3[%get3A_407] : memref<64xf32, #tpu.memory_space<vmem>>, vector<64xf32>
    %broadcast_in_dim3A_409 = vector.shape_cast %get3A_408 : vector<64xf32> to vector<1x64xf32>
    %sub3A_410 = vector.broadcast %div3A_168 : vector<1x64xf32> to vector<1024x64xf32>
    %sub3A_411 = arith.subf %dot_general3A_28, %sub3A_410 : vector<1024x64xf32>
    %mul3A_412 = vector.broadcast %broadcast_in_dim3A_409 : vector<1x64xf32> to vector<1024x64xf32>
    %mul3A_413 = arith.mulf %mul3A_412, %sub3A_411 : vector<1024x64xf32>
    %div3A_414 = vector.broadcast %sqrt3A : vector<1x64xf32> to vector<1024x64xf32>
    %div3A_415 = arith.divf %mul3A_413, %div3A_414 : vector<1024x64xf32>
    %get3A_416 = arith.constant 0 : index
    %get3A_417 = vector.load %arg4[%get3A_416] : memref<64xf32, #tpu.memory_space<vmem>>, vector<64xf32>
    %broadcast_in_dim3A_418 = vector.shape_cast %get3A_417 : vector<64xf32> to vector<1x64xf32>
    %add3A_419 = vector.broadcast %broadcast_in_dim3A_418 : vector<1x64xf32> to vector<1024x64xf32>
    %add3A_420 = arith.addf %div3A_415, %add3A_419 : vector<1024x64xf32>
    %div3A_421 = arith.constant 1.41421354 : f32
    %div3A_422 = vector.broadcast %div3A_421 : f32 to vector<1024x64xf32>
    %div3A_423 = arith.divf %add3A_420, %div3A_422 : vector<1024x64xf32>
    %erf3A_424 = math.erf %div3A_423 : vector<1024x64xf32>
    %add3A_425 = arith.constant 1.000000e+00 : f32
    %add3A_426 = vector.broadcast %add3A_425 : f32 to vector<1024x64xf32>
    %add3A_427 = arith.addf %erf3A_424, %add3A_426 : vector<1024x64xf32>
    %mul3A_428 = arith.mulf %add3A_420, %add3A_427 : vector<1024x64xf32>
    %div3A_429 = arith.constant 2.000000e+00 : f32
    %div3A_430 = vector.broadcast %div3A_429 : f32 to vector<1024x64xf32>
    %div3A_431 = arith.divf %mul3A_428, %div3A_430 : vector<1024x64xf32>
    %swap3A_432 = arith.constant 1 : index
    %swap3A_433 = arith.constant 0 : index
    %swap3A_434 = arith.constant 0 : index
    %swap3A_435 = vector.load %arg5[%swap3A_432, %swap3A_433, %swap3A_434] : memref<4x1024x64xf32, #tpu.memory_space<vmem>>, vector<1x1024x64xf32>
    %swap3A_436 = vector.shape_cast %swap3A_435 : vector<1x1024x64xf32> to vector<1024x64xf32>
    %swap3A_437 = vector.shape_cast %div3A_431 : vector<1024x64xf32> to vector<1x1024x64xf32>
    tpu.vector_store %arg5[%swap3A_432, %swap3A_433, %swap3A_434], %swap3A_437 {strides = array<i32>} : memref<4x1024x64xf32, #tpu.memory_space<vmem>>, vector<1x1024x64xf32>,
    %get3A_438 = arith.constant 0 : index
    %get3A_439 = vector.load %arg3[%get3A_438] : memref<64xf32, #tpu.memory_space<vmem>>, vector<64xf32>
    %broadcast_in_dim3A_440 = vector.shape_cast %get3A_439 : vector<64xf32> to vector<1x64xf32>
    %sub3A_441 = vector.broadcast %div3A_168 : vector<1x64xf32> to vector<1024x64xf32>
    %sub3A_442 = arith.subf %dot_general3A_44, %sub3A_441 : vector<1024x64xf32>
    %mul3A_443 = vector.broadcast %broadcast_in_dim3A_440 : vector<1x64xf32> to vector<1024x64xf32>
    %mul3A_444 = arith.mulf %mul3A_443, %sub3A_442 : vector<1024x64xf32>
    %div3A_445 = vector.broadcast %sqrt3A : vector<1x64xf32> to vector<1024x64xf32>
    %div3A_446 = arith.divf %mul3A_444, %div3A_445 : vector<1024x64xf32>
    %get3A_447 = arith.constant 0 : index
    %get3A_448 = vector.load %arg4[%get3A_447] : memref<64xf32, #tpu.memory_space<vmem>>, vector<64xf32>
    %broadcast_in_dim3A_449 = vector.shape_cast %get3A_448 : vector<64xf32> to vector<1x64xf32>
    %add3A_450 = vector.broadcast %broadcast_in_dim3A_449 : vector<1x64xf32> to vector<1024x64xf32>
    %add3A_451 = arith.addf %div3A_446, %add3A_450 : vector<1024x64xf32>
    %div3A_452 = arith.constant 1.41421354 : f32
    %div3A_453 = vector.broadcast %div3A_452 : f32 to vector<1024x64xf32>
    %div3A_454 = arith.divf %add3A_451, %div3A_453 : vector<1024x64xf32>
    %erf3A_455 = math.erf %div3A_454 : vector<1024x64xf32>
    %add3A_456 = arith.constant 1.000000e+00 : f32
    %add3A_457 = vector.broadcast %add3A_456 : f32 to vector<1024x64xf32>
    %add3A_458 = arith.addf %erf3A_455, %add3A_457 : vector<1024x64xf32>
    %mul3A_459 = arith.mulf %add3A_451, %add3A_458 : vector<1024x64xf32>
    %div3A_460 = arith.constant 2.000000e+00 : f32
    %div3A_461 = vector.broadcast %div3A_460 : f32 to vector<1024x64xf32>
    %div3A_462 = arith.divf %mul3A_459, %div3A_461 : vector<1024x64xf32>
    %swap3A_463 = arith.constant 2 : index
    %swap3A_464 = arith.constant 0 : index
    %swap3A_465 = arith.constant 0 : index
    %swap3A_466 = vector.load %arg5[%swap3A_463, %swap3A_464, %swap3A_465] : memref<4x1024x64xf32, #tpu.memory_space<vmem>>, vector<1x1024x64xf32>
    %swap3A_467 = vector.shape_cast %swap3A_466 : vector<1x1024x64xf32> to vector<1024x64xf32>
    %swap3A_468 = vector.shape_cast %div3A_462 : vector<1024x64xf32> to vector<1x1024x64xf32>
    tpu.vector_store %arg5[%swap3A_463, %swap3A_464, %swap3A_465], %swap3A_468 {strides = array<i32>} : memref<4x1024x64xf32, #tpu.memory_space<vmem>>, vector<1x1024x64xf32>,
    %get3A_469 = arith.constant 0 : index
    %get3A_470 = vector.load %arg3[%get3A_469] : memref<64xf32, #tpu.memory_space<vmem>>, vector<64xf32>
    %broadcast_in_dim3A_471 = vector.shape_cast %get3A_470 : vector<64xf32> to vector<1x64xf32>
    %sub3A_472 = vector.broadcast %div3A_168 : vector<1x64xf32> to vector<1024x64xf32>
    %sub3A_473 = arith.subf %dot_general3A_60, %sub3A_472 : vector<1024x64xf32>
    %mul3A_474 = vector.broadcast %broadcast_in_dim3A_471 : vector<1x64xf32> to vector<1024x64xf32>
    %mul3A_475 = arith.mulf %mul3A_474, %sub3A_473 : vector<1024x64xf32>
    %div3A_476 = vector.broadcast %sqrt3A : vector<1x64xf32> to vector<1024x64xf32>
    %div3A_477 = arith.divf %mul3A_475, %div3A_476 : vector<1024x64xf32>
    %get3A_478 = arith.constant 0 : index
    %get3A_479 = vector.load %arg4[%get3A_478] : memref<64xf32, #tpu.memory_space<vmem>>, vector<64xf32>
    %broadcast_in_dim3A_480 = vector.shape_cast %get3A_479 : vector<64xf32> to vector<1x64xf32>
    %add3A_481 = vector.broadcast %broadcast_in_dim3A_480 : vector<1x64xf32> to vector<1024x64xf32>
    %add3A_482 = arith.addf %div3A_477, %add3A_481 : vector<1024x64xf32>
    %div3A_483 = arith.constant 1.41421354 : f32
    %div3A_484 = vector.broadcast %div3A_483 : f32 to vector<1024x64xf32>
    %div3A_485 = arith.divf %add3A_482, %div3A_484 : vector<1024x64xf32>
    %erf3A_486 = math.erf %div3A_485 : vector<1024x64xf32>
    %add3A_487 = arith.constant 1.000000e+00 : f32
    %add3A_488 = vector.broadcast %add3A_487 : f32 to vector<1024x64xf32>
    %add3A_489 = arith.addf %erf3A_486, %add3A_488 : vector<1024x64xf32>
    %mul3A_490 = arith.mulf %add3A_482, %add3A_489 : vector<1024x64xf32>
    %div3A_491 = arith.constant 2.000000e+00 : f32
    %div3A_492 = vector.broadcast %div3A_491 : f32 to vector<1024x64xf32>
    %div3A_493 = arith.divf %mul3A_490, %div3A_492 : vector<1024x64xf32>
    %swap3A_494 = arith.constant 3 : index
    %swap3A_495 = arith.constant 0 : index
    %swap3A_496 = arith.constant 0 : index
    %swap3A_497 = vector.load %arg5[%swap3A_494, %swap3A_495, %swap3A_496] : memref<4x1024x64xf32, #tpu.memory_space<vmem>>, vector<1x1024x64xf32>
    %swap3A_498 = vector.shape_cast %swap3A_497 : vector<1x1024x64xf32> to vector<1024x64xf32>
    %swap3A_499 = vector.shape_cast %div3A_493 : vector<1024x64xf32> to vector<1x1024x64xf32>
    tpu.vector_store %arg5[%swap3A_494, %swap3A_495, %swap3A_496], %swap3A_499 {strides = array<i32>} : memref<4x1024x64xf32, #tpu.memory_space<vmem>>, vector<1x1024x64xf32>,
    return
  }
}

module attributes {stable_mosaic.version = 14 : i64} {
  func.func @body(%arg0: i32, %arg1: memref<1x1024x64xf32, #tpu.memory_space<vmem>>, %arg2: memref<1x1024x12xi32, #tpu.memory_space<vmem>>) attributes {dimension_semantics = [#tpu.dimension_semantics<arbitrary>], iteration_bounds = array<i64: 4>, scalar_prefetch = 0 : i64, scratch_operands = 0 : i64, tpu.core_type = #tpu.core_type<tc>, window_params = [{transform_indices = @transform_0, window_bounds = array<i64: 1, 1024, 64>}, {transform_indices = @transform_1, window_bounds = array<i64: 1, 1024, 12>}]} {
    %get3A = arith.constant 0 : index
    %get3A_0 = arith.constant 0 : index
    %get3A_1 = arith.constant 0 : index
    %get3A_2 = vector.load %arg1[%get3A, %get3A_0, %get3A_1] : memref<1x1024x64xf32, #tpu.memory_space<vmem>>, vector<1x1024x64xf32>
    %get3A_3 = vector.shape_cast %get3A_2 : vector<1x1024x64xf32> to vector<1024x64xf32>
    %mul3A = arith.mulf %get3A_3, %get3A_3 : vector<1024x64xf32>
    %reduce_sum3A = arith.constant dense<0.000000e+00> : vector<1024xf32>
    %reduce_sum3A_4 = vector.multi_reduction <add>, %mul3A, %reduce_sum3A [1] : vector<1024x64xf32> to vector<1024xf32>
    %broadcast_in_dim3A = vector.shape_cast %reduce_sum3A_4 : vector<1024xf32> to vector<1024x1xf32>
    %dot_general3A = arith.constant dense<0.000000e+00> : vector<1024x1024xf32>
    %dot_general3A_5 = tpu.matmul %get3A_3, %get3A_3, %dot_general3A {dimension_numbers = #tpu.dot_dimension_numbers<[1], [1], [0], [0], [0, 0, 1, 0], [], []>, transpose_lhs_hint = false} : vector<1024x64xf32>, vector<1024x64xf32>, vector<1024x1024xf32> -> vector<1024x1024xf32>
    %mul3A_6 = arith.constant -2.000000e+00 : f32
    %mul3A_7 = vector.broadcast %mul3A_6 : f32 to vector<1024x1024xf32>
    %mul3A_8 = arith.mulf %mul3A_7, %dot_general3A_5 : vector<1024x1024xf32>
    %neg3A = arith.constant 0.000000e+00 : f32
    %neg3A_9 = vector.broadcast %neg3A : f32 to vector<1024x1xf32>
    %neg3A_10 = arith.subf %neg3A_9, %broadcast_in_dim3A : vector<1024x1xf32>
    %sub3A = vector.broadcast %neg3A_10 : vector<1024x1xf32> to vector<1024x1024xf32>
    %sub3A_11 = arith.subf %sub3A, %mul3A_8 : vector<1024x1024xf32>
    %transpose3A = tpu.transpose %broadcast_in_dim3A, [1, 0] : vector<1024x1xf32> -> vector<1x1024xf32>
    %sub3A_12 = vector.broadcast %transpose3A : vector<1x1024xf32> to vector<1024x1024xf32>
    %sub3A_13 = arith.subf %sub3A_11, %sub3A_12 : vector<1024x1024xf32>
    %iota3A = tpu.iota {dimensions = array<i32: 1>} : vector<1024x1024xi32>
    %reduce_max3A = arith.constant dense<0xFF800000> : vector<1024xf32>
    %reduce_max3A_14 = vector.multi_reduction <maximumf>, %sub3A_13, %reduce_max3A [1] : vector<1024x1024xf32> to vector<1024xf32>
    %broadcast_in_dim3A_15 = vector.shape_cast %reduce_max3A_14 : vector<1024xf32> to vector<1024x1xf32>
    %eq3A = vector.broadcast %broadcast_in_dim3A_15 : vector<1024x1xf32> to vector<1024x1024xf32>
    %eq3A_16 = arith.cmpf oeq, %sub3A_13, %eq3A : vector<1024x1024xf32>
    %jit3A = arith.constant 1024 : i32
    %broadcast_in_dim3A_17 = vector.broadcast %jit3A : i32 to vector<1024x1024xi32>
    %select_n3A = arith.select %eq3A_16, %iota3A, %broadcast_in_dim3A_17 : vector<1024x1024xi1>, vector<1024x1024xi32>
    %reduce_min3A = arith.constant dense<2147483647> : vector<1024xi32>
    %reduce_min3A_18 = vector.multi_reduction <minsi>, %select_n3A, %reduce_min3A [1] : vector<1024x1024xi32> to vector<1024xi32>
    %broadcast_in_dim3A_19 = vector.shape_cast %reduce_min3A_18 : vector<1024xi32> to vector<1024x1xi32>
    %mul3A_20 = arith.constant 1024 : i32
    %mul3A_21 = arith.muli %arg0, %mul3A_20 : i32
    %add3A = vector.broadcast %mul3A_21 : i32 to vector<1024x1xi32>
    %add3A_22 = arith.addi %broadcast_in_dim3A_19, %add3A : vector<1024x1xi32>
    %eq3A_23 = vector.broadcast %broadcast_in_dim3A_19 : vector<1024x1xi32> to vector<1024x1024xi32>
    %eq3A_24 = arith.cmpi eq, %iota3A, %eq3A_23 : vector<1024x1024xi32>
    %jit3A_25 = arith.constant 0xFF800000 : f32
    %broadcast_in_dim3A_26 = vector.broadcast %jit3A_25 : f32 to vector<1024x1024xf32>
    %select_n3A_27 = arith.select %eq3A_24, %broadcast_in_dim3A_26, %sub3A_13 : vector<1024x1024xi1>, vector<1024x1024xf32>
    %reduce_max3A_28 = arith.constant dense<0xFF800000> : vector<1024xf32>
    %reduce_max3A_29 = vector.multi_reduction <maximumf>, %select_n3A_27, %reduce_max3A_28 [1] : vector<1024x1024xf32> to vector<1024xf32>
    %broadcast_in_dim3A_30 = vector.shape_cast %reduce_max3A_29 : vector<1024xf32> to vector<1024x1xf32>
    %eq3A_31 = vector.broadcast %broadcast_in_dim3A_30 : vector<1024x1xf32> to vector<1024x1024xf32>
    %eq3A_32 = arith.cmpf oeq, %select_n3A_27, %eq3A_31 : vector<1024x1024xf32>
    %jit3A_33 = arith.constant 1024 : i32
    %broadcast_in_dim3A_34 = vector.broadcast %jit3A_33 : i32 to vector<1024x1024xi32>
    %select_n3A_35 = arith.select %eq3A_32, %iota3A, %broadcast_in_dim3A_34 : vector<1024x1024xi1>, vector<1024x1024xi32>
    %reduce_min3A_36 = arith.constant dense<2147483647> : vector<1024xi32>
    %reduce_min3A_37 = vector.multi_reduction <minsi>, %select_n3A_35, %reduce_min3A_36 [1] : vector<1024x1024xi32> to vector<1024xi32>
    %broadcast_in_dim3A_38 = vector.shape_cast %reduce_min3A_37 : vector<1024xi32> to vector<1024x1xi32>
    %mul3A_39 = arith.constant 1024 : i32
    %mul3A_40 = arith.muli %arg0, %mul3A_39 : i32
    %add3A_41 = vector.broadcast %mul3A_40 : i32 to vector<1024x1xi32>
    %add3A_42 = arith.addi %broadcast_in_dim3A_38, %add3A_41 : vector<1024x1xi32>
    %eq3A_43 = vector.broadcast %broadcast_in_dim3A_38 : vector<1024x1xi32> to vector<1024x1024xi32>
    %eq3A_44 = arith.cmpi eq, %iota3A, %eq3A_43 : vector<1024x1024xi32>
    %jit3A_45 = arith.constant 0xFF800000 : f32
    %broadcast_in_dim3A_46 = vector.broadcast %jit3A_45 : f32 to vector<1024x1024xf32>
    %select_n3A_47 = arith.select %eq3A_44, %broadcast_in_dim3A_46, %select_n3A_27 : vector<1024x1024xi1>, vector<1024x1024xf32>
    %reduce_max3A_48 = arith.constant dense<0xFF800000> : vector<1024xf32>
    %reduce_max3A_49 = vector.multi_reduction <maximumf>, %select_n3A_47, %reduce_max3A_48 [1] : vector<1024x1024xf32> to vector<1024xf32>
    %broadcast_in_dim3A_50 = vector.shape_cast %reduce_max3A_49 : vector<1024xf32> to vector<1024x1xf32>
    %eq3A_51 = vector.broadcast %broadcast_in_dim3A_50 : vector<1024x1xf32> to vector<1024x1024xf32>
    %eq3A_52 = arith.cmpf oeq, %select_n3A_47, %eq3A_51 : vector<1024x1024xf32>
    %jit3A_53 = arith.constant 1024 : i32
    %broadcast_in_dim3A_54 = vector.broadcast %jit3A_53 : i32 to vector<1024x1024xi32>
    %select_n3A_55 = arith.select %eq3A_52, %iota3A, %broadcast_in_dim3A_54 : vector<1024x1024xi1>, vector<1024x1024xi32>
    %reduce_min3A_56 = arith.constant dense<2147483647> : vector<1024xi32>
    %reduce_min3A_57 = vector.multi_reduction <minsi>, %select_n3A_55, %reduce_min3A_56 [1] : vector<1024x1024xi32> to vector<1024xi32>
    %broadcast_in_dim3A_58 = vector.shape_cast %reduce_min3A_57 : vector<1024xi32> to vector<1024x1xi32>
    %mul3A_59 = arith.constant 1024 : i32
    %mul3A_60 = arith.muli %arg0, %mul3A_59 : i32
    %add3A_61 = vector.broadcast %mul3A_60 : i32 to vector<1024x1xi32>
    %add3A_62 = arith.addi %broadcast_in_dim3A_58, %add3A_61 : vector<1024x1xi32>
    %eq3A_63 = vector.broadcast %broadcast_in_dim3A_58 : vector<1024x1xi32> to vector<1024x1024xi32>
    %eq3A_64 = arith.cmpi eq, %iota3A, %eq3A_63 : vector<1024x1024xi32>
    %jit3A_65 = arith.constant 0xFF800000 : f32
    %broadcast_in_dim3A_66 = vector.broadcast %jit3A_65 : f32 to vector<1024x1024xf32>
    %select_n3A_67 = arith.select %eq3A_64, %broadcast_in_dim3A_66, %select_n3A_47 : vector<1024x1024xi1>, vector<1024x1024xf32>
    %reduce_max3A_68 = arith.constant dense<0xFF800000> : vector<1024xf32>
    %reduce_max3A_69 = vector.multi_reduction <maximumf>, %select_n3A_67, %reduce_max3A_68 [1] : vector<1024x1024xf32> to vector<1024xf32>
    %broadcast_in_dim3A_70 = vector.shape_cast %reduce_max3A_69 : vector<1024xf32> to vector<1024x1xf32>
    %eq3A_71 = vector.broadcast %broadcast_in_dim3A_70 : vector<1024x1xf32> to vector<1024x1024xf32>
    %eq3A_72 = arith.cmpf oeq, %select_n3A_67, %eq3A_71 : vector<1024x1024xf32>
    %jit3A_73 = arith.constant 1024 : i32
    %broadcast_in_dim3A_74 = vector.broadcast %jit3A_73 : i32 to vector<1024x1024xi32>
    %select_n3A_75 = arith.select %eq3A_72, %iota3A, %broadcast_in_dim3A_74 : vector<1024x1024xi1>, vector<1024x1024xi32>
    %reduce_min3A_76 = arith.constant dense<2147483647> : vector<1024xi32>
    %reduce_min3A_77 = vector.multi_reduction <minsi>, %select_n3A_75, %reduce_min3A_76 [1] : vector<1024x1024xi32> to vector<1024xi32>
    %broadcast_in_dim3A_78 = vector.shape_cast %reduce_min3A_77 : vector<1024xi32> to vector<1024x1xi32>
    %mul3A_79 = arith.constant 1024 : i32
    %mul3A_80 = arith.muli %arg0, %mul3A_79 : i32
    %add3A_81 = vector.broadcast %mul3A_80 : i32 to vector<1024x1xi32>
    %add3A_82 = arith.addi %broadcast_in_dim3A_78, %add3A_81 : vector<1024x1xi32>
    %eq3A_83 = vector.broadcast %broadcast_in_dim3A_78 : vector<1024x1xi32> to vector<1024x1024xi32>
    %eq3A_84 = arith.cmpi eq, %iota3A, %eq3A_83 : vector<1024x1024xi32>
    %jit3A_85 = arith.constant 0xFF800000 : f32
    %broadcast_in_dim3A_86 = vector.broadcast %jit3A_85 : f32 to vector<1024x1024xf32>
    %select_n3A_87 = arith.select %eq3A_84, %broadcast_in_dim3A_86, %select_n3A_67 : vector<1024x1024xi1>, vector<1024x1024xf32>
    %reduce_max3A_88 = arith.constant dense<0xFF800000> : vector<1024xf32>
    %reduce_max3A_89 = vector.multi_reduction <maximumf>, %select_n3A_87, %reduce_max3A_88 [1] : vector<1024x1024xf32> to vector<1024xf32>
    %broadcast_in_dim3A_90 = vector.shape_cast %reduce_max3A_89 : vector<1024xf32> to vector<1024x1xf32>
    %eq3A_91 = vector.broadcast %broadcast_in_dim3A_90 : vector<1024x1xf32> to vector<1024x1024xf32>
    %eq3A_92 = arith.cmpf oeq, %select_n3A_87, %eq3A_91 : vector<1024x1024xf32>
    %jit3A_93 = arith.constant 1024 : i32
    %broadcast_in_dim3A_94 = vector.broadcast %jit3A_93 : i32 to vector<1024x1024xi32>
    %select_n3A_95 = arith.select %eq3A_92, %iota3A, %broadcast_in_dim3A_94 : vector<1024x1024xi1>, vector<1024x1024xi32>
    %reduce_min3A_96 = arith.constant dense<2147483647> : vector<1024xi32>
    %reduce_min3A_97 = vector.multi_reduction <minsi>, %select_n3A_95, %reduce_min3A_96 [1] : vector<1024x1024xi32> to vector<1024xi32>
    %broadcast_in_dim3A_98 = vector.shape_cast %reduce_min3A_97 : vector<1024xi32> to vector<1024x1xi32>
    %mul3A_99 = arith.constant 1024 : i32
    %mul3A_100 = arith.muli %arg0, %mul3A_99 : i32
    %add3A_101 = vector.broadcast %mul3A_100 : i32 to vector<1024x1xi32>
    %add3A_102 = arith.addi %broadcast_in_dim3A_98, %add3A_101 : vector<1024x1xi32>
    %eq3A_103 = vector.broadcast %broadcast_in_dim3A_98 : vector<1024x1xi32> to vector<1024x1024xi32>
    %eq3A_104 = arith.cmpi eq, %iota3A, %eq3A_103 : vector<1024x1024xi32>
    %jit3A_105 = arith.constant 0xFF800000 : f32
    %broadcast_in_dim3A_106 = vector.broadcast %jit3A_105 : f32 to vector<1024x1024xf32>
    %select_n3A_107 = arith.select %eq3A_104, %broadcast_in_dim3A_106, %select_n3A_87 : vector<1024x1024xi1>, vector<1024x1024xf32>
    %reduce_max3A_108 = arith.constant dense<0xFF800000> : vector<1024xf32>
    %reduce_max3A_109 = vector.multi_reduction <maximumf>, %select_n3A_107, %reduce_max3A_108 [1] : vector<1024x1024xf32> to vector<1024xf32>
    %broadcast_in_dim3A_110 = vector.shape_cast %reduce_max3A_109 : vector<1024xf32> to vector<1024x1xf32>
    %eq3A_111 = vector.broadcast %broadcast_in_dim3A_110 : vector<1024x1xf32> to vector<1024x1024xf32>
    %eq3A_112 = arith.cmpf oeq, %select_n3A_107, %eq3A_111 : vector<1024x1024xf32>
    %jit3A_113 = arith.constant 1024 : i32
    %broadcast_in_dim3A_114 = vector.broadcast %jit3A_113 : i32 to vector<1024x1024xi32>
    %select_n3A_115 = arith.select %eq3A_112, %iota3A, %broadcast_in_dim3A_114 : vector<1024x1024xi1>, vector<1024x1024xi32>
    %reduce_min3A_116 = arith.constant dense<2147483647> : vector<1024xi32>
    %reduce_min3A_117 = vector.multi_reduction <minsi>, %select_n3A_115, %reduce_min3A_116 [1] : vector<1024x1024xi32> to vector<1024xi32>
    %broadcast_in_dim3A_118 = vector.shape_cast %reduce_min3A_117 : vector<1024xi32> to vector<1024x1xi32>
    %mul3A_119 = arith.constant 1024 : i32
    %mul3A_120 = arith.muli %arg0, %mul3A_119 : i32
    %add3A_121 = vector.broadcast %mul3A_120 : i32 to vector<1024x1xi32>
    %add3A_122 = arith.addi %broadcast_in_dim3A_118, %add3A_121 : vector<1024x1xi32>
    %eq3A_123 = vector.broadcast %broadcast_in_dim3A_118 : vector<1024x1xi32> to vector<1024x1024xi32>
    %eq3A_124 = arith.cmpi eq, %iota3A, %eq3A_123 : vector<1024x1024xi32>
    %jit3A_125 = arith.constant 0xFF800000 : f32
    %broadcast_in_dim3A_126 = vector.broadcast %jit3A_125 : f32 to vector<1024x1024xf32>
    %select_n3A_127 = arith.select %eq3A_124, %broadcast_in_dim3A_126, %select_n3A_107 : vector<1024x1024xi1>, vector<1024x1024xf32>
    %reduce_max3A_128 = arith.constant dense<0xFF800000> : vector<1024xf32>
    %reduce_max3A_129 = vector.multi_reduction <maximumf>, %select_n3A_127, %reduce_max3A_128 [1] : vector<1024x1024xf32> to vector<1024xf32>
    %broadcast_in_dim3A_130 = vector.shape_cast %reduce_max3A_129 : vector<1024xf32> to vector<1024x1xf32>
    %eq3A_131 = vector.broadcast %broadcast_in_dim3A_130 : vector<1024x1xf32> to vector<1024x1024xf32>
    %eq3A_132 = arith.cmpf oeq, %select_n3A_127, %eq3A_131 : vector<1024x1024xf32>
    %jit3A_133 = arith.constant 1024 : i32
    %broadcast_in_dim3A_134 = vector.broadcast %jit3A_133 : i32 to vector<1024x1024xi32>
    %select_n3A_135 = arith.select %eq3A_132, %iota3A, %broadcast_in_dim3A_134 : vector<1024x1024xi1>, vector<1024x1024xi32>
    %reduce_min3A_136 = arith.constant dense<2147483647> : vector<1024xi32>
    %reduce_min3A_137 = vector.multi_reduction <minsi>, %select_n3A_135, %reduce_min3A_136 [1] : vector<1024x1024xi32> to vector<1024xi32>
    %broadcast_in_dim3A_138 = vector.shape_cast %reduce_min3A_137 : vector<1024xi32> to vector<1024x1xi32>
    %mul3A_139 = arith.constant 1024 : i32
    %mul3A_140 = arith.muli %arg0, %mul3A_139 : i32
    %add3A_141 = vector.broadcast %mul3A_140 : i32 to vector<1024x1xi32>
    %add3A_142 = arith.addi %broadcast_in_dim3A_138, %add3A_141 : vector<1024x1xi32>
    %eq3A_143 = vector.broadcast %broadcast_in_dim3A_138 : vector<1024x1xi32> to vector<1024x1024xi32>
    %eq3A_144 = arith.cmpi eq, %iota3A, %eq3A_143 : vector<1024x1024xi32>
    %jit3A_145 = arith.constant 0xFF800000 : f32
    %broadcast_in_dim3A_146 = vector.broadcast %jit3A_145 : f32 to vector<1024x1024xf32>
    %select_n3A_147 = arith.select %eq3A_144, %broadcast_in_dim3A_146, %select_n3A_127 : vector<1024x1024xi1>, vector<1024x1024xf32>
    %reduce_max3A_148 = arith.constant dense<0xFF800000> : vector<1024xf32>
    %reduce_max3A_149 = vector.multi_reduction <maximumf>, %select_n3A_147, %reduce_max3A_148 [1] : vector<1024x1024xf32> to vector<1024xf32>
    %broadcast_in_dim3A_150 = vector.shape_cast %reduce_max3A_149 : vector<1024xf32> to vector<1024x1xf32>
    %eq3A_151 = vector.broadcast %broadcast_in_dim3A_150 : vector<1024x1xf32> to vector<1024x1024xf32>
    %eq3A_152 = arith.cmpf oeq, %select_n3A_147, %eq3A_151 : vector<1024x1024xf32>
    %jit3A_153 = arith.constant 1024 : i32
    %broadcast_in_dim3A_154 = vector.broadcast %jit3A_153 : i32 to vector<1024x1024xi32>
    %select_n3A_155 = arith.select %eq3A_152, %iota3A, %broadcast_in_dim3A_154 : vector<1024x1024xi1>, vector<1024x1024xi32>
    %reduce_min3A_156 = arith.constant dense<2147483647> : vector<1024xi32>
    %reduce_min3A_157 = vector.multi_reduction <minsi>, %select_n3A_155, %reduce_min3A_156 [1] : vector<1024x1024xi32> to vector<1024xi32>
    %broadcast_in_dim3A_158 = vector.shape_cast %reduce_min3A_157 : vector<1024xi32> to vector<1024x1xi32>
    %mul3A_159 = arith.constant 1024 : i32
    %mul3A_160 = arith.muli %arg0, %mul3A_159 : i32
    %add3A_161 = vector.broadcast %mul3A_160 : i32 to vector<1024x1xi32>
    %add3A_162 = arith.addi %broadcast_in_dim3A_158, %add3A_161 : vector<1024x1xi32>
    %eq3A_163 = vector.broadcast %broadcast_in_dim3A_158 : vector<1024x1xi32> to vector<1024x1024xi32>
    %eq3A_164 = arith.cmpi eq, %iota3A, %eq3A_163 : vector<1024x1024xi32>
    %jit3A_165 = arith.constant 0xFF800000 : f32
    %broadcast_in_dim3A_166 = vector.broadcast %jit3A_165 : f32 to vector<1024x1024xf32>
    %select_n3A_167 = arith.select %eq3A_164, %broadcast_in_dim3A_166, %select_n3A_147 : vector<1024x1024xi1>, vector<1024x1024xf32>
    %reduce_max3A_168 = arith.constant dense<0xFF800000> : vector<1024xf32>
    %reduce_max3A_169 = vector.multi_reduction <maximumf>, %select_n3A_167, %reduce_max3A_168 [1] : vector<1024x1024xf32> to vector<1024xf32>
    %broadcast_in_dim3A_170 = vector.shape_cast %reduce_max3A_169 : vector<1024xf32> to vector<1024x1xf32>
    %eq3A_171 = vector.broadcast %broadcast_in_dim3A_170 : vector<1024x1xf32> to vector<1024x1024xf32>
    %eq3A_172 = arith.cmpf oeq, %select_n3A_167, %eq3A_171 : vector<1024x1024xf32>
    %jit3A_173 = arith.constant 1024 : i32
    %broadcast_in_dim3A_174 = vector.broadcast %jit3A_173 : i32 to vector<1024x1024xi32>
    %select_n3A_175 = arith.select %eq3A_172, %iota3A, %broadcast_in_dim3A_174 : vector<1024x1024xi1>, vector<1024x1024xi32>
    %reduce_min3A_176 = arith.constant dense<2147483647> : vector<1024xi32>
    %reduce_min3A_177 = vector.multi_reduction <minsi>, %select_n3A_175, %reduce_min3A_176 [1] : vector<1024x1024xi32> to vector<1024xi32>
    %broadcast_in_dim3A_178 = vector.shape_cast %reduce_min3A_177 : vector<1024xi32> to vector<1024x1xi32>
    %mul3A_179 = arith.constant 1024 : i32
    %mul3A_180 = arith.muli %arg0, %mul3A_179 : i32
    %add3A_181 = vector.broadcast %mul3A_180 : i32 to vector<1024x1xi32>
    %add3A_182 = arith.addi %broadcast_in_dim3A_178, %add3A_181 : vector<1024x1xi32>
    %eq3A_183 = vector.broadcast %broadcast_in_dim3A_178 : vector<1024x1xi32> to vector<1024x1024xi32>
    %eq3A_184 = arith.cmpi eq, %iota3A, %eq3A_183 : vector<1024x1024xi32>
    %jit3A_185 = arith.constant 0xFF800000 : f32
    %broadcast_in_dim3A_186 = vector.broadcast %jit3A_185 : f32 to vector<1024x1024xf32>
    %select_n3A_187 = arith.select %eq3A_184, %broadcast_in_dim3A_186, %select_n3A_167 : vector<1024x1024xi1>, vector<1024x1024xf32>
    %reduce_max3A_188 = arith.constant dense<0xFF800000> : vector<1024xf32>
    %reduce_max3A_189 = vector.multi_reduction <maximumf>, %select_n3A_187, %reduce_max3A_188 [1] : vector<1024x1024xf32> to vector<1024xf32>
    %broadcast_in_dim3A_190 = vector.shape_cast %reduce_max3A_189 : vector<1024xf32> to vector<1024x1xf32>
    %eq3A_191 = vector.broadcast %broadcast_in_dim3A_190 : vector<1024x1xf32> to vector<1024x1024xf32>
    %eq3A_192 = arith.cmpf oeq, %select_n3A_187, %eq3A_191 : vector<1024x1024xf32>
    %jit3A_193 = arith.constant 1024 : i32
    %broadcast_in_dim3A_194 = vector.broadcast %jit3A_193 : i32 to vector<1024x1024xi32>
    %select_n3A_195 = arith.select %eq3A_192, %iota3A, %broadcast_in_dim3A_194 : vector<1024x1024xi1>, vector<1024x1024xi32>
    %reduce_min3A_196 = arith.constant dense<2147483647> : vector<1024xi32>
    %reduce_min3A_197 = vector.multi_reduction <minsi>, %select_n3A_195, %reduce_min3A_196 [1] : vector<1024x1024xi32> to vector<1024xi32>
    %broadcast_in_dim3A_198 = vector.shape_cast %reduce_min3A_197 : vector<1024xi32> to vector<1024x1xi32>
    %mul3A_199 = arith.constant 1024 : i32
    %mul3A_200 = arith.muli %arg0, %mul3A_199 : i32
    %add3A_201 = vector.broadcast %mul3A_200 : i32 to vector<1024x1xi32>
    %add3A_202 = arith.addi %broadcast_in_dim3A_198, %add3A_201 : vector<1024x1xi32>
    %eq3A_203 = vector.broadcast %broadcast_in_dim3A_198 : vector<1024x1xi32> to vector<1024x1024xi32>
    %eq3A_204 = arith.cmpi eq, %iota3A, %eq3A_203 : vector<1024x1024xi32>
    %jit3A_205 = arith.constant 0xFF800000 : f32
    %broadcast_in_dim3A_206 = vector.broadcast %jit3A_205 : f32 to vector<1024x1024xf32>
    %select_n3A_207 = arith.select %eq3A_204, %broadcast_in_dim3A_206, %select_n3A_187 : vector<1024x1024xi1>, vector<1024x1024xf32>
    %reduce_max3A_208 = arith.constant dense<0xFF800000> : vector<1024xf32>
    %reduce_max3A_209 = vector.multi_reduction <maximumf>, %select_n3A_207, %reduce_max3A_208 [1] : vector<1024x1024xf32> to vector<1024xf32>
    %broadcast_in_dim3A_210 = vector.shape_cast %reduce_max3A_209 : vector<1024xf32> to vector<1024x1xf32>
    %eq3A_211 = vector.broadcast %broadcast_in_dim3A_210 : vector<1024x1xf32> to vector<1024x1024xf32>
    %eq3A_212 = arith.cmpf oeq, %select_n3A_207, %eq3A_211 : vector<1024x1024xf32>
    %jit3A_213 = arith.constant 1024 : i32
    %broadcast_in_dim3A_214 = vector.broadcast %jit3A_213 : i32 to vector<1024x1024xi32>
    %select_n3A_215 = arith.select %eq3A_212, %iota3A, %broadcast_in_dim3A_214 : vector<1024x1024xi1>, vector<1024x1024xi32>
    %reduce_min3A_216 = arith.constant dense<2147483647> : vector<1024xi32>
    %reduce_min3A_217 = vector.multi_reduction <minsi>, %select_n3A_215, %reduce_min3A_216 [1] : vector<1024x1024xi32> to vector<1024xi32>
    %broadcast_in_dim3A_218 = vector.shape_cast %reduce_min3A_217 : vector<1024xi32> to vector<1024x1xi32>
    %mul3A_219 = arith.constant 1024 : i32
    %mul3A_220 = arith.muli %arg0, %mul3A_219 : i32
    %add3A_221 = vector.broadcast %mul3A_220 : i32 to vector<1024x1xi32>
    %add3A_222 = arith.addi %broadcast_in_dim3A_218, %add3A_221 : vector<1024x1xi32>
    %eq3A_223 = vector.broadcast %broadcast_in_dim3A_218 : vector<1024x1xi32> to vector<1024x1024xi32>
    %eq3A_224 = arith.cmpi eq, %iota3A, %eq3A_223 : vector<1024x1024xi32>
    %jit3A_225 = arith.constant 0xFF800000 : f32
    %broadcast_in_dim3A_226 = vector.broadcast %jit3A_225 : f32 to vector<1024x1024xf32>
    %select_n3A_227 = arith.select %eq3A_224, %broadcast_in_dim3A_226, %select_n3A_207 : vector<1024x1024xi1>, vector<1024x1024xf32>
    %reduce_max3A_228 = arith.constant dense<0xFF800000> : vector<1024xf32>
    %reduce_max3A_229 = vector.multi_reduction <maximumf>, %select_n3A_227, %reduce_max3A_228 [1] : vector<1024x1024xf32> to vector<1024xf32>
    %broadcast_in_dim3A_230 = vector.shape_cast %reduce_max3A_229 : vector<1024xf32> to vector<1024x1xf32>
    %eq3A_231 = vector.broadcast %broadcast_in_dim3A_230 : vector<1024x1xf32> to vector<1024x1024xf32>
    %eq3A_232 = arith.cmpf oeq, %select_n3A_227, %eq3A_231 : vector<1024x1024xf32>
    %jit3A_233 = arith.constant 1024 : i32
    %broadcast_in_dim3A_234 = vector.broadcast %jit3A_233 : i32 to vector<1024x1024xi32>
    %select_n3A_235 = arith.select %eq3A_232, %iota3A, %broadcast_in_dim3A_234 : vector<1024x1024xi1>, vector<1024x1024xi32>
    %reduce_min3A_236 = arith.constant dense<2147483647> : vector<1024xi32>
    %reduce_min3A_237 = vector.multi_reduction <minsi>, %select_n3A_235, %reduce_min3A_236 [1] : vector<1024x1024xi32> to vector<1024xi32>
    %broadcast_in_dim3A_238 = vector.shape_cast %reduce_min3A_237 : vector<1024xi32> to vector<1024x1xi32>
    %mul3A_239 = arith.constant 1024 : i32
    %mul3A_240 = arith.muli %arg0, %mul3A_239 : i32
    %add3A_241 = vector.broadcast %mul3A_240 : i32 to vector<1024x1xi32>
    %add3A_242 = arith.addi %broadcast_in_dim3A_238, %add3A_241 : vector<1024x1xi32>
    %concatenate3A = tpu.concatenate %add3A_22, %add3A_42, %add3A_62, %add3A_82, %add3A_102, %add3A_122, %add3A_142, %add3A_162, %add3A_182, %add3A_202, %add3A_222, %add3A_242 in 1 : vector<1024x1xi32>, vector<1024x1xi32>, vector<1024x1xi32>, vector<1024x1xi32>, vector<1024x1xi32>, vector<1024x1xi32>, vector<1024x1xi32>, vector<1024x1xi32>, vector<1024x1xi32>, vector<1024x1xi32>, vector<1024x1xi32>, vector<1024x1xi32> -> vector<1024x12xi32>
    %swap3A = arith.constant 0 : index
    %swap3A_243 = arith.constant 0 : index
    %swap3A_244 = arith.constant 0 : index
    %swap3A_245 = vector.load %arg2[%swap3A, %swap3A_243, %swap3A_244] : memref<1x1024x12xi32, #tpu.memory_space<vmem>>, vector<1x1024x12xi32>
    %swap3A_246 = vector.shape_cast %swap3A_245 : vector<1x1024x12xi32> to vector<1024x12xi32>
    %swap3A_247 = vector.shape_cast %concatenate3A : vector<1024x12xi32> to vector<1x1024x12xi32>
    tpu.vector_store %arg2[%swap3A, %swap3A_243, %swap3A_244], %swap3A_247 {strides = array<i32>} : memref<1x1024x12xi32, #tpu.memory_space<vmem>>, vector<1x1024x12xi32>,
    return
  }
  func.func @transform_0(%arg0: i32) -> (i32, i32, i32) {
    %c0_i32 = arith.constant 0 : i32
    %c0_i32_0 = arith.constant 0 : i32
    %c0_i32_1 = arith.constant 0 : i32
    return %arg0, %c0_i32, %c0_i32_0 : i32, i32, i32
  }
  func.func @transform_1(%arg0: i32) -> (i32, i32, i32) {
    %c0_i32 = arith.constant 0 : i32
    %c0_i32_0 = arith.constant 0 : i32
    %c0_i32_1 = arith.constant 0 : i32
    return %arg0, %c0_i32, %c0_i32_0 : i32, i32, i32
  }
}

module attributes {stable_mosaic.version = 14 : i64} {
  func.func @body(%arg0: memref<4x1024x64xf32, #tpu.memory_space<vmem>>, %arg1: memref<4x1024x3xf32, #tpu.memory_space<vmem>>, %arg2: memref<64x67xf32, #tpu.memory_space<vmem>>, %arg3: memref<64xf32, #tpu.memory_space<vmem>>, %arg4: memref<64xf32, #tpu.memory_space<vmem>>, %arg5: memref<4x1024x64xf32, #tpu.memory_space<vmem>>) attributes {dimension_semantics = [], scalar_prefetch = 0 : i64, scratch_operands = 0 : i64, tpu.core_type = #tpu.core_type<tc>} {
    %get3A = arith.constant 0 : index
    %get3A_0 = arith.constant 0 : index
    %get3A_1 = arith.constant 0 : index
    %get3A_2 = vector.load %arg0[%get3A, %get3A_0, %get3A_1] : memref<4x1024x64xf32, #tpu.memory_space<vmem>>, vector<1x1024x64xf32>
    %get3A_3 = vector.shape_cast %get3A_2 : vector<1x1024x64xf32> to vector<1024x64xf32>
    %get3A_4 = arith.constant 0 : index
    %get3A_5 = arith.constant 0 : index
    %get3A_6 = arith.constant 0 : index
    %get3A_7 = vector.load %arg1[%get3A_4, %get3A_5, %get3A_6] : memref<4x1024x3xf32, #tpu.memory_space<vmem>>, vector<1x1024x3xf32>
    %get3A_8 = vector.shape_cast %get3A_7 : vector<1x1024x3xf32> to vector<1024x3xf32>
    %concatenate3A = tpu.concatenate %get3A_3, %get3A_8 in 1 : vector<1024x64xf32>, vector<1024x3xf32> -> vector<1024x67xf32>
    %get3A_9 = arith.constant 0 : index
    %get3A_10 = arith.constant 0 : index
    %get3A_11 = vector.load %arg2[%get3A_9, %get3A_10] : memref<64x67xf32, #tpu.memory_space<vmem>>, vector<64x67xf32>
    %dot_general3A = arith.constant dense<0.000000e+00> : vector<1024x64xf32>
    %dot_general3A_12 = tpu.matmul %concatenate3A, %get3A_11, %dot_general3A {dimension_numbers = #tpu.dot_dimension_numbers<[1], [1], [0], [0], [0, 0, 1, 0], [], []>, transpose_lhs_hint = false} : vector<1024x67xf32>, vector<64x67xf32>, vector<1024x64xf32> -> vector<1024x64xf32>
    %get3A_13 = arith.constant 1 : index
    %get3A_14 = arith.constant 0 : index
    %get3A_15 = arith.constant 0 : index
    %get3A_16 = vector.load %arg0[%get3A_13, %get3A_14, %get3A_15] : memref<4x1024x64xf32, #tpu.memory_space<vmem>>, vector<1x1024x64xf32>
    %get3A_17 = vector.shape_cast %get3A_16 : vector<1x1024x64xf32> to vector<1024x64xf32>
    %get3A_18 = arith.constant 1 : index
    %get3A_19 = arith.constant 0 : index
    %get3A_20 = arith.constant 0 : index
    %get3A_21 = vector.load %arg1[%get3A_18, %get3A_19, %get3A_20] : memref<4x1024x3xf32, #tpu.memory_space<vmem>>, vector<1x1024x3xf32>
    %get3A_22 = vector.shape_cast %get3A_21 : vector<1x1024x3xf32> to vector<1024x3xf32>
    %concatenate3A_23 = tpu.concatenate %get3A_17, %get3A_22 in 1 : vector<1024x64xf32>, vector<1024x3xf32> -> vector<1024x67xf32>
    %get3A_24 = arith.constant 0 : index
    %get3A_25 = arith.constant 0 : index
    %get3A_26 = vector.load %arg2[%get3A_24, %get3A_25] : memref<64x67xf32, #tpu.memory_space<vmem>>, vector<64x67xf32>
    %dot_general3A_27 = arith.constant dense<0.000000e+00> : vector<1024x64xf32>
    %dot_general3A_28 = tpu.matmul %concatenate3A_23, %get3A_26, %dot_general3A_27 {dimension_numbers = #tpu.dot_dimension_numbers<[1], [1], [0], [0], [0, 0, 1, 0], [], []>, transpose_lhs_hint = false} : vector<1024x67xf32>, vector<64x67xf32>, vector<1024x64xf32> -> vector<1024x64xf32>
    %get3A_29 = arith.constant 2 : index
    %get3A_30 = arith.constant 0 : index
    %get3A_31 = arith.constant 0 : index
    %get3A_32 = vector.load %arg0[%get3A_29, %get3A_30, %get3A_31] : memref<4x1024x64xf32, #tpu.memory_space<vmem>>, vector<1x1024x64xf32>
    %get3A_33 = vector.shape_cast %get3A_32 : vector<1x1024x64xf32> to vector<1024x64xf32>
    %get3A_34 = arith.constant 2 : index
    %get3A_35 = arith.constant 0 : index
    %get3A_36 = arith.constant 0 : index
    %get3A_37 = vector.load %arg1[%get3A_34, %get3A_35, %get3A_36] : memref<4x1024x3xf32, #tpu.memory_space<vmem>>, vector<1x1024x3xf32>
    %get3A_38 = vector.shape_cast %get3A_37 : vector<1x1024x3xf32> to vector<1024x3xf32>
    %concatenate3A_39 = tpu.concatenate %get3A_33, %get3A_38 in 1 : vector<1024x64xf32>, vector<1024x3xf32> -> vector<1024x67xf32>
    %get3A_40 = arith.constant 0 : index
    %get3A_41 = arith.constant 0 : index
    %get3A_42 = vector.load %arg2[%get3A_40, %get3A_41] : memref<64x67xf32, #tpu.memory_space<vmem>>, vector<64x67xf32>
    %dot_general3A_43 = arith.constant dense<0.000000e+00> : vector<1024x64xf32>
    %dot_general3A_44 = tpu.matmul %concatenate3A_39, %get3A_42, %dot_general3A_43 {dimension_numbers = #tpu.dot_dimension_numbers<[1], [1], [0], [0], [0, 0, 1, 0], [], []>, transpose_lhs_hint = false} : vector<1024x67xf32>, vector<64x67xf32>, vector<1024x64xf32> -> vector<1024x64xf32>
    %get3A_45 = arith.constant 3 : index
    %get3A_46 = arith.constant 0 : index
    %get3A_47 = arith.constant 0 : index
    %get3A_48 = vector.load %arg0[%get3A_45, %get3A_46, %get3A_47] : memref<4x1024x64xf32, #tpu.memory_space<vmem>>, vector<1x1024x64xf32>
    %get3A_49 = vector.shape_cast %get3A_48 : vector<1x1024x64xf32> to vector<1024x64xf32>
    %get3A_50 = arith.constant 3 : index
    %get3A_51 = arith.constant 0 : index
    %get3A_52 = arith.constant 0 : index
    %get3A_53 = vector.load %arg1[%get3A_50, %get3A_51, %get3A_52] : memref<4x1024x3xf32, #tpu.memory_space<vmem>>, vector<1x1024x3xf32>
    %get3A_54 = vector.shape_cast %get3A_53 : vector<1x1024x3xf32> to vector<1024x3xf32>
    %concatenate3A_55 = tpu.concatenate %get3A_49, %get3A_54 in 1 : vector<1024x64xf32>, vector<1024x3xf32> -> vector<1024x67xf32>
    %get3A_56 = arith.constant 0 : index
    %get3A_57 = arith.constant 0 : index
    %get3A_58 = vector.load %arg2[%get3A_56, %get3A_57] : memref<64x67xf32, #tpu.memory_space<vmem>>, vector<64x67xf32>
    %dot_general3A_59 = arith.constant dense<0.000000e+00> : vector<1024x64xf32>
    %dot_general3A_60 = tpu.matmul %concatenate3A_55, %get3A_58, %dot_general3A_59 {dimension_numbers = #tpu.dot_dimension_numbers<[1], [1], [0], [0], [0, 0, 1, 0], [], []>, transpose_lhs_hint = false} : vector<1024x67xf32>, vector<64x67xf32>, vector<1024x64xf32> -> vector<1024x64xf32>
    %broadcast_in_dim3A = arith.constant 0.000000e+00 : f32
    %broadcast_in_dim3A_61 = vector.broadcast %broadcast_in_dim3A : f32 to vector<128x64xf32>
    %slice3A = vector.extract_strided_slice %dot_general3A_12 {offsets = [0, 0], sizes = [128, 64], strides = [1, 1]} : vector<1024x64xf32> to vector<128x64xf32>
    %add3A = arith.addf %broadcast_in_dim3A_61, %slice3A : vector<128x64xf32>
    %slice3A_62 = vector.extract_strided_slice %dot_general3A_28 {offsets = [0, 0], sizes = [128, 64], strides = [1, 1]} : vector<1024x64xf32> to vector<128x64xf32>
    %add3A_63 = arith.addf %add3A, %slice3A_62 : vector<128x64xf32>
    %slice3A_64 = vector.extract_strided_slice %dot_general3A_44 {offsets = [0, 0], sizes = [128, 64], strides = [1, 1]} : vector<1024x64xf32> to vector<128x64xf32>
    %add3A_65 = arith.addf %add3A_63, %slice3A_64 : vector<128x64xf32>
    %slice3A_66 = vector.extract_strided_slice %dot_general3A_60 {offsets = [0, 0], sizes = [128, 64], strides = [1, 1]} : vector<1024x64xf32> to vector<128x64xf32>
    %add3A_67 = arith.addf %add3A_65, %slice3A_66 : vector<128x64xf32>
    %slice3A_68 = vector.extract_strided_slice %dot_general3A_12 {offsets = [128, 0], sizes = [128, 64], strides = [1, 1]} : vector<1024x64xf32> to vector<128x64xf32>
    %add3A_69 = arith.addf %add3A_67, %slice3A_68 : vector<128x64xf32>
    %slice3A_70 = vector.extract_strided_slice %dot_general3A_28 {offsets = [128, 0], sizes = [128, 64], strides = [1, 1]} : vector<1024x64xf32> to vector<128x64xf32>
    %add3A_71 = arith.addf %add3A_69, %slice3A_70 : vector<128x64xf32>
    %slice3A_72 = vector.extract_strided_slice %dot_general3A_44 {offsets = [128, 0], sizes = [128, 64], strides = [1, 1]} : vector<1024x64xf32> to vector<128x64xf32>
    %add3A_73 = arith.addf %add3A_71, %slice3A_72 : vector<128x64xf32>
    %slice3A_74 = vector.extract_strided_slice %dot_general3A_60 {offsets = [128, 0], sizes = [128, 64], strides = [1, 1]} : vector<1024x64xf32> to vector<128x64xf32>
    %add3A_75 = arith.addf %add3A_73, %slice3A_74 : vector<128x64xf32>
    %slice3A_76 = vector.extract_strided_slice %dot_general3A_12 {offsets = [256, 0], sizes = [128, 64], strides = [1, 1]} : vector<1024x64xf32> to vector<128x64xf32>
    %add3A_77 = arith.addf %add3A_75, %slice3A_76 : vector<128x64xf32>
    %slice3A_78 = vector.extract_strided_slice %dot_general3A_28 {offsets = [256, 0], sizes = [128, 64], strides = [1, 1]} : vector<1024x64xf32> to vector<128x64xf32>
    %add3A_79 = arith.addf %add3A_77, %slice3A_78 : vector<128x64xf32>
    %slice3A_80 = vector.extract_strided_slice %dot_general3A_44 {offsets = [256, 0], sizes = [128, 64], strides = [1, 1]} : vector<1024x64xf32> to vector<128x64xf32>
    %add3A_81 = arith.addf %add3A_79, %slice3A_80 : vector<128x64xf32>
    %slice3A_82 = vector.extract_strided_slice %dot_general3A_60 {offsets = [256, 0], sizes = [128, 64], strides = [1, 1]} : vector<1024x64xf32> to vector<128x64xf32>
    %add3A_83 = arith.addf %add3A_81, %slice3A_82 : vector<128x64xf32>
    %slice3A_84 = vector.extract_strided_slice %dot_general3A_12 {offsets = [384, 0], sizes = [128, 64], strides = [1, 1]} : vector<1024x64xf32> to vector<128x64xf32>
    %add3A_85 = arith.addf %add3A_83, %slice3A_84 : vector<128x64xf32>
    %slice3A_86 = vector.extract_strided_slice %dot_general3A_28 {offsets = [384, 0], sizes = [128, 64], strides = [1, 1]} : vector<1024x64xf32> to vector<128x64xf32>
    %add3A_87 = arith.addf %add3A_85, %slice3A_86 : vector<128x64xf32>
    %slice3A_88 = vector.extract_strided_slice %dot_general3A_44 {offsets = [384, 0], sizes = [128, 64], strides = [1, 1]} : vector<1024x64xf32> to vector<128x64xf32>
    %add3A_89 = arith.addf %add3A_87, %slice3A_88 : vector<128x64xf32>
    %slice3A_90 = vector.extract_strided_slice %dot_general3A_60 {offsets = [384, 0], sizes = [128, 64], strides = [1, 1]} : vector<1024x64xf32> to vector<128x64xf32>
    %add3A_91 = arith.addf %add3A_89, %slice3A_90 : vector<128x64xf32>
    %slice3A_92 = vector.extract_strided_slice %dot_general3A_12 {offsets = [512, 0], sizes = [128, 64], strides = [1, 1]} : vector<1024x64xf32> to vector<128x64xf32>
    %add3A_93 = arith.addf %add3A_91, %slice3A_92 : vector<128x64xf32>
    %slice3A_94 = vector.extract_strided_slice %dot_general3A_28 {offsets = [512, 0], sizes = [128, 64], strides = [1, 1]} : vector<1024x64xf32> to vector<128x64xf32>
    %add3A_95 = arith.addf %add3A_93, %slice3A_94 : vector<128x64xf32>
    %slice3A_96 = vector.extract_strided_slice %dot_general3A_44 {offsets = [512, 0], sizes = [128, 64], strides = [1, 1]} : vector<1024x64xf32> to vector<128x64xf32>
    %add3A_97 = arith.addf %add3A_95, %slice3A_96 : vector<128x64xf32>
    %slice3A_98 = vector.extract_strided_slice %dot_general3A_60 {offsets = [512, 0], sizes = [128, 64], strides = [1, 1]} : vector<1024x64xf32> to vector<128x64xf32>
    %add3A_99 = arith.addf %add3A_97, %slice3A_98 : vector<128x64xf32>
    %slice3A_100 = vector.extract_strided_slice %dot_general3A_12 {offsets = [640, 0], sizes = [128, 64], strides = [1, 1]} : vector<1024x64xf32> to vector<128x64xf32>
    %add3A_101 = arith.addf %add3A_99, %slice3A_100 : vector<128x64xf32>
    %slice3A_102 = vector.extract_strided_slice %dot_general3A_28 {offsets = [640, 0], sizes = [128, 64], strides = [1, 1]} : vector<1024x64xf32> to vector<128x64xf32>
    %add3A_103 = arith.addf %add3A_101, %slice3A_102 : vector<128x64xf32>
    %slice3A_104 = vector.extract_strided_slice %dot_general3A_44 {offsets = [640, 0], sizes = [128, 64], strides = [1, 1]} : vector<1024x64xf32> to vector<128x64xf32>
    %add3A_105 = arith.addf %add3A_103, %slice3A_104 : vector<128x64xf32>
    %slice3A_106 = vector.extract_strided_slice %dot_general3A_60 {offsets = [640, 0], sizes = [128, 64], strides = [1, 1]} : vector<1024x64xf32> to vector<128x64xf32>
    %add3A_107 = arith.addf %add3A_105, %slice3A_106 : vector<128x64xf32>
    %slice3A_108 = vector.extract_strided_slice %dot_general3A_12 {offsets = [768, 0], sizes = [128, 64], strides = [1, 1]} : vector<1024x64xf32> to vector<128x64xf32>
    %add3A_109 = arith.addf %add3A_107, %slice3A_108 : vector<128x64xf32>
    %slice3A_110 = vector.extract_strided_slice %dot_general3A_28 {offsets = [768, 0], sizes = [128, 64], strides = [1, 1]} : vector<1024x64xf32> to vector<128x64xf32>
    %add3A_111 = arith.addf %add3A_109, %slice3A_110 : vector<128x64xf32>
    %slice3A_112 = vector.extract_strided_slice %dot_general3A_44 {offsets = [768, 0], sizes = [128, 64], strides = [1, 1]} : vector<1024x64xf32> to vector<128x64xf32>
    %add3A_113 = arith.addf %add3A_111, %slice3A_112 : vector<128x64xf32>
    %slice3A_114 = vector.extract_strided_slice %dot_general3A_60 {offsets = [768, 0], sizes = [128, 64], strides = [1, 1]} : vector<1024x64xf32> to vector<128x64xf32>
    %add3A_115 = arith.addf %add3A_113, %slice3A_114 : vector<128x64xf32>
    %slice3A_116 = vector.extract_strided_slice %dot_general3A_12 {offsets = [896, 0], sizes = [128, 64], strides = [1, 1]} : vector<1024x64xf32> to vector<128x64xf32>
    %add3A_117 = arith.addf %add3A_115, %slice3A_116 : vector<128x64xf32>
    %slice3A_118 = vector.extract_strided_slice %dot_general3A_28 {offsets = [896, 0], sizes = [128, 64], strides = [1, 1]} : vector<1024x64xf32> to vector<128x64xf32>
    %add3A_119 = arith.addf %add3A_117, %slice3A_118 : vector<128x64xf32>
    %slice3A_120 = vector.extract_strided_slice %dot_general3A_44 {offsets = [896, 0], sizes = [128, 64], strides = [1, 1]} : vector<1024x64xf32> to vector<128x64xf32>
    %add3A_121 = arith.addf %add3A_119, %slice3A_120 : vector<128x64xf32>
    %slice3A_122 = vector.extract_strided_slice %dot_general3A_60 {offsets = [896, 0], sizes = [128, 64], strides = [1, 1]} : vector<1024x64xf32> to vector<128x64xf32>
    %add3A_123 = arith.addf %add3A_121, %slice3A_122 : vector<128x64xf32>
    %broadcast_in_dim3A_124 = arith.constant 0.000000e+00 : f32
    %broadcast_in_dim3A_125 = vector.broadcast %broadcast_in_dim3A_124 : f32 to vector<8x64xf32>
    %slice3A_126 = vector.extract_strided_slice %add3A_123 {offsets = [0, 0], sizes = [8, 64], strides = [1, 1]} : vector<128x64xf32> to vector<8x64xf32>
    %add3A_127 = arith.addf %broadcast_in_dim3A_125, %slice3A_126 : vector<8x64xf32>
    %slice3A_128 = vector.extract_strided_slice %add3A_123 {offsets = [8, 0], sizes = [8, 64], strides = [1, 1]} : vector<128x64xf32> to vector<8x64xf32>
    %add3A_129 = arith.addf %add3A_127, %slice3A_128 : vector<8x64xf32>
    %slice3A_130 = vector.extract_strided_slice %add3A_123 {offsets = [16, 0], sizes = [8, 64], strides = [1, 1]} : vector<128x64xf32> to vector<8x64xf32>
    %add3A_131 = arith.addf %add3A_129, %slice3A_130 : vector<8x64xf32>
    %slice3A_132 = vector.extract_strided_slice %add3A_123 {offsets = [24, 0], sizes = [8, 64], strides = [1, 1]} : vector<128x64xf32> to vector<8x64xf32>
    %add3A_133 = arith.addf %add3A_131, %slice3A_132 : vector<8x64xf32>
    %slice3A_134 = vector.extract_strided_slice %add3A_123 {offsets = [32, 0], sizes = [8, 64], strides = [1, 1]} : vector<128x64xf32> to vector<8x64xf32>
    %add3A_135 = arith.addf %add3A_133, %slice3A_134 : vector<8x64xf32>
    %slice3A_136 = vector.extract_strided_slice %add3A_123 {offsets = [40, 0], sizes = [8, 64], strides = [1, 1]} : vector<128x64xf32> to vector<8x64xf32>
    %add3A_137 = arith.addf %add3A_135, %slice3A_136 : vector<8x64xf32>
    %slice3A_138 = vector.extract_strided_slice %add3A_123 {offsets = [48, 0], sizes = [8, 64], strides = [1, 1]} : vector<128x64xf32> to vector<8x64xf32>
    %add3A_139 = arith.addf %add3A_137, %slice3A_138 : vector<8x64xf32>
    %slice3A_140 = vector.extract_strided_slice %add3A_123 {offsets = [56, 0], sizes = [8, 64], strides = [1, 1]} : vector<128x64xf32> to vector<8x64xf32>
    %add3A_141 = arith.addf %add3A_139, %slice3A_140 : vector<8x64xf32>
    %slice3A_142 = vector.extract_strided_slice %add3A_123 {offsets = [64, 0], sizes = [8, 64], strides = [1, 1]} : vector<128x64xf32> to vector<8x64xf32>
    %add3A_143 = arith.addf %add3A_141, %slice3A_142 : vector<8x64xf32>
    %slice3A_144 = vector.extract_strided_slice %add3A_123 {offsets = [72, 0], sizes = [8, 64], strides = [1, 1]} : vector<128x64xf32> to vector<8x64xf32>
    %add3A_145 = arith.addf %add3A_143, %slice3A_144 : vector<8x64xf32>
    %slice3A_146 = vector.extract_strided_slice %add3A_123 {offsets = [80, 0], sizes = [8, 64], strides = [1, 1]} : vector<128x64xf32> to vector<8x64xf32>
    %add3A_147 = arith.addf %add3A_145, %slice3A_146 : vector<8x64xf32>
    %slice3A_148 = vector.extract_strided_slice %add3A_123 {offsets = [88, 0], sizes = [8, 64], strides = [1, 1]} : vector<128x64xf32> to vector<8x64xf32>
    %add3A_149 = arith.addf %add3A_147, %slice3A_148 : vector<8x64xf32>
    %slice3A_150 = vector.extract_strided_slice %add3A_123 {offsets = [96, 0], sizes = [8, 64], strides = [1, 1]} : vector<128x64xf32> to vector<8x64xf32>
    %add3A_151 = arith.addf %add3A_149, %slice3A_150 : vector<8x64xf32>
    %slice3A_152 = vector.extract_strided_slice %add3A_123 {offsets = [104, 0], sizes = [8, 64], strides = [1, 1]} : vector<128x64xf32> to vector<8x64xf32>
    %add3A_153 = arith.addf %add3A_151, %slice3A_152 : vector<8x64xf32>
    %slice3A_154 = vector.extract_strided_slice %add3A_123 {offsets = [112, 0], sizes = [8, 64], strides = [1, 1]} : vector<128x64xf32> to vector<8x64xf32>
    %add3A_155 = arith.addf %add3A_153, %slice3A_154 : vector<8x64xf32>
    %slice3A_156 = vector.extract_strided_slice %add3A_123 {offsets = [120, 0], sizes = [8, 64], strides = [1, 1]} : vector<128x64xf32> to vector<8x64xf32>
    %add3A_157 = arith.addf %add3A_155, %slice3A_156 : vector<8x64xf32>
    %slice3A_158 = vector.extract_strided_slice %add3A_157 {offsets = [0, 0], sizes = [4, 64], strides = [1, 1]} : vector<8x64xf32> to vector<4x64xf32>
    %slice3A_159 = vector.extract_strided_slice %add3A_157 {offsets = [4, 0], sizes = [4, 64], strides = [1, 1]} : vector<8x64xf32> to vector<4x64xf32>
    %add3A_160 = arith.addf %slice3A_158, %slice3A_159 : vector<4x64xf32>
    %slice3A_161 = vector.extract_strided_slice %add3A_160 {offsets = [0, 0], sizes = [2, 64], strides = [1, 1]} : vector<4x64xf32> to vector<2x64xf32>
    %slice3A_162 = vector.extract_strided_slice %add3A_160 {offsets = [2, 0], sizes = [2, 64], strides = [1, 1]} : vector<4x64xf32> to vector<2x64xf32>
    %add3A_163 = arith.addf %slice3A_161, %slice3A_162 : vector<2x64xf32>
    %slice3A_164 = vector.extract_strided_slice %add3A_163 {offsets = [0, 0], sizes = [1, 64], strides = [1, 1]} : vector<2x64xf32> to vector<1x64xf32>
    %slice3A_165 = vector.extract_strided_slice %add3A_163 {offsets = [1, 0], sizes = [1, 64], strides = [1, 1]} : vector<2x64xf32> to vector<1x64xf32>
    %add3A_166 = arith.addf %slice3A_164, %slice3A_165 : vector<1x64xf32>
    %div3A = arith.constant 4.096000e+03 : f32
    %div3A_167 = vector.broadcast %div3A : f32 to vector<1x64xf32>
    %div3A_168 = arith.divf %add3A_166, %div3A_167 : vector<1x64xf32>
    %broadcast_in_dim3A_169 = arith.constant 0.000000e+00 : f32
    %broadcast_in_dim3A_170 = vector.broadcast %broadcast_in_dim3A_169 : f32 to vector<128x64xf32>
    %slice3A_171 = vector.extract_strided_slice %dot_general3A_12 {offsets = [0, 0], sizes = [128, 64], strides = [1, 1]} : vector<1024x64xf32> to vector<128x64xf32>
    %sub3A = vector.broadcast %div3A_168 : vector<1x64xf32> to vector<128x64xf32>
    %sub3A_172 = arith.subf %slice3A_171, %sub3A : vector<128x64xf32>
    %mul3A = arith.mulf %sub3A_172, %sub3A_172 : vector<128x64xf32>
    %add3A_173 = arith.addf %broadcast_in_dim3A_170, %mul3A : vector<128x64xf32>
    %slice3A_174 = vector.extract_strided_slice %dot_general3A_28 {offsets = [0, 0], sizes = [128, 64], strides = [1, 1]} : vector<1024x64xf32> to vector<128x64xf32>
    %sub3A_175 = vector.broadcast %div3A_168 : vector<1x64xf32> to vector<128x64xf32>
    %sub3A_176 = arith.subf %slice3A_174, %sub3A_175 : vector<128x64xf32>
    %mul3A_177 = arith.mulf %sub3A_176, %sub3A_176 : vector<128x64xf32>
    %add3A_178 = arith.addf %add3A_173, %mul3A_177 : vector<128x64xf32>
    %slice3A_179 = vector.extract_strided_slice %dot_general3A_44 {offsets = [0, 0], sizes = [128, 64], strides = [1, 1]} : vector<1024x64xf32> to vector<128x64xf32>
    %sub3A_180 = vector.broadcast %div3A_168 : vector<1x64xf32> to vector<128x64xf32>
    %sub3A_181 = arith.subf %slice3A_179, %sub3A_180 : vector<128x64xf32>
    %mul3A_182 = arith.mulf %sub3A_181, %sub3A_181 : vector<128x64xf32>
    %add3A_183 = arith.addf %add3A_178, %mul3A_182 : vector<128x64xf32>
    %slice3A_184 = vector.extract_strided_slice %dot_general3A_60 {offsets = [0, 0], sizes = [128, 64], strides = [1, 1]} : vector<1024x64xf32> to vector<128x64xf32>
    %sub3A_185 = vector.broadcast %div3A_168 : vector<1x64xf32> to vector<128x64xf32>
    %sub3A_186 = arith.subf %slice3A_184, %sub3A_185 : vector<128x64xf32>
    %mul3A_187 = arith.mulf %sub3A_186, %sub3A_186 : vector<128x64xf32>
    %add3A_188 = arith.addf %add3A_183, %mul3A_187 : vector<128x64xf32>
    %slice3A_189 = vector.extract_strided_slice %dot_general3A_12 {offsets = [128, 0], sizes = [128, 64], strides = [1, 1]} : vector<1024x64xf32> to vector<128x64xf32>
    %sub3A_190 = vector.broadcast %div3A_168 : vector<1x64xf32> to vector<128x64xf32>
    %sub3A_191 = arith.subf %slice3A_189, %sub3A_190 : vector<128x64xf32>
    %mul3A_192 = arith.mulf %sub3A_191, %sub3A_191 : vector<128x64xf32>
    %add3A_193 = arith.addf %add3A_188, %mul3A_192 : vector<128x64xf32>
    %slice3A_194 = vector.extract_strided_slice %dot_general3A_28 {offsets = [128, 0], sizes = [128, 64], strides = [1, 1]} : vector<1024x64xf32> to vector<128x64xf32>
    %sub3A_195 = vector.broadcast %div3A_168 : vector<1x64xf32> to vector<128x64xf32>
    %sub3A_196 = arith.subf %slice3A_194, %sub3A_195 : vector<128x64xf32>
    %mul3A_197 = arith.mulf %sub3A_196, %sub3A_196 : vector<128x64xf32>
    %add3A_198 = arith.addf %add3A_193, %mul3A_197 : vector<128x64xf32>
    %slice3A_199 = vector.extract_strided_slice %dot_general3A_44 {offsets = [128, 0], sizes = [128, 64], strides = [1, 1]} : vector<1024x64xf32> to vector<128x64xf32>
    %sub3A_200 = vector.broadcast %div3A_168 : vector<1x64xf32> to vector<128x64xf32>
    %sub3A_201 = arith.subf %slice3A_199, %sub3A_200 : vector<128x64xf32>
    %mul3A_202 = arith.mulf %sub3A_201, %sub3A_201 : vector<128x64xf32>
    %add3A_203 = arith.addf %add3A_198, %mul3A_202 : vector<128x64xf32>
    %slice3A_204 = vector.extract_strided_slice %dot_general3A_60 {offsets = [128, 0], sizes = [128, 64], strides = [1, 1]} : vector<1024x64xf32> to vector<128x64xf32>
    %sub3A_205 = vector.broadcast %div3A_168 : vector<1x64xf32> to vector<128x64xf32>
    %sub3A_206 = arith.subf %slice3A_204, %sub3A_205 : vector<128x64xf32>
    %mul3A_207 = arith.mulf %sub3A_206, %sub3A_206 : vector<128x64xf32>
    %add3A_208 = arith.addf %add3A_203, %mul3A_207 : vector<128x64xf32>
    %slice3A_209 = vector.extract_strided_slice %dot_general3A_12 {offsets = [256, 0], sizes = [128, 64], strides = [1, 1]} : vector<1024x64xf32> to vector<128x64xf32>
    %sub3A_210 = vector.broadcast %div3A_168 : vector<1x64xf32> to vector<128x64xf32>
    %sub3A_211 = arith.subf %slice3A_209, %sub3A_210 : vector<128x64xf32>
    %mul3A_212 = arith.mulf %sub3A_211, %sub3A_211 : vector<128x64xf32>
    %add3A_213 = arith.addf %add3A_208, %mul3A_212 : vector<128x64xf32>
    %slice3A_214 = vector.extract_strided_slice %dot_general3A_28 {offsets = [256, 0], sizes = [128, 64], strides = [1, 1]} : vector<1024x64xf32> to vector<128x64xf32>
    %sub3A_215 = vector.broadcast %div3A_168 : vector<1x64xf32> to vector<128x64xf32>
    %sub3A_216 = arith.subf %slice3A_214, %sub3A_215 : vector<128x64xf32>
    %mul3A_217 = arith.mulf %sub3A_216, %sub3A_216 : vector<128x64xf32>
    %add3A_218 = arith.addf %add3A_213, %mul3A_217 : vector<128x64xf32>
    %slice3A_219 = vector.extract_strided_slice %dot_general3A_44 {offsets = [256, 0], sizes = [128, 64], strides = [1, 1]} : vector<1024x64xf32> to vector<128x64xf32>
    %sub3A_220 = vector.broadcast %div3A_168 : vector<1x64xf32> to vector<128x64xf32>
    %sub3A_221 = arith.subf %slice3A_219, %sub3A_220 : vector<128x64xf32>
    %mul3A_222 = arith.mulf %sub3A_221, %sub3A_221 : vector<128x64xf32>
    %add3A_223 = arith.addf %add3A_218, %mul3A_222 : vector<128x64xf32>
    %slice3A_224 = vector.extract_strided_slice %dot_general3A_60 {offsets = [256, 0], sizes = [128, 64], strides = [1, 1]} : vector<1024x64xf32> to vector<128x64xf32>
    %sub3A_225 = vector.broadcast %div3A_168 : vector<1x64xf32> to vector<128x64xf32>
    %sub3A_226 = arith.subf %slice3A_224, %sub3A_225 : vector<128x64xf32>
    %mul3A_227 = arith.mulf %sub3A_226, %sub3A_226 : vector<128x64xf32>
    %add3A_228 = arith.addf %add3A_223, %mul3A_227 : vector<128x64xf32>
    %slice3A_229 = vector.extract_strided_slice %dot_general3A_12 {offsets = [384, 0], sizes = [128, 64], strides = [1, 1]} : vector<1024x64xf32> to vector<128x64xf32>
    %sub3A_230 = vector.broadcast %div3A_168 : vector<1x64xf32> to vector<128x64xf32>
    %sub3A_231 = arith.subf %slice3A_229, %sub3A_230 : vector<128x64xf32>
    %mul3A_232 = arith.mulf %sub3A_231, %sub3A_231 : vector<128x64xf32>
    %add3A_233 = arith.addf %add3A_228, %mul3A_232 : vector<128x64xf32>
    %slice3A_234 = vector.extract_strided_slice %dot_general3A_28 {offsets = [384, 0], sizes = [128, 64], strides = [1, 1]} : vector<1024x64xf32> to vector<128x64xf32>
    %sub3A_235 = vector.broadcast %div3A_168 : vector<1x64xf32> to vector<128x64xf32>
    %sub3A_236 = arith.subf %slice3A_234, %sub3A_235 : vector<128x64xf32>
    %mul3A_237 = arith.mulf %sub3A_236, %sub3A_236 : vector<128x64xf32>
    %add3A_238 = arith.addf %add3A_233, %mul3A_237 : vector<128x64xf32>
    %slice3A_239 = vector.extract_strided_slice %dot_general3A_44 {offsets = [384, 0], sizes = [128, 64], strides = [1, 1]} : vector<1024x64xf32> to vector<128x64xf32>
    %sub3A_240 = vector.broadcast %div3A_168 : vector<1x64xf32> to vector<128x64xf32>
    %sub3A_241 = arith.subf %slice3A_239, %sub3A_240 : vector<128x64xf32>
    %mul3A_242 = arith.mulf %sub3A_241, %sub3A_241 : vector<128x64xf32>
    %add3A_243 = arith.addf %add3A_238, %mul3A_242 : vector<128x64xf32>
    %slice3A_244 = vector.extract_strided_slice %dot_general3A_60 {offsets = [384, 0], sizes = [128, 64], strides = [1, 1]} : vector<1024x64xf32> to vector<128x64xf32>
    %sub3A_245 = vector.broadcast %div3A_168 : vector<1x64xf32> to vector<128x64xf32>
    %sub3A_246 = arith.subf %slice3A_244, %sub3A_245 : vector<128x64xf32>
    %mul3A_247 = arith.mulf %sub3A_246, %sub3A_246 : vector<128x64xf32>
    %add3A_248 = arith.addf %add3A_243, %mul3A_247 : vector<128x64xf32>
    %slice3A_249 = vector.extract_strided_slice %dot_general3A_12 {offsets = [512, 0], sizes = [128, 64], strides = [1, 1]} : vector<1024x64xf32> to vector<128x64xf32>
    %sub3A_250 = vector.broadcast %div3A_168 : vector<1x64xf32> to vector<128x64xf32>
    %sub3A_251 = arith.subf %slice3A_249, %sub3A_250 : vector<128x64xf32>
    %mul3A_252 = arith.mulf %sub3A_251, %sub3A_251 : vector<128x64xf32>
    %add3A_253 = arith.addf %add3A_248, %mul3A_252 : vector<128x64xf32>
    %slice3A_254 = vector.extract_strided_slice %dot_general3A_28 {offsets = [512, 0], sizes = [128, 64], strides = [1, 1]} : vector<1024x64xf32> to vector<128x64xf32>
    %sub3A_255 = vector.broadcast %div3A_168 : vector<1x64xf32> to vector<128x64xf32>
    %sub3A_256 = arith.subf %slice3A_254, %sub3A_255 : vector<128x64xf32>
    %mul3A_257 = arith.mulf %sub3A_256, %sub3A_256 : vector<128x64xf32>
    %add3A_258 = arith.addf %add3A_253, %mul3A_257 : vector<128x64xf32>
    %slice3A_259 = vector.extract_strided_slice %dot_general3A_44 {offsets = [512, 0], sizes = [128, 64], strides = [1, 1]} : vector<1024x64xf32> to vector<128x64xf32>
    %sub3A_260 = vector.broadcast %div3A_168 : vector<1x64xf32> to vector<128x64xf32>
    %sub3A_261 = arith.subf %slice3A_259, %sub3A_260 : vector<128x64xf32>
    %mul3A_262 = arith.mulf %sub3A_261, %sub3A_261 : vector<128x64xf32>
    %add3A_263 = arith.addf %add3A_258, %mul3A_262 : vector<128x64xf32>
    %slice3A_264 = vector.extract_strided_slice %dot_general3A_60 {offsets = [512, 0], sizes = [128, 64], strides = [1, 1]} : vector<1024x64xf32> to vector<128x64xf32>
    %sub3A_265 = vector.broadcast %div3A_168 : vector<1x64xf32> to vector<128x64xf32>
    %sub3A_266 = arith.subf %slice3A_264, %sub3A_265 : vector<128x64xf32>
    %mul3A_267 = arith.mulf %sub3A_266, %sub3A_266 : vector<128x64xf32>
    %add3A_268 = arith.addf %add3A_263, %mul3A_267 : vector<128x64xf32>
    %slice3A_269 = vector.extract_strided_slice %dot_general3A_12 {offsets = [640, 0], sizes = [128, 64], strides = [1, 1]} : vector<1024x64xf32> to vector<128x64xf32>
    %sub3A_270 = vector.broadcast %div3A_168 : vector<1x64xf32> to vector<128x64xf32>
    %sub3A_271 = arith.subf %slice3A_269, %sub3A_270 : vector<128x64xf32>
    %mul3A_272 = arith.mulf %sub3A_271, %sub3A_271 : vector<128x64xf32>
    %add3A_273 = arith.addf %add3A_268, %mul3A_272 : vector<128x64xf32>
    %slice3A_274 = vector.extract_strided_slice %dot_general3A_28 {offsets = [640, 0], sizes = [128, 64], strides = [1, 1]} : vector<1024x64xf32> to vector<128x64xf32>
    %sub3A_275 = vector.broadcast %div3A_168 : vector<1x64xf32> to vector<128x64xf32>
    %sub3A_276 = arith.subf %slice3A_274, %sub3A_275 : vector<128x64xf32>
    %mul3A_277 = arith.mulf %sub3A_276, %sub3A_276 : vector<128x64xf32>
    %add3A_278 = arith.addf %add3A_273, %mul3A_277 : vector<128x64xf32>
    %slice3A_279 = vector.extract_strided_slice %dot_general3A_44 {offsets = [640, 0], sizes = [128, 64], strides = [1, 1]} : vector<1024x64xf32> to vector<128x64xf32>
    %sub3A_280 = vector.broadcast %div3A_168 : vector<1x64xf32> to vector<128x64xf32>
    %sub3A_281 = arith.subf %slice3A_279, %sub3A_280 : vector<128x64xf32>
    %mul3A_282 = arith.mulf %sub3A_281, %sub3A_281 : vector<128x64xf32>
    %add3A_283 = arith.addf %add3A_278, %mul3A_282 : vector<128x64xf32>
    %slice3A_284 = vector.extract_strided_slice %dot_general3A_60 {offsets = [640, 0], sizes = [128, 64], strides = [1, 1]} : vector<1024x64xf32> to vector<128x64xf32>
    %sub3A_285 = vector.broadcast %div3A_168 : vector<1x64xf32> to vector<128x64xf32>
    %sub3A_286 = arith.subf %slice3A_284, %sub3A_285 : vector<128x64xf32>
    %mul3A_287 = arith.mulf %sub3A_286, %sub3A_286 : vector<128x64xf32>
    %add3A_288 = arith.addf %add3A_283, %mul3A_287 : vector<128x64xf32>
    %slice3A_289 = vector.extract_strided_slice %dot_general3A_12 {offsets = [768, 0], sizes = [128, 64], strides = [1, 1]} : vector<1024x64xf32> to vector<128x64xf32>
    %sub3A_290 = vector.broadcast %div3A_168 : vector<1x64xf32> to vector<128x64xf32>
    %sub3A_291 = arith.subf %slice3A_289, %sub3A_290 : vector<128x64xf32>
    %mul3A_292 = arith.mulf %sub3A_291, %sub3A_291 : vector<128x64xf32>
    %add3A_293 = arith.addf %add3A_288, %mul3A_292 : vector<128x64xf32>
    %slice3A_294 = vector.extract_strided_slice %dot_general3A_28 {offsets = [768, 0], sizes = [128, 64], strides = [1, 1]} : vector<1024x64xf32> to vector<128x64xf32>
    %sub3A_295 = vector.broadcast %div3A_168 : vector<1x64xf32> to vector<128x64xf32>
    %sub3A_296 = arith.subf %slice3A_294, %sub3A_295 : vector<128x64xf32>
    %mul3A_297 = arith.mulf %sub3A_296, %sub3A_296 : vector<128x64xf32>
    %add3A_298 = arith.addf %add3A_293, %mul3A_297 : vector<128x64xf32>
    %slice3A_299 = vector.extract_strided_slice %dot_general3A_44 {offsets = [768, 0], sizes = [128, 64], strides = [1, 1]} : vector<1024x64xf32> to vector<128x64xf32>
    %sub3A_300 = vector.broadcast %div3A_168 : vector<1x64xf32> to vector<128x64xf32>
    %sub3A_301 = arith.subf %slice3A_299, %sub3A_300 : vector<128x64xf32>
    %mul3A_302 = arith.mulf %sub3A_301, %sub3A_301 : vector<128x64xf32>
    %add3A_303 = arith.addf %add3A_298, %mul3A_302 : vector<128x64xf32>
    %slice3A_304 = vector.extract_strided_slice %dot_general3A_60 {offsets = [768, 0], sizes = [128, 64], strides = [1, 1]} : vector<1024x64xf32> to vector<128x64xf32>
    %sub3A_305 = vector.broadcast %div3A_168 : vector<1x64xf32> to vector<128x64xf32>
    %sub3A_306 = arith.subf %slice3A_304, %sub3A_305 : vector<128x64xf32>
    %mul3A_307 = arith.mulf %sub3A_306, %sub3A_306 : vector<128x64xf32>
    %add3A_308 = arith.addf %add3A_303, %mul3A_307 : vector<128x64xf32>
    %slice3A_309 = vector.extract_strided_slice %dot_general3A_12 {offsets = [896, 0], sizes = [128, 64], strides = [1, 1]} : vector<1024x64xf32> to vector<128x64xf32>
    %sub3A_310 = vector.broadcast %div3A_168 : vector<1x64xf32> to vector<128x64xf32>
    %sub3A_311 = arith.subf %slice3A_309, %sub3A_310 : vector<128x64xf32>
    %mul3A_312 = arith.mulf %sub3A_311, %sub3A_311 : vector<128x64xf32>
    %add3A_313 = arith.addf %add3A_308, %mul3A_312 : vector<128x64xf32>
    %slice3A_314 = vector.extract_strided_slice %dot_general3A_28 {offsets = [896, 0], sizes = [128, 64], strides = [1, 1]} : vector<1024x64xf32> to vector<128x64xf32>
    %sub3A_315 = vector.broadcast %div3A_168 : vector<1x64xf32> to vector<128x64xf32>
    %sub3A_316 = arith.subf %slice3A_314, %sub3A_315 : vector<128x64xf32>
    %mul3A_317 = arith.mulf %sub3A_316, %sub3A_316 : vector<128x64xf32>
    %add3A_318 = arith.addf %add3A_313, %mul3A_317 : vector<128x64xf32>
    %slice3A_319 = vector.extract_strided_slice %dot_general3A_44 {offsets = [896, 0], sizes = [128, 64], strides = [1, 1]} : vector<1024x64xf32> to vector<128x64xf32>
    %sub3A_320 = vector.broadcast %div3A_168 : vector<1x64xf32> to vector<128x64xf32>
    %sub3A_321 = arith.subf %slice3A_319, %sub3A_320 : vector<128x64xf32>
    %mul3A_322 = arith.mulf %sub3A_321, %sub3A_321 : vector<128x64xf32>
    %add3A_323 = arith.addf %add3A_318, %mul3A_322 : vector<128x64xf32>
    %slice3A_324 = vector.extract_strided_slice %dot_general3A_60 {offsets = [896, 0], sizes = [128, 64], strides = [1, 1]} : vector<1024x64xf32> to vector<128x64xf32>
    %sub3A_325 = vector.broadcast %div3A_168 : vector<1x64xf32> to vector<128x64xf32>
    %sub3A_326 = arith.subf %slice3A_324, %sub3A_325 : vector<128x64xf32>
    %mul3A_327 = arith.mulf %sub3A_326, %sub3A_326 : vector<128x64xf32>
    %add3A_328 = arith.addf %add3A_323, %mul3A_327 : vector<128x64xf32>
    %broadcast_in_dim3A_329 = arith.constant 0.000000e+00 : f32
    %broadcast_in_dim3A_330 = vector.broadcast %broadcast_in_dim3A_329 : f32 to vector<8x64xf32>
    %slice3A_331 = vector.extract_strided_slice %add3A_328 {offsets = [0, 0], sizes = [8, 64], strides = [1, 1]} : vector<128x64xf32> to vector<8x64xf32>
    %add3A_332 = arith.addf %broadcast_in_dim3A_330, %slice3A_331 : vector<8x64xf32>
    %slice3A_333 = vector.extract_strided_slice %add3A_328 {offsets = [8, 0], sizes = [8, 64], strides = [1, 1]} : vector<128x64xf32> to vector<8x64xf32>
    %add3A_334 = arith.addf %add3A_332, %slice3A_333 : vector<8x64xf32>
    %slice3A_335 = vector.extract_strided_slice %add3A_328 {offsets = [16, 0], sizes = [8, 64], strides = [1, 1]} : vector<128x64xf32> to vector<8x64xf32>
    %add3A_336 = arith.addf %add3A_334, %slice3A_335 : vector<8x64xf32>
    %slice3A_337 = vector.extract_strided_slice %add3A_328 {offsets = [24, 0], sizes = [8, 64], strides = [1, 1]} : vector<128x64xf32> to vector<8x64xf32>
    %add3A_338 = arith.addf %add3A_336, %slice3A_337 : vector<8x64xf32>
    %slice3A_339 = vector.extract_strided_slice %add3A_328 {offsets = [32, 0], sizes = [8, 64], strides = [1, 1]} : vector<128x64xf32> to vector<8x64xf32>
    %add3A_340 = arith.addf %add3A_338, %slice3A_339 : vector<8x64xf32>
    %slice3A_341 = vector.extract_strided_slice %add3A_328 {offsets = [40, 0], sizes = [8, 64], strides = [1, 1]} : vector<128x64xf32> to vector<8x64xf32>
    %add3A_342 = arith.addf %add3A_340, %slice3A_341 : vector<8x64xf32>
    %slice3A_343 = vector.extract_strided_slice %add3A_328 {offsets = [48, 0], sizes = [8, 64], strides = [1, 1]} : vector<128x64xf32> to vector<8x64xf32>
    %add3A_344 = arith.addf %add3A_342, %slice3A_343 : vector<8x64xf32>
    %slice3A_345 = vector.extract_strided_slice %add3A_328 {offsets = [56, 0], sizes = [8, 64], strides = [1, 1]} : vector<128x64xf32> to vector<8x64xf32>
    %add3A_346 = arith.addf %add3A_344, %slice3A_345 : vector<8x64xf32>
    %slice3A_347 = vector.extract_strided_slice %add3A_328 {offsets = [64, 0], sizes = [8, 64], strides = [1, 1]} : vector<128x64xf32> to vector<8x64xf32>
    %add3A_348 = arith.addf %add3A_346, %slice3A_347 : vector<8x64xf32>
    %slice3A_349 = vector.extract_strided_slice %add3A_328 {offsets = [72, 0], sizes = [8, 64], strides = [1, 1]} : vector<128x64xf32> to vector<8x64xf32>
    %add3A_350 = arith.addf %add3A_348, %slice3A_349 : vector<8x64xf32>
    %slice3A_351 = vector.extract_strided_slice %add3A_328 {offsets = [80, 0], sizes = [8, 64], strides = [1, 1]} : vector<128x64xf32> to vector<8x64xf32>
    %add3A_352 = arith.addf %add3A_350, %slice3A_351 : vector<8x64xf32>
    %slice3A_353 = vector.extract_strided_slice %add3A_328 {offsets = [88, 0], sizes = [8, 64], strides = [1, 1]} : vector<128x64xf32> to vector<8x64xf32>
    %add3A_354 = arith.addf %add3A_352, %slice3A_353 : vector<8x64xf32>
    %slice3A_355 = vector.extract_strided_slice %add3A_328 {offsets = [96, 0], sizes = [8, 64], strides = [1, 1]} : vector<128x64xf32> to vector<8x64xf32>
    %add3A_356 = arith.addf %add3A_354, %slice3A_355 : vector<8x64xf32>
    %slice3A_357 = vector.extract_strided_slice %add3A_328 {offsets = [104, 0], sizes = [8, 64], strides = [1, 1]} : vector<128x64xf32> to vector<8x64xf32>
    %add3A_358 = arith.addf %add3A_356, %slice3A_357 : vector<8x64xf32>
    %slice3A_359 = vector.extract_strided_slice %add3A_328 {offsets = [112, 0], sizes = [8, 64], strides = [1, 1]} : vector<128x64xf32> to vector<8x64xf32>
    %add3A_360 = arith.addf %add3A_358, %slice3A_359 : vector<8x64xf32>
    %slice3A_361 = vector.extract_strided_slice %add3A_328 {offsets = [120, 0], sizes = [8, 64], strides = [1, 1]} : vector<128x64xf32> to vector<8x64xf32>
    %add3A_362 = arith.addf %add3A_360, %slice3A_361 : vector<8x64xf32>
    %slice3A_363 = vector.extract_strided_slice %add3A_362 {offsets = [0, 0], sizes = [4, 64], strides = [1, 1]} : vector<8x64xf32> to vector<4x64xf32>
    %slice3A_364 = vector.extract_strided_slice %add3A_362 {offsets = [4, 0], sizes = [4, 64], strides = [1, 1]} : vector<8x64xf32> to vector<4x64xf32>
    %add3A_365 = arith.addf %slice3A_363, %slice3A_364 : vector<4x64xf32>
    %slice3A_366 = vector.extract_strided_slice %add3A_365 {offsets = [0, 0], sizes = [2, 64], strides = [1, 1]} : vector<4x64xf32> to vector<2x64xf32>
    %slice3A_367 = vector.extract_strided_slice %add3A_365 {offsets = [2, 0], sizes = [2, 64], strides = [1, 1]} : vector<4x64xf32> to vector<2x64xf32>
    %add3A_368 = arith.addf %slice3A_366, %slice3A_367 : vector<2x64xf32>
    %slice3A_369 = vector.extract_strided_slice %add3A_368 {offsets = [0, 0], sizes = [1, 64], strides = [1, 1]} : vector<2x64xf32> to vector<1x64xf32>
    %slice3A_370 = vector.extract_strided_slice %add3A_368 {offsets = [1, 0], sizes = [1, 64], strides = [1, 1]} : vector<2x64xf32> to vector<1x64xf32>
    %add3A_371 = arith.addf %slice3A_369, %slice3A_370 : vector<1x64xf32>
    %div3A_372 = arith.constant 4.096000e+03 : f32
    %div3A_373 = vector.broadcast %div3A_372 : f32 to vector<1x64xf32>
    %div3A_374 = arith.divf %add3A_371, %div3A_373 : vector<1x64xf32>
    %add3A_375 = arith.constant 9.99999974E-6 : f32
    %add3A_376 = vector.broadcast %add3A_375 : f32 to vector<1x64xf32>
    %add3A_377 = arith.addf %div3A_374, %add3A_376 : vector<1x64xf32>
    %sqrt3A = math.sqrt %add3A_377 : vector<1x64xf32>
    %get3A_378 = arith.constant 0 : index
    %get3A_379 = vector.load %arg3[%get3A_378] : memref<64xf32, #tpu.memory_space<vmem>>, vector<64xf32>
    %broadcast_in_dim3A_380 = vector.shape_cast %get3A_379 : vector<64xf32> to vector<1x64xf32>
    %sub3A_381 = vector.broadcast %div3A_168 : vector<1x64xf32> to vector<1024x64xf32>
    %sub3A_382 = arith.subf %dot_general3A_12, %sub3A_381 : vector<1024x64xf32>
    %mul3A_383 = vector.broadcast %broadcast_in_dim3A_380 : vector<1x64xf32> to vector<1024x64xf32>
    %mul3A_384 = arith.mulf %mul3A_383, %sub3A_382 : vector<1024x64xf32>
    %div3A_385 = vector.broadcast %sqrt3A : vector<1x64xf32> to vector<1024x64xf32>
    %div3A_386 = arith.divf %mul3A_384, %div3A_385 : vector<1024x64xf32>
    %get3A_387 = arith.constant 0 : index
    %get3A_388 = vector.load %arg4[%get3A_387] : memref<64xf32, #tpu.memory_space<vmem>>, vector<64xf32>
    %broadcast_in_dim3A_389 = vector.shape_cast %get3A_388 : vector<64xf32> to vector<1x64xf32>
    %add3A_390 = vector.broadcast %broadcast_in_dim3A_389 : vector<1x64xf32> to vector<1024x64xf32>
    %add3A_391 = arith.addf %div3A_386, %add3A_390 : vector<1024x64xf32>
    %div3A_392 = arith.constant 1.41421354 : f32
    %div3A_393 = vector.broadcast %div3A_392 : f32 to vector<1024x64xf32>
    %div3A_394 = arith.divf %add3A_391, %div3A_393 : vector<1024x64xf32>
    %erf3A = math.erf %div3A_394 : vector<1024x64xf32>
    %add3A_395 = arith.constant 1.000000e+00 : f32
    %add3A_396 = vector.broadcast %add3A_395 : f32 to vector<1024x64xf32>
    %add3A_397 = arith.addf %erf3A, %add3A_396 : vector<1024x64xf32>
    %mul3A_398 = arith.mulf %add3A_391, %add3A_397 : vector<1024x64xf32>
    %div3A_399 = arith.constant 2.000000e+00 : f32
    %div3A_400 = vector.broadcast %div3A_399 : f32 to vector<1024x64xf32>
    %div3A_401 = arith.divf %mul3A_398, %div3A_400 : vector<1024x64xf32>
    %swap3A = arith.constant 0 : index
    %swap3A_402 = arith.constant 0 : index
    %swap3A_403 = arith.constant 0 : index
    %swap3A_404 = vector.load %arg5[%swap3A, %swap3A_402, %swap3A_403] : memref<4x1024x64xf32, #tpu.memory_space<vmem>>, vector<1x1024x64xf32>
    %swap3A_405 = vector.shape_cast %swap3A_404 : vector<1x1024x64xf32> to vector<1024x64xf32>
    %swap3A_406 = vector.shape_cast %div3A_401 : vector<1024x64xf32> to vector<1x1024x64xf32>
    tpu.vector_store %arg5[%swap3A, %swap3A_402, %swap3A_403], %swap3A_406 {strides = array<i32>} : memref<4x1024x64xf32, #tpu.memory_space<vmem>>, vector<1x1024x64xf32>,
    %get3A_407 = arith.constant 0 : index
    %get3A_408 = vector.load %arg3[%get3A_407] : memref<64xf32, #tpu.memory_space<vmem>>, vector<64xf32>
    %broadcast_in_dim3A_409 = vector.shape_cast %get3A_408 : vector<64xf32> to vector<1x64xf32>
    %sub3A_410 = vector.broadcast %div3A_168 : vector<1x64xf32> to vector<1024x64xf32>
    %sub3A_411 = arith.subf %dot_general3A_28, %sub3A_410 : vector<1024x64xf32>
    %mul3A_412 = vector.broadcast %broadcast_in_dim3A_409 : vector<1x64xf32> to vector<1024x64xf32>
    %mul3A_413 = arith.mulf %mul3A_412, %sub3A_411 : vector<1024x64xf32>
    %div3A_414 = vector.broadcast %sqrt3A : vector<1x64xf32> to vector<1024x64xf32>
    %div3A_415 = arith.divf %mul3A_413, %div3A_414 : vector<1024x64xf32>
    %get3A_416 = arith.constant 0 : index
    %get3A_417 = vector.load %arg4[%get3A_416] : memref<64xf32, #tpu.memory_space<vmem>>, vector<64xf32>
    %broadcast_in_dim3A_418 = vector.shape_cast %get3A_417 : vector<64xf32> to vector<1x64xf32>
    %add3A_419 = vector.broadcast %broadcast_in_dim3A_418 : vector<1x64xf32> to vector<1024x64xf32>
    %add3A_420 = arith.addf %div3A_415, %add3A_419 : vector<1024x64xf32>
    %div3A_421 = arith.constant 1.41421354 : f32
    %div3A_422 = vector.broadcast %div3A_421 : f32 to vector<1024x64xf32>
    %div3A_423 = arith.divf %add3A_420, %div3A_422 : vector<1024x64xf32>
    %erf3A_424 = math.erf %div3A_423 : vector<1024x64xf32>
    %add3A_425 = arith.constant 1.000000e+00 : f32
    %add3A_426 = vector.broadcast %add3A_425 : f32 to vector<1024x64xf32>
    %add3A_427 = arith.addf %erf3A_424, %add3A_426 : vector<1024x64xf32>
    %mul3A_428 = arith.mulf %add3A_420, %add3A_427 : vector<1024x64xf32>
    %div3A_429 = arith.constant 2.000000e+00 : f32
    %div3A_430 = vector.broadcast %div3A_429 : f32 to vector<1024x64xf32>
    %div3A_431 = arith.divf %mul3A_428, %div3A_430 : vector<1024x64xf32>
    %swap3A_432 = arith.constant 1 : index
    %swap3A_433 = arith.constant 0 : index
    %swap3A_434 = arith.constant 0 : index
    %swap3A_435 = vector.load %arg5[%swap3A_432, %swap3A_433, %swap3A_434] : memref<4x1024x64xf32, #tpu.memory_space<vmem>>, vector<1x1024x64xf32>
    %swap3A_436 = vector.shape_cast %swap3A_435 : vector<1x1024x64xf32> to vector<1024x64xf32>
    %swap3A_437 = vector.shape_cast %div3A_431 : vector<1024x64xf32> to vector<1x1024x64xf32>
    tpu.vector_store %arg5[%swap3A_432, %swap3A_433, %swap3A_434], %swap3A_437 {strides = array<i32>} : memref<4x1024x64xf32, #tpu.memory_space<vmem>>, vector<1x1024x64xf32>,
    %get3A_438 = arith.constant 0 : index
    %get3A_439 = vector.load %arg3[%get3A_438] : memref<64xf32, #tpu.memory_space<vmem>>, vector<64xf32>
    %broadcast_in_dim3A_440 = vector.shape_cast %get3A_439 : vector<64xf32> to vector<1x64xf32>
    %sub3A_441 = vector.broadcast %div3A_168 : vector<1x64xf32> to vector<1024x64xf32>
    %sub3A_442 = arith.subf %dot_general3A_44, %sub3A_441 : vector<1024x64xf32>
    %mul3A_443 = vector.broadcast %broadcast_in_dim3A_440 : vector<1x64xf32> to vector<1024x64xf32>
    %mul3A_444 = arith.mulf %mul3A_443, %sub3A_442 : vector<1024x64xf32>
    %div3A_445 = vector.broadcast %sqrt3A : vector<1x64xf32> to vector<1024x64xf32>
    %div3A_446 = arith.divf %mul3A_444, %div3A_445 : vector<1024x64xf32>
    %get3A_447 = arith.constant 0 : index
    %get3A_448 = vector.load %arg4[%get3A_447] : memref<64xf32, #tpu.memory_space<vmem>>, vector<64xf32>
    %broadcast_in_dim3A_449 = vector.shape_cast %get3A_448 : vector<64xf32> to vector<1x64xf32>
    %add3A_450 = vector.broadcast %broadcast_in_dim3A_449 : vector<1x64xf32> to vector<1024x64xf32>
    %add3A_451 = arith.addf %div3A_446, %add3A_450 : vector<1024x64xf32>
    %div3A_452 = arith.constant 1.41421354 : f32
    %div3A_453 = vector.broadcast %div3A_452 : f32 to vector<1024x64xf32>
    %div3A_454 = arith.divf %add3A_451, %div3A_453 : vector<1024x64xf32>
    %erf3A_455 = math.erf %div3A_454 : vector<1024x64xf32>
    %add3A_456 = arith.constant 1.000000e+00 : f32
    %add3A_457 = vector.broadcast %add3A_456 : f32 to vector<1024x64xf32>
    %add3A_458 = arith.addf %erf3A_455, %add3A_457 : vector<1024x64xf32>
    %mul3A_459 = arith.mulf %add3A_451, %add3A_458 : vector<1024x64xf32>
    %div3A_460 = arith.constant 2.000000e+00 : f32
    %div3A_461 = vector.broadcast %div3A_460 : f32 to vector<1024x64xf32>
    %div3A_462 = arith.divf %mul3A_459, %div3A_461 : vector<1024x64xf32>
    %swap3A_463 = arith.constant 2 : index
    %swap3A_464 = arith.constant 0 : index
    %swap3A_465 = arith.constant 0 : index
    %swap3A_466 = vector.load %arg5[%swap3A_463, %swap3A_464, %swap3A_465] : memref<4x1024x64xf32, #tpu.memory_space<vmem>>, vector<1x1024x64xf32>
    %swap3A_467 = vector.shape_cast %swap3A_466 : vector<1x1024x64xf32> to vector<1024x64xf32>
    %swap3A_468 = vector.shape_cast %div3A_462 : vector<1024x64xf32> to vector<1x1024x64xf32>
    tpu.vector_store %arg5[%swap3A_463, %swap3A_464, %swap3A_465], %swap3A_468 {strides = array<i32>} : memref<4x1024x64xf32, #tpu.memory_space<vmem>>, vector<1x1024x64xf32>,
    %get3A_469 = arith.constant 0 : index
    %get3A_470 = vector.load %arg3[%get3A_469] : memref<64xf32, #tpu.memory_space<vmem>>, vector<64xf32>
    %broadcast_in_dim3A_471 = vector.shape_cast %get3A_470 : vector<64xf32> to vector<1x64xf32>
    %sub3A_472 = vector.broadcast %div3A_168 : vector<1x64xf32> to vector<1024x64xf32>
    %sub3A_473 = arith.subf %dot_general3A_60, %sub3A_472 : vector<1024x64xf32>
    %mul3A_474 = vector.broadcast %broadcast_in_dim3A_471 : vector<1x64xf32> to vector<1024x64xf32>
    %mul3A_475 = arith.mulf %mul3A_474, %sub3A_473 : vector<1024x64xf32>
    %div3A_476 = vector.broadcast %sqrt3A : vector<1x64xf32> to vector<1024x64xf32>
    %div3A_477 = arith.divf %mul3A_475, %div3A_476 : vector<1024x64xf32>
    %get3A_478 = arith.constant 0 : index
    %get3A_479 = vector.load %arg4[%get3A_478] : memref<64xf32, #tpu.memory_space<vmem>>, vector<64xf32>
    %broadcast_in_dim3A_480 = vector.shape_cast %get3A_479 : vector<64xf32> to vector<1x64xf32>
    %add3A_481 = vector.broadcast %broadcast_in_dim3A_480 : vector<1x64xf32> to vector<1024x64xf32>
    %add3A_482 = arith.addf %div3A_477, %add3A_481 : vector<1024x64xf32>
    %div3A_483 = arith.constant 1.41421354 : f32
    %div3A_484 = vector.broadcast %div3A_483 : f32 to vector<1024x64xf32>
    %div3A_485 = arith.divf %add3A_482, %div3A_484 : vector<1024x64xf32>
    %erf3A_486 = math.erf %div3A_485 : vector<1024x64xf32>
    %add3A_487 = arith.constant 1.000000e+00 : f32
    %add3A_488 = vector.broadcast %add3A_487 : f32 to vector<1024x64xf32>
    %add3A_489 = arith.addf %erf3A_486, %add3A_488 : vector<1024x64xf32>
    %mul3A_490 = arith.mulf %add3A_482, %add3A_489 : vector<1024x64xf32>
    %div3A_491 = arith.constant 2.000000e+00 : f32
    %div3A_492 = vector.broadcast %div3A_491 : f32 to vector<1024x64xf32>
    %div3A_493 = arith.divf %mul3A_490, %div3A_492 : vector<1024x64xf32>
    %swap3A_494 = arith.constant 3 : index
    %swap3A_495 = arith.constant 0 : index
    %swap3A_496 = arith.constant 0 : index
    %swap3A_497 = vector.load %arg5[%swap3A_494, %swap3A_495, %swap3A_496] : memref<4x1024x64xf32, #tpu.memory_space<vmem>>, vector<1x1024x64xf32>
    %swap3A_498 = vector.shape_cast %swap3A_497 : vector<1x1024x64xf32> to vector<1024x64xf32>
    %swap3A_499 = vector.shape_cast %div3A_493 : vector<1024x64xf32> to vector<1x1024x64xf32>
    tpu.vector_store %arg5[%swap3A_494, %swap3A_495, %swap3A_496], %swap3A_499 {strides = array<i32>} : memref<4x1024x64xf32, #tpu.memory_space<vmem>>, vector<1x1024x64xf32>,
    return
  }
}

module attributes {stable_mosaic.version = 14 : i64} {
  func.func @body(%arg0: memref<4x1024x64xf32, #tpu.memory_space<vmem>>, %arg1: memref<4x1024x3xf32, #tpu.memory_space<vmem>>, %arg2: memref<128x67xf32, #tpu.memory_space<vmem>>, %arg3: memref<128xf32, #tpu.memory_space<vmem>>, %arg4: memref<128xf32, #tpu.memory_space<vmem>>, %arg5: memref<4x1024x128xf32, #tpu.memory_space<vmem>>) attributes {dimension_semantics = [], scalar_prefetch = 0 : i64, scratch_operands = 0 : i64, tpu.core_type = #tpu.core_type<tc>} {
    %get3A = arith.constant 0 : index
    %get3A_0 = arith.constant 0 : index
    %get3A_1 = arith.constant 0 : index
    %get3A_2 = vector.load %arg0[%get3A, %get3A_0, %get3A_1] : memref<4x1024x64xf32, #tpu.memory_space<vmem>>, vector<1x1024x64xf32>
    %get3A_3 = vector.shape_cast %get3A_2 : vector<1x1024x64xf32> to vector<1024x64xf32>
    %get3A_4 = arith.constant 0 : index
    %get3A_5 = arith.constant 0 : index
    %get3A_6 = arith.constant 0 : index
    %get3A_7 = vector.load %arg1[%get3A_4, %get3A_5, %get3A_6] : memref<4x1024x3xf32, #tpu.memory_space<vmem>>, vector<1x1024x3xf32>
    %get3A_8 = vector.shape_cast %get3A_7 : vector<1x1024x3xf32> to vector<1024x3xf32>
    %concatenate3A = tpu.concatenate %get3A_3, %get3A_8 in 1 : vector<1024x64xf32>, vector<1024x3xf32> -> vector<1024x67xf32>
    %get3A_9 = arith.constant 0 : index
    %get3A_10 = arith.constant 0 : index
    %get3A_11 = vector.load %arg2[%get3A_9, %get3A_10] : memref<128x67xf32, #tpu.memory_space<vmem>>, vector<128x67xf32>
    %dot_general3A = arith.constant dense<0.000000e+00> : vector<1024x128xf32>
    %dot_general3A_12 = tpu.matmul %concatenate3A, %get3A_11, %dot_general3A {dimension_numbers = #tpu.dot_dimension_numbers<[1], [1], [0], [0], [0, 0, 1, 0], [], []>, transpose_lhs_hint = false} : vector<1024x67xf32>, vector<128x67xf32>, vector<1024x128xf32> -> vector<1024x128xf32>
    %get3A_13 = arith.constant 1 : index
    %get3A_14 = arith.constant 0 : index
    %get3A_15 = arith.constant 0 : index
    %get3A_16 = vector.load %arg0[%get3A_13, %get3A_14, %get3A_15] : memref<4x1024x64xf32, #tpu.memory_space<vmem>>, vector<1x1024x64xf32>
    %get3A_17 = vector.shape_cast %get3A_16 : vector<1x1024x64xf32> to vector<1024x64xf32>
    %get3A_18 = arith.constant 1 : index
    %get3A_19 = arith.constant 0 : index
    %get3A_20 = arith.constant 0 : index
    %get3A_21 = vector.load %arg1[%get3A_18, %get3A_19, %get3A_20] : memref<4x1024x3xf32, #tpu.memory_space<vmem>>, vector<1x1024x3xf32>
    %get3A_22 = vector.shape_cast %get3A_21 : vector<1x1024x3xf32> to vector<1024x3xf32>
    %concatenate3A_23 = tpu.concatenate %get3A_17, %get3A_22 in 1 : vector<1024x64xf32>, vector<1024x3xf32> -> vector<1024x67xf32>
    %get3A_24 = arith.constant 0 : index
    %get3A_25 = arith.constant 0 : index
    %get3A_26 = vector.load %arg2[%get3A_24, %get3A_25] : memref<128x67xf32, #tpu.memory_space<vmem>>, vector<128x67xf32>
    %dot_general3A_27 = arith.constant dense<0.000000e+00> : vector<1024x128xf32>
    %dot_general3A_28 = tpu.matmul %concatenate3A_23, %get3A_26, %dot_general3A_27 {dimension_numbers = #tpu.dot_dimension_numbers<[1], [1], [0], [0], [0, 0, 1, 0], [], []>, transpose_lhs_hint = false} : vector<1024x67xf32>, vector<128x67xf32>, vector<1024x128xf32> -> vector<1024x128xf32>
    %get3A_29 = arith.constant 2 : index
    %get3A_30 = arith.constant 0 : index
    %get3A_31 = arith.constant 0 : index
    %get3A_32 = vector.load %arg0[%get3A_29, %get3A_30, %get3A_31] : memref<4x1024x64xf32, #tpu.memory_space<vmem>>, vector<1x1024x64xf32>
    %get3A_33 = vector.shape_cast %get3A_32 : vector<1x1024x64xf32> to vector<1024x64xf32>
    %get3A_34 = arith.constant 2 : index
    %get3A_35 = arith.constant 0 : index
    %get3A_36 = arith.constant 0 : index
    %get3A_37 = vector.load %arg1[%get3A_34, %get3A_35, %get3A_36] : memref<4x1024x3xf32, #tpu.memory_space<vmem>>, vector<1x1024x3xf32>
    %get3A_38 = vector.shape_cast %get3A_37 : vector<1x1024x3xf32> to vector<1024x3xf32>
    %concatenate3A_39 = tpu.concatenate %get3A_33, %get3A_38 in 1 : vector<1024x64xf32>, vector<1024x3xf32> -> vector<1024x67xf32>
    %get3A_40 = arith.constant 0 : index
    %get3A_41 = arith.constant 0 : index
    %get3A_42 = vector.load %arg2[%get3A_40, %get3A_41] : memref<128x67xf32, #tpu.memory_space<vmem>>, vector<128x67xf32>
    %dot_general3A_43 = arith.constant dense<0.000000e+00> : vector<1024x128xf32>
    %dot_general3A_44 = tpu.matmul %concatenate3A_39, %get3A_42, %dot_general3A_43 {dimension_numbers = #tpu.dot_dimension_numbers<[1], [1], [0], [0], [0, 0, 1, 0], [], []>, transpose_lhs_hint = false} : vector<1024x67xf32>, vector<128x67xf32>, vector<1024x128xf32> -> vector<1024x128xf32>
    %get3A_45 = arith.constant 3 : index
    %get3A_46 = arith.constant 0 : index
    %get3A_47 = arith.constant 0 : index
    %get3A_48 = vector.load %arg0[%get3A_45, %get3A_46, %get3A_47] : memref<4x1024x64xf32, #tpu.memory_space<vmem>>, vector<1x1024x64xf32>
    %get3A_49 = vector.shape_cast %get3A_48 : vector<1x1024x64xf32> to vector<1024x64xf32>
    %get3A_50 = arith.constant 3 : index
    %get3A_51 = arith.constant 0 : index
    %get3A_52 = arith.constant 0 : index
    %get3A_53 = vector.load %arg1[%get3A_50, %get3A_51, %get3A_52] : memref<4x1024x3xf32, #tpu.memory_space<vmem>>, vector<1x1024x3xf32>
    %get3A_54 = vector.shape_cast %get3A_53 : vector<1x1024x3xf32> to vector<1024x3xf32>
    %concatenate3A_55 = tpu.concatenate %get3A_49, %get3A_54 in 1 : vector<1024x64xf32>, vector<1024x3xf32> -> vector<1024x67xf32>
    %get3A_56 = arith.constant 0 : index
    %get3A_57 = arith.constant 0 : index
    %get3A_58 = vector.load %arg2[%get3A_56, %get3A_57] : memref<128x67xf32, #tpu.memory_space<vmem>>, vector<128x67xf32>
    %dot_general3A_59 = arith.constant dense<0.000000e+00> : vector<1024x128xf32>
    %dot_general3A_60 = tpu.matmul %concatenate3A_55, %get3A_58, %dot_general3A_59 {dimension_numbers = #tpu.dot_dimension_numbers<[1], [1], [0], [0], [0, 0, 1, 0], [], []>, transpose_lhs_hint = false} : vector<1024x67xf32>, vector<128x67xf32>, vector<1024x128xf32> -> vector<1024x128xf32>
    %broadcast_in_dim3A = arith.constant 0.000000e+00 : f32
    %broadcast_in_dim3A_61 = vector.broadcast %broadcast_in_dim3A : f32 to vector<128x128xf32>
    %slice3A = vector.extract_strided_slice %dot_general3A_12 {offsets = [0, 0], sizes = [128, 128], strides = [1, 1]} : vector<1024x128xf32> to vector<128x128xf32>
    %add3A = arith.addf %broadcast_in_dim3A_61, %slice3A : vector<128x128xf32>
    %slice3A_62 = vector.extract_strided_slice %dot_general3A_28 {offsets = [0, 0], sizes = [128, 128], strides = [1, 1]} : vector<1024x128xf32> to vector<128x128xf32>
    %add3A_63 = arith.addf %add3A, %slice3A_62 : vector<128x128xf32>
    %slice3A_64 = vector.extract_strided_slice %dot_general3A_44 {offsets = [0, 0], sizes = [128, 128], strides = [1, 1]} : vector<1024x128xf32> to vector<128x128xf32>
    %add3A_65 = arith.addf %add3A_63, %slice3A_64 : vector<128x128xf32>
    %slice3A_66 = vector.extract_strided_slice %dot_general3A_60 {offsets = [0, 0], sizes = [128, 128], strides = [1, 1]} : vector<1024x128xf32> to vector<128x128xf32>
    %add3A_67 = arith.addf %add3A_65, %slice3A_66 : vector<128x128xf32>
    %slice3A_68 = vector.extract_strided_slice %dot_general3A_12 {offsets = [128, 0], sizes = [128, 128], strides = [1, 1]} : vector<1024x128xf32> to vector<128x128xf32>
    %add3A_69 = arith.addf %add3A_67, %slice3A_68 : vector<128x128xf32>
    %slice3A_70 = vector.extract_strided_slice %dot_general3A_28 {offsets = [128, 0], sizes = [128, 128], strides = [1, 1]} : vector<1024x128xf32> to vector<128x128xf32>
    %add3A_71 = arith.addf %add3A_69, %slice3A_70 : vector<128x128xf32>
    %slice3A_72 = vector.extract_strided_slice %dot_general3A_44 {offsets = [128, 0], sizes = [128, 128], strides = [1, 1]} : vector<1024x128xf32> to vector<128x128xf32>
    %add3A_73 = arith.addf %add3A_71, %slice3A_72 : vector<128x128xf32>
    %slice3A_74 = vector.extract_strided_slice %dot_general3A_60 {offsets = [128, 0], sizes = [128, 128], strides = [1, 1]} : vector<1024x128xf32> to vector<128x128xf32>
    %add3A_75 = arith.addf %add3A_73, %slice3A_74 : vector<128x128xf32>
    %slice3A_76 = vector.extract_strided_slice %dot_general3A_12 {offsets = [256, 0], sizes = [128, 128], strides = [1, 1]} : vector<1024x128xf32> to vector<128x128xf32>
    %add3A_77 = arith.addf %add3A_75, %slice3A_76 : vector<128x128xf32>
    %slice3A_78 = vector.extract_strided_slice %dot_general3A_28 {offsets = [256, 0], sizes = [128, 128], strides = [1, 1]} : vector<1024x128xf32> to vector<128x128xf32>
    %add3A_79 = arith.addf %add3A_77, %slice3A_78 : vector<128x128xf32>
    %slice3A_80 = vector.extract_strided_slice %dot_general3A_44 {offsets = [256, 0], sizes = [128, 128], strides = [1, 1]} : vector<1024x128xf32> to vector<128x128xf32>
    %add3A_81 = arith.addf %add3A_79, %slice3A_80 : vector<128x128xf32>
    %slice3A_82 = vector.extract_strided_slice %dot_general3A_60 {offsets = [256, 0], sizes = [128, 128], strides = [1, 1]} : vector<1024x128xf32> to vector<128x128xf32>
    %add3A_83 = arith.addf %add3A_81, %slice3A_82 : vector<128x128xf32>
    %slice3A_84 = vector.extract_strided_slice %dot_general3A_12 {offsets = [384, 0], sizes = [128, 128], strides = [1, 1]} : vector<1024x128xf32> to vector<128x128xf32>
    %add3A_85 = arith.addf %add3A_83, %slice3A_84 : vector<128x128xf32>
    %slice3A_86 = vector.extract_strided_slice %dot_general3A_28 {offsets = [384, 0], sizes = [128, 128], strides = [1, 1]} : vector<1024x128xf32> to vector<128x128xf32>
    %add3A_87 = arith.addf %add3A_85, %slice3A_86 : vector<128x128xf32>
    %slice3A_88 = vector.extract_strided_slice %dot_general3A_44 {offsets = [384, 0], sizes = [128, 128], strides = [1, 1]} : vector<1024x128xf32> to vector<128x128xf32>
    %add3A_89 = arith.addf %add3A_87, %slice3A_88 : vector<128x128xf32>
    %slice3A_90 = vector.extract_strided_slice %dot_general3A_60 {offsets = [384, 0], sizes = [128, 128], strides = [1, 1]} : vector<1024x128xf32> to vector<128x128xf32>
    %add3A_91 = arith.addf %add3A_89, %slice3A_90 : vector<128x128xf32>
    %slice3A_92 = vector.extract_strided_slice %dot_general3A_12 {offsets = [512, 0], sizes = [128, 128], strides = [1, 1]} : vector<1024x128xf32> to vector<128x128xf32>
    %add3A_93 = arith.addf %add3A_91, %slice3A_92 : vector<128x128xf32>
    %slice3A_94 = vector.extract_strided_slice %dot_general3A_28 {offsets = [512, 0], sizes = [128, 128], strides = [1, 1]} : vector<1024x128xf32> to vector<128x128xf32>
    %add3A_95 = arith.addf %add3A_93, %slice3A_94 : vector<128x128xf32>
    %slice3A_96 = vector.extract_strided_slice %dot_general3A_44 {offsets = [512, 0], sizes = [128, 128], strides = [1, 1]} : vector<1024x128xf32> to vector<128x128xf32>
    %add3A_97 = arith.addf %add3A_95, %slice3A_96 : vector<128x128xf32>
    %slice3A_98 = vector.extract_strided_slice %dot_general3A_60 {offsets = [512, 0], sizes = [128, 128], strides = [1, 1]} : vector<1024x128xf32> to vector<128x128xf32>
    %add3A_99 = arith.addf %add3A_97, %slice3A_98 : vector<128x128xf32>
    %slice3A_100 = vector.extract_strided_slice %dot_general3A_12 {offsets = [640, 0], sizes = [128, 128], strides = [1, 1]} : vector<1024x128xf32> to vector<128x128xf32>
    %add3A_101 = arith.addf %add3A_99, %slice3A_100 : vector<128x128xf32>
    %slice3A_102 = vector.extract_strided_slice %dot_general3A_28 {offsets = [640, 0], sizes = [128, 128], strides = [1, 1]} : vector<1024x128xf32> to vector<128x128xf32>
    %add3A_103 = arith.addf %add3A_101, %slice3A_102 : vector<128x128xf32>
    %slice3A_104 = vector.extract_strided_slice %dot_general3A_44 {offsets = [640, 0], sizes = [128, 128], strides = [1, 1]} : vector<1024x128xf32> to vector<128x128xf32>
    %add3A_105 = arith.addf %add3A_103, %slice3A_104 : vector<128x128xf32>
    %slice3A_106 = vector.extract_strided_slice %dot_general3A_60 {offsets = [640, 0], sizes = [128, 128], strides = [1, 1]} : vector<1024x128xf32> to vector<128x128xf32>
    %add3A_107 = arith.addf %add3A_105, %slice3A_106 : vector<128x128xf32>
    %slice3A_108 = vector.extract_strided_slice %dot_general3A_12 {offsets = [768, 0], sizes = [128, 128], strides = [1, 1]} : vector<1024x128xf32> to vector<128x128xf32>
    %add3A_109 = arith.addf %add3A_107, %slice3A_108 : vector<128x128xf32>
    %slice3A_110 = vector.extract_strided_slice %dot_general3A_28 {offsets = [768, 0], sizes = [128, 128], strides = [1, 1]} : vector<1024x128xf32> to vector<128x128xf32>
    %add3A_111 = arith.addf %add3A_109, %slice3A_110 : vector<128x128xf32>
    %slice3A_112 = vector.extract_strided_slice %dot_general3A_44 {offsets = [768, 0], sizes = [128, 128], strides = [1, 1]} : vector<1024x128xf32> to vector<128x128xf32>
    %add3A_113 = arith.addf %add3A_111, %slice3A_112 : vector<128x128xf32>
    %slice3A_114 = vector.extract_strided_slice %dot_general3A_60 {offsets = [768, 0], sizes = [128, 128], strides = [1, 1]} : vector<1024x128xf32> to vector<128x128xf32>
    %add3A_115 = arith.addf %add3A_113, %slice3A_114 : vector<128x128xf32>
    %slice3A_116 = vector.extract_strided_slice %dot_general3A_12 {offsets = [896, 0], sizes = [128, 128], strides = [1, 1]} : vector<1024x128xf32> to vector<128x128xf32>
    %add3A_117 = arith.addf %add3A_115, %slice3A_116 : vector<128x128xf32>
    %slice3A_118 = vector.extract_strided_slice %dot_general3A_28 {offsets = [896, 0], sizes = [128, 128], strides = [1, 1]} : vector<1024x128xf32> to vector<128x128xf32>
    %add3A_119 = arith.addf %add3A_117, %slice3A_118 : vector<128x128xf32>
    %slice3A_120 = vector.extract_strided_slice %dot_general3A_44 {offsets = [896, 0], sizes = [128, 128], strides = [1, 1]} : vector<1024x128xf32> to vector<128x128xf32>
    %add3A_121 = arith.addf %add3A_119, %slice3A_120 : vector<128x128xf32>
    %slice3A_122 = vector.extract_strided_slice %dot_general3A_60 {offsets = [896, 0], sizes = [128, 128], strides = [1, 1]} : vector<1024x128xf32> to vector<128x128xf32>
    %add3A_123 = arith.addf %add3A_121, %slice3A_122 : vector<128x128xf32>
    %broadcast_in_dim3A_124 = arith.constant 0.000000e+00 : f32
    %broadcast_in_dim3A_125 = vector.broadcast %broadcast_in_dim3A_124 : f32 to vector<8x128xf32>
    %slice3A_126 = vector.extract_strided_slice %add3A_123 {offsets = [0, 0], sizes = [8, 128], strides = [1, 1]} : vector<128x128xf32> to vector<8x128xf32>
    %add3A_127 = arith.addf %broadcast_in_dim3A_125, %slice3A_126 : vector<8x128xf32>
    %slice3A_128 = vector.extract_strided_slice %add3A_123 {offsets = [8, 0], sizes = [8, 128], strides = [1, 1]} : vector<128x128xf32> to vector<8x128xf32>
    %add3A_129 = arith.addf %add3A_127, %slice3A_128 : vector<8x128xf32>
    %slice3A_130 = vector.extract_strided_slice %add3A_123 {offsets = [16, 0], sizes = [8, 128], strides = [1, 1]} : vector<128x128xf32> to vector<8x128xf32>
    %add3A_131 = arith.addf %add3A_129, %slice3A_130 : vector<8x128xf32>
    %slice3A_132 = vector.extract_strided_slice %add3A_123 {offsets = [24, 0], sizes = [8, 128], strides = [1, 1]} : vector<128x128xf32> to vector<8x128xf32>
    %add3A_133 = arith.addf %add3A_131, %slice3A_132 : vector<8x128xf32>
    %slice3A_134 = vector.extract_strided_slice %add3A_123 {offsets = [32, 0], sizes = [8, 128], strides = [1, 1]} : vector<128x128xf32> to vector<8x128xf32>
    %add3A_135 = arith.addf %add3A_133, %slice3A_134 : vector<8x128xf32>
    %slice3A_136 = vector.extract_strided_slice %add3A_123 {offsets = [40, 0], sizes = [8, 128], strides = [1, 1]} : vector<128x128xf32> to vector<8x128xf32>
    %add3A_137 = arith.addf %add3A_135, %slice3A_136 : vector<8x128xf32>
    %slice3A_138 = vector.extract_strided_slice %add3A_123 {offsets = [48, 0], sizes = [8, 128], strides = [1, 1]} : vector<128x128xf32> to vector<8x128xf32>
    %add3A_139 = arith.addf %add3A_137, %slice3A_138 : vector<8x128xf32>
    %slice3A_140 = vector.extract_strided_slice %add3A_123 {offsets = [56, 0], sizes = [8, 128], strides = [1, 1]} : vector<128x128xf32> to vector<8x128xf32>
    %add3A_141 = arith.addf %add3A_139, %slice3A_140 : vector<8x128xf32>
    %slice3A_142 = vector.extract_strided_slice %add3A_123 {offsets = [64, 0], sizes = [8, 128], strides = [1, 1]} : vector<128x128xf32> to vector<8x128xf32>
    %add3A_143 = arith.addf %add3A_141, %slice3A_142 : vector<8x128xf32>
    %slice3A_144 = vector.extract_strided_slice %add3A_123 {offsets = [72, 0], sizes = [8, 128], strides = [1, 1]} : vector<128x128xf32> to vector<8x128xf32>
    %add3A_145 = arith.addf %add3A_143, %slice3A_144 : vector<8x128xf32>
    %slice3A_146 = vector.extract_strided_slice %add3A_123 {offsets = [80, 0], sizes = [8, 128], strides = [1, 1]} : vector<128x128xf32> to vector<8x128xf32>
    %add3A_147 = arith.addf %add3A_145, %slice3A_146 : vector<8x128xf32>
    %slice3A_148 = vector.extract_strided_slice %add3A_123 {offsets = [88, 0], sizes = [8, 128], strides = [1, 1]} : vector<128x128xf32> to vector<8x128xf32>
    %add3A_149 = arith.addf %add3A_147, %slice3A_148 : vector<8x128xf32>
    %slice3A_150 = vector.extract_strided_slice %add3A_123 {offsets = [96, 0], sizes = [8, 128], strides = [1, 1]} : vector<128x128xf32> to vector<8x128xf32>
    %add3A_151 = arith.addf %add3A_149, %slice3A_150 : vector<8x128xf32>
    %slice3A_152 = vector.extract_strided_slice %add3A_123 {offsets = [104, 0], sizes = [8, 128], strides = [1, 1]} : vector<128x128xf32> to vector<8x128xf32>
    %add3A_153 = arith.addf %add3A_151, %slice3A_152 : vector<8x128xf32>
    %slice3A_154 = vector.extract_strided_slice %add3A_123 {offsets = [112, 0], sizes = [8, 128], strides = [1, 1]} : vector<128x128xf32> to vector<8x128xf32>
    %add3A_155 = arith.addf %add3A_153, %slice3A_154 : vector<8x128xf32>
    %slice3A_156 = vector.extract_strided_slice %add3A_123 {offsets = [120, 0], sizes = [8, 128], strides = [1, 1]} : vector<128x128xf32> to vector<8x128xf32>
    %add3A_157 = arith.addf %add3A_155, %slice3A_156 : vector<8x128xf32>
    %slice3A_158 = vector.extract_strided_slice %add3A_157 {offsets = [0, 0], sizes = [4, 128], strides = [1, 1]} : vector<8x128xf32> to vector<4x128xf32>
    %slice3A_159 = vector.extract_strided_slice %add3A_157 {offsets = [4, 0], sizes = [4, 128], strides = [1, 1]} : vector<8x128xf32> to vector<4x128xf32>
    %add3A_160 = arith.addf %slice3A_158, %slice3A_159 : vector<4x128xf32>
    %slice3A_161 = vector.extract_strided_slice %add3A_160 {offsets = [0, 0], sizes = [2, 128], strides = [1, 1]} : vector<4x128xf32> to vector<2x128xf32>
    %slice3A_162 = vector.extract_strided_slice %add3A_160 {offsets = [2, 0], sizes = [2, 128], strides = [1, 1]} : vector<4x128xf32> to vector<2x128xf32>
    %add3A_163 = arith.addf %slice3A_161, %slice3A_162 : vector<2x128xf32>
    %slice3A_164 = vector.extract_strided_slice %add3A_163 {offsets = [0, 0], sizes = [1, 128], strides = [1, 1]} : vector<2x128xf32> to vector<1x128xf32>
    %slice3A_165 = vector.extract_strided_slice %add3A_163 {offsets = [1, 0], sizes = [1, 128], strides = [1, 1]} : vector<2x128xf32> to vector<1x128xf32>
    %add3A_166 = arith.addf %slice3A_164, %slice3A_165 : vector<1x128xf32>
    %div3A = arith.constant 4.096000e+03 : f32
    %div3A_167 = vector.broadcast %div3A : f32 to vector<1x128xf32>
    %div3A_168 = arith.divf %add3A_166, %div3A_167 : vector<1x128xf32>
    %broadcast_in_dim3A_169 = arith.constant 0.000000e+00 : f32
    %broadcast_in_dim3A_170 = vector.broadcast %broadcast_in_dim3A_169 : f32 to vector<128x128xf32>
    %slice3A_171 = vector.extract_strided_slice %dot_general3A_12 {offsets = [0, 0], sizes = [128, 128], strides = [1, 1]} : vector<1024x128xf32> to vector<128x128xf32>
    %sub3A = vector.broadcast %div3A_168 : vector<1x128xf32> to vector<128x128xf32>
    %sub3A_172 = arith.subf %slice3A_171, %sub3A : vector<128x128xf32>
    %mul3A = arith.mulf %sub3A_172, %sub3A_172 : vector<128x128xf32>
    %add3A_173 = arith.addf %broadcast_in_dim3A_170, %mul3A : vector<128x128xf32>
    %slice3A_174 = vector.extract_strided_slice %dot_general3A_28 {offsets = [0, 0], sizes = [128, 128], strides = [1, 1]} : vector<1024x128xf32> to vector<128x128xf32>
    %sub3A_175 = vector.broadcast %div3A_168 : vector<1x128xf32> to vector<128x128xf32>
    %sub3A_176 = arith.subf %slice3A_174, %sub3A_175 : vector<128x128xf32>
    %mul3A_177 = arith.mulf %sub3A_176, %sub3A_176 : vector<128x128xf32>
    %add3A_178 = arith.addf %add3A_173, %mul3A_177 : vector<128x128xf32>
    %slice3A_179 = vector.extract_strided_slice %dot_general3A_44 {offsets = [0, 0], sizes = [128, 128], strides = [1, 1]} : vector<1024x128xf32> to vector<128x128xf32>
    %sub3A_180 = vector.broadcast %div3A_168 : vector<1x128xf32> to vector<128x128xf32>
    %sub3A_181 = arith.subf %slice3A_179, %sub3A_180 : vector<128x128xf32>
    %mul3A_182 = arith.mulf %sub3A_181, %sub3A_181 : vector<128x128xf32>
    %add3A_183 = arith.addf %add3A_178, %mul3A_182 : vector<128x128xf32>
    %slice3A_184 = vector.extract_strided_slice %dot_general3A_60 {offsets = [0, 0], sizes = [128, 128], strides = [1, 1]} : vector<1024x128xf32> to vector<128x128xf32>
    %sub3A_185 = vector.broadcast %div3A_168 : vector<1x128xf32> to vector<128x128xf32>
    %sub3A_186 = arith.subf %slice3A_184, %sub3A_185 : vector<128x128xf32>
    %mul3A_187 = arith.mulf %sub3A_186, %sub3A_186 : vector<128x128xf32>
    %add3A_188 = arith.addf %add3A_183, %mul3A_187 : vector<128x128xf32>
    %slice3A_189 = vector.extract_strided_slice %dot_general3A_12 {offsets = [128, 0], sizes = [128, 128], strides = [1, 1]} : vector<1024x128xf32> to vector<128x128xf32>
    %sub3A_190 = vector.broadcast %div3A_168 : vector<1x128xf32> to vector<128x128xf32>
    %sub3A_191 = arith.subf %slice3A_189, %sub3A_190 : vector<128x128xf32>
    %mul3A_192 = arith.mulf %sub3A_191, %sub3A_191 : vector<128x128xf32>
    %add3A_193 = arith.addf %add3A_188, %mul3A_192 : vector<128x128xf32>
    %slice3A_194 = vector.extract_strided_slice %dot_general3A_28 {offsets = [128, 0], sizes = [128, 128], strides = [1, 1]} : vector<1024x128xf32> to vector<128x128xf32>
    %sub3A_195 = vector.broadcast %div3A_168 : vector<1x128xf32> to vector<128x128xf32>
    %sub3A_196 = arith.subf %slice3A_194, %sub3A_195 : vector<128x128xf32>
    %mul3A_197 = arith.mulf %sub3A_196, %sub3A_196 : vector<128x128xf32>
    %add3A_198 = arith.addf %add3A_193, %mul3A_197 : vector<128x128xf32>
    %slice3A_199 = vector.extract_strided_slice %dot_general3A_44 {offsets = [128, 0], sizes = [128, 128], strides = [1, 1]} : vector<1024x128xf32> to vector<128x128xf32>
    %sub3A_200 = vector.broadcast %div3A_168 : vector<1x128xf32> to vector<128x128xf32>
    %sub3A_201 = arith.subf %slice3A_199, %sub3A_200 : vector<128x128xf32>
    %mul3A_202 = arith.mulf %sub3A_201, %sub3A_201 : vector<128x128xf32>
    %add3A_203 = arith.addf %add3A_198, %mul3A_202 : vector<128x128xf32>
    %slice3A_204 = vector.extract_strided_slice %dot_general3A_60 {offsets = [128, 0], sizes = [128, 128], strides = [1, 1]} : vector<1024x128xf32> to vector<128x128xf32>
    %sub3A_205 = vector.broadcast %div3A_168 : vector<1x128xf32> to vector<128x128xf32>
    %sub3A_206 = arith.subf %slice3A_204, %sub3A_205 : vector<128x128xf32>
    %mul3A_207 = arith.mulf %sub3A_206, %sub3A_206 : vector<128x128xf32>
    %add3A_208 = arith.addf %add3A_203, %mul3A_207 : vector<128x128xf32>
    %slice3A_209 = vector.extract_strided_slice %dot_general3A_12 {offsets = [256, 0], sizes = [128, 128], strides = [1, 1]} : vector<1024x128xf32> to vector<128x128xf32>
    %sub3A_210 = vector.broadcast %div3A_168 : vector<1x128xf32> to vector<128x128xf32>
    %sub3A_211 = arith.subf %slice3A_209, %sub3A_210 : vector<128x128xf32>
    %mul3A_212 = arith.mulf %sub3A_211, %sub3A_211 : vector<128x128xf32>
    %add3A_213 = arith.addf %add3A_208, %mul3A_212 : vector<128x128xf32>
    %slice3A_214 = vector.extract_strided_slice %dot_general3A_28 {offsets = [256, 0], sizes = [128, 128], strides = [1, 1]} : vector<1024x128xf32> to vector<128x128xf32>
    %sub3A_215 = vector.broadcast %div3A_168 : vector<1x128xf32> to vector<128x128xf32>
    %sub3A_216 = arith.subf %slice3A_214, %sub3A_215 : vector<128x128xf32>
    %mul3A_217 = arith.mulf %sub3A_216, %sub3A_216 : vector<128x128xf32>
    %add3A_218 = arith.addf %add3A_213, %mul3A_217 : vector<128x128xf32>
    %slice3A_219 = vector.extract_strided_slice %dot_general3A_44 {offsets = [256, 0], sizes = [128, 128], strides = [1, 1]} : vector<1024x128xf32> to vector<128x128xf32>
    %sub3A_220 = vector.broadcast %div3A_168 : vector<1x128xf32> to vector<128x128xf32>
    %sub3A_221 = arith.subf %slice3A_219, %sub3A_220 : vector<128x128xf32>
    %mul3A_222 = arith.mulf %sub3A_221, %sub3A_221 : vector<128x128xf32>
    %add3A_223 = arith.addf %add3A_218, %mul3A_222 : vector<128x128xf32>
    %slice3A_224 = vector.extract_strided_slice %dot_general3A_60 {offsets = [256, 0], sizes = [128, 128], strides = [1, 1]} : vector<1024x128xf32> to vector<128x128xf32>
    %sub3A_225 = vector.broadcast %div3A_168 : vector<1x128xf32> to vector<128x128xf32>
    %sub3A_226 = arith.subf %slice3A_224, %sub3A_225 : vector<128x128xf32>
    %mul3A_227 = arith.mulf %sub3A_226, %sub3A_226 : vector<128x128xf32>
    %add3A_228 = arith.addf %add3A_223, %mul3A_227 : vector<128x128xf32>
    %slice3A_229 = vector.extract_strided_slice %dot_general3A_12 {offsets = [384, 0], sizes = [128, 128], strides = [1, 1]} : vector<1024x128xf32> to vector<128x128xf32>
    %sub3A_230 = vector.broadcast %div3A_168 : vector<1x128xf32> to vector<128x128xf32>
    %sub3A_231 = arith.subf %slice3A_229, %sub3A_230 : vector<128x128xf32>
    %mul3A_232 = arith.mulf %sub3A_231, %sub3A_231 : vector<128x128xf32>
    %add3A_233 = arith.addf %add3A_228, %mul3A_232 : vector<128x128xf32>
    %slice3A_234 = vector.extract_strided_slice %dot_general3A_28 {offsets = [384, 0], sizes = [128, 128], strides = [1, 1]} : vector<1024x128xf32> to vector<128x128xf32>
    %sub3A_235 = vector.broadcast %div3A_168 : vector<1x128xf32> to vector<128x128xf32>
    %sub3A_236 = arith.subf %slice3A_234, %sub3A_235 : vector<128x128xf32>
    %mul3A_237 = arith.mulf %sub3A_236, %sub3A_236 : vector<128x128xf32>
    %add3A_238 = arith.addf %add3A_233, %mul3A_237 : vector<128x128xf32>
    %slice3A_239 = vector.extract_strided_slice %dot_general3A_44 {offsets = [384, 0], sizes = [128, 128], strides = [1, 1]} : vector<1024x128xf32> to vector<128x128xf32>
    %sub3A_240 = vector.broadcast %div3A_168 : vector<1x128xf32> to vector<128x128xf32>
    %sub3A_241 = arith.subf %slice3A_239, %sub3A_240 : vector<128x128xf32>
    %mul3A_242 = arith.mulf %sub3A_241, %sub3A_241 : vector<128x128xf32>
    %add3A_243 = arith.addf %add3A_238, %mul3A_242 : vector<128x128xf32>
    %slice3A_244 = vector.extract_strided_slice %dot_general3A_60 {offsets = [384, 0], sizes = [128, 128], strides = [1, 1]} : vector<1024x128xf32> to vector<128x128xf32>
    %sub3A_245 = vector.broadcast %div3A_168 : vector<1x128xf32> to vector<128x128xf32>
    %sub3A_246 = arith.subf %slice3A_244, %sub3A_245 : vector<128x128xf32>
    %mul3A_247 = arith.mulf %sub3A_246, %sub3A_246 : vector<128x128xf32>
    %add3A_248 = arith.addf %add3A_243, %mul3A_247 : vector<128x128xf32>
    %slice3A_249 = vector.extract_strided_slice %dot_general3A_12 {offsets = [512, 0], sizes = [128, 128], strides = [1, 1]} : vector<1024x128xf32> to vector<128x128xf32>
    %sub3A_250 = vector.broadcast %div3A_168 : vector<1x128xf32> to vector<128x128xf32>
    %sub3A_251 = arith.subf %slice3A_249, %sub3A_250 : vector<128x128xf32>
    %mul3A_252 = arith.mulf %sub3A_251, %sub3A_251 : vector<128x128xf32>
    %add3A_253 = arith.addf %add3A_248, %mul3A_252 : vector<128x128xf32>
    %slice3A_254 = vector.extract_strided_slice %dot_general3A_28 {offsets = [512, 0], sizes = [128, 128], strides = [1, 1]} : vector<1024x128xf32> to vector<128x128xf32>
    %sub3A_255 = vector.broadcast %div3A_168 : vector<1x128xf32> to vector<128x128xf32>
    %sub3A_256 = arith.subf %slice3A_254, %sub3A_255 : vector<128x128xf32>
    %mul3A_257 = arith.mulf %sub3A_256, %sub3A_256 : vector<128x128xf32>
    %add3A_258 = arith.addf %add3A_253, %mul3A_257 : vector<128x128xf32>
    %slice3A_259 = vector.extract_strided_slice %dot_general3A_44 {offsets = [512, 0], sizes = [128, 128], strides = [1, 1]} : vector<1024x128xf32> to vector<128x128xf32>
    %sub3A_260 = vector.broadcast %div3A_168 : vector<1x128xf32> to vector<128x128xf32>
    %sub3A_261 = arith.subf %slice3A_259, %sub3A_260 : vector<128x128xf32>
    %mul3A_262 = arith.mulf %sub3A_261, %sub3A_261 : vector<128x128xf32>
    %add3A_263 = arith.addf %add3A_258, %mul3A_262 : vector<128x128xf32>
    %slice3A_264 = vector.extract_strided_slice %dot_general3A_60 {offsets = [512, 0], sizes = [128, 128], strides = [1, 1]} : vector<1024x128xf32> to vector<128x128xf32>
    %sub3A_265 = vector.broadcast %div3A_168 : vector<1x128xf32> to vector<128x128xf32>
    %sub3A_266 = arith.subf %slice3A_264, %sub3A_265 : vector<128x128xf32>
    %mul3A_267 = arith.mulf %sub3A_266, %sub3A_266 : vector<128x128xf32>
    %add3A_268 = arith.addf %add3A_263, %mul3A_267 : vector<128x128xf32>
    %slice3A_269 = vector.extract_strided_slice %dot_general3A_12 {offsets = [640, 0], sizes = [128, 128], strides = [1, 1]} : vector<1024x128xf32> to vector<128x128xf32>
    %sub3A_270 = vector.broadcast %div3A_168 : vector<1x128xf32> to vector<128x128xf32>
    %sub3A_271 = arith.subf %slice3A_269, %sub3A_270 : vector<128x128xf32>
    %mul3A_272 = arith.mulf %sub3A_271, %sub3A_271 : vector<128x128xf32>
    %add3A_273 = arith.addf %add3A_268, %mul3A_272 : vector<128x128xf32>
    %slice3A_274 = vector.extract_strided_slice %dot_general3A_28 {offsets = [640, 0], sizes = [128, 128], strides = [1, 1]} : vector<1024x128xf32> to vector<128x128xf32>
    %sub3A_275 = vector.broadcast %div3A_168 : vector<1x128xf32> to vector<128x128xf32>
    %sub3A_276 = arith.subf %slice3A_274, %sub3A_275 : vector<128x128xf32>
    %mul3A_277 = arith.mulf %sub3A_276, %sub3A_276 : vector<128x128xf32>
    %add3A_278 = arith.addf %add3A_273, %mul3A_277 : vector<128x128xf32>
    %slice3A_279 = vector.extract_strided_slice %dot_general3A_44 {offsets = [640, 0], sizes = [128, 128], strides = [1, 1]} : vector<1024x128xf32> to vector<128x128xf32>
    %sub3A_280 = vector.broadcast %div3A_168 : vector<1x128xf32> to vector<128x128xf32>
    %sub3A_281 = arith.subf %slice3A_279, %sub3A_280 : vector<128x128xf32>
    %mul3A_282 = arith.mulf %sub3A_281, %sub3A_281 : vector<128x128xf32>
    %add3A_283 = arith.addf %add3A_278, %mul3A_282 : vector<128x128xf32>
    %slice3A_284 = vector.extract_strided_slice %dot_general3A_60 {offsets = [640, 0], sizes = [128, 128], strides = [1, 1]} : vector<1024x128xf32> to vector<128x128xf32>
    %sub3A_285 = vector.broadcast %div3A_168 : vector<1x128xf32> to vector<128x128xf32>
    %sub3A_286 = arith.subf %slice3A_284, %sub3A_285 : vector<128x128xf32>
    %mul3A_287 = arith.mulf %sub3A_286, %sub3A_286 : vector<128x128xf32>
    %add3A_288 = arith.addf %add3A_283, %mul3A_287 : vector<128x128xf32>
    %slice3A_289 = vector.extract_strided_slice %dot_general3A_12 {offsets = [768, 0], sizes = [128, 128], strides = [1, 1]} : vector<1024x128xf32> to vector<128x128xf32>
    %sub3A_290 = vector.broadcast %div3A_168 : vector<1x128xf32> to vector<128x128xf32>
    %sub3A_291 = arith.subf %slice3A_289, %sub3A_290 : vector<128x128xf32>
    %mul3A_292 = arith.mulf %sub3A_291, %sub3A_291 : vector<128x128xf32>
    %add3A_293 = arith.addf %add3A_288, %mul3A_292 : vector<128x128xf32>
    %slice3A_294 = vector.extract_strided_slice %dot_general3A_28 {offsets = [768, 0], sizes = [128, 128], strides = [1, 1]} : vector<1024x128xf32> to vector<128x128xf32>
    %sub3A_295 = vector.broadcast %div3A_168 : vector<1x128xf32> to vector<128x128xf32>
    %sub3A_296 = arith.subf %slice3A_294, %sub3A_295 : vector<128x128xf32>
    %mul3A_297 = arith.mulf %sub3A_296, %sub3A_296 : vector<128x128xf32>
    %add3A_298 = arith.addf %add3A_293, %mul3A_297 : vector<128x128xf32>
    %slice3A_299 = vector.extract_strided_slice %dot_general3A_44 {offsets = [768, 0], sizes = [128, 128], strides = [1, 1]} : vector<1024x128xf32> to vector<128x128xf32>
    %sub3A_300 = vector.broadcast %div3A_168 : vector<1x128xf32> to vector<128x128xf32>
    %sub3A_301 = arith.subf %slice3A_299, %sub3A_300 : vector<128x128xf32>
    %mul3A_302 = arith.mulf %sub3A_301, %sub3A_301 : vector<128x128xf32>
    %add3A_303 = arith.addf %add3A_298, %mul3A_302 : vector<128x128xf32>
    %slice3A_304 = vector.extract_strided_slice %dot_general3A_60 {offsets = [768, 0], sizes = [128, 128], strides = [1, 1]} : vector<1024x128xf32> to vector<128x128xf32>
    %sub3A_305 = vector.broadcast %div3A_168 : vector<1x128xf32> to vector<128x128xf32>
    %sub3A_306 = arith.subf %slice3A_304, %sub3A_305 : vector<128x128xf32>
    %mul3A_307 = arith.mulf %sub3A_306, %sub3A_306 : vector<128x128xf32>
    %add3A_308 = arith.addf %add3A_303, %mul3A_307 : vector<128x128xf32>
    %slice3A_309 = vector.extract_strided_slice %dot_general3A_12 {offsets = [896, 0], sizes = [128, 128], strides = [1, 1]} : vector<1024x128xf32> to vector<128x128xf32>
    %sub3A_310 = vector.broadcast %div3A_168 : vector<1x128xf32> to vector<128x128xf32>
    %sub3A_311 = arith.subf %slice3A_309, %sub3A_310 : vector<128x128xf32>
    %mul3A_312 = arith.mulf %sub3A_311, %sub3A_311 : vector<128x128xf32>
    %add3A_313 = arith.addf %add3A_308, %mul3A_312 : vector<128x128xf32>
    %slice3A_314 = vector.extract_strided_slice %dot_general3A_28 {offsets = [896, 0], sizes = [128, 128], strides = [1, 1]} : vector<1024x128xf32> to vector<128x128xf32>
    %sub3A_315 = vector.broadcast %div3A_168 : vector<1x128xf32> to vector<128x128xf32>
    %sub3A_316 = arith.subf %slice3A_314, %sub3A_315 : vector<128x128xf32>
    %mul3A_317 = arith.mulf %sub3A_316, %sub3A_316 : vector<128x128xf32>
    %add3A_318 = arith.addf %add3A_313, %mul3A_317 : vector<128x128xf32>
    %slice3A_319 = vector.extract_strided_slice %dot_general3A_44 {offsets = [896, 0], sizes = [128, 128], strides = [1, 1]} : vector<1024x128xf32> to vector<128x128xf32>
    %sub3A_320 = vector.broadcast %div3A_168 : vector<1x128xf32> to vector<128x128xf32>
    %sub3A_321 = arith.subf %slice3A_319, %sub3A_320 : vector<128x128xf32>
    %mul3A_322 = arith.mulf %sub3A_321, %sub3A_321 : vector<128x128xf32>
    %add3A_323 = arith.addf %add3A_318, %mul3A_322 : vector<128x128xf32>
    %slice3A_324 = vector.extract_strided_slice %dot_general3A_60 {offsets = [896, 0], sizes = [128, 128], strides = [1, 1]} : vector<1024x128xf32> to vector<128x128xf32>
    %sub3A_325 = vector.broadcast %div3A_168 : vector<1x128xf32> to vector<128x128xf32>
    %sub3A_326 = arith.subf %slice3A_324, %sub3A_325 : vector<128x128xf32>
    %mul3A_327 = arith.mulf %sub3A_326, %sub3A_326 : vector<128x128xf32>
    %add3A_328 = arith.addf %add3A_323, %mul3A_327 : vector<128x128xf32>
    %broadcast_in_dim3A_329 = arith.constant 0.000000e+00 : f32
    %broadcast_in_dim3A_330 = vector.broadcast %broadcast_in_dim3A_329 : f32 to vector<8x128xf32>
    %slice3A_331 = vector.extract_strided_slice %add3A_328 {offsets = [0, 0], sizes = [8, 128], strides = [1, 1]} : vector<128x128xf32> to vector<8x128xf32>
    %add3A_332 = arith.addf %broadcast_in_dim3A_330, %slice3A_331 : vector<8x128xf32>
    %slice3A_333 = vector.extract_strided_slice %add3A_328 {offsets = [8, 0], sizes = [8, 128], strides = [1, 1]} : vector<128x128xf32> to vector<8x128xf32>
    %add3A_334 = arith.addf %add3A_332, %slice3A_333 : vector<8x128xf32>
    %slice3A_335 = vector.extract_strided_slice %add3A_328 {offsets = [16, 0], sizes = [8, 128], strides = [1, 1]} : vector<128x128xf32> to vector<8x128xf32>
    %add3A_336 = arith.addf %add3A_334, %slice3A_335 : vector<8x128xf32>
    %slice3A_337 = vector.extract_strided_slice %add3A_328 {offsets = [24, 0], sizes = [8, 128], strides = [1, 1]} : vector<128x128xf32> to vector<8x128xf32>
    %add3A_338 = arith.addf %add3A_336, %slice3A_337 : vector<8x128xf32>
    %slice3A_339 = vector.extract_strided_slice %add3A_328 {offsets = [32, 0], sizes = [8, 128], strides = [1, 1]} : vector<128x128xf32> to vector<8x128xf32>
    %add3A_340 = arith.addf %add3A_338, %slice3A_339 : vector<8x128xf32>
    %slice3A_341 = vector.extract_strided_slice %add3A_328 {offsets = [40, 0], sizes = [8, 128], strides = [1, 1]} : vector<128x128xf32> to vector<8x128xf32>
    %add3A_342 = arith.addf %add3A_340, %slice3A_341 : vector<8x128xf32>
    %slice3A_343 = vector.extract_strided_slice %add3A_328 {offsets = [48, 0], sizes = [8, 128], strides = [1, 1]} : vector<128x128xf32> to vector<8x128xf32>
    %add3A_344 = arith.addf %add3A_342, %slice3A_343 : vector<8x128xf32>
    %slice3A_345 = vector.extract_strided_slice %add3A_328 {offsets = [56, 0], sizes = [8, 128], strides = [1, 1]} : vector<128x128xf32> to vector<8x128xf32>
    %add3A_346 = arith.addf %add3A_344, %slice3A_345 : vector<8x128xf32>
    %slice3A_347 = vector.extract_strided_slice %add3A_328 {offsets = [64, 0], sizes = [8, 128], strides = [1, 1]} : vector<128x128xf32> to vector<8x128xf32>
    %add3A_348 = arith.addf %add3A_346, %slice3A_347 : vector<8x128xf32>
    %slice3A_349 = vector.extract_strided_slice %add3A_328 {offsets = [72, 0], sizes = [8, 128], strides = [1, 1]} : vector<128x128xf32> to vector<8x128xf32>
    %add3A_350 = arith.addf %add3A_348, %slice3A_349 : vector<8x128xf32>
    %slice3A_351 = vector.extract_strided_slice %add3A_328 {offsets = [80, 0], sizes = [8, 128], strides = [1, 1]} : vector<128x128xf32> to vector<8x128xf32>
    %add3A_352 = arith.addf %add3A_350, %slice3A_351 : vector<8x128xf32>
    %slice3A_353 = vector.extract_strided_slice %add3A_328 {offsets = [88, 0], sizes = [8, 128], strides = [1, 1]} : vector<128x128xf32> to vector<8x128xf32>
    %add3A_354 = arith.addf %add3A_352, %slice3A_353 : vector<8x128xf32>
    %slice3A_355 = vector.extract_strided_slice %add3A_328 {offsets = [96, 0], sizes = [8, 128], strides = [1, 1]} : vector<128x128xf32> to vector<8x128xf32>
    %add3A_356 = arith.addf %add3A_354, %slice3A_355 : vector<8x128xf32>
    %slice3A_357 = vector.extract_strided_slice %add3A_328 {offsets = [104, 0], sizes = [8, 128], strides = [1, 1]} : vector<128x128xf32> to vector<8x128xf32>
    %add3A_358 = arith.addf %add3A_356, %slice3A_357 : vector<8x128xf32>
    %slice3A_359 = vector.extract_strided_slice %add3A_328 {offsets = [112, 0], sizes = [8, 128], strides = [1, 1]} : vector<128x128xf32> to vector<8x128xf32>
    %add3A_360 = arith.addf %add3A_358, %slice3A_359 : vector<8x128xf32>
    %slice3A_361 = vector.extract_strided_slice %add3A_328 {offsets = [120, 0], sizes = [8, 128], strides = [1, 1]} : vector<128x128xf32> to vector<8x128xf32>
    %add3A_362 = arith.addf %add3A_360, %slice3A_361 : vector<8x128xf32>
    %slice3A_363 = vector.extract_strided_slice %add3A_362 {offsets = [0, 0], sizes = [4, 128], strides = [1, 1]} : vector<8x128xf32> to vector<4x128xf32>
    %slice3A_364 = vector.extract_strided_slice %add3A_362 {offsets = [4, 0], sizes = [4, 128], strides = [1, 1]} : vector<8x128xf32> to vector<4x128xf32>
    %add3A_365 = arith.addf %slice3A_363, %slice3A_364 : vector<4x128xf32>
    %slice3A_366 = vector.extract_strided_slice %add3A_365 {offsets = [0, 0], sizes = [2, 128], strides = [1, 1]} : vector<4x128xf32> to vector<2x128xf32>
    %slice3A_367 = vector.extract_strided_slice %add3A_365 {offsets = [2, 0], sizes = [2, 128], strides = [1, 1]} : vector<4x128xf32> to vector<2x128xf32>
    %add3A_368 = arith.addf %slice3A_366, %slice3A_367 : vector<2x128xf32>
    %slice3A_369 = vector.extract_strided_slice %add3A_368 {offsets = [0, 0], sizes = [1, 128], strides = [1, 1]} : vector<2x128xf32> to vector<1x128xf32>
    %slice3A_370 = vector.extract_strided_slice %add3A_368 {offsets = [1, 0], sizes = [1, 128], strides = [1, 1]} : vector<2x128xf32> to vector<1x128xf32>
    %add3A_371 = arith.addf %slice3A_369, %slice3A_370 : vector<1x128xf32>
    %div3A_372 = arith.constant 4.096000e+03 : f32
    %div3A_373 = vector.broadcast %div3A_372 : f32 to vector<1x128xf32>
    %div3A_374 = arith.divf %add3A_371, %div3A_373 : vector<1x128xf32>
    %add3A_375 = arith.constant 9.99999974E-6 : f32
    %add3A_376 = vector.broadcast %add3A_375 : f32 to vector<1x128xf32>
    %add3A_377 = arith.addf %div3A_374, %add3A_376 : vector<1x128xf32>
    %sqrt3A = math.sqrt %add3A_377 : vector<1x128xf32>
    %get3A_378 = arith.constant 0 : index
    %get3A_379 = vector.load %arg3[%get3A_378] : memref<128xf32, #tpu.memory_space<vmem>>, vector<128xf32>
    %broadcast_in_dim3A_380 = vector.shape_cast %get3A_379 : vector<128xf32> to vector<1x128xf32>
    %sub3A_381 = vector.broadcast %div3A_168 : vector<1x128xf32> to vector<1024x128xf32>
    %sub3A_382 = arith.subf %dot_general3A_12, %sub3A_381 : vector<1024x128xf32>
    %mul3A_383 = vector.broadcast %broadcast_in_dim3A_380 : vector<1x128xf32> to vector<1024x128xf32>
    %mul3A_384 = arith.mulf %mul3A_383, %sub3A_382 : vector<1024x128xf32>
    %div3A_385 = vector.broadcast %sqrt3A : vector<1x128xf32> to vector<1024x128xf32>
    %div3A_386 = arith.divf %mul3A_384, %div3A_385 : vector<1024x128xf32>
    %get3A_387 = arith.constant 0 : index
    %get3A_388 = vector.load %arg4[%get3A_387] : memref<128xf32, #tpu.memory_space<vmem>>, vector<128xf32>
    %broadcast_in_dim3A_389 = vector.shape_cast %get3A_388 : vector<128xf32> to vector<1x128xf32>
    %add3A_390 = vector.broadcast %broadcast_in_dim3A_389 : vector<1x128xf32> to vector<1024x128xf32>
    %add3A_391 = arith.addf %div3A_386, %add3A_390 : vector<1024x128xf32>
    %div3A_392 = arith.constant 1.41421354 : f32
    %div3A_393 = vector.broadcast %div3A_392 : f32 to vector<1024x128xf32>
    %div3A_394 = arith.divf %add3A_391, %div3A_393 : vector<1024x128xf32>
    %erf3A = math.erf %div3A_394 : vector<1024x128xf32>
    %add3A_395 = arith.constant 1.000000e+00 : f32
    %add3A_396 = vector.broadcast %add3A_395 : f32 to vector<1024x128xf32>
    %add3A_397 = arith.addf %erf3A, %add3A_396 : vector<1024x128xf32>
    %mul3A_398 = arith.mulf %add3A_391, %add3A_397 : vector<1024x128xf32>
    %div3A_399 = arith.constant 2.000000e+00 : f32
    %div3A_400 = vector.broadcast %div3A_399 : f32 to vector<1024x128xf32>
    %div3A_401 = arith.divf %mul3A_398, %div3A_400 : vector<1024x128xf32>
    %swap3A = arith.constant 0 : index
    %swap3A_402 = arith.constant 0 : index
    %swap3A_403 = arith.constant 0 : index
    %swap3A_404 = vector.load %arg5[%swap3A, %swap3A_402, %swap3A_403] : memref<4x1024x128xf32, #tpu.memory_space<vmem>>, vector<1x1024x128xf32>
    %swap3A_405 = vector.shape_cast %swap3A_404 : vector<1x1024x128xf32> to vector<1024x128xf32>
    %swap3A_406 = vector.shape_cast %div3A_401 : vector<1024x128xf32> to vector<1x1024x128xf32>
    tpu.vector_store %arg5[%swap3A, %swap3A_402, %swap3A_403], %swap3A_406 {strides = array<i32>} : memref<4x1024x128xf32, #tpu.memory_space<vmem>>, vector<1x1024x128xf32>,
    %get3A_407 = arith.constant 0 : index
    %get3A_408 = vector.load %arg3[%get3A_407] : memref<128xf32, #tpu.memory_space<vmem>>, vector<128xf32>
    %broadcast_in_dim3A_409 = vector.shape_cast %get3A_408 : vector<128xf32> to vector<1x128xf32>
    %sub3A_410 = vector.broadcast %div3A_168 : vector<1x128xf32> to vector<1024x128xf32>
    %sub3A_411 = arith.subf %dot_general3A_28, %sub3A_410 : vector<1024x128xf32>
    %mul3A_412 = vector.broadcast %broadcast_in_dim3A_409 : vector<1x128xf32> to vector<1024x128xf32>
    %mul3A_413 = arith.mulf %mul3A_412, %sub3A_411 : vector<1024x128xf32>
    %div3A_414 = vector.broadcast %sqrt3A : vector<1x128xf32> to vector<1024x128xf32>
    %div3A_415 = arith.divf %mul3A_413, %div3A_414 : vector<1024x128xf32>
    %get3A_416 = arith.constant 0 : index
    %get3A_417 = vector.load %arg4[%get3A_416] : memref<128xf32, #tpu.memory_space<vmem>>, vector<128xf32>
    %broadcast_in_dim3A_418 = vector.shape_cast %get3A_417 : vector<128xf32> to vector<1x128xf32>
    %add3A_419 = vector.broadcast %broadcast_in_dim3A_418 : vector<1x128xf32> to vector<1024x128xf32>
    %add3A_420 = arith.addf %div3A_415, %add3A_419 : vector<1024x128xf32>
    %div3A_421 = arith.constant 1.41421354 : f32
    %div3A_422 = vector.broadcast %div3A_421 : f32 to vector<1024x128xf32>
    %div3A_423 = arith.divf %add3A_420, %div3A_422 : vector<1024x128xf32>
    %erf3A_424 = math.erf %div3A_423 : vector<1024x128xf32>
    %add3A_425 = arith.constant 1.000000e+00 : f32
    %add3A_426 = vector.broadcast %add3A_425 : f32 to vector<1024x128xf32>
    %add3A_427 = arith.addf %erf3A_424, %add3A_426 : vector<1024x128xf32>
    %mul3A_428 = arith.mulf %add3A_420, %add3A_427 : vector<1024x128xf32>
    %div3A_429 = arith.constant 2.000000e+00 : f32
    %div3A_430 = vector.broadcast %div3A_429 : f32 to vector<1024x128xf32>
    %div3A_431 = arith.divf %mul3A_428, %div3A_430 : vector<1024x128xf32>
    %swap3A_432 = arith.constant 1 : index
    %swap3A_433 = arith.constant 0 : index
    %swap3A_434 = arith.constant 0 : index
    %swap3A_435 = vector.load %arg5[%swap3A_432, %swap3A_433, %swap3A_434] : memref<4x1024x128xf32, #tpu.memory_space<vmem>>, vector<1x1024x128xf32>
    %swap3A_436 = vector.shape_cast %swap3A_435 : vector<1x1024x128xf32> to vector<1024x128xf32>
    %swap3A_437 = vector.shape_cast %div3A_431 : vector<1024x128xf32> to vector<1x1024x128xf32>
    tpu.vector_store %arg5[%swap3A_432, %swap3A_433, %swap3A_434], %swap3A_437 {strides = array<i32>} : memref<4x1024x128xf32, #tpu.memory_space<vmem>>, vector<1x1024x128xf32>,
    %get3A_438 = arith.constant 0 : index
    %get3A_439 = vector.load %arg3[%get3A_438] : memref<128xf32, #tpu.memory_space<vmem>>, vector<128xf32>
    %broadcast_in_dim3A_440 = vector.shape_cast %get3A_439 : vector<128xf32> to vector<1x128xf32>
    %sub3A_441 = vector.broadcast %div3A_168 : vector<1x128xf32> to vector<1024x128xf32>
    %sub3A_442 = arith.subf %dot_general3A_44, %sub3A_441 : vector<1024x128xf32>
    %mul3A_443 = vector.broadcast %broadcast_in_dim3A_440 : vector<1x128xf32> to vector<1024x128xf32>
    %mul3A_444 = arith.mulf %mul3A_443, %sub3A_442 : vector<1024x128xf32>
    %div3A_445 = vector.broadcast %sqrt3A : vector<1x128xf32> to vector<1024x128xf32>
    %div3A_446 = arith.divf %mul3A_444, %div3A_445 : vector<1024x128xf32>
    %get3A_447 = arith.constant 0 : index
    %get3A_448 = vector.load %arg4[%get3A_447] : memref<128xf32, #tpu.memory_space<vmem>>, vector<128xf32>
    %broadcast_in_dim3A_449 = vector.shape_cast %get3A_448 : vector<128xf32> to vector<1x128xf32>
    %add3A_450 = vector.broadcast %broadcast_in_dim3A_449 : vector<1x128xf32> to vector<1024x128xf32>
    %add3A_451 = arith.addf %div3A_446, %add3A_450 : vector<1024x128xf32>
    %div3A_452 = arith.constant 1.41421354 : f32
    %div3A_453 = vector.broadcast %div3A_452 : f32 to vector<1024x128xf32>
    %div3A_454 = arith.divf %add3A_451, %div3A_453 : vector<1024x128xf32>
    %erf3A_455 = math.erf %div3A_454 : vector<1024x128xf32>
    %add3A_456 = arith.constant 1.000000e+00 : f32
    %add3A_457 = vector.broadcast %add3A_456 : f32 to vector<1024x128xf32>
    %add3A_458 = arith.addf %erf3A_455, %add3A_457 : vector<1024x128xf32>
    %mul3A_459 = arith.mulf %add3A_451, %add3A_458 : vector<1024x128xf32>
    %div3A_460 = arith.constant 2.000000e+00 : f32
    %div3A_461 = vector.broadcast %div3A_460 : f32 to vector<1024x128xf32>
    %div3A_462 = arith.divf %mul3A_459, %div3A_461 : vector<1024x128xf32>
    %swap3A_463 = arith.constant 2 : index
    %swap3A_464 = arith.constant 0 : index
    %swap3A_465 = arith.constant 0 : index
    %swap3A_466 = vector.load %arg5[%swap3A_463, %swap3A_464, %swap3A_465] : memref<4x1024x128xf32, #tpu.memory_space<vmem>>, vector<1x1024x128xf32>
    %swap3A_467 = vector.shape_cast %swap3A_466 : vector<1x1024x128xf32> to vector<1024x128xf32>
    %swap3A_468 = vector.shape_cast %div3A_462 : vector<1024x128xf32> to vector<1x1024x128xf32>
    tpu.vector_store %arg5[%swap3A_463, %swap3A_464, %swap3A_465], %swap3A_468 {strides = array<i32>} : memref<4x1024x128xf32, #tpu.memory_space<vmem>>, vector<1x1024x128xf32>,
    %get3A_469 = arith.constant 0 : index
    %get3A_470 = vector.load %arg3[%get3A_469] : memref<128xf32, #tpu.memory_space<vmem>>, vector<128xf32>
    %broadcast_in_dim3A_471 = vector.shape_cast %get3A_470 : vector<128xf32> to vector<1x128xf32>
    %sub3A_472 = vector.broadcast %div3A_168 : vector<1x128xf32> to vector<1024x128xf32>
    %sub3A_473 = arith.subf %dot_general3A_60, %sub3A_472 : vector<1024x128xf32>
    %mul3A_474 = vector.broadcast %broadcast_in_dim3A_471 : vector<1x128xf32> to vector<1024x128xf32>
    %mul3A_475 = arith.mulf %mul3A_474, %sub3A_473 : vector<1024x128xf32>
    %div3A_476 = vector.broadcast %sqrt3A : vector<1x128xf32> to vector<1024x128xf32>
    %div3A_477 = arith.divf %mul3A_475, %div3A_476 : vector<1024x128xf32>
    %get3A_478 = arith.constant 0 : index
    %get3A_479 = vector.load %arg4[%get3A_478] : memref<128xf32, #tpu.memory_space<vmem>>, vector<128xf32>
    %broadcast_in_dim3A_480 = vector.shape_cast %get3A_479 : vector<128xf32> to vector<1x128xf32>
    %add3A_481 = vector.broadcast %broadcast_in_dim3A_480 : vector<1x128xf32> to vector<1024x128xf32>
    %add3A_482 = arith.addf %div3A_477, %add3A_481 : vector<1024x128xf32>
    %div3A_483 = arith.constant 1.41421354 : f32
    %div3A_484 = vector.broadcast %div3A_483 : f32 to vector<1024x128xf32>
    %div3A_485 = arith.divf %add3A_482, %div3A_484 : vector<1024x128xf32>
    %erf3A_486 = math.erf %div3A_485 : vector<1024x128xf32>
    %add3A_487 = arith.constant 1.000000e+00 : f32
    %add3A_488 = vector.broadcast %add3A_487 : f32 to vector<1024x128xf32>
    %add3A_489 = arith.addf %erf3A_486, %add3A_488 : vector<1024x128xf32>
    %mul3A_490 = arith.mulf %add3A_482, %add3A_489 : vector<1024x128xf32>
    %div3A_491 = arith.constant 2.000000e+00 : f32
    %div3A_492 = vector.broadcast %div3A_491 : f32 to vector<1024x128xf32>
    %div3A_493 = arith.divf %mul3A_490, %div3A_492 : vector<1024x128xf32>
    %swap3A_494 = arith.constant 3 : index
    %swap3A_495 = arith.constant 0 : index
    %swap3A_496 = arith.constant 0 : index
    %swap3A_497 = vector.load %arg5[%swap3A_494, %swap3A_495, %swap3A_496] : memref<4x1024x128xf32, #tpu.memory_space<vmem>>, vector<1x1024x128xf32>
    %swap3A_498 = vector.shape_cast %swap3A_497 : vector<1x1024x128xf32> to vector<1024x128xf32>
    %swap3A_499 = vector.shape_cast %div3A_493 : vector<1024x128xf32> to vector<1x1024x128xf32>
    tpu.vector_store %arg5[%swap3A_494, %swap3A_495, %swap3A_496], %swap3A_499 {strides = array<i32>} : memref<4x1024x128xf32, #tpu.memory_space<vmem>>, vector<1x1024x128xf32>,
    return
  }
}

module attributes {stable_mosaic.version = 14 : i64} {
  func.func @body(%arg0: i32, %arg1: memref<4x1024x64xf32, #tpu.memory_space<vmem>>, %arg2: memref<4x1024x64xf32, #tpu.memory_space<vmem>>, %arg3: memref<4x1024x128xf32, #tpu.memory_space<vmem>>, %arg4: memref<128x256xf32, #tpu.memory_space<vmem>>, %arg5: memref<1x1x128xf32, #tpu.memory_space<vmem>>, %arg6: memref<1x1x128xf32, #tpu.memory_space<vmem>>, %arg7: memref<4x128xf32, #tpu.memory_space<vmem>>) attributes {dimension_semantics = [#tpu.dimension_semantics<arbitrary>], iteration_bounds = array<i64: 8>, scalar_prefetch = 0 : i64, scratch_operands = 0 : i64, tpu.core_type = #tpu.core_type<tc>, window_params = [{pipeline_mode = #tpu.pipeline_mode<synchronous>, transform_indices = @transform_0, window_bounds = array<i64: 4, 1024, 64>}, {pipeline_mode = #tpu.pipeline_mode<synchronous>, transform_indices = @transform_1, window_bounds = array<i64: 4, 1024, 64>}, {pipeline_mode = #tpu.pipeline_mode<synchronous>, transform_indices = @transform_2, window_bounds = array<i64: 4, 1024, 128>}, {transform_indices = @transform_3, window_bounds = array<i64: 128, 256>}, {transform_indices = @transform_4, window_bounds = array<i64: 1, 1, 128>}, {transform_indices = @transform_5, window_bounds = array<i64: 1, 1, 128>}, {transform_indices = @transform_6, window_bounds = array<i64: 4, 128>}]} {
    %get3A = arith.constant 0 : index
    %get3A_0 = arith.constant 0 : index
    %get3A_1 = arith.constant 0 : index
    %get3A_2 = vector.load %arg1[%get3A, %get3A_0, %get3A_1] : memref<4x1024x64xf32, #tpu.memory_space<vmem>>, vector<1x1024x64xf32>
    %get3A_3 = vector.shape_cast %get3A_2 : vector<1x1024x64xf32> to vector<1024x64xf32>
    %get3A_4 = arith.constant 0 : index
    %get3A_5 = arith.constant 0 : index
    %get3A_6 = arith.constant 0 : index
    %get3A_7 = vector.load %arg2[%get3A_4, %get3A_5, %get3A_6] : memref<4x1024x64xf32, #tpu.memory_space<vmem>>, vector<1x1024x64xf32>
    %get3A_8 = vector.shape_cast %get3A_7 : vector<1x1024x64xf32> to vector<1024x64xf32>
    %get3A_9 = arith.constant 0 : index
    %get3A_10 = arith.constant 0 : index
    %get3A_11 = arith.constant 0 : index
    %get3A_12 = vector.load %arg3[%get3A_9, %get3A_10, %get3A_11] : memref<4x1024x128xf32, #tpu.memory_space<vmem>>, vector<1x1024x128xf32>
    %get3A_13 = vector.shape_cast %get3A_12 : vector<1x1024x128xf32> to vector<1024x128xf32>
    %concatenate3A = tpu.concatenate %get3A_3, %get3A_8, %get3A_13 in 1 : vector<1024x64xf32>, vector<1024x64xf32>, vector<1024x128xf32> -> vector<1024x256xf32>
    %get3A_14 = arith.constant 0 : index
    %get3A_15 = arith.constant 0 : index
    %get3A_16 = vector.load %arg4[%get3A_14, %get3A_15] : memref<128x256xf32, #tpu.memory_space<vmem>>, vector<128x256xf32>
    %dot_general3A = arith.constant dense<0.000000e+00> : vector<1024x128xf32>
    %dot_general3A_17 = tpu.matmul %concatenate3A, %get3A_16, %dot_general3A {dimension_numbers = #tpu.dot_dimension_numbers<[1], [1], [0], [0], [0, 0, 1, 0], [], []>, transpose_lhs_hint = false} : vector<1024x256xf32>, vector<128x256xf32>, vector<1024x128xf32> -> vector<1024x128xf32>
    %get3A_18 = arith.constant 1 : index
    %get3A_19 = arith.constant 0 : index
    %get3A_20 = arith.constant 0 : index
    %get3A_21 = vector.load %arg1[%get3A_18, %get3A_19, %get3A_20] : memref<4x1024x64xf32, #tpu.memory_space<vmem>>, vector<1x1024x64xf32>
    %get3A_22 = vector.shape_cast %get3A_21 : vector<1x1024x64xf32> to vector<1024x64xf32>
    %get3A_23 = arith.constant 1 : index
    %get3A_24 = arith.constant 0 : index
    %get3A_25 = arith.constant 0 : index
    %get3A_26 = vector.load %arg2[%get3A_23, %get3A_24, %get3A_25] : memref<4x1024x64xf32, #tpu.memory_space<vmem>>, vector<1x1024x64xf32>
    %get3A_27 = vector.shape_cast %get3A_26 : vector<1x1024x64xf32> to vector<1024x64xf32>
    %get3A_28 = arith.constant 1 : index
    %get3A_29 = arith.constant 0 : index
    %get3A_30 = arith.constant 0 : index
    %get3A_31 = vector.load %arg3[%get3A_28, %get3A_29, %get3A_30] : memref<4x1024x128xf32, #tpu.memory_space<vmem>>, vector<1x1024x128xf32>
    %get3A_32 = vector.shape_cast %get3A_31 : vector<1x1024x128xf32> to vector<1024x128xf32>
    %concatenate3A_33 = tpu.concatenate %get3A_22, %get3A_27, %get3A_32 in 1 : vector<1024x64xf32>, vector<1024x64xf32>, vector<1024x128xf32> -> vector<1024x256xf32>
    %get3A_34 = arith.constant 0 : index
    %get3A_35 = arith.constant 0 : index
    %get3A_36 = vector.load %arg4[%get3A_34, %get3A_35] : memref<128x256xf32, #tpu.memory_space<vmem>>, vector<128x256xf32>
    %dot_general3A_37 = arith.constant dense<0.000000e+00> : vector<1024x128xf32>
    %dot_general3A_38 = tpu.matmul %concatenate3A_33, %get3A_36, %dot_general3A_37 {dimension_numbers = #tpu.dot_dimension_numbers<[1], [1], [0], [0], [0, 0, 1, 0], [], []>, transpose_lhs_hint = false} : vector<1024x256xf32>, vector<128x256xf32>, vector<1024x128xf32> -> vector<1024x128xf32>
    %get3A_39 = arith.constant 2 : index
    %get3A_40 = arith.constant 0 : index
    %get3A_41 = arith.constant 0 : index
    %get3A_42 = vector.load %arg1[%get3A_39, %get3A_40, %get3A_41] : memref<4x1024x64xf32, #tpu.memory_space<vmem>>, vector<1x1024x64xf32>
    %get3A_43 = vector.shape_cast %get3A_42 : vector<1x1024x64xf32> to vector<1024x64xf32>
    %get3A_44 = arith.constant 2 : index
    %get3A_45 = arith.constant 0 : index
    %get3A_46 = arith.constant 0 : index
    %get3A_47 = vector.load %arg2[%get3A_44, %get3A_45, %get3A_46] : memref<4x1024x64xf32, #tpu.memory_space<vmem>>, vector<1x1024x64xf32>
    %get3A_48 = vector.shape_cast %get3A_47 : vector<1x1024x64xf32> to vector<1024x64xf32>
    %get3A_49 = arith.constant 2 : index
    %get3A_50 = arith.constant 0 : index
    %get3A_51 = arith.constant 0 : index
    %get3A_52 = vector.load %arg3[%get3A_49, %get3A_50, %get3A_51] : memref<4x1024x128xf32, #tpu.memory_space<vmem>>, vector<1x1024x128xf32>
    %get3A_53 = vector.shape_cast %get3A_52 : vector<1x1024x128xf32> to vector<1024x128xf32>
    %concatenate3A_54 = tpu.concatenate %get3A_43, %get3A_48, %get3A_53 in 1 : vector<1024x64xf32>, vector<1024x64xf32>, vector<1024x128xf32> -> vector<1024x256xf32>
    %get3A_55 = arith.constant 0 : index
    %get3A_56 = arith.constant 0 : index
    %get3A_57 = vector.load %arg4[%get3A_55, %get3A_56] : memref<128x256xf32, #tpu.memory_space<vmem>>, vector<128x256xf32>
    %dot_general3A_58 = arith.constant dense<0.000000e+00> : vector<1024x128xf32>
    %dot_general3A_59 = tpu.matmul %concatenate3A_54, %get3A_57, %dot_general3A_58 {dimension_numbers = #tpu.dot_dimension_numbers<[1], [1], [0], [0], [0, 0, 1, 0], [], []>, transpose_lhs_hint = false} : vector<1024x256xf32>, vector<128x256xf32>, vector<1024x128xf32> -> vector<1024x128xf32>
    %get3A_60 = arith.constant 3 : index
    %get3A_61 = arith.constant 0 : index
    %get3A_62 = arith.constant 0 : index
    %get3A_63 = vector.load %arg1[%get3A_60, %get3A_61, %get3A_62] : memref<4x1024x64xf32, #tpu.memory_space<vmem>>, vector<1x1024x64xf32>
    %get3A_64 = vector.shape_cast %get3A_63 : vector<1x1024x64xf32> to vector<1024x64xf32>
    %get3A_65 = arith.constant 3 : index
    %get3A_66 = arith.constant 0 : index
    %get3A_67 = arith.constant 0 : index
    %get3A_68 = vector.load %arg2[%get3A_65, %get3A_66, %get3A_67] : memref<4x1024x64xf32, #tpu.memory_space<vmem>>, vector<1x1024x64xf32>
    %get3A_69 = vector.shape_cast %get3A_68 : vector<1x1024x64xf32> to vector<1024x64xf32>
    %get3A_70 = arith.constant 3 : index
    %get3A_71 = arith.constant 0 : index
    %get3A_72 = arith.constant 0 : index
    %get3A_73 = vector.load %arg3[%get3A_70, %get3A_71, %get3A_72] : memref<4x1024x128xf32, #tpu.memory_space<vmem>>, vector<1x1024x128xf32>
    %get3A_74 = vector.shape_cast %get3A_73 : vector<1x1024x128xf32> to vector<1024x128xf32>
    %concatenate3A_75 = tpu.concatenate %get3A_64, %get3A_69, %get3A_74 in 1 : vector<1024x64xf32>, vector<1024x64xf32>, vector<1024x128xf32> -> vector<1024x256xf32>
    %get3A_76 = arith.constant 0 : index
    %get3A_77 = arith.constant 0 : index
    %get3A_78 = vector.load %arg4[%get3A_76, %get3A_77] : memref<128x256xf32, #tpu.memory_space<vmem>>, vector<128x256xf32>
    %dot_general3A_79 = arith.constant dense<0.000000e+00> : vector<1024x128xf32>
    %dot_general3A_80 = tpu.matmul %concatenate3A_75, %get3A_78, %dot_general3A_79 {dimension_numbers = #tpu.dot_dimension_numbers<[1], [1], [0], [0], [0, 0, 1, 0], [], []>, transpose_lhs_hint = false} : vector<1024x256xf32>, vector<128x256xf32>, vector<1024x128xf32> -> vector<1024x128xf32>
    %broadcast_in_dim3A = arith.constant 0.000000e+00 : f32
    %broadcast_in_dim3A_81 = vector.broadcast %broadcast_in_dim3A : f32 to vector<128x128xf32>
    %slice3A = vector.extract_strided_slice %dot_general3A_17 {offsets = [0, 0], sizes = [128, 128], strides = [1, 1]} : vector<1024x128xf32> to vector<128x128xf32>
    %add3A = arith.addf %broadcast_in_dim3A_81, %slice3A : vector<128x128xf32>
    %slice3A_82 = vector.extract_strided_slice %dot_general3A_38 {offsets = [0, 0], sizes = [128, 128], strides = [1, 1]} : vector<1024x128xf32> to vector<128x128xf32>
    %add3A_83 = arith.addf %add3A, %slice3A_82 : vector<128x128xf32>
    %slice3A_84 = vector.extract_strided_slice %dot_general3A_59 {offsets = [0, 0], sizes = [128, 128], strides = [1, 1]} : vector<1024x128xf32> to vector<128x128xf32>
    %add3A_85 = arith.addf %add3A_83, %slice3A_84 : vector<128x128xf32>
    %slice3A_86 = vector.extract_strided_slice %dot_general3A_80 {offsets = [0, 0], sizes = [128, 128], strides = [1, 1]} : vector<1024x128xf32> to vector<128x128xf32>
    %add3A_87 = arith.addf %add3A_85, %slice3A_86 : vector<128x128xf32>
    %slice3A_88 = vector.extract_strided_slice %dot_general3A_17 {offsets = [128, 0], sizes = [128, 128], strides = [1, 1]} : vector<1024x128xf32> to vector<128x128xf32>
    %add3A_89 = arith.addf %add3A_87, %slice3A_88 : vector<128x128xf32>
    %slice3A_90 = vector.extract_strided_slice %dot_general3A_38 {offsets = [128, 0], sizes = [128, 128], strides = [1, 1]} : vector<1024x128xf32> to vector<128x128xf32>
    %add3A_91 = arith.addf %add3A_89, %slice3A_90 : vector<128x128xf32>
    %slice3A_92 = vector.extract_strided_slice %dot_general3A_59 {offsets = [128, 0], sizes = [128, 128], strides = [1, 1]} : vector<1024x128xf32> to vector<128x128xf32>
    %add3A_93 = arith.addf %add3A_91, %slice3A_92 : vector<128x128xf32>
    %slice3A_94 = vector.extract_strided_slice %dot_general3A_80 {offsets = [128, 0], sizes = [128, 128], strides = [1, 1]} : vector<1024x128xf32> to vector<128x128xf32>
    %add3A_95 = arith.addf %add3A_93, %slice3A_94 : vector<128x128xf32>
    %slice3A_96 = vector.extract_strided_slice %dot_general3A_17 {offsets = [256, 0], sizes = [128, 128], strides = [1, 1]} : vector<1024x128xf32> to vector<128x128xf32>
    %add3A_97 = arith.addf %add3A_95, %slice3A_96 : vector<128x128xf32>
    %slice3A_98 = vector.extract_strided_slice %dot_general3A_38 {offsets = [256, 0], sizes = [128, 128], strides = [1, 1]} : vector<1024x128xf32> to vector<128x128xf32>
    %add3A_99 = arith.addf %add3A_97, %slice3A_98 : vector<128x128xf32>
    %slice3A_100 = vector.extract_strided_slice %dot_general3A_59 {offsets = [256, 0], sizes = [128, 128], strides = [1, 1]} : vector<1024x128xf32> to vector<128x128xf32>
    %add3A_101 = arith.addf %add3A_99, %slice3A_100 : vector<128x128xf32>
    %slice3A_102 = vector.extract_strided_slice %dot_general3A_80 {offsets = [256, 0], sizes = [128, 128], strides = [1, 1]} : vector<1024x128xf32> to vector<128x128xf32>
    %add3A_103 = arith.addf %add3A_101, %slice3A_102 : vector<128x128xf32>
    %slice3A_104 = vector.extract_strided_slice %dot_general3A_17 {offsets = [384, 0], sizes = [128, 128], strides = [1, 1]} : vector<1024x128xf32> to vector<128x128xf32>
    %add3A_105 = arith.addf %add3A_103, %slice3A_104 : vector<128x128xf32>
    %slice3A_106 = vector.extract_strided_slice %dot_general3A_38 {offsets = [384, 0], sizes = [128, 128], strides = [1, 1]} : vector<1024x128xf32> to vector<128x128xf32>
    %add3A_107 = arith.addf %add3A_105, %slice3A_106 : vector<128x128xf32>
    %slice3A_108 = vector.extract_strided_slice %dot_general3A_59 {offsets = [384, 0], sizes = [128, 128], strides = [1, 1]} : vector<1024x128xf32> to vector<128x128xf32>
    %add3A_109 = arith.addf %add3A_107, %slice3A_108 : vector<128x128xf32>
    %slice3A_110 = vector.extract_strided_slice %dot_general3A_80 {offsets = [384, 0], sizes = [128, 128], strides = [1, 1]} : vector<1024x128xf32> to vector<128x128xf32>
    %add3A_111 = arith.addf %add3A_109, %slice3A_110 : vector<128x128xf32>
    %slice3A_112 = vector.extract_strided_slice %dot_general3A_17 {offsets = [512, 0], sizes = [128, 128], strides = [1, 1]} : vector<1024x128xf32> to vector<128x128xf32>
    %add3A_113 = arith.addf %add3A_111, %slice3A_112 : vector<128x128xf32>
    %slice3A_114 = vector.extract_strided_slice %dot_general3A_38 {offsets = [512, 0], sizes = [128, 128], strides = [1, 1]} : vector<1024x128xf32> to vector<128x128xf32>
    %add3A_115 = arith.addf %add3A_113, %slice3A_114 : vector<128x128xf32>
    %slice3A_116 = vector.extract_strided_slice %dot_general3A_59 {offsets = [512, 0], sizes = [128, 128], strides = [1, 1]} : vector<1024x128xf32> to vector<128x128xf32>
    %add3A_117 = arith.addf %add3A_115, %slice3A_116 : vector<128x128xf32>
    %slice3A_118 = vector.extract_strided_slice %dot_general3A_80 {offsets = [512, 0], sizes = [128, 128], strides = [1, 1]} : vector<1024x128xf32> to vector<128x128xf32>
    %add3A_119 = arith.addf %add3A_117, %slice3A_118 : vector<128x128xf32>
    %slice3A_120 = vector.extract_strided_slice %dot_general3A_17 {offsets = [640, 0], sizes = [128, 128], strides = [1, 1]} : vector<1024x128xf32> to vector<128x128xf32>
    %add3A_121 = arith.addf %add3A_119, %slice3A_120 : vector<128x128xf32>
    %slice3A_122 = vector.extract_strided_slice %dot_general3A_38 {offsets = [640, 0], sizes = [128, 128], strides = [1, 1]} : vector<1024x128xf32> to vector<128x128xf32>
    %add3A_123 = arith.addf %add3A_121, %slice3A_122 : vector<128x128xf32>
    %slice3A_124 = vector.extract_strided_slice %dot_general3A_59 {offsets = [640, 0], sizes = [128, 128], strides = [1, 1]} : vector<1024x128xf32> to vector<128x128xf32>
    %add3A_125 = arith.addf %add3A_123, %slice3A_124 : vector<128x128xf32>
    %slice3A_126 = vector.extract_strided_slice %dot_general3A_80 {offsets = [640, 0], sizes = [128, 128], strides = [1, 1]} : vector<1024x128xf32> to vector<128x128xf32>
    %add3A_127 = arith.addf %add3A_125, %slice3A_126 : vector<128x128xf32>
    %slice3A_128 = vector.extract_strided_slice %dot_general3A_17 {offsets = [768, 0], sizes = [128, 128], strides = [1, 1]} : vector<1024x128xf32> to vector<128x128xf32>
    %add3A_129 = arith.addf %add3A_127, %slice3A_128 : vector<128x128xf32>
    %slice3A_130 = vector.extract_strided_slice %dot_general3A_38 {offsets = [768, 0], sizes = [128, 128], strides = [1, 1]} : vector<1024x128xf32> to vector<128x128xf32>
    %add3A_131 = arith.addf %add3A_129, %slice3A_130 : vector<128x128xf32>
    %slice3A_132 = vector.extract_strided_slice %dot_general3A_59 {offsets = [768, 0], sizes = [128, 128], strides = [1, 1]} : vector<1024x128xf32> to vector<128x128xf32>
    %add3A_133 = arith.addf %add3A_131, %slice3A_132 : vector<128x128xf32>
    %slice3A_134 = vector.extract_strided_slice %dot_general3A_80 {offsets = [768, 0], sizes = [128, 128], strides = [1, 1]} : vector<1024x128xf32> to vector<128x128xf32>
    %add3A_135 = arith.addf %add3A_133, %slice3A_134 : vector<128x128xf32>
    %slice3A_136 = vector.extract_strided_slice %dot_general3A_17 {offsets = [896, 0], sizes = [128, 128], strides = [1, 1]} : vector<1024x128xf32> to vector<128x128xf32>
    %add3A_137 = arith.addf %add3A_135, %slice3A_136 : vector<128x128xf32>
    %slice3A_138 = vector.extract_strided_slice %dot_general3A_38 {offsets = [896, 0], sizes = [128, 128], strides = [1, 1]} : vector<1024x128xf32> to vector<128x128xf32>
    %add3A_139 = arith.addf %add3A_137, %slice3A_138 : vector<128x128xf32>
    %slice3A_140 = vector.extract_strided_slice %dot_general3A_59 {offsets = [896, 0], sizes = [128, 128], strides = [1, 1]} : vector<1024x128xf32> to vector<128x128xf32>
    %add3A_141 = arith.addf %add3A_139, %slice3A_140 : vector<128x128xf32>
    %slice3A_142 = vector.extract_strided_slice %dot_general3A_80 {offsets = [896, 0], sizes = [128, 128], strides = [1, 1]} : vector<1024x128xf32> to vector<128x128xf32>
    %add3A_143 = arith.addf %add3A_141, %slice3A_142 : vector<128x128xf32>
    %broadcast_in_dim3A_144 = arith.constant 0.000000e+00 : f32
    %broadcast_in_dim3A_145 = vector.broadcast %broadcast_in_dim3A_144 : f32 to vector<8x128xf32>
    %slice3A_146 = vector.extract_strided_slice %add3A_143 {offsets = [0, 0], sizes = [8, 128], strides = [1, 1]} : vector<128x128xf32> to vector<8x128xf32>
    %add3A_147 = arith.addf %broadcast_in_dim3A_145, %slice3A_146 : vector<8x128xf32>
    %slice3A_148 = vector.extract_strided_slice %add3A_143 {offsets = [8, 0], sizes = [8, 128], strides = [1, 1]} : vector<128x128xf32> to vector<8x128xf32>
    %add3A_149 = arith.addf %add3A_147, %slice3A_148 : vector<8x128xf32>
    %slice3A_150 = vector.extract_strided_slice %add3A_143 {offsets = [16, 0], sizes = [8, 128], strides = [1, 1]} : vector<128x128xf32> to vector<8x128xf32>
    %add3A_151 = arith.addf %add3A_149, %slice3A_150 : vector<8x128xf32>
    %slice3A_152 = vector.extract_strided_slice %add3A_143 {offsets = [24, 0], sizes = [8, 128], strides = [1, 1]} : vector<128x128xf32> to vector<8x128xf32>
    %add3A_153 = arith.addf %add3A_151, %slice3A_152 : vector<8x128xf32>
    %slice3A_154 = vector.extract_strided_slice %add3A_143 {offsets = [32, 0], sizes = [8, 128], strides = [1, 1]} : vector<128x128xf32> to vector<8x128xf32>
    %add3A_155 = arith.addf %add3A_153, %slice3A_154 : vector<8x128xf32>
    %slice3A_156 = vector.extract_strided_slice %add3A_143 {offsets = [40, 0], sizes = [8, 128], strides = [1, 1]} : vector<128x128xf32> to vector<8x128xf32>
    %add3A_157 = arith.addf %add3A_155, %slice3A_156 : vector<8x128xf32>
    %slice3A_158 = vector.extract_strided_slice %add3A_143 {offsets = [48, 0], sizes = [8, 128], strides = [1, 1]} : vector<128x128xf32> to vector<8x128xf32>
    %add3A_159 = arith.addf %add3A_157, %slice3A_158 : vector<8x128xf32>
    %slice3A_160 = vector.extract_strided_slice %add3A_143 {offsets = [56, 0], sizes = [8, 128], strides = [1, 1]} : vector<128x128xf32> to vector<8x128xf32>
    %add3A_161 = arith.addf %add3A_159, %slice3A_160 : vector<8x128xf32>
    %slice3A_162 = vector.extract_strided_slice %add3A_143 {offsets = [64, 0], sizes = [8, 128], strides = [1, 1]} : vector<128x128xf32> to vector<8x128xf32>
    %add3A_163 = arith.addf %add3A_161, %slice3A_162 : vector<8x128xf32>
    %slice3A_164 = vector.extract_strided_slice %add3A_143 {offsets = [72, 0], sizes = [8, 128], strides = [1, 1]} : vector<128x128xf32> to vector<8x128xf32>
    %add3A_165 = arith.addf %add3A_163, %slice3A_164 : vector<8x128xf32>
    %slice3A_166 = vector.extract_strided_slice %add3A_143 {offsets = [80, 0], sizes = [8, 128], strides = [1, 1]} : vector<128x128xf32> to vector<8x128xf32>
    %add3A_167 = arith.addf %add3A_165, %slice3A_166 : vector<8x128xf32>
    %slice3A_168 = vector.extract_strided_slice %add3A_143 {offsets = [88, 0], sizes = [8, 128], strides = [1, 1]} : vector<128x128xf32> to vector<8x128xf32>
    %add3A_169 = arith.addf %add3A_167, %slice3A_168 : vector<8x128xf32>
    %slice3A_170 = vector.extract_strided_slice %add3A_143 {offsets = [96, 0], sizes = [8, 128], strides = [1, 1]} : vector<128x128xf32> to vector<8x128xf32>
    %add3A_171 = arith.addf %add3A_169, %slice3A_170 : vector<8x128xf32>
    %slice3A_172 = vector.extract_strided_slice %add3A_143 {offsets = [104, 0], sizes = [8, 128], strides = [1, 1]} : vector<128x128xf32> to vector<8x128xf32>
    %add3A_173 = arith.addf %add3A_171, %slice3A_172 : vector<8x128xf32>
    %slice3A_174 = vector.extract_strided_slice %add3A_143 {offsets = [112, 0], sizes = [8, 128], strides = [1, 1]} : vector<128x128xf32> to vector<8x128xf32>
    %add3A_175 = arith.addf %add3A_173, %slice3A_174 : vector<8x128xf32>
    %slice3A_176 = vector.extract_strided_slice %add3A_143 {offsets = [120, 0], sizes = [8, 128], strides = [1, 1]} : vector<128x128xf32> to vector<8x128xf32>
    %add3A_177 = arith.addf %add3A_175, %slice3A_176 : vector<8x128xf32>
    %slice3A_178 = vector.extract_strided_slice %add3A_177 {offsets = [0, 0], sizes = [4, 128], strides = [1, 1]} : vector<8x128xf32> to vector<4x128xf32>
    %slice3A_179 = vector.extract_strided_slice %add3A_177 {offsets = [4, 0], sizes = [4, 128], strides = [1, 1]} : vector<8x128xf32> to vector<4x128xf32>
    %add3A_180 = arith.addf %slice3A_178, %slice3A_179 : vector<4x128xf32>
    %slice3A_181 = vector.extract_strided_slice %add3A_180 {offsets = [0, 0], sizes = [2, 128], strides = [1, 1]} : vector<4x128xf32> to vector<2x128xf32>
    %slice3A_182 = vector.extract_strided_slice %add3A_180 {offsets = [2, 0], sizes = [2, 128], strides = [1, 1]} : vector<4x128xf32> to vector<2x128xf32>
    %add3A_183 = arith.addf %slice3A_181, %slice3A_182 : vector<2x128xf32>
    %slice3A_184 = vector.extract_strided_slice %add3A_183 {offsets = [0, 0], sizes = [1, 128], strides = [1, 1]} : vector<2x128xf32> to vector<1x128xf32>
    %slice3A_185 = vector.extract_strided_slice %add3A_183 {offsets = [1, 0], sizes = [1, 128], strides = [1, 1]} : vector<2x128xf32> to vector<1x128xf32>
    %add3A_186 = arith.addf %slice3A_184, %slice3A_185 : vector<1x128xf32>
    %div3A = arith.constant 4.096000e+03 : f32
    %div3A_187 = vector.broadcast %div3A : f32 to vector<1x128xf32>
    %div3A_188 = arith.divf %add3A_186, %div3A_187 : vector<1x128xf32>
    %broadcast_in_dim3A_189 = arith.constant 0.000000e+00 : f32
    %broadcast_in_dim3A_190 = vector.broadcast %broadcast_in_dim3A_189 : f32 to vector<128x128xf32>
    %slice3A_191 = vector.extract_strided_slice %dot_general3A_17 {offsets = [0, 0], sizes = [128, 128], strides = [1, 1]} : vector<1024x128xf32> to vector<128x128xf32>
    %sub3A = vector.broadcast %div3A_188 : vector<1x128xf32> to vector<128x128xf32>
    %sub3A_192 = arith.subf %slice3A_191, %sub3A : vector<128x128xf32>
    %mul3A = arith.mulf %sub3A_192, %sub3A_192 : vector<128x128xf32>
    %add3A_193 = arith.addf %broadcast_in_dim3A_190, %mul3A : vector<128x128xf32>
    %slice3A_194 = vector.extract_strided_slice %dot_general3A_38 {offsets = [0, 0], sizes = [128, 128], strides = [1, 1]} : vector<1024x128xf32> to vector<128x128xf32>
    %sub3A_195 = vector.broadcast %div3A_188 : vector<1x128xf32> to vector<128x128xf32>
    %sub3A_196 = arith.subf %slice3A_194, %sub3A_195 : vector<128x128xf32>
    %mul3A_197 = arith.mulf %sub3A_196, %sub3A_196 : vector<128x128xf32>
    %add3A_198 = arith.addf %add3A_193, %mul3A_197 : vector<128x128xf32>
    %slice3A_199 = vector.extract_strided_slice %dot_general3A_59 {offsets = [0, 0], sizes = [128, 128], strides = [1, 1]} : vector<1024x128xf32> to vector<128x128xf32>
    %sub3A_200 = vector.broadcast %div3A_188 : vector<1x128xf32> to vector<128x128xf32>
    %sub3A_201 = arith.subf %slice3A_199, %sub3A_200 : vector<128x128xf32>
    %mul3A_202 = arith.mulf %sub3A_201, %sub3A_201 : vector<128x128xf32>
    %add3A_203 = arith.addf %add3A_198, %mul3A_202 : vector<128x128xf32>
    %slice3A_204 = vector.extract_strided_slice %dot_general3A_80 {offsets = [0, 0], sizes = [128, 128], strides = [1, 1]} : vector<1024x128xf32> to vector<128x128xf32>
    %sub3A_205 = vector.broadcast %div3A_188 : vector<1x128xf32> to vector<128x128xf32>
    %sub3A_206 = arith.subf %slice3A_204, %sub3A_205 : vector<128x128xf32>
    %mul3A_207 = arith.mulf %sub3A_206, %sub3A_206 : vector<128x128xf32>
    %add3A_208 = arith.addf %add3A_203, %mul3A_207 : vector<128x128xf32>
    %slice3A_209 = vector.extract_strided_slice %dot_general3A_17 {offsets = [128, 0], sizes = [128, 128], strides = [1, 1]} : vector<1024x128xf32> to vector<128x128xf32>
    %sub3A_210 = vector.broadcast %div3A_188 : vector<1x128xf32> to vector<128x128xf32>
    %sub3A_211 = arith.subf %slice3A_209, %sub3A_210 : vector<128x128xf32>
    %mul3A_212 = arith.mulf %sub3A_211, %sub3A_211 : vector<128x128xf32>
    %add3A_213 = arith.addf %add3A_208, %mul3A_212 : vector<128x128xf32>
    %slice3A_214 = vector.extract_strided_slice %dot_general3A_38 {offsets = [128, 0], sizes = [128, 128], strides = [1, 1]} : vector<1024x128xf32> to vector<128x128xf32>
    %sub3A_215 = vector.broadcast %div3A_188 : vector<1x128xf32> to vector<128x128xf32>
    %sub3A_216 = arith.subf %slice3A_214, %sub3A_215 : vector<128x128xf32>
    %mul3A_217 = arith.mulf %sub3A_216, %sub3A_216 : vector<128x128xf32>
    %add3A_218 = arith.addf %add3A_213, %mul3A_217 : vector<128x128xf32>
    %slice3A_219 = vector.extract_strided_slice %dot_general3A_59 {offsets = [128, 0], sizes = [128, 128], strides = [1, 1]} : vector<1024x128xf32> to vector<128x128xf32>
    %sub3A_220 = vector.broadcast %div3A_188 : vector<1x128xf32> to vector<128x128xf32>
    %sub3A_221 = arith.subf %slice3A_219, %sub3A_220 : vector<128x128xf32>
    %mul3A_222 = arith.mulf %sub3A_221, %sub3A_221 : vector<128x128xf32>
    %add3A_223 = arith.addf %add3A_218, %mul3A_222 : vector<128x128xf32>
    %slice3A_224 = vector.extract_strided_slice %dot_general3A_80 {offsets = [128, 0], sizes = [128, 128], strides = [1, 1]} : vector<1024x128xf32> to vector<128x128xf32>
    %sub3A_225 = vector.broadcast %div3A_188 : vector<1x128xf32> to vector<128x128xf32>
    %sub3A_226 = arith.subf %slice3A_224, %sub3A_225 : vector<128x128xf32>
    %mul3A_227 = arith.mulf %sub3A_226, %sub3A_226 : vector<128x128xf32>
    %add3A_228 = arith.addf %add3A_223, %mul3A_227 : vector<128x128xf32>
    %slice3A_229 = vector.extract_strided_slice %dot_general3A_17 {offsets = [256, 0], sizes = [128, 128], strides = [1, 1]} : vector<1024x128xf32> to vector<128x128xf32>
    %sub3A_230 = vector.broadcast %div3A_188 : vector<1x128xf32> to vector<128x128xf32>
    %sub3A_231 = arith.subf %slice3A_229, %sub3A_230 : vector<128x128xf32>
    %mul3A_232 = arith.mulf %sub3A_231, %sub3A_231 : vector<128x128xf32>
    %add3A_233 = arith.addf %add3A_228, %mul3A_232 : vector<128x128xf32>
    %slice3A_234 = vector.extract_strided_slice %dot_general3A_38 {offsets = [256, 0], sizes = [128, 128], strides = [1, 1]} : vector<1024x128xf32> to vector<128x128xf32>
    %sub3A_235 = vector.broadcast %div3A_188 : vector<1x128xf32> to vector<128x128xf32>
    %sub3A_236 = arith.subf %slice3A_234, %sub3A_235 : vector<128x128xf32>
    %mul3A_237 = arith.mulf %sub3A_236, %sub3A_236 : vector<128x128xf32>
    %add3A_238 = arith.addf %add3A_233, %mul3A_237 : vector<128x128xf32>
    %slice3A_239 = vector.extract_strided_slice %dot_general3A_59 {offsets = [256, 0], sizes = [128, 128], strides = [1, 1]} : vector<1024x128xf32> to vector<128x128xf32>
    %sub3A_240 = vector.broadcast %div3A_188 : vector<1x128xf32> to vector<128x128xf32>
    %sub3A_241 = arith.subf %slice3A_239, %sub3A_240 : vector<128x128xf32>
    %mul3A_242 = arith.mulf %sub3A_241, %sub3A_241 : vector<128x128xf32>
    %add3A_243 = arith.addf %add3A_238, %mul3A_242 : vector<128x128xf32>
    %slice3A_244 = vector.extract_strided_slice %dot_general3A_80 {offsets = [256, 0], sizes = [128, 128], strides = [1, 1]} : vector<1024x128xf32> to vector<128x128xf32>
    %sub3A_245 = vector.broadcast %div3A_188 : vector<1x128xf32> to vector<128x128xf32>
    %sub3A_246 = arith.subf %slice3A_244, %sub3A_245 : vector<128x128xf32>
    %mul3A_247 = arith.mulf %sub3A_246, %sub3A_246 : vector<128x128xf32>
    %add3A_248 = arith.addf %add3A_243, %mul3A_247 : vector<128x128xf32>
    %slice3A_249 = vector.extract_strided_slice %dot_general3A_17 {offsets = [384, 0], sizes = [128, 128], strides = [1, 1]} : vector<1024x128xf32> to vector<128x128xf32>
    %sub3A_250 = vector.broadcast %div3A_188 : vector<1x128xf32> to vector<128x128xf32>
    %sub3A_251 = arith.subf %slice3A_249, %sub3A_250 : vector<128x128xf32>
    %mul3A_252 = arith.mulf %sub3A_251, %sub3A_251 : vector<128x128xf32>
    %add3A_253 = arith.addf %add3A_248, %mul3A_252 : vector<128x128xf32>
    %slice3A_254 = vector.extract_strided_slice %dot_general3A_38 {offsets = [384, 0], sizes = [128, 128], strides = [1, 1]} : vector<1024x128xf32> to vector<128x128xf32>
    %sub3A_255 = vector.broadcast %div3A_188 : vector<1x128xf32> to vector<128x128xf32>
    %sub3A_256 = arith.subf %slice3A_254, %sub3A_255 : vector<128x128xf32>
    %mul3A_257 = arith.mulf %sub3A_256, %sub3A_256 : vector<128x128xf32>
    %add3A_258 = arith.addf %add3A_253, %mul3A_257 : vector<128x128xf32>
    %slice3A_259 = vector.extract_strided_slice %dot_general3A_59 {offsets = [384, 0], sizes = [128, 128], strides = [1, 1]} : vector<1024x128xf32> to vector<128x128xf32>
    %sub3A_260 = vector.broadcast %div3A_188 : vector<1x128xf32> to vector<128x128xf32>
    %sub3A_261 = arith.subf %slice3A_259, %sub3A_260 : vector<128x128xf32>
    %mul3A_262 = arith.mulf %sub3A_261, %sub3A_261 : vector<128x128xf32>
    %add3A_263 = arith.addf %add3A_258, %mul3A_262 : vector<128x128xf32>
    %slice3A_264 = vector.extract_strided_slice %dot_general3A_80 {offsets = [384, 0], sizes = [128, 128], strides = [1, 1]} : vector<1024x128xf32> to vector<128x128xf32>
    %sub3A_265 = vector.broadcast %div3A_188 : vector<1x128xf32> to vector<128x128xf32>
    %sub3A_266 = arith.subf %slice3A_264, %sub3A_265 : vector<128x128xf32>
    %mul3A_267 = arith.mulf %sub3A_266, %sub3A_266 : vector<128x128xf32>
    %add3A_268 = arith.addf %add3A_263, %mul3A_267 : vector<128x128xf32>
    %slice3A_269 = vector.extract_strided_slice %dot_general3A_17 {offsets = [512, 0], sizes = [128, 128], strides = [1, 1]} : vector<1024x128xf32> to vector<128x128xf32>
    %sub3A_270 = vector.broadcast %div3A_188 : vector<1x128xf32> to vector<128x128xf32>
    %sub3A_271 = arith.subf %slice3A_269, %sub3A_270 : vector<128x128xf32>
    %mul3A_272 = arith.mulf %sub3A_271, %sub3A_271 : vector<128x128xf32>
    %add3A_273 = arith.addf %add3A_268, %mul3A_272 : vector<128x128xf32>
    %slice3A_274 = vector.extract_strided_slice %dot_general3A_38 {offsets = [512, 0], sizes = [128, 128], strides = [1, 1]} : vector<1024x128xf32> to vector<128x128xf32>
    %sub3A_275 = vector.broadcast %div3A_188 : vector<1x128xf32> to vector<128x128xf32>
    %sub3A_276 = arith.subf %slice3A_274, %sub3A_275 : vector<128x128xf32>
    %mul3A_277 = arith.mulf %sub3A_276, %sub3A_276 : vector<128x128xf32>
    %add3A_278 = arith.addf %add3A_273, %mul3A_277 : vector<128x128xf32>
    %slice3A_279 = vector.extract_strided_slice %dot_general3A_59 {offsets = [512, 0], sizes = [128, 128], strides = [1, 1]} : vector<1024x128xf32> to vector<128x128xf32>
    %sub3A_280 = vector.broadcast %div3A_188 : vector<1x128xf32> to vector<128x128xf32>
    %sub3A_281 = arith.subf %slice3A_279, %sub3A_280 : vector<128x128xf32>
    %mul3A_282 = arith.mulf %sub3A_281, %sub3A_281 : vector<128x128xf32>
    %add3A_283 = arith.addf %add3A_278, %mul3A_282 : vector<128x128xf32>
    %slice3A_284 = vector.extract_strided_slice %dot_general3A_80 {offsets = [512, 0], sizes = [128, 128], strides = [1, 1]} : vector<1024x128xf32> to vector<128x128xf32>
    %sub3A_285 = vector.broadcast %div3A_188 : vector<1x128xf32> to vector<128x128xf32>
    %sub3A_286 = arith.subf %slice3A_284, %sub3A_285 : vector<128x128xf32>
    %mul3A_287 = arith.mulf %sub3A_286, %sub3A_286 : vector<128x128xf32>
    %add3A_288 = arith.addf %add3A_283, %mul3A_287 : vector<128x128xf32>
    %slice3A_289 = vector.extract_strided_slice %dot_general3A_17 {offsets = [640, 0], sizes = [128, 128], strides = [1, 1]} : vector<1024x128xf32> to vector<128x128xf32>
    %sub3A_290 = vector.broadcast %div3A_188 : vector<1x128xf32> to vector<128x128xf32>
    %sub3A_291 = arith.subf %slice3A_289, %sub3A_290 : vector<128x128xf32>
    %mul3A_292 = arith.mulf %sub3A_291, %sub3A_291 : vector<128x128xf32>
    %add3A_293 = arith.addf %add3A_288, %mul3A_292 : vector<128x128xf32>
    %slice3A_294 = vector.extract_strided_slice %dot_general3A_38 {offsets = [640, 0], sizes = [128, 128], strides = [1, 1]} : vector<1024x128xf32> to vector<128x128xf32>
    %sub3A_295 = vector.broadcast %div3A_188 : vector<1x128xf32> to vector<128x128xf32>
    %sub3A_296 = arith.subf %slice3A_294, %sub3A_295 : vector<128x128xf32>
    %mul3A_297 = arith.mulf %sub3A_296, %sub3A_296 : vector<128x128xf32>
    %add3A_298 = arith.addf %add3A_293, %mul3A_297 : vector<128x128xf32>
    %slice3A_299 = vector.extract_strided_slice %dot_general3A_59 {offsets = [640, 0], sizes = [128, 128], strides = [1, 1]} : vector<1024x128xf32> to vector<128x128xf32>
    %sub3A_300 = vector.broadcast %div3A_188 : vector<1x128xf32> to vector<128x128xf32>
    %sub3A_301 = arith.subf %slice3A_299, %sub3A_300 : vector<128x128xf32>
    %mul3A_302 = arith.mulf %sub3A_301, %sub3A_301 : vector<128x128xf32>
    %add3A_303 = arith.addf %add3A_298, %mul3A_302 : vector<128x128xf32>
    %slice3A_304 = vector.extract_strided_slice %dot_general3A_80 {offsets = [640, 0], sizes = [128, 128], strides = [1, 1]} : vector<1024x128xf32> to vector<128x128xf32>
    %sub3A_305 = vector.broadcast %div3A_188 : vector<1x128xf32> to vector<128x128xf32>
    %sub3A_306 = arith.subf %slice3A_304, %sub3A_305 : vector<128x128xf32>
    %mul3A_307 = arith.mulf %sub3A_306, %sub3A_306 : vector<128x128xf32>
    %add3A_308 = arith.addf %add3A_303, %mul3A_307 : vector<128x128xf32>
    %slice3A_309 = vector.extract_strided_slice %dot_general3A_17 {offsets = [768, 0], sizes = [128, 128], strides = [1, 1]} : vector<1024x128xf32> to vector<128x128xf32>
    %sub3A_310 = vector.broadcast %div3A_188 : vector<1x128xf32> to vector<128x128xf32>
    %sub3A_311 = arith.subf %slice3A_309, %sub3A_310 : vector<128x128xf32>
    %mul3A_312 = arith.mulf %sub3A_311, %sub3A_311 : vector<128x128xf32>
    %add3A_313 = arith.addf %add3A_308, %mul3A_312 : vector<128x128xf32>
    %slice3A_314 = vector.extract_strided_slice %dot_general3A_38 {offsets = [768, 0], sizes = [128, 128], strides = [1, 1]} : vector<1024x128xf32> to vector<128x128xf32>
    %sub3A_315 = vector.broadcast %div3A_188 : vector<1x128xf32> to vector<128x128xf32>
    %sub3A_316 = arith.subf %slice3A_314, %sub3A_315 : vector<128x128xf32>
    %mul3A_317 = arith.mulf %sub3A_316, %sub3A_316 : vector<128x128xf32>
    %add3A_318 = arith.addf %add3A_313, %mul3A_317 : vector<128x128xf32>
    %slice3A_319 = vector.extract_strided_slice %dot_general3A_59 {offsets = [768, 0], sizes = [128, 128], strides = [1, 1]} : vector<1024x128xf32> to vector<128x128xf32>
    %sub3A_320 = vector.broadcast %div3A_188 : vector<1x128xf32> to vector<128x128xf32>
    %sub3A_321 = arith.subf %slice3A_319, %sub3A_320 : vector<128x128xf32>
    %mul3A_322 = arith.mulf %sub3A_321, %sub3A_321 : vector<128x128xf32>
    %add3A_323 = arith.addf %add3A_318, %mul3A_322 : vector<128x128xf32>
    %slice3A_324 = vector.extract_strided_slice %dot_general3A_80 {offsets = [768, 0], sizes = [128, 128], strides = [1, 1]} : vector<1024x128xf32> to vector<128x128xf32>
    %sub3A_325 = vector.broadcast %div3A_188 : vector<1x128xf32> to vector<128x128xf32>
    %sub3A_326 = arith.subf %slice3A_324, %sub3A_325 : vector<128x128xf32>
    %mul3A_327 = arith.mulf %sub3A_326, %sub3A_326 : vector<128x128xf32>
    %add3A_328 = arith.addf %add3A_323, %mul3A_327 : vector<128x128xf32>
    %slice3A_329 = vector.extract_strided_slice %dot_general3A_17 {offsets = [896, 0], sizes = [128, 128], strides = [1, 1]} : vector<1024x128xf32> to vector<128x128xf32>
    %sub3A_330 = vector.broadcast %div3A_188 : vector<1x128xf32> to vector<128x128xf32>
    %sub3A_331 = arith.subf %slice3A_329, %sub3A_330 : vector<128x128xf32>
    %mul3A_332 = arith.mulf %sub3A_331, %sub3A_331 : vector<128x128xf32>
    %add3A_333 = arith.addf %add3A_328, %mul3A_332 : vector<128x128xf32>
    %slice3A_334 = vector.extract_strided_slice %dot_general3A_38 {offsets = [896, 0], sizes = [128, 128], strides = [1, 1]} : vector<1024x128xf32> to vector<128x128xf32>
    %sub3A_335 = vector.broadcast %div3A_188 : vector<1x128xf32> to vector<128x128xf32>
    %sub3A_336 = arith.subf %slice3A_334, %sub3A_335 : vector<128x128xf32>
    %mul3A_337 = arith.mulf %sub3A_336, %sub3A_336 : vector<128x128xf32>
    %add3A_338 = arith.addf %add3A_333, %mul3A_337 : vector<128x128xf32>
    %slice3A_339 = vector.extract_strided_slice %dot_general3A_59 {offsets = [896, 0], sizes = [128, 128], strides = [1, 1]} : vector<1024x128xf32> to vector<128x128xf32>
    %sub3A_340 = vector.broadcast %div3A_188 : vector<1x128xf32> to vector<128x128xf32>
    %sub3A_341 = arith.subf %slice3A_339, %sub3A_340 : vector<128x128xf32>
    %mul3A_342 = arith.mulf %sub3A_341, %sub3A_341 : vector<128x128xf32>
    %add3A_343 = arith.addf %add3A_338, %mul3A_342 : vector<128x128xf32>
    %slice3A_344 = vector.extract_strided_slice %dot_general3A_80 {offsets = [896, 0], sizes = [128, 128], strides = [1, 1]} : vector<1024x128xf32> to vector<128x128xf32>
    %sub3A_345 = vector.broadcast %div3A_188 : vector<1x128xf32> to vector<128x128xf32>
    %sub3A_346 = arith.subf %slice3A_344, %sub3A_345 : vector<128x128xf32>
    %mul3A_347 = arith.mulf %sub3A_346, %sub3A_346 : vector<128x128xf32>
    %add3A_348 = arith.addf %add3A_343, %mul3A_347 : vector<128x128xf32>
    %broadcast_in_dim3A_349 = arith.constant 0.000000e+00 : f32
    %broadcast_in_dim3A_350 = vector.broadcast %broadcast_in_dim3A_349 : f32 to vector<8x128xf32>
    %slice3A_351 = vector.extract_strided_slice %add3A_348 {offsets = [0, 0], sizes = [8, 128], strides = [1, 1]} : vector<128x128xf32> to vector<8x128xf32>
    %add3A_352 = arith.addf %broadcast_in_dim3A_350, %slice3A_351 : vector<8x128xf32>
    %slice3A_353 = vector.extract_strided_slice %add3A_348 {offsets = [8, 0], sizes = [8, 128], strides = [1, 1]} : vector<128x128xf32> to vector<8x128xf32>
    %add3A_354 = arith.addf %add3A_352, %slice3A_353 : vector<8x128xf32>
    %slice3A_355 = vector.extract_strided_slice %add3A_348 {offsets = [16, 0], sizes = [8, 128], strides = [1, 1]} : vector<128x128xf32> to vector<8x128xf32>
    %add3A_356 = arith.addf %add3A_354, %slice3A_355 : vector<8x128xf32>
    %slice3A_357 = vector.extract_strided_slice %add3A_348 {offsets = [24, 0], sizes = [8, 128], strides = [1, 1]} : vector<128x128xf32> to vector<8x128xf32>
    %add3A_358 = arith.addf %add3A_356, %slice3A_357 : vector<8x128xf32>
    %slice3A_359 = vector.extract_strided_slice %add3A_348 {offsets = [32, 0], sizes = [8, 128], strides = [1, 1]} : vector<128x128xf32> to vector<8x128xf32>
    %add3A_360 = arith.addf %add3A_358, %slice3A_359 : vector<8x128xf32>
    %slice3A_361 = vector.extract_strided_slice %add3A_348 {offsets = [40, 0], sizes = [8, 128], strides = [1, 1]} : vector<128x128xf32> to vector<8x128xf32>
    %add3A_362 = arith.addf %add3A_360, %slice3A_361 : vector<8x128xf32>
    %slice3A_363 = vector.extract_strided_slice %add3A_348 {offsets = [48, 0], sizes = [8, 128], strides = [1, 1]} : vector<128x128xf32> to vector<8x128xf32>
    %add3A_364 = arith.addf %add3A_362, %slice3A_363 : vector<8x128xf32>
    %slice3A_365 = vector.extract_strided_slice %add3A_348 {offsets = [56, 0], sizes = [8, 128], strides = [1, 1]} : vector<128x128xf32> to vector<8x128xf32>
    %add3A_366 = arith.addf %add3A_364, %slice3A_365 : vector<8x128xf32>
    %slice3A_367 = vector.extract_strided_slice %add3A_348 {offsets = [64, 0], sizes = [8, 128], strides = [1, 1]} : vector<128x128xf32> to vector<8x128xf32>
    %add3A_368 = arith.addf %add3A_366, %slice3A_367 : vector<8x128xf32>
    %slice3A_369 = vector.extract_strided_slice %add3A_348 {offsets = [72, 0], sizes = [8, 128], strides = [1, 1]} : vector<128x128xf32> to vector<8x128xf32>
    %add3A_370 = arith.addf %add3A_368, %slice3A_369 : vector<8x128xf32>
    %slice3A_371 = vector.extract_strided_slice %add3A_348 {offsets = [80, 0], sizes = [8, 128], strides = [1, 1]} : vector<128x128xf32> to vector<8x128xf32>
    %add3A_372 = arith.addf %add3A_370, %slice3A_371 : vector<8x128xf32>
    %slice3A_373 = vector.extract_strided_slice %add3A_348 {offsets = [88, 0], sizes = [8, 128], strides = [1, 1]} : vector<128x128xf32> to vector<8x128xf32>
    %add3A_374 = arith.addf %add3A_372, %slice3A_373 : vector<8x128xf32>
    %slice3A_375 = vector.extract_strided_slice %add3A_348 {offsets = [96, 0], sizes = [8, 128], strides = [1, 1]} : vector<128x128xf32> to vector<8x128xf32>
    %add3A_376 = arith.addf %add3A_374, %slice3A_375 : vector<8x128xf32>
    %slice3A_377 = vector.extract_strided_slice %add3A_348 {offsets = [104, 0], sizes = [8, 128], strides = [1, 1]} : vector<128x128xf32> to vector<8x128xf32>
    %add3A_378 = arith.addf %add3A_376, %slice3A_377 : vector<8x128xf32>
    %slice3A_379 = vector.extract_strided_slice %add3A_348 {offsets = [112, 0], sizes = [8, 128], strides = [1, 1]} : vector<128x128xf32> to vector<8x128xf32>
    %add3A_380 = arith.addf %add3A_378, %slice3A_379 : vector<8x128xf32>
    %slice3A_381 = vector.extract_strided_slice %add3A_348 {offsets = [120, 0], sizes = [8, 128], strides = [1, 1]} : vector<128x128xf32> to vector<8x128xf32>
    %add3A_382 = arith.addf %add3A_380, %slice3A_381 : vector<8x128xf32>
    %slice3A_383 = vector.extract_strided_slice %add3A_382 {offsets = [0, 0], sizes = [4, 128], strides = [1, 1]} : vector<8x128xf32> to vector<4x128xf32>
    %slice3A_384 = vector.extract_strided_slice %add3A_382 {offsets = [4, 0], sizes = [4, 128], strides = [1, 1]} : vector<8x128xf32> to vector<4x128xf32>
    %add3A_385 = arith.addf %slice3A_383, %slice3A_384 : vector<4x128xf32>
    %slice3A_386 = vector.extract_strided_slice %add3A_385 {offsets = [0, 0], sizes = [2, 128], strides = [1, 1]} : vector<4x128xf32> to vector<2x128xf32>
    %slice3A_387 = vector.extract_strided_slice %add3A_385 {offsets = [2, 0], sizes = [2, 128], strides = [1, 1]} : vector<4x128xf32> to vector<2x128xf32>
    %add3A_388 = arith.addf %slice3A_386, %slice3A_387 : vector<2x128xf32>
    %slice3A_389 = vector.extract_strided_slice %add3A_388 {offsets = [0, 0], sizes = [1, 128], strides = [1, 1]} : vector<2x128xf32> to vector<1x128xf32>
    %slice3A_390 = vector.extract_strided_slice %add3A_388 {offsets = [1, 0], sizes = [1, 128], strides = [1, 1]} : vector<2x128xf32> to vector<1x128xf32>
    %add3A_391 = arith.addf %slice3A_389, %slice3A_390 : vector<1x128xf32>
    %div3A_392 = arith.constant 4.096000e+03 : f32
    %div3A_393 = vector.broadcast %div3A_392 : f32 to vector<1x128xf32>
    %div3A_394 = arith.divf %add3A_391, %div3A_393 : vector<1x128xf32>
    %add3A_395 = arith.constant 9.99999974E-6 : f32
    %add3A_396 = vector.broadcast %add3A_395 : f32 to vector<1x128xf32>
    %add3A_397 = arith.addf %div3A_394, %add3A_396 : vector<1x128xf32>
    %sqrt3A = math.sqrt %add3A_397 : vector<1x128xf32>
    %get3A_398 = arith.constant 0 : index
    %get3A_399 = arith.constant 0 : index
    %get3A_400 = arith.constant 0 : index
    %get3A_401 = vector.load %arg5[%get3A_398, %get3A_399, %get3A_400] : memref<1x1x128xf32, #tpu.memory_space<vmem>>, vector<1x1x128xf32>
    %get3A_402 = vector.shape_cast %get3A_401 : vector<1x1x128xf32> to vector<128xf32>
    %broadcast_in_dim3A_403 = vector.shape_cast %get3A_402 : vector<128xf32> to vector<1x128xf32>
    %sub3A_404 = vector.broadcast %div3A_188 : vector<1x128xf32> to vector<1024x128xf32>
    %sub3A_405 = arith.subf %dot_general3A_17, %sub3A_404 : vector<1024x128xf32>
    %mul3A_406 = vector.broadcast %broadcast_in_dim3A_403 : vector<1x128xf32> to vector<1024x128xf32>
    %mul3A_407 = arith.mulf %mul3A_406, %sub3A_405 : vector<1024x128xf32>
    %div3A_408 = vector.broadcast %sqrt3A : vector<1x128xf32> to vector<1024x128xf32>
    %div3A_409 = arith.divf %mul3A_407, %div3A_408 : vector<1024x128xf32>
    %get3A_410 = arith.constant 0 : index
    %get3A_411 = arith.constant 0 : index
    %get3A_412 = arith.constant 0 : index
    %get3A_413 = vector.load %arg6[%get3A_410, %get3A_411, %get3A_412] : memref<1x1x128xf32, #tpu.memory_space<vmem>>, vector<1x1x128xf32>
    %get3A_414 = vector.shape_cast %get3A_413 : vector<1x1x128xf32> to vector<128xf32>
    %broadcast_in_dim3A_415 = vector.shape_cast %get3A_414 : vector<128xf32> to vector<1x128xf32>
    %add3A_416 = vector.broadcast %broadcast_in_dim3A_415 : vector<1x128xf32> to vector<1024x128xf32>
    %add3A_417 = arith.addf %div3A_409, %add3A_416 : vector<1024x128xf32>
    %div3A_418 = arith.constant 1.41421354 : f32
    %div3A_419 = vector.broadcast %div3A_418 : f32 to vector<1024x128xf32>
    %div3A_420 = arith.divf %add3A_417, %div3A_419 : vector<1024x128xf32>
    %erf3A = math.erf %div3A_420 : vector<1024x128xf32>
    %add3A_421 = arith.constant 1.000000e+00 : f32
    %add3A_422 = vector.broadcast %add3A_421 : f32 to vector<1024x128xf32>
    %add3A_423 = arith.addf %erf3A, %add3A_422 : vector<1024x128xf32>
    %mul3A_424 = arith.mulf %add3A_417, %add3A_423 : vector<1024x128xf32>
    %div3A_425 = arith.constant 2.000000e+00 : f32
    %div3A_426 = vector.broadcast %div3A_425 : f32 to vector<1024x128xf32>
    %div3A_427 = arith.divf %mul3A_424, %div3A_426 : vector<1024x128xf32>
    %reduce_max3A = arith.constant dense<0xFF800000> : vector<128xf32>
    %reduce_max3A_428 = vector.multi_reduction <maximumf>, %div3A_427, %reduce_max3A [0] : vector<1024x128xf32> to vector<128xf32>
    %broadcast_in_dim3A_429 = vector.shape_cast %reduce_max3A_428 : vector<128xf32> to vector<1x128xf32>
    %get3A_430 = arith.constant 0 : index
    %get3A_431 = arith.constant 0 : index
    %get3A_432 = arith.constant 0 : index
    %get3A_433 = vector.load %arg5[%get3A_430, %get3A_431, %get3A_432] : memref<1x1x128xf32, #tpu.memory_space<vmem>>, vector<1x1x128xf32>
    %get3A_434 = vector.shape_cast %get3A_433 : vector<1x1x128xf32> to vector<128xf32>
    %broadcast_in_dim3A_435 = vector.shape_cast %get3A_434 : vector<128xf32> to vector<1x128xf32>
    %sub3A_436 = vector.broadcast %div3A_188 : vector<1x128xf32> to vector<1024x128xf32>
    %sub3A_437 = arith.subf %dot_general3A_38, %sub3A_436 : vector<1024x128xf32>
    %mul3A_438 = vector.broadcast %broadcast_in_dim3A_435 : vector<1x128xf32> to vector<1024x128xf32>
    %mul3A_439 = arith.mulf %mul3A_438, %sub3A_437 : vector<1024x128xf32>
    %div3A_440 = vector.broadcast %sqrt3A : vector<1x128xf32> to vector<1024x128xf32>
    %div3A_441 = arith.divf %mul3A_439, %div3A_440 : vector<1024x128xf32>
    %get3A_442 = arith.constant 0 : index
    %get3A_443 = arith.constant 0 : index
    %get3A_444 = arith.constant 0 : index
    %get3A_445 = vector.load %arg6[%get3A_442, %get3A_443, %get3A_444] : memref<1x1x128xf32, #tpu.memory_space<vmem>>, vector<1x1x128xf32>
    %get3A_446 = vector.shape_cast %get3A_445 : vector<1x1x128xf32> to vector<128xf32>
    %broadcast_in_dim3A_447 = vector.shape_cast %get3A_446 : vector<128xf32> to vector<1x128xf32>
    %add3A_448 = vector.broadcast %broadcast_in_dim3A_447 : vector<1x128xf32> to vector<1024x128xf32>
    %add3A_449 = arith.addf %div3A_441, %add3A_448 : vector<1024x128xf32>
    %div3A_450 = arith.constant 1.41421354 : f32
    %div3A_451 = vector.broadcast %div3A_450 : f32 to vector<1024x128xf32>
    %div3A_452 = arith.divf %add3A_449, %div3A_451 : vector<1024x128xf32>
    %erf3A_453 = math.erf %div3A_452 : vector<1024x128xf32>
    %add3A_454 = arith.constant 1.000000e+00 : f32
    %add3A_455 = vector.broadcast %add3A_454 : f32 to vector<1024x128xf32>
    %add3A_456 = arith.addf %erf3A_453, %add3A_455 : vector<1024x128xf32>
    %mul3A_457 = arith.mulf %add3A_449, %add3A_456 : vector<1024x128xf32>
    %div3A_458 = arith.constant 2.000000e+00 : f32
    %div3A_459 = vector.broadcast %div3A_458 : f32 to vector<1024x128xf32>
    %div3A_460 = arith.divf %mul3A_457, %div3A_459 : vector<1024x128xf32>
    %reduce_max3A_461 = arith.constant dense<0xFF800000> : vector<128xf32>
    %reduce_max3A_462 = vector.multi_reduction <maximumf>, %div3A_460, %reduce_max3A_461 [0] : vector<1024x128xf32> to vector<128xf32>
    %broadcast_in_dim3A_463 = vector.shape_cast %reduce_max3A_462 : vector<128xf32> to vector<1x128xf32>
    %get3A_464 = arith.constant 0 : index
    %get3A_465 = arith.constant 0 : index
    %get3A_466 = arith.constant 0 : index
    %get3A_467 = vector.load %arg5[%get3A_464, %get3A_465, %get3A_466] : memref<1x1x128xf32, #tpu.memory_space<vmem>>, vector<1x1x128xf32>
    %get3A_468 = vector.shape_cast %get3A_467 : vector<1x1x128xf32> to vector<128xf32>
    %broadcast_in_dim3A_469 = vector.shape_cast %get3A_468 : vector<128xf32> to vector<1x128xf32>
    %sub3A_470 = vector.broadcast %div3A_188 : vector<1x128xf32> to vector<1024x128xf32>
    %sub3A_471 = arith.subf %dot_general3A_59, %sub3A_470 : vector<1024x128xf32>
    %mul3A_472 = vector.broadcast %broadcast_in_dim3A_469 : vector<1x128xf32> to vector<1024x128xf32>
    %mul3A_473 = arith.mulf %mul3A_472, %sub3A_471 : vector<1024x128xf32>
    %div3A_474 = vector.broadcast %sqrt3A : vector<1x128xf32> to vector<1024x128xf32>
    %div3A_475 = arith.divf %mul3A_473, %div3A_474 : vector<1024x128xf32>
    %get3A_476 = arith.constant 0 : index
    %get3A_477 = arith.constant 0 : index
    %get3A_478 = arith.constant 0 : index
    %get3A_479 = vector.load %arg6[%get3A_476, %get3A_477, %get3A_478] : memref<1x1x128xf32, #tpu.memory_space<vmem>>, vector<1x1x128xf32>
    %get3A_480 = vector.shape_cast %get3A_479 : vector<1x1x128xf32> to vector<128xf32>
    %broadcast_in_dim3A_481 = vector.shape_cast %get3A_480 : vector<128xf32> to vector<1x128xf32>
    %add3A_482 = vector.broadcast %broadcast_in_dim3A_481 : vector<1x128xf32> to vector<1024x128xf32>
    %add3A_483 = arith.addf %div3A_475, %add3A_482 : vector<1024x128xf32>
    %div3A_484 = arith.constant 1.41421354 : f32
    %div3A_485 = vector.broadcast %div3A_484 : f32 to vector<1024x128xf32>
    %div3A_486 = arith.divf %add3A_483, %div3A_485 : vector<1024x128xf32>
    %erf3A_487 = math.erf %div3A_486 : vector<1024x128xf32>
    %add3A_488 = arith.constant 1.000000e+00 : f32
    %add3A_489 = vector.broadcast %add3A_488 : f32 to vector<1024x128xf32>
    %add3A_490 = arith.addf %erf3A_487, %add3A_489 : vector<1024x128xf32>
    %mul3A_491 = arith.mulf %add3A_483, %add3A_490 : vector<1024x128xf32>
    %div3A_492 = arith.constant 2.000000e+00 : f32
    %div3A_493 = vector.broadcast %div3A_492 : f32 to vector<1024x128xf32>
    %div3A_494 = arith.divf %mul3A_491, %div3A_493 : vector<1024x128xf32>
    %reduce_max3A_495 = arith.constant dense<0xFF800000> : vector<128xf32>
    %reduce_max3A_496 = vector.multi_reduction <maximumf>, %div3A_494, %reduce_max3A_495 [0] : vector<1024x128xf32> to vector<128xf32>
    %broadcast_in_dim3A_497 = vector.shape_cast %reduce_max3A_496 : vector<128xf32> to vector<1x128xf32>
    %get3A_498 = arith.constant 0 : index
    %get3A_499 = arith.constant 0 : index
    %get3A_500 = arith.constant 0 : index
    %get3A_501 = vector.load %arg5[%get3A_498, %get3A_499, %get3A_500] : memref<1x1x128xf32, #tpu.memory_space<vmem>>, vector<1x1x128xf32>
    %get3A_502 = vector.shape_cast %get3A_501 : vector<1x1x128xf32> to vector<128xf32>
    %broadcast_in_dim3A_503 = vector.shape_cast %get3A_502 : vector<128xf32> to vector<1x128xf32>
    %sub3A_504 = vector.broadcast %div3A_188 : vector<1x128xf32> to vector<1024x128xf32>
    %sub3A_505 = arith.subf %dot_general3A_80, %sub3A_504 : vector<1024x128xf32>
    %mul3A_506 = vector.broadcast %broadcast_in_dim3A_503 : vector<1x128xf32> to vector<1024x128xf32>
    %mul3A_507 = arith.mulf %mul3A_506, %sub3A_505 : vector<1024x128xf32>
    %div3A_508 = vector.broadcast %sqrt3A : vector<1x128xf32> to vector<1024x128xf32>
    %div3A_509 = arith.divf %mul3A_507, %div3A_508 : vector<1024x128xf32>
    %get3A_510 = arith.constant 0 : index
    %get3A_511 = arith.constant 0 : index
    %get3A_512 = arith.constant 0 : index
    %get3A_513 = vector.load %arg6[%get3A_510, %get3A_511, %get3A_512] : memref<1x1x128xf32, #tpu.memory_space<vmem>>, vector<1x1x128xf32>
    %get3A_514 = vector.shape_cast %get3A_513 : vector<1x1x128xf32> to vector<128xf32>
    %broadcast_in_dim3A_515 = vector.shape_cast %get3A_514 : vector<128xf32> to vector<1x128xf32>
    %add3A_516 = vector.broadcast %broadcast_in_dim3A_515 : vector<1x128xf32> to vector<1024x128xf32>
    %add3A_517 = arith.addf %div3A_509, %add3A_516 : vector<1024x128xf32>
    %div3A_518 = arith.constant 1.41421354 : f32
    %div3A_519 = vector.broadcast %div3A_518 : f32 to vector<1024x128xf32>
    %div3A_520 = arith.divf %add3A_517, %div3A_519 : vector<1024x128xf32>
    %erf3A_521 = math.erf %div3A_520 : vector<1024x128xf32>
    %add3A_522 = arith.constant 1.000000e+00 : f32
    %add3A_523 = vector.broadcast %add3A_522 : f32 to vector<1024x128xf32>
    %add3A_524 = arith.addf %erf3A_521, %add3A_523 : vector<1024x128xf32>
    %mul3A_525 = arith.mulf %add3A_517, %add3A_524 : vector<1024x128xf32>
    %div3A_526 = arith.constant 2.000000e+00 : f32
    %div3A_527 = vector.broadcast %div3A_526 : f32 to vector<1024x128xf32>
    %div3A_528 = arith.divf %mul3A_525, %div3A_527 : vector<1024x128xf32>
    %reduce_max3A_529 = arith.constant dense<0xFF800000> : vector<128xf32>
    %reduce_max3A_530 = vector.multi_reduction <maximumf>, %div3A_528, %reduce_max3A_529 [0] : vector<1024x128xf32> to vector<128xf32>
    %broadcast_in_dim3A_531 = vector.shape_cast %reduce_max3A_530 : vector<128xf32> to vector<1x128xf32>
    %concatenate3A_532 = tpu.concatenate %broadcast_in_dim3A_429, %broadcast_in_dim3A_463, %broadcast_in_dim3A_497, %broadcast_in_dim3A_531 in 0 : vector<1x128xf32>, vector<1x128xf32>, vector<1x128xf32>, vector<1x128xf32> -> vector<4x128xf32>
    %swap3A = arith.constant 0 : index
    %swap3A_533 = arith.constant 0 : index
    %swap3A_534 = vector.load %arg7[%swap3A, %swap3A_533] : memref<4x128xf32, #tpu.memory_space<vmem>>, vector<4x128xf32>
    tpu.vector_store %arg7[%swap3A, %swap3A_533], %concatenate3A_532 {strides = array<i32>} : memref<4x128xf32, #tpu.memory_space<vmem>>, vector<4x128xf32>,
    return
  }
  func.func @transform_0(%arg0: i32) -> (i32, i32, i32) {
    %c0_i32 = arith.constant 0 : i32
    %c0_i32_0 = arith.constant 0 : i32
    %c0_i32_1 = arith.constant 0 : i32
    %c0_i32_2 = arith.constant 0 : i32
    return %c0_i32, %c0_i32_0, %c0_i32_1 : i32, i32, i32
  }
  func.func @transform_1(%arg0: i32) -> (i32, i32, i32) {
    %c0_i32 = arith.constant 0 : i32
    %c0_i32_0 = arith.constant 0 : i32
    %c0_i32_1 = arith.constant 0 : i32
    %c0_i32_2 = arith.constant 0 : i32
    return %c0_i32, %c0_i32_0, %c0_i32_1 : i32, i32, i32
  }
  func.func @transform_2(%arg0: i32) -> (i32, i32, i32) {
    %c0_i32 = arith.constant 0 : i32
    %c0_i32_0 = arith.constant 0 : i32
    %c0_i32_1 = arith.constant 0 : i32
    %c0_i32_2 = arith.constant 0 : i32
    return %c0_i32, %c0_i32_0, %c0_i32_1 : i32, i32, i32
  }
  func.func @transform_3(%arg0: i32) -> (i32, i32) {
    %c0_i32 = arith.constant 0 : i32
    %c0_i32_0 = arith.constant 0 : i32
    return %arg0, %c0_i32 : i32, i32
  }
  func.func @transform_4(%arg0: i32) -> (i32, i32, i32) {
    %c0_i32 = arith.constant 0 : i32
    %c0_i32_0 = arith.constant 0 : i32
    %c0_i32_1 = arith.constant 0 : i32
    return %arg0, %c0_i32, %c0_i32_0 : i32, i32, i32
  }
  func.func @transform_5(%arg0: i32) -> (i32, i32, i32) {
    %c0_i32 = arith.constant 0 : i32
    %c0_i32_0 = arith.constant 0 : i32
    %c0_i32_1 = arith.constant 0 : i32
    return %arg0, %c0_i32, %c0_i32_0 : i32, i32, i32
  }
  func.func @transform_6(%arg0: i32) -> (i32, i32) {
    %c0_i32 = arith.constant 0 : i32
    %c0_i32_0 = arith.constant 0 : i32
    return %c0_i32, %arg0 : i32, i32
  }
}

module attributes {stable_mosaic.version = 14 : i64} {
  func.func @body(%arg0: memref<4x1024xf32, #tpu.memory_space<vmem>>, %arg1: memref<256x1024xf32, #tpu.memory_space<vmem>>, %arg2: memref<256xf32, #tpu.memory_space<vmem>>, %arg3: memref<256xf32, #tpu.memory_space<vmem>>, %arg4: memref<40x256xf32, #tpu.memory_space<vmem>>, %arg5: memref<40xf32, #tpu.memory_space<vmem>>, %arg6: memref<4x40xf32, #tpu.memory_space<vmem>>) attributes {dimension_semantics = [], scalar_prefetch = 0 : i64, scratch_operands = 0 : i64, tpu.core_type = #tpu.core_type<tc>} {
    %get3A = arith.constant 0 : index
    %get3A_0 = arith.constant 0 : index
    %get3A_1 = vector.load %arg0[%get3A, %get3A_0] : memref<4x1024xf32, #tpu.memory_space<vmem>>, vector<4x1024xf32>
    %get3A_2 = arith.constant 0 : index
    %get3A_3 = arith.constant 0 : index
    %get3A_4 = vector.load %arg1[%get3A_2, %get3A_3] : memref<256x1024xf32, #tpu.memory_space<vmem>>, vector<256x1024xf32>
    %dot_general3A = arith.constant dense<0.000000e+00> : vector<4x256xf32>
    %dot_general3A_5 = tpu.matmul %get3A_1, %get3A_4, %dot_general3A {dimension_numbers = #tpu.dot_dimension_numbers<[1], [1], [0], [0], [0, 0, 1, 0], [], []>, transpose_lhs_hint = false} : vector<4x1024xf32>, vector<256x1024xf32>, vector<4x256xf32> -> vector<4x256xf32>
    %reduce_sum3A = arith.constant dense<0.000000e+00> : vector<256xf32>
    %reduce_sum3A_6 = vector.multi_reduction <add>, %dot_general3A_5, %reduce_sum3A [0] : vector<4x256xf32> to vector<256xf32>
    %broadcast_in_dim3A = vector.shape_cast %reduce_sum3A_6 : vector<256xf32> to vector<1x256xf32>
    %div3A = arith.constant 4.000000e+00 : f32
    %div3A_7 = vector.broadcast %div3A : f32 to vector<1x256xf32>
    %div3A_8 = arith.divf %broadcast_in_dim3A, %div3A_7 : vector<1x256xf32>
    %sub3A = vector.broadcast %div3A_8 : vector<1x256xf32> to vector<4x256xf32>
    %sub3A_9 = arith.subf %dot_general3A_5, %sub3A : vector<4x256xf32>
    %integer_pow3A = arith.mulf %sub3A_9, %sub3A_9 : vector<4x256xf32>
    %reduce_sum3A_10 = arith.constant dense<0.000000e+00> : vector<256xf32>
    %reduce_sum3A_11 = vector.multi_reduction <add>, %integer_pow3A, %reduce_sum3A_10 [0] : vector<4x256xf32> to vector<256xf32>
    %broadcast_in_dim3A_12 = vector.shape_cast %reduce_sum3A_11 : vector<256xf32> to vector<1x256xf32>
    %div3A_13 = arith.constant 4.000000e+00 : f32
    %div3A_14 = vector.broadcast %div3A_13 : f32 to vector<1x256xf32>
    %div3A_15 = arith.divf %broadcast_in_dim3A_12, %div3A_14 : vector<1x256xf32>
    %get3A_16 = arith.constant 0 : index
    %get3A_17 = vector.load %arg2[%get3A_16] : memref<256xf32, #tpu.memory_space<vmem>>, vector<256xf32>
    %broadcast_in_dim3A_18 = vector.shape_cast %get3A_17 : vector<256xf32> to vector<1x256xf32>
    %sub3A_19 = vector.broadcast %div3A_8 : vector<1x256xf32> to vector<4x256xf32>
    %sub3A_20 = arith.subf %dot_general3A_5, %sub3A_19 : vector<4x256xf32>
    %mul3A = vector.broadcast %broadcast_in_dim3A_18 : vector<1x256xf32> to vector<4x256xf32>
    %mul3A_21 = arith.mulf %mul3A, %sub3A_20 : vector<4x256xf32>
    %add3A = arith.constant 9.99999974E-6 : f32
    %add3A_22 = vector.broadcast %add3A : f32 to vector<1x256xf32>
    %add3A_23 = arith.addf %div3A_15, %add3A_22 : vector<1x256xf32>
    %sqrt3A = math.sqrt %add3A_23 : vector<1x256xf32>
    %div3A_24 = vector.broadcast %sqrt3A : vector<1x256xf32> to vector<4x256xf32>
    %div3A_25 = arith.divf %mul3A_21, %div3A_24 : vector<4x256xf32>
    %get3A_26 = arith.constant 0 : index
    %get3A_27 = vector.load %arg3[%get3A_26] : memref<256xf32, #tpu.memory_space<vmem>>, vector<256xf32>
    %broadcast_in_dim3A_28 = vector.shape_cast %get3A_27 : vector<256xf32> to vector<1x256xf32>
    %add3A_29 = vector.broadcast %broadcast_in_dim3A_28 : vector<1x256xf32> to vector<4x256xf32>
    %add3A_30 = arith.addf %div3A_25, %add3A_29 : vector<4x256xf32>
    %div3A_31 = arith.constant 1.41421354 : f32
    %div3A_32 = vector.broadcast %div3A_31 : f32 to vector<4x256xf32>
    %div3A_33 = arith.divf %add3A_30, %div3A_32 : vector<4x256xf32>
    %erf3A = math.erf %div3A_33 : vector<4x256xf32>
    %add3A_34 = arith.constant 1.000000e+00 : f32
    %add3A_35 = vector.broadcast %add3A_34 : f32 to vector<4x256xf32>
    %add3A_36 = arith.addf %erf3A, %add3A_35 : vector<4x256xf32>
    %mul3A_37 = arith.mulf %add3A_30, %add3A_36 : vector<4x256xf32>
    %div3A_38 = arith.constant 2.000000e+00 : f32
    %div3A_39 = vector.broadcast %div3A_38 : f32 to vector<4x256xf32>
    %div3A_40 = arith.divf %mul3A_37, %div3A_39 : vector<4x256xf32>
    %get3A_41 = arith.constant 0 : index
    %get3A_42 = arith.constant 0 : index
    %get3A_43 = vector.load %arg4[%get3A_41, %get3A_42] : memref<40x256xf32, #tpu.memory_space<vmem>>, vector<40x256xf32>
    %dot_general3A_44 = arith.constant dense<0.000000e+00> : vector<4x40xf32>
    %dot_general3A_45 = tpu.matmul %div3A_40, %get3A_43, %dot_general3A_44 {dimension_numbers = #tpu.dot_dimension_numbers<[1], [1], [0], [0], [0, 0, 1, 0], [], []>, transpose_lhs_hint = false} : vector<4x256xf32>, vector<40x256xf32>, vector<4x40xf32> -> vector<4x40xf32>
    %get3A_46 = arith.constant 0 : index
    %get3A_47 = vector.load %arg5[%get3A_46] : memref<40xf32, #tpu.memory_space<vmem>>, vector<40xf32>
    %broadcast_in_dim3A_48 = vector.shape_cast %get3A_47 : vector<40xf32> to vector<1x40xf32>
    %add3A_49 = vector.broadcast %broadcast_in_dim3A_48 : vector<1x40xf32> to vector<4x40xf32>
    %add3A_50 = arith.addf %dot_general3A_45, %add3A_49 : vector<4x40xf32>
    %swap3A = arith.constant 0 : index
    %swap3A_51 = arith.constant 0 : index
    %swap3A_52 = vector.load %arg6[%swap3A, %swap3A_51] : memref<4x40xf32, #tpu.memory_space<vmem>>, vector<4x40xf32>
    tpu.vector_store %arg6[%swap3A, %swap3A_51], %add3A_50 {strides = array<i32>} : memref<4x40xf32, #tpu.memory_space<vmem>>, vector<4x40xf32>,
    return
  }
}

</mosaic_0001>

<sc_bundles>
// kernel: kernel.16.cloned.1.call-start
scs
__scs_entry_jumppad:
0x0: {  	(pc) =	sbr.rel $0x88, $3  }
0x1: {  	(tag) =	ssettag $0x0;
	lr =	simm.s32 $0x1  }
0x2: {  	[smem:$0x3F8F] =	sst lr;
	_ =	strace $0xD0000000  }
0x3: {  	_ = 	snop  }
0x4: {  	_ = 	snop  }
0x5: {  	_ = 	snop  }
0x6: {  	_ = 	snop  }
0x7: {  	_ = 	snop  }
__scs_overlays_trampoline_lowered:
0x8: {  	[smem:$0x3F9E] =	sst s0  }
0x9: {  	[smem:$0x3F9F] =	sst s1  }
0xa: {  	[smem:$0x3FA0] =	sst s2  }
0xb: {  	[smem:$0x3FA1] =	sst s3  }
0xc: {  	[smem:$0x3FA2] =	sst s4  }
0xd: {  	[smem:$0x3FA3] =	sst s5  }
0xe: {  	[smem:$0x3FA4] =	sst s6  }
0xf: {  	[smem:$0x3FA5] =	sst s7  }
0x10: {  	[smem:$0x3FA6] =	sst s8  }
0x11: {  	[smem:$0x3FA7] =	sst s9;
	s0 =	simm.s32 @!p0 $0x0  }
0x12: {  	s1 =	sld [smem:$0x3F8D];
	s0 =	simm.s32 @p0 $0x1  }
0x13: {  	[smem:$0x3FA8] =	sst s0;
	s0 =	simm.s32 @!p1 $0x0  }
0x14: {  	s2 =	sld [smem:$0x3F8C];
	s0 =	simm.s32 @p1 $0x1  }
0x15: {  	[smem:$0x3FA9] =	sst s0;
	s0 =	simm.s32 @!p2 $0x0  }
0x16: {  	s3 =	sld [smem:$0x3FDB];
	s0 =	simm.s32 @p2 $0x1  }
0x17: {  	s4 =	simm.s32 $0x1BF5;
	[smem:$0x3FAB] =	sst s0  }
0x18: {  	s0 =	sld [smem:$0x3F8E];
	_ =	swait.ge [sflag:s4], $0x0  }
0x19: {  	s7 =	sld [smem:$0x3F8F]  }
0x1a: {  	s8 =	sadd.s32 $0xFFFFE003, lr  }
0x1b: {  	s9 =	sadd.s32 $0xFFFFFEF7, lr;
	s5 =	simm.s32 $0xFFFFFFFF;
	p2 =	slt.u32 s8, $0xFFFFF086  }
0x1c: {  	p1 =	slt.u32 s9, $0xF7A;
	s5 =	simm.s32 @!p2 $0x0  }
0x1d: {  	s5 =	simm.s32 @p1 $0x1;
	p0 =	seq.s32 s7, s2  }
0x1e: {  	s7 =	smul.u32 @!p0 $0xF7A, s2;
	p2 =	seq.s32 @!p0 s5, $0x0  }
0x1f: {  	s9 =	smul.u32 $0xF7A, s1;
	s8 =	simm.s32 @!p0 $0x1BF5;
	p2 =	por !p2, p0  }
0x20: {  	[sflag:s8] =	ssyncset.s32 @!p0 $0xFFFFF086;
	s6 =	sadd.s32 @!p0 s3, s7;
	s7 =	simm.s32 @!p0 $0x108  }
0x21: {  	s3 =	sadd.s32 s3, s9;
	s6 =	sadd.s32 @!p0 $0x88, s6;
	s7 =	simm.s32 @p2 $0x1082  }
0x22: {  	[simem:s7], [sflag:s8] =	dma.local @!p0 [hbm:s6], $0xF7A  }
0x23: {  	s9 =	sor.u32 $0xD0000000, s2;
	s6 =	simm.s32 $0x108;
	_ =	swait.ge @!p0 [sflag:s8], $0x0  }
0x24: {  	s3 =	sadd.s32 $0x88, s3;
	s6 =	simm.s32 @!p1 $0x1082;
	[sflag:s4] =	ssyncset.s32 $0xFFFFF086  }
0x25: {  	[simem:s6], [sflag:s4] =	dma.local [hbm:s3], $0xF7A  }
0x26: {  	[smem:$0x3F8F] =	sst s1;
	(tag) =	ssettag s2;
	_ =	strace s9  }
0x27: {  	s1 =	sld [smem:$0x3F9F]  }
0x28: {  	s2 =	sld [smem:$0x3FA0]  }
0x29: {  	s4 =	sld [smem:$0x3FA2]  }
0x2a: {  	p0 =	seq.s32 s5, $0x0;
	s5 =	sld [smem:$0x3FA3]  }
0x2b: {  	s6 =	sld [smem:$0x3FA4]  }
0x2c: {  	s7 =	sld [smem:$0x3FA5]  }
0x2d: {  	s3 =	simm.s32 $0x108;
	s8 =	sld [smem:$0x3FA6]  }
0x2e: {  	s3 =	simm.s32 @!p0 $0x1082;
	s9 =	sld [smem:$0x3FA7]  }
0x2f: {  	lr =	sadd.s32 s0, s3;
	s0 =	sld [smem:$0x3F9E]  }
0x30: {  	s3 =	sld [smem:$0x3FA1]  }
0x31: {  	[smem:$0x3FAA] =	sst s10  }
0x32: {  	s10 =	sld [smem:$0x3FA8];
	_ =	sdelay $0x3  }
0x33: {  	p0 =	seq.s32 s10, $0x1;
	s10 =	sld [smem:$0x3FAA];
	_ =	sdelay $0x3  }
0x34: {  	[smem:$0x3FAA] =	sst s10  }
0x35: {  	s10 =	sld [smem:$0x3FA9];
	_ =	sdelay $0x3  }
0x36: {  	p1 =	seq.s32 s10, $0x1;
	s10 =	sld [smem:$0x3FAA];
	_ =	sdelay $0x3  }
0x37: {  	[smem:$0x3FAA] =	sst s10  }
0x38: {  	s10 =	sld [smem:$0x3FAB]  }
0x39: {  	_ = 	snop;
	(pc) =	sbr.ind lr, $3  }
0x3a: {  	_ = 	snop  }
0x3b: {  	_ = 	snop  }
0x3c: {  	p2 =	seq.s32 s10, $0x1;
	s10 =	sld [smem:$0x3FAA]  }
0x3d: {  	_ =	shalt  }
0x3e: {  	_ =	shalt  }
0x3f: {  	_ =	shalt  }
0x40: {  	_ =	shalt  }
0x41: {  	_ =	shalt  }
0x42: {  	_ =	shalt  }
0x43: {  	_ =	shalt  }
0x44: {  	_ =	shalt  }
0x45: {  	_ =	shalt  }
0x46: {  	_ =	shalt  }
0x47: {  	_ =	shalt  }
0x48: {  	_ =	shalt  }
0x49: {  	_ =	shalt  }
0x4a: {  	_ =	shalt  }
0x4b: {  	_ =	shalt  }
0x4c: {  	_ =	shalt  }
0x4d: {  	_ =	shalt  }
0x4e: {  	_ =	shalt  }
0x4f: {  	_ =	shalt  }
0x50: {  	_ =	shalt  }
0x51: {  	_ =	shalt  }
0x52: {  	_ =	shalt  }
0x53: {  	_ =	shalt  }
0x54: {  	_ =	shalt  }
0x55: {  	_ =	shalt  }
0x56: {  	_ =	shalt  }
0x57: {  	_ =	shalt  }
0x58: {  	_ =	shalt  }
0x59: {  	_ =	shalt  }
0x5a: {  	_ =	shalt  }
0x5b: {  	_ =	shalt  }
0x5c: {  	_ =	shalt  }
0x5d: {  	_ =	shalt  }
0x5e: {  	_ =	shalt  }
0x5f: {  	_ =	shalt  }
0x60: {  	_ =	shalt  }
0x61: {  	_ =	shalt  }
0x62: {  	_ =	shalt  }
0x63: {  	_ =	shalt  }
0x64: {  	_ =	shalt  }
0x65: {  	_ =	shalt  }
0x66: {  	_ =	shalt  }
0x67: {  	_ =	shalt  }
0x68: {  	_ =	shalt  }
0x69: {  	_ =	shalt  }
0x6a: {  	_ =	shalt  }
0x6b: {  	_ =	shalt  }
0x6c: {  	_ =	shalt  }
0x6d: {  	_ =	shalt  }
0x6e: {  	_ =	shalt  }
0x6f: {  	_ =	shalt  }
0x70: {  	_ =	shalt  }
0x71: {  	_ =	shalt  }
0x72: {  	_ =	shalt  }
0x73: {  	_ =	shalt  }
0x74: {  	_ =	shalt  }
0x75: {  	_ =	shalt  }
0x76: {  	_ =	shalt  }
0x77: {  	_ =	shalt  }
0x78: {  	_ =	shalt  }
0x79: {  	_ =	shalt  }
0x7a: {  	_ =	shalt  }
0x7b: {  	_ =	shalt  }
0x7c: {  	_ =	shalt  }
0x7d: {  	_ =	shalt  }
0x7e: {  	_ =	shalt  }
0x7f: {  	_ =	shalt  }
0x80: {  	_ =	shalt  }
0x81: {  	_ =	shalt  }
0x82: {  	_ =	shalt  }
0x83: {  	_ =	shalt  }
0x84: {  	_ =	shalt  }
0x85: {  	_ =	shalt  }
0x86: {  	_ =	shalt  }
0x87: {  	_ =	shalt  }
.Lfunc_end0:
.L_simem_size_0:
called_computation_lowered:
.L_overlay_start_0:
0x88: {  	s2 =	sld [smem:$0x3FD9]  }
0x89: {  	s3 =	sld [smem:$0x3FFE];
	_ =	sdelay $0x1  }
0x8a: {  	s1 =	srdreg.scid  }
0x8b: {  	s0 =	sand.u32 $0x1, s1  }
0x8c: {  	s16 =	sshll.u32 s0, $0xA;
	s2 =	sadd.s32 s3, s2  }
0x8d: {  	s2 =	sadd.s32 s2, s16  }
0x8e: {  	[smem:$0x3FB6] =	sst s2  }
0x8f: {  	_ = 	snop  }
0x90: {  	(tm) =	ssettm $0x1  }
0x91: {  	s17 =	sld [smem:$0x3FFB];
	_ =	sdelay $0x3  }
0x92: {  	_ =	strace s17  }
0x93: {  	s2 =	sld [smem:$0x3FFC];
	_ =	sdelay $0x3  }
0x94: {  	_ =	strace s2  }
0x95: {  	s2 =	sld [smem:$0x3FFD];
	_ =	sdelay $0x3  }
0x96: {  	_ =	strace s2  }
0x97: {  	_ =	strace $0x8FFFFFFF  }
0x98: {  	s18 =	sld [smem:$0x3FDB];
	_ =	sdelay $0x1  }
0x99: {  	s19 =	simm.s32 $_scs_section_size  }
0x9a: {  	s4 =	simm.s32 $_size__tile_overlayer_lowered;
	s5 =	simm.s32 $_tile_overlayer_lowered  }
0x9b: {  	s22 =	simm.s32 $0x1BFF;
	s21 =	sshll.u32 s5, $0x1;
	s2 =	sadd.s32 s19, s18  }
0x9c: {  	s6 =	simm.s32 $0x0;
	s20 =	sshll.u32 s4, $0x1;
	s4 =	sadd.s32 s21, s2  }
0x9d: {  	[timem:s6], [sflag:s22] =	dma.local [hbm:s4], s20  }
0x9e: {  	_ =	swait.ge [sflag:s22], s20  }
0x9f: {  	s3 =	ssub.s32 $0x0, s20;
	[sflag:s22] =	ssyncset.done $0x0  }
0xa0: {  	[sflag:s22] =	ssyncadd.s32 s3;
	_ =	sdelay $0x1  }
0xa1: {  	s23 =	simm.s32 $0x1B8B  }
0xa2: {  	_ =	swait.ge [sflag:s23], $0x1  }
0xa3: {  	[sflag:s23] =	ssyncset.done $0x0  }
0xa4: {  	s25 =	simm.s32 $0x1B8E;
	s24 =	sld [smem:$0x3FFE];
	[sflag:s23] =	ssyncadd.s32 $0xFFFFFFFF  }
0xa5: {  	s26 =	simm.s32 $execute0_lowered;
	[smem:$0x3FD2] =	sst s25  }
0xa6: {  	s4 =	sshll.u32 s26, $0x1;
	_ =	strace $0x80000046;
	[dreg:$0x1] =	wrdreg $0xFFFFFFFF  }
0xa7: {  	s28 =	simm.s32 $_size_execute0_lowered;
	s2 =	sadd.s32 s2, s4;
	[dreg:$0x0] =	wrdreg $0x0  }
0xa8: {  	s4 =	sshll.u32 s28, $0x1;
	[dreg:$0x2] =	wrdreg s2  }
0xa9: {  	[dreg:$0x3] =	wrdreg s4  }
0xaa: {  	[dreg:$0x4] =	wrdreg $0xC0  }
0xab: {  	_ =	task [dreg:s6], $0x5FFFF  }
0xac: {  	[dreg:$0x1] =	wrdreg $0xFFFFFFFF  }
0xad: {  	[dreg:$0x0] =	wrdreg $0x60  }
0xae: {  	[dreg:$0x2] =	wrdreg s24  }
0xaf: {  	[dreg:$0x3] =	wrdreg $0x9  }
0xb0: {  	_ =	task.clear_ibuf [dreg:s6], $0x4FFFF;
	_ =	strace $0x90000046  }
0xb1: {  	s29 =	simm.s32 $0x9;
	_ =	strace $0x80000048  }
0xb2: {  	_ =	swait.ge [sflag:s29], $0x1  }
0xb3: {  	[sflag:s29] =	ssyncadd.s32 $0xFFFFFFFF  }
0xb4: {  	_ =	strace $0x90000048  }
0xb5: {  	_ =	sfence  }
0xb6: {  	s30 =	sld [smem:$0x0];
	_ =	sdelay $0x2  }
0xb7: {  	s31 =	sshll.u32 s1, $0xD;
	s1 =	sshrl.u32 s1, $0x2  }
0xb8: {  	s3 =	sand.u32 $0x4000, s31;
	s1 =	sadd.s32 s1, s30  }
0xb9: {  	s0 =	sor.u32 s3, s0;
	s1 =	sshll.u32 s1, $0x11  }
0xba: {  	s0 =	sor.u32 s1, s0  }
0xbb: {  	s0 =	sadd.s32 $0x8F2B, s0  }
0xbc: {  	[sflag:s0] =	ssyncadd.remote.s32 $0x1  }
0xbd: {  	_ =	sfence.sel $0xFFFF  }
0xbe: {  	[dreg:$0x0] =	wrdreg $0xFFFFFFFF;
	(pc) =	sbr.abs _section_cstart, $3  }
0xbf: {  	[dreg:$0x1] =	wrdreg $0xFFFFFFFF  }
0xc0: {  	_ =	task.clear_ibuf [dreg:s6], $0x2FFFF;
	_ =	strace $0x9FFFFFFF  }
0xc1: {  	(tm) =	ssettm $0x7FFFFFFF  }
tec
execute0_lowered:
.L_overlay_start_1:
0x0: {  	(tag) =	ssettag $0x1  }
0x1: {  	s1 =	srdreg.scid;
	s0 =	stileid.u32  }
0x2: {  	s5 =	rddreg [dreg:$0x0];
	s2 =	simm.s32 $0x0;
	s11 =	simm.s32 $0x1  }
0x3: {  	s12 =	simm.s32 $0x1000;
	s13 =	simm.s32 $0x2000;
	s14 =	simm.s32 $0x3000  }
0x4: {  	s15 =	simm.s32 $0x3600;
	s3 =	sand.u32 $0x1, s1;
	s31 =	sshll.u32 s0, $0x1  }
0x5: {  	s16 =	simm.s32 $0x3C00;
	s17 =	simm.s32 $0x4200;
	s4 =	sor.u32 s3, s31  }
0x6: {  	s1 =	rddreg [dreg:$0x1];
	s6 =	ssub.s32 $0x2, s3;
	s4 =	smul.u32 $0x600, s4  }
0x7: {  	s18 =	simm.s32 $0x0;
	[smem:$0x7FF] =	sst s2;
	s7 =	sshrl.u32 s6, $0x1  }
0x8: {  	_ =	strace $0x80000047;
	s10 =	ssub.s32 s6, s7;
	s4 =	sshrl.u32 s4, $0x3  }
0x9: {  	s3 =	sadd.s32 $0x16400, s5;
	s10 =	smax.u32 s10, $0x1;
	s9 =	sadd.s32 s4, s5  }
0xa: {  	s4 =	sadd.s32 $0x16600, s5;
	s5 =	sadd.s32 $0x16800, s5;
	s6 =	sadd.s32 $0x14C00, s9  }
0xb: {  	s7 =	sadd.s32 $0x16A00, s9;
	s8 =	sadd.s32 $0x18200, s9;
	s9 =	sadd.s32 $0x19A00, s9  }
.LBB2_1:
0xc: {  	[tilespmem:s2], [sflag:$0x1] =	stream.linear.gather [hbm4b:s3+s2], $0x1000, $0x38;
	[tilespmem:$0x4800] =	vst v63  }
0xd: {  	_ =	swait.ge [sflag:s11], $0x1000  }
0xe: {  	[sflag:s11] =	ssyncset.done $0x0  }
0xf: {  	[sflag:s11] =	ssyncadd.s32 $0xFFFFF000  }
0x10: {  	[tilespmem:s12], [sflag:$0x1] =	stream.linear.gather [hbm4b:s4+s2], $0x1000, $0x38;
	[tilespmem:$0x4800] =	vst v63  }
0x11: {  	_ =	swait.ge [sflag:s11], $0x1000  }
0x12: {  	[sflag:s11] =	ssyncset.done $0x0  }
0x13: {  	[sflag:s11] =	ssyncadd.s32 $0xFFFFF000  }
0x14: {  	[tilespmem:s13], [sflag:$0x1] =	stream.linear.gather [hbm4b:s5+s2], $0x1000, $0x38;
	[tilespmem:$0x4800] =	vst v63  }
0x15: {  	_ =	swait.ge [sflag:s11], $0x1000  }
0x16: {  	[sflag:s11] =	ssyncset.done $0x0  }
0x17: {  	[sflag:s11] =	ssyncadd.s32 $0xFFFFF000  }
0x18: {  	[tilespmem:s14], [sflag:$0x1] =	stream.linear.gather [hbm4b:s6+s2], $0x600, $0x38;
	[tilespmem:$0x4800] =	vst v63  }
0x19: {  	_ =	swait.ge [sflag:s11], $0x600  }
0x1a: {  	[sflag:s11] =	ssyncset.done $0x0  }
0x1b: {  	s19 =	simm.s32 $0x0;
	[sflag:s11] =	ssyncadd.s32 $0xFFFFFA00  }
0x1c: {  	v0 =	vld [tilespmem:s19+$0x3000];
	_ =	sdelay $0x7  }
0x1d: {  	v1 =	vld.idx.msk [tilespmem:v0+s2+$0x0], $0xffff;
	_ =	sdelay $0x4  }
0x1e: {  	[tilespmem:s19+$0x3600] =	vst v1  }
0x1f: {  	v1 =	vld.idx.msk [tilespmem:v0+s12+$0x0], $0xffff;
	_ =	sdelay $0x3  }
0x20: {  	s21 =	simm.s32 $0x10;
	s20 =	simm.s32 $0x80  }
.LBB2_2:
0x21: {  	p0 =	sne.s32 s20, $0x17C0;
	v2 =	vld [tilespmem:s21+$0x3000];
	[tilespmem:s19+$0x3C00] =	vst v1  }
0x22: {  	v1 =	vld.idx.msk [tilespmem:v0+s13+$0x0], $0xffff;
	_ =	sdelay $0x3  }
0x23: {  	v0 =	vmov v2;
	_ =	sdelay $0x1  }
0x24: {  	[tilespmem:s19+$0x4200] =	vst v1;
	s19 =	smov.u32 s21  }
0x25: {  	v1 =	vld.idx.msk [tilespmem:v2+s2+$0x0], $0xffff;
	_ =	sdelay $0x5  }
0x26: {  	[tilespmem:s19+$0x3600] =	vst v1  }
0x27: {  	v1 =	vld.idx.msk [tilespmem:v2+s12+$0x0], $0xffff  }
.Ltmp0:
0x28: {  	(pc) =	sbr.rel @p0 .LBB2_2-.Ltmp0, $2  }
0x29: {  	_ =	sdelay $0x2  }
0x2a: {  	s21 =	sshra.s32 s20, $0x2;
	s20 =	sadd.s32 $0x40, s20  }
0x2b: {  	_ =	sdelay $0x1  }
0x2c: {  	v2 =	vld [tilespmem:s21+$0x3000]  }
0x2d: {  	[tilespmem:s19+$0x3C00] =	vst v1  }
0x2e: {  	v0 =	vld.idx.msk [tilespmem:v0+s13+$0x0], $0xffff;
	_ =	sdelay $0x4  }
0x2f: {  	[tilespmem:s19+$0x4200] =	vst v0  }
0x30: {  	v0 =	vld.idx.msk [tilespmem:v2+s2+$0x0], $0xffff;
	_ =	sdelay $0x4  }
0x31: {  	[tilespmem:s21+$0x3600] =	vst v0  }
0x32: {  	v0 =	vld.idx.msk [tilespmem:v2+s12+$0x0], $0xffff;
	_ =	sdelay $0x4  }
0x33: {  	[tilespmem:s21+$0x3C00] =	vst v0  }
0x34: {  	v0 =	vld.idx.msk [tilespmem:v2+s13+$0x0], $0xffff;
	_ =	sdelay $0x4  }
0x35: {  	[tilespmem:s21+$0x4200] =	vst v0  }
0x36: {  	[hbm4b:s7+s2] =	stream.linear.scatter [tilespmem:s15], [sflag:$0x1], $0x600, $0x38;
	[tilespmem:$0x4800] =	vst v63  }
0x37: {  	_ =	swait.ge [sflag:s11], $0x600  }
0x38: {  	[sflag:s11] =	ssyncset.done $0x0  }
0x39: {  	[sflag:s11] =	ssyncadd.s32 $0xFFFFFA00  }
0x3a: {  	[hbm4b:s8+s2] =	stream.linear.scatter [tilespmem:s16], [sflag:$0x1], $0x600, $0x38;
	[tilespmem:$0x4800] =	vst v63  }
0x3b: {  	s18 =	sadd.s32 $0x1, s18;
	_ =	swait.ge [sflag:s11], $0x600  }
0x3c: {  	p0 =	sne.s32 s18, s10;
	[sflag:s11] =	ssyncset.done $0x0  }
.Ltmp1:
0x3d: {  	[sflag:s11] =	ssyncadd.s32 $0xFFFFFA00;
	(pc) =	sbr.rel @p0 .LBB2_1-.Ltmp1, $4  }
0x3e: {  	[hbm4b:s9+s2] =	stream.linear.scatter [tilespmem:s17], [sflag:$0x1], $0x600, $0x38;
	[tilespmem:$0x4800] =	vst v63  }
0x3f: {  	_ =	swait.ge [sflag:s11], $0x600  }
0x40: {  	[sflag:s11] =	ssyncset.done $0x0  }
0x41: {  	[sflag:s11] =	ssyncadd.s32 $0xFFFFFA00  }
0x42: {  	_ =	sfence.sel $0x180000  }
0x43: {  	[bflag:$0x0] =	sbarrier.arrive $0xFFFF  }
0x44: {  	p0 =	sne.s32 s0, $0x0;
	_ =	strace $0x90000047  }
0x45: {  	s0 =	sadd.s32 @!p0 $0x100000, s1;
	[bflag:$0x2] =	sbarrier.arrive $0xFFFF  }
0x46: {  	[sflag:s0] =	ssyncadd.tile.s32 @!p0 $0x1;
	_ =	shalt  }
.Lfunc_end2:
_tile_overlayer_lowered:
.L_overlay_start_2:
0x47: {  	(tag) =	ssettag $0x2  }
0x48: {  	s0 =	rddreg [dreg:$0x0];
	s2 =	stileid.u32  }
0x49: {  	s1 =	rddreg [dreg:$0x1];
	p0 =	sne.s32 s2, $0x0  }
0x4a: {  	s3 =	rddreg [dreg:$0x2];
	[bflag:$0x3] =	sbarrier.arrive $0xFFFF;
	s2 =	simm.s32 @!p0 $0x1C01  }
0x4b: {  	[timem:s3], [sflag:s2] =	dma.local @!p0 [hbm:s0], s1  }
0x4c: {  	s0 =	simm.s32 @!p0 $0x1  }
0x4d: {  	_ =	swait.ge @!p0 [sflag:s0], s1  }
0x4e: {  	s1 =	ssub.s32 @!p0 $0x0, s1;
	[sflag:s0] =	ssyncset.done @!p0 $0x0  }
0x4f: {  	[sflag:s0] =	ssyncadd.s32 @!p0 s1  }
0x50: {  	[bflag:$0x3] =	sbarrier.arrive $0xFFFF  }
0x51: {  	_ =	shalt  }

// kernel: kernel.19.cloned.1.call-start
scs
__scs_entry_jumppad:
0x0: {  	(pc) =	sbr.rel $0x88, $3  }
0x1: {  	(tag) =	ssettag $0x0;
	lr =	simm.s32 $0x1  }
0x2: {  	[smem:$0x3F8F] =	sst lr;
	_ =	strace $0xD0000000  }
0x3: {  	_ = 	snop  }
0x4: {  	_ = 	snop  }
0x5: {  	_ = 	snop  }
0x6: {  	_ = 	snop  }
0x7: {  	_ = 	snop  }
__scs_overlays_trampoline_lowered:
0x8: {  	[smem:$0x3F9E] =	sst s0  }
0x9: {  	[smem:$0x3F9F] =	sst s1  }
0xa: {  	[smem:$0x3FA0] =	sst s2  }
0xb: {  	[smem:$0x3FA1] =	sst s3  }
0xc: {  	[smem:$0x3FA2] =	sst s4  }
0xd: {  	[smem:$0x3FA3] =	sst s5  }
0xe: {  	[smem:$0x3FA4] =	sst s6  }
0xf: {  	[smem:$0x3FA5] =	sst s7  }
0x10: {  	[smem:$0x3FA6] =	sst s8  }
0x11: {  	[smem:$0x3FA7] =	sst s9;
	s0 =	simm.s32 @!p0 $0x0  }
0x12: {  	s1 =	sld [smem:$0x3F8D];
	s0 =	simm.s32 @p0 $0x1  }
0x13: {  	[smem:$0x3FA8] =	sst s0;
	s0 =	simm.s32 @!p1 $0x0  }
0x14: {  	s2 =	sld [smem:$0x3F8C];
	s0 =	simm.s32 @p1 $0x1  }
0x15: {  	[smem:$0x3FA9] =	sst s0;
	s0 =	simm.s32 @!p2 $0x0  }
0x16: {  	s3 =	sld [smem:$0x3FDB];
	s0 =	simm.s32 @p2 $0x1  }
0x17: {  	s4 =	simm.s32 $0x1BF5;
	[smem:$0x3FAB] =	sst s0  }
0x18: {  	s0 =	sld [smem:$0x3F8E];
	_ =	swait.ge [sflag:s4], $0x0  }
0x19: {  	s7 =	sld [smem:$0x3F8F]  }
0x1a: {  	s8 =	sadd.s32 $0xFFFFE003, lr  }
0x1b: {  	s9 =	sadd.s32 $0xFFFFFEF7, lr;
	s5 =	simm.s32 $0xFFFFFFFF;
	p2 =	slt.u32 s8, $0xFFFFF086  }
0x1c: {  	p1 =	slt.u32 s9, $0xF7A;
	s5 =	simm.s32 @!p2 $0x0  }
0x1d: {  	s5 =	simm.s32 @p1 $0x1;
	p0 =	seq.s32 s7, s2  }
0x1e: {  	s7 =	smul.u32 @!p0 $0xF7A, s2;
	p2 =	seq.s32 @!p0 s5, $0x0  }
0x1f: {  	s9 =	smul.u32 $0xF7A, s1;
	s8 =	simm.s32 @!p0 $0x1BF5;
	p2 =	por !p2, p0  }
0x20: {  	[sflag:s8] =	ssyncset.s32 @!p0 $0xFFFFF086;
	s6 =	sadd.s32 @!p0 s3, s7;
	s7 =	simm.s32 @!p0 $0x108  }
0x21: {  	s3 =	sadd.s32 s3, s9;
	s6 =	sadd.s32 @!p0 $0x88, s6;
	s7 =	simm.s32 @p2 $0x1082  }
0x22: {  	[simem:s7], [sflag:s8] =	dma.local @!p0 [hbm:s6], $0xF7A  }
0x23: {  	s9 =	sor.u32 $0xD0000000, s2;
	s6 =	simm.s32 $0x108;
	_ =	swait.ge @!p0 [sflag:s8], $0x0  }
0x24: {  	s3 =	sadd.s32 $0x88, s3;
	s6 =	simm.s32 @!p1 $0x1082;
	[sflag:s4] =	ssyncset.s32 $0xFFFFF086  }
0x25: {  	[simem:s6], [sflag:s4] =	dma.local [hbm:s3], $0xF7A  }
0x26: {  	[smem:$0x3F8F] =	sst s1;
	(tag) =	ssettag s2;
	_ =	strace s9  }
0x27: {  	s1 =	sld [smem:$0x3F9F]  }
0x28: {  	s2 =	sld [smem:$0x3FA0]  }
0x29: {  	s4 =	sld [smem:$0x3FA2]  }
0x2a: {  	p0 =	seq.s32 s5, $0x0;
	s5 =	sld [smem:$0x3FA3]  }
0x2b: {  	s6 =	sld [smem:$0x3FA4]  }
0x2c: {  	s7 =	sld [smem:$0x3FA5]  }
0x2d: {  	s3 =	simm.s32 $0x108;
	s8 =	sld [smem:$0x3FA6]  }
0x2e: {  	s3 =	simm.s32 @!p0 $0x1082;
	s9 =	sld [smem:$0x3FA7]  }
0x2f: {  	lr =	sadd.s32 s0, s3;
	s0 =	sld [smem:$0x3F9E]  }
0x30: {  	s3 =	sld [smem:$0x3FA1]  }
0x31: {  	[smem:$0x3FAA] =	sst s10  }
0x32: {  	s10 =	sld [smem:$0x3FA8];
	_ =	sdelay $0x3  }
0x33: {  	p0 =	seq.s32 s10, $0x1;
	s10 =	sld [smem:$0x3FAA];
	_ =	sdelay $0x3  }
0x34: {  	[smem:$0x3FAA] =	sst s10  }
0x35: {  	s10 =	sld [smem:$0x3FA9];
	_ =	sdelay $0x3  }
0x36: {  	p1 =	seq.s32 s10, $0x1;
	s10 =	sld [smem:$0x3FAA];
	_ =	sdelay $0x3  }
0x37: {  	[smem:$0x3FAA] =	sst s10  }
0x38: {  	s10 =	sld [smem:$0x3FAB]  }
0x39: {  	_ = 	snop;
	(pc) =	sbr.ind lr, $3  }
0x3a: {  	_ = 	snop  }
0x3b: {  	_ = 	snop  }
0x3c: {  	p2 =	seq.s32 s10, $0x1;
	s10 =	sld [smem:$0x3FAA]  }
0x3d: {  	_ =	shalt  }
0x3e: {  	_ =	shalt  }
0x3f: {  	_ =	shalt  }
0x40: {  	_ =	shalt  }
0x41: {  	_ =	shalt  }
0x42: {  	_ =	shalt  }
0x43: {  	_ =	shalt  }
0x44: {  	_ =	shalt  }
0x45: {  	_ =	shalt  }
0x46: {  	_ =	shalt  }
0x47: {  	_ =	shalt  }
0x48: {  	_ =	shalt  }
0x49: {  	_ =	shalt  }
0x4a: {  	_ =	shalt  }
0x4b: {  	_ =	shalt  }
0x4c: {  	_ =	shalt  }
0x4d: {  	_ =	shalt  }
0x4e: {  	_ =	shalt  }
0x4f: {  	_ =	shalt  }
0x50: {  	_ =	shalt  }
0x51: {  	_ =	shalt  }
0x52: {  	_ =	shalt  }
0x53: {  	_ =	shalt  }
0x54: {  	_ =	shalt  }
0x55: {  	_ =	shalt  }
0x56: {  	_ =	shalt  }
0x57: {  	_ =	shalt  }
0x58: {  	_ =	shalt  }
0x59: {  	_ =	shalt  }
0x5a: {  	_ =	shalt  }
0x5b: {  	_ =	shalt  }
0x5c: {  	_ =	shalt  }
0x5d: {  	_ =	shalt  }
0x5e: {  	_ =	shalt  }
0x5f: {  	_ =	shalt  }
0x60: {  	_ =	shalt  }
0x61: {  	_ =	shalt  }
0x62: {  	_ =	shalt  }
0x63: {  	_ =	shalt  }
0x64: {  	_ =	shalt  }
0x65: {  	_ =	shalt  }
0x66: {  	_ =	shalt  }
0x67: {  	_ =	shalt  }
0x68: {  	_ =	shalt  }
0x69: {  	_ =	shalt  }
0x6a: {  	_ =	shalt  }
0x6b: {  	_ =	shalt  }
0x6c: {  	_ =	shalt  }
0x6d: {  	_ =	shalt  }
0x6e: {  	_ =	shalt  }
0x6f: {  	_ =	shalt  }
0x70: {  	_ =	shalt  }
0x71: {  	_ =	shalt  }
0x72: {  	_ =	shalt  }
0x73: {  	_ =	shalt  }
0x74: {  	_ =	shalt  }
0x75: {  	_ =	shalt  }
0x76: {  	_ =	shalt  }
0x77: {  	_ =	shalt  }
0x78: {  	_ =	shalt  }
0x79: {  	_ =	shalt  }
0x7a: {  	_ =	shalt  }
0x7b: {  	_ =	shalt  }
0x7c: {  	_ =	shalt  }
0x7d: {  	_ =	shalt  }
0x7e: {  	_ =	shalt  }
0x7f: {  	_ =	shalt  }
0x80: {  	_ =	shalt  }
0x81: {  	_ =	shalt  }
0x82: {  	_ =	shalt  }
0x83: {  	_ =	shalt  }
0x84: {  	_ =	shalt  }
0x85: {  	_ =	shalt  }
0x86: {  	_ =	shalt  }
0x87: {  	_ =	shalt  }
.Lfunc_end0:
.L_simem_size_0:
called_computation.1_lowered:
.L_overlay_start_0:
0x88: {  	s2 =	sld [smem:$0x3FD9]  }
0x89: {  	s3 =	sld [smem:$0x3FFE];
	_ =	sdelay $0x1  }
0x8a: {  	s1 =	srdreg.scid  }
0x8b: {  	s0 =	sand.u32 $0x1, s1  }
0x8c: {  	s16 =	sshll.u32 s0, $0xA;
	s2 =	sadd.s32 s3, s2  }
0x8d: {  	s2 =	sadd.s32 s2, s16  }
0x8e: {  	[smem:$0x3FB6] =	sst s2  }
0x8f: {  	_ = 	snop  }
0x90: {  	(tm) =	ssettm $0x1  }
0x91: {  	s17 =	sld [smem:$0x3FFB];
	_ =	sdelay $0x3  }
0x92: {  	_ =	strace s17  }
0x93: {  	s2 =	sld [smem:$0x3FFC];
	_ =	sdelay $0x3  }
0x94: {  	_ =	strace s2  }
0x95: {  	s2 =	sld [smem:$0x3FFD];
	_ =	sdelay $0x3  }
0x96: {  	_ =	strace s2  }
0x97: {  	_ =	strace $0x8FFFFFFF  }
0x98: {  	s18 =	sld [smem:$0x3FDB];
	_ =	sdelay $0x1  }
0x99: {  	s19 =	simm.s32 $_scs_section_size  }
0x9a: {  	s4 =	simm.s32 $_size__tile_overlayer_lowered;
	s5 =	simm.s32 $_tile_overlayer_lowered  }
0x9b: {  	s22 =	simm.s32 $0x1BFF;
	s21 =	sshll.u32 s5, $0x1;
	s2 =	sadd.s32 s19, s18  }
0x9c: {  	s6 =	simm.s32 $0x0;
	s20 =	sshll.u32 s4, $0x1;
	s4 =	sadd.s32 s21, s2  }
0x9d: {  	[timem:s6], [sflag:s22] =	dma.local [hbm:s4], s20  }
0x9e: {  	_ =	swait.ge [sflag:s22], s20  }
0x9f: {  	s3 =	ssub.s32 $0x0, s20;
	[sflag:s22] =	ssyncset.done $0x0  }
0xa0: {  	[sflag:s22] =	ssyncadd.s32 s3;
	_ =	sdelay $0x1  }
0xa1: {  	s23 =	simm.s32 $0x1B8B  }
0xa2: {  	_ =	swait.ge [sflag:s23], $0x1  }
0xa3: {  	[sflag:s23] =	ssyncset.done $0x0  }
0xa4: {  	s25 =	simm.s32 $0x1B8E;
	s24 =	sld [smem:$0x3FFE];
	[sflag:s23] =	ssyncadd.s32 $0xFFFFFFFF  }
0xa5: {  	s26 =	simm.s32 $execute0_lowered;
	[smem:$0x3FD2] =	sst s25  }
0xa6: {  	s4 =	sshll.u32 s26, $0x1;
	_ =	strace $0x80000049;
	[dreg:$0x1] =	wrdreg $0xFFFFFFFF  }
0xa7: {  	s28 =	simm.s32 $_size_execute0_lowered;
	s2 =	sadd.s32 s2, s4;
	[dreg:$0x0] =	wrdreg $0x0  }
0xa8: {  	s4 =	sshll.u32 s28, $0x1;
	[dreg:$0x2] =	wrdreg s2  }
0xa9: {  	[dreg:$0x3] =	wrdreg s4  }
0xaa: {  	[dreg:$0x4] =	wrdreg $0xC0  }
0xab: {  	_ =	task [dreg:s6], $0x5FFFF  }
0xac: {  	[dreg:$0x1] =	wrdreg $0xFFFFFFFF  }
0xad: {  	[dreg:$0x0] =	wrdreg $0x60  }
0xae: {  	[dreg:$0x2] =	wrdreg s24  }
0xaf: {  	[dreg:$0x3] =	wrdreg $0x9  }
0xb0: {  	_ =	task.clear_ibuf [dreg:s6], $0x4FFFF;
	_ =	strace $0x90000049  }
0xb1: {  	s29 =	simm.s32 $0x9;
	_ =	strace $0x8000004B  }
0xb2: {  	_ =	swait.ge [sflag:s29], $0x1  }
0xb3: {  	[sflag:s29] =	ssyncadd.s32 $0xFFFFFFFF  }
0xb4: {  	_ =	strace $0x9000004B  }
0xb5: {  	_ =	sfence  }
0xb6: {  	s30 =	sld [smem:$0x0];
	_ =	sdelay $0x2  }
0xb7: {  	s31 =	sshll.u32 s1, $0xD;
	s1 =	sshrl.u32 s1, $0x2  }
0xb8: {  	s3 =	sand.u32 $0x4000, s31;
	s1 =	sadd.s32 s1, s30  }
0xb9: {  	s0 =	sor.u32 s3, s0;
	s1 =	sshll.u32 s1, $0x11  }
0xba: {  	s0 =	sor.u32 s1, s0  }
0xbb: {  	s0 =	sadd.s32 $0x8F2B, s0  }
0xbc: {  	[sflag:s0] =	ssyncadd.remote.s32 $0x1  }
0xbd: {  	_ =	sfence.sel $0xFFFF  }
0xbe: {  	[dreg:$0x0] =	wrdreg $0xFFFFFFFF;
	(pc) =	sbr.abs _section_cstart, $3  }
0xbf: {  	[dreg:$0x1] =	wrdreg $0xFFFFFFFF  }
0xc0: {  	_ =	task.clear_ibuf [dreg:s6], $0x2FFFF;
	_ =	strace $0x9FFFFFFF  }
0xc1: {  	(tm) =	ssettm $0x7FFFFFFF  }
tec
execute0_lowered:
.L_overlay_start_1:
0x0: {  	(tag) =	ssettag $0x1  }
0x1: {  	s1 =	srdreg.scid;
	s0 =	stileid.u32  }
0x2: {  	s5 =	rddreg [dreg:$0x0];
	s2 =	simm.s32 $0x0;
	s11 =	simm.s32 $0x1  }
0x3: {  	s12 =	simm.s32 $0x1000;
	s13 =	simm.s32 $0x2000;
	s14 =	simm.s32 $0x3000  }
0x4: {  	s15 =	simm.s32 $0x3600;
	s3 =	sand.u32 $0x1, s1;
	s31 =	sshll.u32 s0, $0x1  }
0x5: {  	s16 =	simm.s32 $0x3C00;
	s17 =	simm.s32 $0x4200;
	s4 =	sor.u32 s3, s31  }
0x6: {  	s1 =	rddreg [dreg:$0x1];
	s6 =	ssub.s32 $0x2, s3;
	s4 =	smul.u32 $0x600, s4  }
0x7: {  	s18 =	simm.s32 $0x0;
	[smem:$0x7FF] =	sst s2;
	s7 =	sshrl.u32 s6, $0x1  }
0x8: {  	_ =	strace $0x8000004A;
	s10 =	ssub.s32 s6, s7;
	s4 =	sshrl.u32 s4, $0x3  }
0x9: {  	s3 =	sadd.s32 $0x24C00, s5;
	s10 =	smax.u32 s10, $0x1;
	s9 =	sadd.s32 s4, s5  }
0xa: {  	s4 =	sadd.s32 $0x24E00, s5;
	s5 =	sadd.s32 $0x25000, s5;
	s6 =	sadd.s32 $0x25200, s9  }
0xb: {  	s7 =	sadd.s32 $0x26A00, s9;
	s8 =	sadd.s32 $0x28200, s9;
	s9 =	sadd.s32 $0x29A00, s9  }
.LBB2_1:
0xc: {  	[tilespmem:s2], [sflag:$0x1] =	stream.linear.gather [hbm4b:s3+s2], $0x1000, $0x38;
	[tilespmem:$0x4800] =	vst v63  }
0xd: {  	_ =	swait.ge [sflag:s11], $0x1000  }
0xe: {  	[sflag:s11] =	ssyncset.done $0x0  }
0xf: {  	[sflag:s11] =	ssyncadd.s32 $0xFFFFF000  }
0x10: {  	[tilespmem:s12], [sflag:$0x1] =	stream.linear.gather [hbm4b:s4+s2], $0x1000, $0x38;
	[tilespmem:$0x4800] =	vst v63  }
0x11: {  	_ =	swait.ge [sflag:s11], $0x1000  }
0x12: {  	[sflag:s11] =	ssyncset.done $0x0  }
0x13: {  	[sflag:s11] =	ssyncadd.s32 $0xFFFFF000  }
0x14: {  	[tilespmem:s13], [sflag:$0x1] =	stream.linear.gather [hbm4b:s5+s2], $0x1000, $0x38;
	[tilespmem:$0x4800] =	vst v63  }
0x15: {  	_ =	swait.ge [sflag:s11], $0x1000  }
0x16: {  	[sflag:s11] =	ssyncset.done $0x0  }
0x17: {  	[sflag:s11] =	ssyncadd.s32 $0xFFFFF000  }
0x18: {  	[tilespmem:s14], [sflag:$0x1] =	stream.linear.gather [hbm4b:s6+s2], $0x600, $0x38;
	[tilespmem:$0x4800] =	vst v63  }
0x19: {  	_ =	swait.ge [sflag:s11], $0x600  }
0x1a: {  	[sflag:s11] =	ssyncset.done $0x0  }
0x1b: {  	s19 =	simm.s32 $0x0;
	[sflag:s11] =	ssyncadd.s32 $0xFFFFFA00  }
0x1c: {  	v0 =	vld [tilespmem:s19+$0x3000];
	_ =	sdelay $0x7  }
0x1d: {  	v1 =	vld.idx.msk [tilespmem:v0+s2+$0x0], $0xffff;
	_ =	sdelay $0x4  }
0x1e: {  	[tilespmem:s19+$0x3600] =	vst v1  }
0x1f: {  	v1 =	vld.idx.msk [tilespmem:v0+s12+$0x0], $0xffff;
	_ =	sdelay $0x3  }
0x20: {  	s21 =	simm.s32 $0x10;
	s20 =	simm.s32 $0x80  }
.LBB2_2:
0x21: {  	p0 =	sne.s32 s20, $0x17C0;
	v2 =	vld [tilespmem:s21+$0x3000];
	[tilespmem:s19+$0x3C00] =	vst v1  }
0x22: {  	v1 =	vld.idx.msk [tilespmem:v0+s13+$0x0], $0xffff;
	_ =	sdelay $0x3  }
0x23: {  	v0 =	vmov v2;
	_ =	sdelay $0x1  }
0x24: {  	[tilespmem:s19+$0x4200] =	vst v1;
	s19 =	smov.u32 s21  }
0x25: {  	v1 =	vld.idx.msk [tilespmem:v2+s2+$0x0], $0xffff;
	_ =	sdelay $0x5  }
0x26: {  	[tilespmem:s19+$0x3600] =	vst v1  }
0x27: {  	v1 =	vld.idx.msk [tilespmem:v2+s12+$0x0], $0xffff  }
.Ltmp0:
0x28: {  	(pc) =	sbr.rel @p0 .LBB2_2-.Ltmp0, $2  }
0x29: {  	_ =	sdelay $0x2  }
0x2a: {  	s21 =	sshra.s32 s20, $0x2;
	s20 =	sadd.s32 $0x40, s20  }
0x2b: {  	_ =	sdelay $0x1  }
0x2c: {  	v2 =	vld [tilespmem:s21+$0x3000]  }
0x2d: {  	[tilespmem:s19+$0x3C00] =	vst v1  }
0x2e: {  	v0 =	vld.idx.msk [tilespmem:v0+s13+$0x0], $0xffff;
	_ =	sdelay $0x4  }
0x2f: {  	[tilespmem:s19+$0x4200] =	vst v0  }
0x30: {  	v0 =	vld.idx.msk [tilespmem:v2+s2+$0x0], $0xffff;
	_ =	sdelay $0x4  }
0x31: {  	[tilespmem:s21+$0x3600] =	vst v0  }
0x32: {  	v0 =	vld.idx.msk [tilespmem:v2+s12+$0x0], $0xffff;
	_ =	sdelay $0x4  }
0x33: {  	[tilespmem:s21+$0x3C00] =	vst v0  }
0x34: {  	v0 =	vld.idx.msk [tilespmem:v2+s13+$0x0], $0xffff;
	_ =	sdelay $0x4  }
0x35: {  	[tilespmem:s21+$0x4200] =	vst v0  }
0x36: {  	[hbm4b:s7+s2] =	stream.linear.scatter [tilespmem:s15], [sflag:$0x1], $0x600, $0x38;
	[tilespmem:$0x4800] =	vst v63  }
0x37: {  	_ =	swait.ge [sflag:s11], $0x600  }
0x38: {  	[sflag:s11] =	ssyncset.done $0x0  }
0x39: {  	[sflag:s11] =	ssyncadd.s32 $0xFFFFFA00  }
0x3a: {  	[hbm4b:s8+s2] =	stream.linear.scatter [tilespmem:s16], [sflag:$0x1], $0x600, $0x38;
	[tilespmem:$0x4800] =	vst v63  }
0x3b: {  	s18 =	sadd.s32 $0x1, s18;
	_ =	swait.ge [sflag:s11], $0x600  }
0x3c: {  	p0 =	sne.s32 s18, s10;
	[sflag:s11] =	ssyncset.done $0x0  }
.Ltmp1:
0x3d: {  	[sflag:s11] =	ssyncadd.s32 $0xFFFFFA00;
	(pc) =	sbr.rel @p0 .LBB2_1-.Ltmp1, $4  }
0x3e: {  	[hbm4b:s9+s2] =	stream.linear.scatter [tilespmem:s17], [sflag:$0x1], $0x600, $0x38;
	[tilespmem:$0x4800] =	vst v63  }
0x3f: {  	_ =	swait.ge [sflag:s11], $0x600  }
0x40: {  	[sflag:s11] =	ssyncset.done $0x0  }
0x41: {  	[sflag:s11] =	ssyncadd.s32 $0xFFFFFA00  }
0x42: {  	_ =	sfence.sel $0x180000  }
0x43: {  	[bflag:$0x0] =	sbarrier.arrive $0xFFFF  }
0x44: {  	p0 =	sne.s32 s0, $0x0;
	_ =	strace $0x9000004A  }
0x45: {  	s0 =	sadd.s32 @!p0 $0x100000, s1;
	[bflag:$0x2] =	sbarrier.arrive $0xFFFF  }
0x46: {  	[sflag:s0] =	ssyncadd.tile.s32 @!p0 $0x1;
	_ =	shalt  }
.Lfunc_end2:
_tile_overlayer_lowered:
.L_overlay_start_2:
0x47: {  	(tag) =	ssettag $0x2  }
0x48: {  	s0 =	rddreg [dreg:$0x0];
	s2 =	stileid.u32  }
0x49: {  	s1 =	rddreg [dreg:$0x1];
	p0 =	sne.s32 s2, $0x0  }
0x4a: {  	s3 =	rddreg [dreg:$0x2];
	[bflag:$0x3] =	sbarrier.arrive $0xFFFF;
	s2 =	simm.s32 @!p0 $0x1C01  }
0x4b: {  	[timem:s3], [sflag:s2] =	dma.local @!p0 [hbm:s0], s1  }
0x4c: {  	s0 =	simm.s32 @!p0 $0x1  }
0x4d: {  	_ =	swait.ge @!p0 [sflag:s0], s1  }
0x4e: {  	s1 =	ssub.s32 @!p0 $0x0, s1;
	[sflag:s0] =	ssyncset.done @!p0 $0x0  }
0x4f: {  	[sflag:s0] =	ssyncadd.s32 @!p0 s1  }
0x50: {  	[bflag:$0x3] =	sbarrier.arrive $0xFFFF  }
0x51: {  	_ =	shalt  }

// kernel: kernel.22.cloned.1.call-start
scs
__scs_entry_jumppad:
0x0: {  	(pc) =	sbr.rel $0x88, $3  }
0x1: {  	(tag) =	ssettag $0x0;
	lr =	simm.s32 $0x1  }
0x2: {  	[smem:$0x3F8F] =	sst lr;
	_ =	strace $0xD0000000  }
0x3: {  	_ = 	snop  }
0x4: {  	_ = 	snop  }
0x5: {  	_ = 	snop  }
0x6: {  	_ = 	snop  }
0x7: {  	_ = 	snop  }
__scs_overlays_trampoline_lowered:
0x8: {  	[smem:$0x3F9E] =	sst s0  }
0x9: {  	[smem:$0x3F9F] =	sst s1  }
0xa: {  	[smem:$0x3FA0] =	sst s2  }
0xb: {  	[smem:$0x3FA1] =	sst s3  }
0xc: {  	[smem:$0x3FA2] =	sst s4  }
0xd: {  	[smem:$0x3FA3] =	sst s5  }
0xe: {  	[smem:$0x3FA4] =	sst s6  }
0xf: {  	[smem:$0x3FA5] =	sst s7  }
0x10: {  	[smem:$0x3FA6] =	sst s8  }
0x11: {  	[smem:$0x3FA7] =	sst s9;
	s0 =	simm.s32 @!p0 $0x0  }
0x12: {  	s1 =	sld [smem:$0x3F8D];
	s0 =	simm.s32 @p0 $0x1  }
0x13: {  	[smem:$0x3FA8] =	sst s0;
	s0 =	simm.s32 @!p1 $0x0  }
0x14: {  	s2 =	sld [smem:$0x3F8C];
	s0 =	simm.s32 @p1 $0x1  }
0x15: {  	[smem:$0x3FA9] =	sst s0;
	s0 =	simm.s32 @!p2 $0x0  }
0x16: {  	s3 =	sld [smem:$0x3FDB];
	s0 =	simm.s32 @p2 $0x1  }
0x17: {  	s4 =	simm.s32 $0x1BF5;
	[smem:$0x3FAB] =	sst s0  }
0x18: {  	s0 =	sld [smem:$0x3F8E];
	_ =	swait.ge [sflag:s4], $0x0  }
0x19: {  	s7 =	sld [smem:$0x3F8F]  }
0x1a: {  	s8 =	sadd.s32 $0xFFFFE003, lr  }
0x1b: {  	s9 =	sadd.s32 $0xFFFFFEF7, lr;
	s5 =	simm.s32 $0xFFFFFFFF;
	p2 =	slt.u32 s8, $0xFFFFF086  }
0x1c: {  	p1 =	slt.u32 s9, $0xF7A;
	s5 =	simm.s32 @!p2 $0x0  }
0x1d: {  	s5 =	simm.s32 @p1 $0x1;
	p0 =	seq.s32 s7, s2  }
0x1e: {  	s7 =	smul.u32 @!p0 $0xF7A, s2;
	p2 =	seq.s32 @!p0 s5, $0x0  }
0x1f: {  	s9 =	smul.u32 $0xF7A, s1;
	s8 =	simm.s32 @!p0 $0x1BF5;
	p2 =	por !p2, p0  }
0x20: {  	[sflag:s8] =	ssyncset.s32 @!p0 $0xFFFFF086;
	s6 =	sadd.s32 @!p0 s3, s7;
	s7 =	simm.s32 @!p0 $0x108  }
0x21: {  	s3 =	sadd.s32 s3, s9;
	s6 =	sadd.s32 @!p0 $0x88, s6;
	s7 =	simm.s32 @p2 $0x1082  }
0x22: {  	[simem:s7], [sflag:s8] =	dma.local @!p0 [hbm:s6], $0xF7A  }
0x23: {  	s9 =	sor.u32 $0xD0000000, s2;
	s6 =	simm.s32 $0x108;
	_ =	swait.ge @!p0 [sflag:s8], $0x0  }
0x24: {  	s3 =	sadd.s32 $0x88, s3;
	s6 =	simm.s32 @!p1 $0x1082;
	[sflag:s4] =	ssyncset.s32 $0xFFFFF086  }
0x25: {  	[simem:s6], [sflag:s4] =	dma.local [hbm:s3], $0xF7A  }
0x26: {  	[smem:$0x3F8F] =	sst s1;
	(tag) =	ssettag s2;
	_ =	strace s9  }
0x27: {  	s1 =	sld [smem:$0x3F9F]  }
0x28: {  	s2 =	sld [smem:$0x3FA0]  }
0x29: {  	s4 =	sld [smem:$0x3FA2]  }
0x2a: {  	p0 =	seq.s32 s5, $0x0;
	s5 =	sld [smem:$0x3FA3]  }
0x2b: {  	s6 =	sld [smem:$0x3FA4]  }
0x2c: {  	s7 =	sld [smem:$0x3FA5]  }
0x2d: {  	s3 =	simm.s32 $0x108;
	s8 =	sld [smem:$0x3FA6]  }
0x2e: {  	s3 =	simm.s32 @!p0 $0x1082;
	s9 =	sld [smem:$0x3FA7]  }
0x2f: {  	lr =	sadd.s32 s0, s3;
	s0 =	sld [smem:$0x3F9E]  }
0x30: {  	s3 =	sld [smem:$0x3FA1]  }
0x31: {  	[smem:$0x3FAA] =	sst s10  }
0x32: {  	s10 =	sld [smem:$0x3FA8];
	_ =	sdelay $0x3  }
0x33: {  	p0 =	seq.s32 s10, $0x1;
	s10 =	sld [smem:$0x3FAA];
	_ =	sdelay $0x3  }
0x34: {  	[smem:$0x3FAA] =	sst s10  }
0x35: {  	s10 =	sld [smem:$0x3FA9];
	_ =	sdelay $0x3  }
0x36: {  	p1 =	seq.s32 s10, $0x1;
	s10 =	sld [smem:$0x3FAA];
	_ =	sdelay $0x3  }
0x37: {  	[smem:$0x3FAA] =	sst s10  }
0x38: {  	s10 =	sld [smem:$0x3FAB]  }
0x39: {  	_ = 	snop;
	(pc) =	sbr.ind lr, $3  }
0x3a: {  	_ = 	snop  }
0x3b: {  	_ = 	snop  }
0x3c: {  	p2 =	seq.s32 s10, $0x1;
	s10 =	sld [smem:$0x3FAA]  }
0x3d: {  	_ =	shalt  }
0x3e: {  	_ =	shalt  }
0x3f: {  	_ =	shalt  }
0x40: {  	_ =	shalt  }
0x41: {  	_ =	shalt  }
0x42: {  	_ =	shalt  }
0x43: {  	_ =	shalt  }
0x44: {  	_ =	shalt  }
0x45: {  	_ =	shalt  }
0x46: {  	_ =	shalt  }
0x47: {  	_ =	shalt  }
0x48: {  	_ =	shalt  }
0x49: {  	_ =	shalt  }
0x4a: {  	_ =	shalt  }
0x4b: {  	_ =	shalt  }
0x4c: {  	_ =	shalt  }
0x4d: {  	_ =	shalt  }
0x4e: {  	_ =	shalt  }
0x4f: {  	_ =	shalt  }
0x50: {  	_ =	shalt  }
0x51: {  	_ =	shalt  }
0x52: {  	_ =	shalt  }
0x53: {  	_ =	shalt  }
0x54: {  	_ =	shalt  }
0x55: {  	_ =	shalt  }
0x56: {  	_ =	shalt  }
0x57: {  	_ =	shalt  }
0x58: {  	_ =	shalt  }
0x59: {  	_ =	shalt  }
0x5a: {  	_ =	shalt  }
0x5b: {  	_ =	shalt  }
0x5c: {  	_ =	shalt  }
0x5d: {  	_ =	shalt  }
0x5e: {  	_ =	shalt  }
0x5f: {  	_ =	shalt  }
0x60: {  	_ =	shalt  }
0x61: {  	_ =	shalt  }
0x62: {  	_ =	shalt  }
0x63: {  	_ =	shalt  }
0x64: {  	_ =	shalt  }
0x65: {  	_ =	shalt  }
0x66: {  	_ =	shalt  }
0x67: {  	_ =	shalt  }
0x68: {  	_ =	shalt  }
0x69: {  	_ =	shalt  }
0x6a: {  	_ =	shalt  }
0x6b: {  	_ =	shalt  }
0x6c: {  	_ =	shalt  }
0x6d: {  	_ =	shalt  }
0x6e: {  	_ =	shalt  }
0x6f: {  	_ =	shalt  }
0x70: {  	_ =	shalt  }
0x71: {  	_ =	shalt  }
0x72: {  	_ =	shalt  }
0x73: {  	_ =	shalt  }
0x74: {  	_ =	shalt  }
0x75: {  	_ =	shalt  }
0x76: {  	_ =	shalt  }
0x77: {  	_ =	shalt  }
0x78: {  	_ =	shalt  }
0x79: {  	_ =	shalt  }
0x7a: {  	_ =	shalt  }
0x7b: {  	_ =	shalt  }
0x7c: {  	_ =	shalt  }
0x7d: {  	_ =	shalt  }
0x7e: {  	_ =	shalt  }
0x7f: {  	_ =	shalt  }
0x80: {  	_ =	shalt  }
0x81: {  	_ =	shalt  }
0x82: {  	_ =	shalt  }
0x83: {  	_ =	shalt  }
0x84: {  	_ =	shalt  }
0x85: {  	_ =	shalt  }
0x86: {  	_ =	shalt  }
0x87: {  	_ =	shalt  }
.Lfunc_end0:
.L_simem_size_0:
called_computation.2_lowered:
.L_overlay_start_0:
0x88: {  	s2 =	sld [smem:$0x3FD9]  }
0x89: {  	s3 =	sld [smem:$0x3FFE];
	_ =	sdelay $0x1  }
0x8a: {  	s1 =	srdreg.scid  }
0x8b: {  	s0 =	sand.u32 $0x1, s1  }
0x8c: {  	s16 =	sshll.u32 s0, $0xA;
	s2 =	sadd.s32 s3, s2  }
0x8d: {  	s2 =	sadd.s32 s2, s16  }
0x8e: {  	[smem:$0x3FB6] =	sst s2  }
0x8f: {  	_ = 	snop  }
0x90: {  	(tm) =	ssettm $0x1  }
0x91: {  	s17 =	sld [smem:$0x3FFB];
	_ =	sdelay $0x3  }
0x92: {  	_ =	strace s17  }
0x93: {  	s2 =	sld [smem:$0x3FFC];
	_ =	sdelay $0x3  }
0x94: {  	_ =	strace s2  }
0x95: {  	s2 =	sld [smem:$0x3FFD];
	_ =	sdelay $0x3  }
0x96: {  	_ =	strace s2  }
0x97: {  	_ =	strace $0x8FFFFFFF  }
0x98: {  	s18 =	sld [smem:$0x3FDB];
	_ =	sdelay $0x1  }
0x99: {  	s19 =	simm.s32 $_scs_section_size  }
0x9a: {  	s4 =	simm.s32 $_size__tile_overlayer_lowered;
	s5 =	simm.s32 $_tile_overlayer_lowered  }
0x9b: {  	s22 =	simm.s32 $0x1BFF;
	s21 =	sshll.u32 s5, $0x1;
	s2 =	sadd.s32 s19, s18  }
0x9c: {  	s6 =	simm.s32 $0x0;
	s20 =	sshll.u32 s4, $0x1;
	s4 =	sadd.s32 s21, s2  }
0x9d: {  	[timem:s6], [sflag:s22] =	dma.local [hbm:s4], s20  }
0x9e: {  	_ =	swait.ge [sflag:s22], s20  }
0x9f: {  	s3 =	ssub.s32 $0x0, s20;
	[sflag:s22] =	ssyncset.done $0x0  }
0xa0: {  	[sflag:s22] =	ssyncadd.s32 s3;
	_ =	sdelay $0x1  }
0xa1: {  	s23 =	simm.s32 $0x1B8B  }
0xa2: {  	_ =	swait.ge [sflag:s23], $0x1  }
0xa3: {  	[sflag:s23] =	ssyncset.done $0x0  }
0xa4: {  	s25 =	simm.s32 $0x1B8E;
	s24 =	sld [smem:$0x3FFE];
	[sflag:s23] =	ssyncadd.s32 $0xFFFFFFFF  }
0xa5: {  	s26 =	simm.s32 $execute0_lowered;
	[smem:$0x3FD2] =	sst s25  }
0xa6: {  	s4 =	sshll.u32 s26, $0x1;
	_ =	strace $0x8000004C;
	[dreg:$0x1] =	wrdreg $0xFFFFFFFF  }
0xa7: {  	s28 =	simm.s32 $_size_execute0_lowered;
	s2 =	sadd.s32 s2, s4;
	[dreg:$0x0] =	wrdreg $0x0  }
0xa8: {  	s4 =	sshll.u32 s28, $0x1;
	[dreg:$0x2] =	wrdreg s2  }
0xa9: {  	[dreg:$0x3] =	wrdreg s4  }
0xaa: {  	[dreg:$0x4] =	wrdreg $0xC0  }
0xab: {  	_ =	task [dreg:s6], $0x5FFFF  }
0xac: {  	[dreg:$0x1] =	wrdreg $0xFFFFFFFF  }
0xad: {  	[dreg:$0x0] =	wrdreg $0x60  }
0xae: {  	[dreg:$0x2] =	wrdreg s24  }
0xaf: {  	[dreg:$0x3] =	wrdreg $0x9  }
0xb0: {  	_ =	task.clear_ibuf [dreg:s6], $0x4FFFF;
	_ =	strace $0x9000004C  }
0xb1: {  	s29 =	simm.s32 $0x9;
	_ =	strace $0x8000004E  }
0xb2: {  	_ =	swait.ge [sflag:s29], $0x1  }
0xb3: {  	[sflag:s29] =	ssyncadd.s32 $0xFFFFFFFF  }
0xb4: {  	_ =	strace $0x9000004E  }
0xb5: {  	_ =	sfence  }
0xb6: {  	s30 =	sld [smem:$0x0];
	_ =	sdelay $0x2  }
0xb7: {  	s31 =	sshll.u32 s1, $0xD;
	s1 =	sshrl.u32 s1, $0x2  }
0xb8: {  	s3 =	sand.u32 $0x4000, s31;
	s1 =	sadd.s32 s1, s30  }
0xb9: {  	s0 =	sor.u32 s3, s0;
	s1 =	sshll.u32 s1, $0x11  }
0xba: {  	s0 =	sor.u32 s1, s0  }
0xbb: {  	s0 =	sadd.s32 $0x8F2B, s0  }
0xbc: {  	[sflag:s0] =	ssyncadd.remote.s32 $0x1  }
0xbd: {  	_ =	sfence.sel $0xFFFF  }
0xbe: {  	[dreg:$0x0] =	wrdreg $0xFFFFFFFF;
	(pc) =	sbr.abs _section_cstart, $3  }
0xbf: {  	[dreg:$0x1] =	wrdreg $0xFFFFFFFF  }
0xc0: {  	_ =	task.clear_ibuf [dreg:s6], $0x2FFFF;
	_ =	strace $0x9FFFFFFF  }
0xc1: {  	(tm) =	ssettm $0x7FFFFFFF  }
tec
execute0_lowered:
.L_overlay_start_1:
0x0: {  	(tag) =	ssettag $0x1  }
0x1: {  	s1 =	srdreg.scid;
	s0 =	stileid.u32  }
0x2: {  	s5 =	rddreg [dreg:$0x0];
	s2 =	simm.s32 $0x0;
	s11 =	simm.s32 $0x1  }
0x3: {  	s12 =	simm.s32 $0x1000;
	s13 =	simm.s32 $0x2000;
	s14 =	simm.s32 $0x3000  }
0x4: {  	s15 =	simm.s32 $0x3600;
	s3 =	sand.u32 $0x1, s1;
	s31 =	sshll.u32 s0, $0x1  }
0x5: {  	s16 =	simm.s32 $0x3C00;
	s17 =	simm.s32 $0x4200;
	s4 =	sor.u32 s3, s31  }
0x6: {  	s1 =	rddreg [dreg:$0x1];
	s6 =	ssub.s32 $0x2, s3;
	s4 =	smul.u32 $0x600, s4  }
0x7: {  	s18 =	simm.s32 $0x0;
	[smem:$0x7FF] =	sst s2;
	s7 =	sshrl.u32 s6, $0x1  }
0x8: {  	_ =	strace $0x8000004D;
	s10 =	ssub.s32 s6, s7;
	s4 =	sshrl.u32 s4, $0x3  }
0x9: {  	s3 =	sadd.s32 $0x34C00, s5;
	s10 =	smax.u32 s10, $0x1;
	s9 =	sadd.s32 s4, s5  }
0xa: {  	s4 =	sadd.s32 $0x34E00, s5;
	s5 =	sadd.s32 $0x35000, s5;
	s6 =	sadd.s32 $0x35200, s9  }
0xb: {  	s7 =	sadd.s32 $0x36A00, s9;
	s8 =	sadd.s32 $0x38200, s9;
	s9 =	sadd.s32 $0x39A00, s9  }
.LBB2_1:
0xc: {  	[tilespmem:s2], [sflag:$0x1] =	stream.linear.gather [hbm4b:s3+s2], $0x1000, $0x38;
	[tilespmem:$0x4800] =	vst v63  }
0xd: {  	_ =	swait.ge [sflag:s11], $0x1000  }
0xe: {  	[sflag:s11] =	ssyncset.done $0x0  }
0xf: {  	[sflag:s11] =	ssyncadd.s32 $0xFFFFF000  }
0x10: {  	[tilespmem:s12], [sflag:$0x1] =	stream.linear.gather [hbm4b:s4+s2], $0x1000, $0x38;
	[tilespmem:$0x4800] =	vst v63  }
0x11: {  	_ =	swait.ge [sflag:s11], $0x1000  }
0x12: {  	[sflag:s11] =	ssyncset.done $0x0  }
0x13: {  	[sflag:s11] =	ssyncadd.s32 $0xFFFFF000  }
0x14: {  	[tilespmem:s13], [sflag:$0x1] =	stream.linear.gather [hbm4b:s5+s2], $0x1000, $0x38;
	[tilespmem:$0x4800] =	vst v63  }
0x15: {  	_ =	swait.ge [sflag:s11], $0x1000  }
0x16: {  	[sflag:s11] =	ssyncset.done $0x0  }
0x17: {  	[sflag:s11] =	ssyncadd.s32 $0xFFFFF000  }
0x18: {  	[tilespmem:s14], [sflag:$0x1] =	stream.linear.gather [hbm4b:s6+s2], $0x600, $0x38;
	[tilespmem:$0x4800] =	vst v63  }
0x19: {  	_ =	swait.ge [sflag:s11], $0x600  }
0x1a: {  	[sflag:s11] =	ssyncset.done $0x0  }
0x1b: {  	s19 =	simm.s32 $0x0;
	[sflag:s11] =	ssyncadd.s32 $0xFFFFFA00  }
0x1c: {  	v0 =	vld [tilespmem:s19+$0x3000];
	_ =	sdelay $0x7  }
0x1d: {  	v1 =	vld.idx.msk [tilespmem:v0+s2+$0x0], $0xffff;
	_ =	sdelay $0x4  }
0x1e: {  	[tilespmem:s19+$0x3600] =	vst v1  }
0x1f: {  	v1 =	vld.idx.msk [tilespmem:v0+s12+$0x0], $0xffff;
	_ =	sdelay $0x3  }
0x20: {  	s21 =	simm.s32 $0x10;
	s20 =	simm.s32 $0x80  }
.LBB2_2:
0x21: {  	p0 =	sne.s32 s20, $0x17C0;
	v2 =	vld [tilespmem:s21+$0x3000];
	[tilespmem:s19+$0x3C00] =	vst v1  }
0x22: {  	v1 =	vld.idx.msk [tilespmem:v0+s13+$0x0], $0xffff;
	_ =	sdelay $0x3  }
0x23: {  	v0 =	vmov v2;
	_ =	sdelay $0x1  }
0x24: {  	[tilespmem:s19+$0x4200] =	vst v1;
	s19 =	smov.u32 s21  }
0x25: {  	v1 =	vld.idx.msk [tilespmem:v2+s2+$0x0], $0xffff;
	_ =	sdelay $0x5  }
0x26: {  	[tilespmem:s19+$0x3600] =	vst v1  }
0x27: {  	v1 =	vld.idx.msk [tilespmem:v2+s12+$0x0], $0xffff  }
.Ltmp0:
0x28: {  	(pc) =	sbr.rel @p0 .LBB2_2-.Ltmp0, $2  }
0x29: {  	_ =	sdelay $0x2  }
0x2a: {  	s21 =	sshra.s32 s20, $0x2;
	s20 =	sadd.s32 $0x40, s20  }
0x2b: {  	_ =	sdelay $0x1  }
0x2c: {  	v2 =	vld [tilespmem:s21+$0x3000]  }
0x2d: {  	[tilespmem:s19+$0x3C00] =	vst v1  }
0x2e: {  	v0 =	vld.idx.msk [tilespmem:v0+s13+$0x0], $0xffff;
	_ =	sdelay $0x4  }
0x2f: {  	[tilespmem:s19+$0x4200] =	vst v0  }
0x30: {  	v0 =	vld.idx.msk [tilespmem:v2+s2+$0x0], $0xffff;
	_ =	sdelay $0x4  }
0x31: {  	[tilespmem:s21+$0x3600] =	vst v0  }
0x32: {  	v0 =	vld.idx.msk [tilespmem:v2+s12+$0x0], $0xffff;
	_ =	sdelay $0x4  }
0x33: {  	[tilespmem:s21+$0x3C00] =	vst v0  }
0x34: {  	v0 =	vld.idx.msk [tilespmem:v2+s13+$0x0], $0xffff;
	_ =	sdelay $0x4  }
0x35: {  	[tilespmem:s21+$0x4200] =	vst v0  }
0x36: {  	[hbm4b:s7+s2] =	stream.linear.scatter [tilespmem:s15], [sflag:$0x1], $0x600, $0x38;
	[tilespmem:$0x4800] =	vst v63  }
0x37: {  	_ =	swait.ge [sflag:s11], $0x600  }
0x38: {  	[sflag:s11] =	ssyncset.done $0x0  }
0x39: {  	[sflag:s11] =	ssyncadd.s32 $0xFFFFFA00  }
0x3a: {  	[hbm4b:s8+s2] =	stream.linear.scatter [tilespmem:s16], [sflag:$0x1], $0x600, $0x38;
	[tilespmem:$0x4800] =	vst v63  }
0x3b: {  	s18 =	sadd.s32 $0x1, s18;
	_ =	swait.ge [sflag:s11], $0x600  }
0x3c: {  	p0 =	sne.s32 s18, s10;
	[sflag:s11] =	ssyncset.done $0x0  }
.Ltmp1:
0x3d: {  	[sflag:s11] =	ssyncadd.s32 $0xFFFFFA00;
	(pc) =	sbr.rel @p0 .LBB2_1-.Ltmp1, $4  }
0x3e: {  	[hbm4b:s9+s2] =	stream.linear.scatter [tilespmem:s17], [sflag:$0x1], $0x600, $0x38;
	[tilespmem:$0x4800] =	vst v63  }
0x3f: {  	_ =	swait.ge [sflag:s11], $0x600  }
0x40: {  	[sflag:s11] =	ssyncset.done $0x0  }
0x41: {  	[sflag:s11] =	ssyncadd.s32 $0xFFFFFA00  }
0x42: {  	_ =	sfence.sel $0x180000  }
0x43: {  	[bflag:$0x0] =	sbarrier.arrive $0xFFFF  }
0x44: {  	p0 =	sne.s32 s0, $0x0;
	_ =	strace $0x9000004D  }
0x45: {  	s0 =	sadd.s32 @!p0 $0x100000, s1;
	[bflag:$0x2] =	sbarrier.arrive $0xFFFF  }
0x46: {  	[sflag:s0] =	ssyncadd.tile.s32 @!p0 $0x1;
	_ =	shalt  }
.Lfunc_end2:
_tile_overlayer_lowered:
.L_overlay_start_2:
0x47: {  	(tag) =	ssettag $0x2  }
0x48: {  	s0 =	rddreg [dreg:$0x0];
	s2 =	stileid.u32  }
0x49: {  	s1 =	rddreg [dreg:$0x1];
	p0 =	sne.s32 s2, $0x0  }
0x4a: {  	s3 =	rddreg [dreg:$0x2];
	[bflag:$0x3] =	sbarrier.arrive $0xFFFF;
	s2 =	simm.s32 @!p0 $0x1C01  }
0x4b: {  	[timem:s3], [sflag:s2] =	dma.local @!p0 [hbm:s0], s1  }
0x4c: {  	s0 =	simm.s32 @!p0 $0x1  }
0x4d: {  	_ =	swait.ge @!p0 [sflag:s0], s1  }
0x4e: {  	s1 =	ssub.s32 @!p0 $0x0, s1;
	[sflag:s0] =	ssyncset.done @!p0 $0x0  }
0x4f: {  	[sflag:s0] =	ssyncadd.s32 @!p0 s1  }
0x50: {  	[bflag:$0x3] =	sbarrier.arrive $0xFFFF  }
0x51: {  	_ =	shalt  }

</sc_bundles>
